<compile_context>
chip_gen: v7x
topology: tpu7x:2x2x1
jax: 0.10.2.dev20260603
libtpu: 0.0.44.dev20260713+nightly
codegen_flags: <defaults>
</compile_context>

<pallas_src>
import functools

import jax
import jax.numpy as jnp
from jax import lax
from jax.experimental import pallas as pl
from jax.experimental.pallas import tpu as pltpu
from jax.experimental.pallas import tpu_sc as plsc

N = 10000
M = 32
F = 128
FE = 16
B = N * M
NW = 32
NH = N // 2
BH = NH * M
BPW = 5120
BPAD = NW * BPW
PAD = BPAD - BH
CW = 128
NBUF = 4
NCH = BPW // CW

BN = 400
GRID = N // BN
BN2 = 200
GRID2 = NH // BN2
BE2 = BN2 * M


def _gather_body(table, idxp, out, idx_all, rows_v, *sems):
    wid = lax.axis_index("s") * 2 + lax.axis_index("c")
    base = wid * BPW
    gsems = sems[:NBUF]
    wsems = sems[NBUF:]

    pltpu.sync_copy(idxp.at[pl.ds(base, BPW)], idx_all)

    def fire(g, b):
        pltpu.async_copy(table.at[idx_all.at[pl.ds(g * CW, CW)]],
                         rows_v.at[b], gsems[b])

    def drain_gather(b):
        pltpu.make_async_copy(table.at[pl.ds(0, CW)], rows_v.at[b],
                              gsems[b]).wait()

    def drain_write(b):
        pltpu.make_async_copy(table.at[pl.ds(0, CW)], rows_v.at[b],
                              wsems[b]).wait()

    for g in range(NBUF - 1):
        fire(g, g)

    def outer(gp, carry):
        for b in range(NBUF):
            g = gp * NBUF + b
            nb = (b + NBUF - 1) % NBUF

            @pl.when(g + NBUF - 1 < NCH)
            def _():
                @pl.when(g >= 1)
                def _w():
                    drain_write(nb)

                fire(g + NBUF - 1, nb)

            drain_gather(b)
            pltpu.async_copy(rows_v.at[b], out.at[pl.ds(base + g * CW, CW)],
                             wsems[b])
        return carry

    lax.fori_loop(0, NCH // NBUF, outer, 0)
    for b in range(NBUF):
        drain_write(b)


@functools.cache
def _gather_call():
    return pl.kernel(
        _gather_body,
        out_type=jax.ShapeDtypeStruct((BPAD, F), jnp.float32),
        mesh=plsc.VectorSubcoreMesh(core_axis_name="c", subcore_axis_name="s"),
        scratch_types=[
            pltpu.VMEM((BPW,), jnp.int32),
            pltpu.VMEM((NBUF, CW, F), jnp.float32),
        ] + [pltpu.SemaphoreType.DMA] * (2 * NBUF),
    )


def _embed_body(x_ref, w_ref, b_ref, o_ref):
    o_ref[...] = (
        jnp.dot(x_ref[...], w_ref[...], preferred_element_type=jnp.float32)
        + b_ref[...]
    )


@functools.cache
def _embed_call():
    return pl.pallas_call(
        _embed_body,
        grid=(GRID,),
        in_specs=[
            pl.BlockSpec((BN, F), lambda i: (i, 0)),
            pl.BlockSpec((F, F), lambda i: (0, 0)),
            pl.BlockSpec((1, F), lambda i: (0, 0)),
        ],
        out_specs=pl.BlockSpec((BN, F), lambda i: (i, 0)),
        out_shape=jax.ShapeDtypeStruct((N, F), jnp.float32),
    )


def _conv_body(nb_ref, g_ref, ef_ref, ws_ref, wn_ref, we_ref, bc_ref, a_ref,
               o_ref):
    nb = nb_ref[...]
    s = jnp.dot(nb, ws_ref[...], preferred_element_type=jnp.float32)
    x = jnp.dot(g_ref[...], wn_ref[...], preferred_element_type=jnp.float32)
    e = jnp.dot(ef_ref[...], we_ref[...], preferred_element_type=jnp.float32)
    gated = (x + e + bc_ref[...]).reshape(BN2, M, 2 * F) + s[:, None, :]
    filt = jax.nn.sigmoid(gated[:, :, :F])
    core = jax.nn.softplus(gated[:, :, F:])
    summed = jnp.sum(filt * core, axis=1)
    o_ref[...] = jax.nn.softplus(a_ref[0] * nb + summed)


@functools.cache
def _conv_call(h):
    off = h * GRID2
    return pl.pallas_call(
        _conv_body,
        grid=(GRID2,),
        in_specs=[
            pl.BlockSpec((BN2, F), lambda i: (i + off, 0)),
            pl.BlockSpec((BE2, F), lambda i: (i, 0)),
            pl.BlockSpec((BE2, FE), lambda i: (i + off, 0)),
            pl.BlockSpec((F, 2 * F), lambda i: (0, 0)),
            pl.BlockSpec((F, 2 * F), lambda i: (0, 0)),
            pl.BlockSpec((FE, 2 * F), lambda i: (0, 0)),
            pl.BlockSpec((1, 2 * F), lambda i: (0, 0)),
            pl.BlockSpec(memory_space=pltpu.SMEM),
        ],
        out_specs=pl.BlockSpec((BN2, F), lambda i: (i, 0)),
        out_shape=jax.ShapeDtypeStruct((NH, F), jnp.float32),
    )


def _gather_rows(node, idxp):
    return _gather_call()(node, idxp)


def kernel(node_fea, edge_fea, edge_fea_idx, W_n, b_n, W_e, b_e,
           W1, b1, a1, W2, b2, a2, W3, b3, a3):
    node = _embed_call()(node_fea, W_n, b_n.reshape(1, F))
    ef = edge_fea.reshape(B, FE)
    idxf = edge_fea_idx.reshape(B)
    pad = jnp.arange(PAD, dtype=jnp.int32)
    idx_a = jnp.concatenate([idxf[:BH], pad])
    idx_b = jnp.concatenate([idxf[BH:], pad])

    for W, b, a in ((W1, b1, a1), (W2, b2, a2), (W3, b3, a3)):
        w_self = W[:F]
        w_nbr = W[F:2 * F]
        w_edge = W[2 * F:]
        we2 = W_e @ w_edge
        bc = (b + b_e @ w_edge).reshape(1, 2 * F)
        g_a = _gather_rows(node, idx_a)
        g_b = _gather_rows(node, idx_b)
        n_a = _conv_call(0)(node, g_a, ef, w_self, w_nbr, we2, bc,
                            a.reshape(1))
        n_b = _conv_call(1)(node, g_b, ef, w_self, w_nbr, we2, bc,
                            a.reshape(1))
        node = jnp.concatenate([n_a, n_b])
    return node

# --- scband reference (transcript-rebuilt; emitter-appended) ---
"""Pipeline reference for scband-crystal-graph-conv-net-34282428956968 (READ-ONLY COPY).

The authoritative reference and input builder live on the scoring server;
editing this copy changes nothing except your own understanding.
"""

import jax, jax.numpy as jnp
import numpy as np

N = 10000
M = 32
F_NODE = 128
F_EDGE = 16


def setup_inputs(seed: int = 0) -> dict:
    key = jax.random.key(seed)
    ks = jax.random.split(key, 16)
    inp = {}
    inp["node_fea"] = jax.random.normal(ks[0], (N, F_NODE), dtype=jnp.float32)
    inp["edge_fea"] = jax.random.normal(ks[1], (N, M, F_EDGE), dtype=jnp.float32)
    inp["edge_fea_idx"] = jax.random.randint(ks[2], (N, M), 0, N, dtype=jnp.int32)
    # embedding layers (weights stored (in, out); PyTorch Linear uses y = x W^T + b)
    inp["W_n"] = jax.random.normal(ks[3], (F_NODE, F_NODE), dtype=jnp.float32) * 0.05
    inp["b_n"] = jnp.zeros((F_NODE,), dtype=jnp.float32)
    inp["W_e"] = jax.random.normal(ks[4], (F_EDGE, F_EDGE), dtype=jnp.float32) * 0.05
    inp["b_e"] = jnp.zeros((F_EDGE,), dtype=jnp.float32)
    fin = 2 * F_NODE + F_EDGE
    fout = 2 * F_NODE
    for i, k in zip((1, 2, 3), (ks[5], ks[6], ks[7])):
        inp[f"W{i}"] = jax.random.normal(k, (fin, fout), dtype=jnp.float32) * 0.05
        inp[f"b{i}"] = jnp.zeros((fout,), dtype=jnp.float32)
        inp[f"a{i}"] = jnp.asarray(0.7, dtype=jnp.float32)
    return inp


def _conv(node, edge, idx, W, b, alpha):
    Nn, Mm = idx.shape
    nbr = node[idx]  # gather: (N, M, F_NODE)
    self_fea = jnp.broadcast_to(node[:, None, :], (Nn, Mm, node.shape[1]))
    total = jnp.concatenate([self_fea, nbr, edge], axis=2)
    gated = total @ W + b
    filt, core = jnp.split(gated, 2, axis=2)
    filt = jax.nn.sigmoid(filt)
    core = jax.nn.softplus(core)
    mask = (idx >= 0).astype(node.dtype)[:, :, None]
    summed = jnp.sum(filt * core * mask, axis=1)
    return jax.nn.softplus(alpha * node + summed)


def reference(node_fea, edge_fea, edge_fea_idx, W_n, b_n, W_e, b_e, W1, b1, a1, W2, b2, a2, W3, b3, a3):
    node = node_fea @ W_n + b_n
    edge = edge_fea @ W_e + b_e
    node = _conv(node, edge, edge_fea_idx, W1, b1, a1)
    node = _conv(node, edge, edge_fea_idx, W2, b2, a2)
    node = _conv(node, edge, edge_fea_idx, W3, b3, a3)
    return node

if __name__ == "__main__":
    import jax
    _d = setup_inputs()
    print(jax.jit(kernel)(*tuple(_d.values())))

</pallas_src>

<mosaic_0001>
#map = affine_map<(d0, d1) -> (0, 0)>
#map1 = affine_map<(d0, d1) -> (0)>
module attributes {stable_mosaic.version = 14 : i64} {
  func.func @_gather_body(%arg0: i32, %arg1: i32, %arg2: memref<10000x128xf32, #tpu.memory_space<hbm>>, %arg3: memref<163840xi32, #tpu.memory_space<hbm>>, %arg4: memref<163840x128xf32, #tpu.memory_space<hbm>>, %arg5: memref<5120xi32, #tpu.memory_space<vmem>>, %arg6: memref<4x128x128xf32, #tpu.memory_space<vmem>>, %arg7: memref<!tpu.dma_semaphore, #tpu.memory_space<semaphore_mem>>, %arg8: memref<!tpu.dma_semaphore, #tpu.memory_space<semaphore_mem>>, %arg9: memref<!tpu.dma_semaphore, #tpu.memory_space<semaphore_mem>>, %arg10: memref<!tpu.dma_semaphore, #tpu.memory_space<semaphore_mem>>, %arg11: memref<!tpu.dma_semaphore, #tpu.memory_space<semaphore_mem>>, %arg12: memref<!tpu.dma_semaphore, #tpu.memory_space<semaphore_mem>>, %arg13: memref<!tpu.dma_semaphore, #tpu.memory_space<semaphore_mem>>, %arg14: memref<!tpu.dma_semaphore, #tpu.memory_space<semaphore_mem>>) attributes {dimension_semantics = [#tpu.dimension_semantics<core_parallel>, #tpu.dimension_semantics<subcore_parallel>], iteration_bounds = array<i64: 2, 16>, scalar_prefetch = 0 : i64, scratch_operands = 10 : i64, tpu.core_type = #tpu.core_type<sc_vector_subcore>, window_params = [{transform_indices = #map}, {transform_indices = #map1}, {transform_indices = #map}]} {
    %mul3A = arith.constant 2 : i32
    %mul3A_0 = arith.muli %arg1, %mul3A : i32
    %add3A = arith.addi %mul3A_0, %arg0 : i32
    %mul3A_1 = arith.constant 5120 : i32
    %mul3A_2 = arith.muli %add3A, %mul3A_1 : i32
    "tpu.region"() ({
      %run_scoped3A = tpu.sem_alloc : memref<!tpu.dma_semaphore, #tpu.memory_space<semaphore_mem>>
      %dma_start3A_96 = tpu.memref_slice %arg3[%mul3A_2] : memref<163840xi32, #tpu.memory_space<hbm>> -> memref<5120xi32, #tpu.memory_space<hbm>>
      %dma_start3A_97 = tpu.memref_slice %arg3[%mul3A_2] : memref<163840xi32, #tpu.memory_space<hbm>> -> memref<5120xi32, #tpu.memory_space<hbm>>
      tpu.enqueue_dma source(%dma_start3A_97 : memref<5120xi32, #tpu.memory_space<hbm>>) target(%arg5 : memref<5120xi32, #tpu.memory_space<vmem>>) target_semaphore(%run_scoped3A : memref<!tpu.dma_semaphore, #tpu.memory_space<semaphore_mem>>)
      %dma_wait3A_98 = tpu.memref_slice %arg3[%mul3A_2] : memref<163840xi32, #tpu.memory_space<hbm>> -> memref<5120xi32, #tpu.memory_space<hbm>>
      %dma_wait3A_99 = tpu.memref_slice %arg3[%mul3A_2] : memref<163840xi32, #tpu.memory_space<hbm>> -> memref<5120xi32, #tpu.memory_space<hbm>>
      tpu.wait_dma2 semaphore(%run_scoped3A : memref<!tpu.dma_semaphore, #tpu.memory_space<semaphore_mem>>) src(%dma_wait3A_99 : memref<5120xi32, #tpu.memory_space<hbm>>) dst(%arg5 : memref<5120xi32, #tpu.memory_space<vmem>>)
      tpu.yield
    }) : () -> ()
    %dma_start3A = arith.constant 0 : i32
    %dma_start3A_3 = arith.constant 0 : i32
    %dma_start3A_4 = arith.constant 0 : i32
    %dma_start3A_5 = tpu.memref_slice %arg6[%dma_start3A, %dma_start3A_3, %dma_start3A_4] : memref<4x128x128xf32, #tpu.memory_space<vmem>> -> memref<1x128x128xf32, #tpu.memory_space<vmem>>
    %dma_start3A_6 = tpu.memref_squeeze %dma_start3A_5 : memref<1x128x128xf32, #tpu.memory_space<vmem>> -> memref<128x128xf32, #tpu.memory_space<vmem>>
    %dma_start3A_7 = arith.constant 0 : i32
    %dma_start3A_8 = tpu.memref_slice %arg5[%dma_start3A_7] : memref<5120xi32, #tpu.memory_space<vmem>> -> memref<128xi32, #tpu.memory_space<vmem>>
    %dma_start3A_9 = arith.constant 0 : i32
    %dma_start3A_10 = arith.constant 0 : i32
    %dma_start3A_11 = tpu.memref_slice %arg2[%dma_start3A_9, %dma_start3A_10] : memref<10000x128xf32, #tpu.memory_space<hbm>> -> memref<10000x128xf32, #tpu.memory_space<hbm>>
    tpu.enqueue_indirect_dma source(%dma_start3A_11 : memref<10000x128xf32, #tpu.memory_space<hbm>>) target(%dma_start3A_6 : memref<128x128xf32, #tpu.memory_space<vmem>>) offsets(%dma_start3A_8 : memref<128xi32, #tpu.memory_space<vmem>>) semaphore(%arg7 : memref<!tpu.dma_semaphore, #tpu.memory_space<semaphore_mem>>)
    %dma_start3A_12 = arith.constant 1 : i32
    %dma_start3A_13 = arith.constant 0 : i32
    %dma_start3A_14 = arith.constant 0 : i32
    %dma_start3A_15 = tpu.memref_slice %arg6[%dma_start3A_12, %dma_start3A_13, %dma_start3A_14] : memref<4x128x128xf32, #tpu.memory_space<vmem>> -> memref<1x128x128xf32, #tpu.memory_space<vmem>>
    %dma_start3A_16 = tpu.memref_squeeze %dma_start3A_15 : memref<1x128x128xf32, #tpu.memory_space<vmem>> -> memref<128x128xf32, #tpu.memory_space<vmem>>
    %dma_start3A_17 = arith.constant 128 : i32
    %dma_start3A_18 = tpu.memref_slice %arg5[%dma_start3A_17] : memref<5120xi32, #tpu.memory_space<vmem>> -> memref<128xi32, #tpu.memory_space<vmem>>
    %dma_start3A_19 = arith.constant 0 : i32
    %dma_start3A_20 = arith.constant 0 : i32
    %dma_start3A_21 = tpu.memref_slice %arg2[%dma_start3A_19, %dma_start3A_20] : memref<10000x128xf32, #tpu.memory_space<hbm>> -> memref<10000x128xf32, #tpu.memory_space<hbm>>
    tpu.enqueue_indirect_dma source(%dma_start3A_21 : memref<10000x128xf32, #tpu.memory_space<hbm>>) target(%dma_start3A_16 : memref<128x128xf32, #tpu.memory_space<vmem>>) offsets(%dma_start3A_18 : memref<128xi32, #tpu.memory_space<vmem>>) semaphore(%arg8 : memref<!tpu.dma_semaphore, #tpu.memory_space<semaphore_mem>>)
    %dma_start3A_22 = arith.constant 2 : i32
    %dma_start3A_23 = arith.constant 0 : i32
    %dma_start3A_24 = arith.constant 0 : i32
    %dma_start3A_25 = tpu.memref_slice %arg6[%dma_start3A_22, %dma_start3A_23, %dma_start3A_24] : memref<4x128x128xf32, #tpu.memory_space<vmem>> -> memref<1x128x128xf32, #tpu.memory_space<vmem>>
    %dma_start3A_26 = tpu.memref_squeeze %dma_start3A_25 : memref<1x128x128xf32, #tpu.memory_space<vmem>> -> memref<128x128xf32, #tpu.memory_space<vmem>>
    %dma_start3A_27 = arith.constant 256 : i32
    %dma_start3A_28 = tpu.memref_slice %arg5[%dma_start3A_27] : memref<5120xi32, #tpu.memory_space<vmem>> -> memref<128xi32, #tpu.memory_space<vmem>>
    %dma_start3A_29 = arith.constant 0 : i32
    %dma_start3A_30 = arith.constant 0 : i32
    %dma_start3A_31 = tpu.memref_slice %arg2[%dma_start3A_29, %dma_start3A_30] : memref<10000x128xf32, #tpu.memory_space<hbm>> -> memref<10000x128xf32, #tpu.memory_space<hbm>>
    tpu.enqueue_indirect_dma source(%dma_start3A_31 : memref<10000x128xf32, #tpu.memory_space<hbm>>) target(%dma_start3A_26 : memref<128x128xf32, #tpu.memory_space<vmem>>) offsets(%dma_start3A_28 : memref<128xi32, #tpu.memory_space<vmem>>) semaphore(%arg9 : memref<!tpu.dma_semaphore, #tpu.memory_space<semaphore_mem>>)
    %scan3A = arith.constant 0 : i32
    %scan3A_32 = arith.constant 0 : i32
    %scan3A_33 = arith.constant 10 : i32
    %scan3A_34 = arith.addi %scan3A_32, %scan3A_33 : i32
    %scan3A_35 = arith.constant 1 : i32
    scf.for %scan3A_96 = %scan3A_32 to %scan3A_34 step %scan3A_35  : i32 {
      %mul3A_97 = arith.constant 4 : i32
      %mul3A_98 = arith.muli %scan3A_96, %mul3A_97 : i32
      %add3A_99 = arith.constant 0 : i32
      %add3A_100 = arith.addi %mul3A_98, %add3A_99 : i32
      %add3A_101 = arith.constant 4 : i32
      %add3A_102 = arith.addi %add3A_100, %add3A_101 : i32
      %sub3A = arith.constant 1 : i32
      %sub3A_103 = arith.subi %add3A_102, %sub3A : i32
      %lt3A = arith.constant 40 : i32
      %lt3A_104 = arith.cmpi slt, %sub3A_103, %lt3A : i32
      %convert_element_type3A = arith.extui %lt3A_104 : i1 to i32
      %cond3A = arith.constant 0 : i32
      %cond3A_105 = arith.cmpi ne, %convert_element_type3A, %cond3A : i32
      scf.if %cond3A_105 {
        %ge3A = arith.constant 1 : i32
        %ge3A_269 = arith.cmpi sge, %add3A_100, %ge3A : i32
        %convert_element_type3A_270 = arith.extui %ge3A_269 : i1 to i32
        %cond3A_271 = arith.constant 0 : i32
        %cond3A_272 = arith.cmpi ne, %convert_element_type3A_270, %cond3A_271 : i32
        scf.if %cond3A_272 {
          %dma_wait3A_288 = arith.constant 3 : i32
          %dma_wait3A_289 = arith.constant 0 : i32
          %dma_wait3A_290 = arith.constant 0 : i32
          %dma_wait3A_291 = tpu.memref_slice %arg6[%dma_wait3A_288, %dma_wait3A_289, %dma_wait3A_290] : memref<4x128x128xf32, #tpu.memory_space<vmem>> -> memref<1x128x128xf32, #tpu.memory_space<vmem>>
          %dma_wait3A_292 = tpu.memref_squeeze %dma_wait3A_291 : memref<1x128x128xf32, #tpu.memory_space<vmem>> -> memref<128x128xf32, #tpu.memory_space<vmem>>
          %dma_wait3A_293 = arith.constant 0 : i32
          %dma_wait3A_294 = arith.constant 0 : i32
          %dma_wait3A_295 = tpu.memref_slice %arg2[%dma_wait3A_293, %dma_wait3A_294] : memref<10000x128xf32, #tpu.memory_space<hbm>> -> memref<128x128xf32, #tpu.memory_space<hbm>>
          %dma_wait3A_296 = arith.constant 0 : i32
          %dma_wait3A_297 = arith.constant 0 : i32
          %dma_wait3A_298 = tpu.memref_slice %arg6[%dma_wait3A_288, %dma_wait3A_296, %dma_wait3A_297] : memref<4x128x128xf32, #tpu.memory_space<vmem>> -> memref<1x128x128xf32, #tpu.memory_space<vmem>>
          %dma_wait3A_299 = tpu.memref_squeeze %dma_wait3A_298 : memref<1x128x128xf32, #tpu.memory_space<vmem>> -> memref<128x128xf32, #tpu.memory_space<vmem>>
          %dma_wait3A_300 = arith.constant 0 : i32
          %dma_wait3A_301 = arith.constant 0 : i32
          %dma_wait3A_302 = tpu.memref_slice %arg2[%dma_wait3A_300, %dma_wait3A_301] : memref<10000x128xf32, #tpu.memory_space<hbm>> -> memref<128x128xf32, #tpu.memory_space<hbm>>
          tpu.wait_dma2 semaphore(%arg14 : memref<!tpu.dma_semaphore, #tpu.memory_space<semaphore_mem>>) src(%dma_wait3A_302 : memref<128x128xf32, #tpu.memory_space<hbm>>) dst(%dma_wait3A_299 : memref<128x128xf32, #tpu.memory_space<vmem>>)
        } else {
        }
        %add3A_273 = arith.constant 4 : i32
        %add3A_274 = arith.addi %add3A_100, %add3A_273 : i32
        %sub3A_275 = arith.constant 1 : i32
        %sub3A_276 = arith.subi %add3A_274, %sub3A_275 : i32
        %mul3A_277 = arith.constant 128 : i32
        %mul3A_278 = arith.muli %sub3A_276, %mul3A_277 : i32
        %dma_start3A_279 = arith.constant 3 : i32
        %dma_start3A_280 = arith.constant 0 : i32
        %dma_start3A_281 = arith.constant 0 : i32
        %dma_start3A_282 = tpu.memref_slice %arg6[%dma_start3A_279, %dma_start3A_280, %dma_start3A_281] : memref<4x128x128xf32, #tpu.memory_space<vmem>> -> memref<1x128x128xf32, #tpu.memory_space<vmem>>
        %dma_start3A_283 = tpu.memref_squeeze %dma_start3A_282 : memref<1x128x128xf32, #tpu.memory_space<vmem>> -> memref<128x128xf32, #tpu.memory_space<vmem>>
        %dma_start3A_284 = tpu.memref_slice %arg5[%mul3A_278] : memref<5120xi32, #tpu.memory_space<vmem>> -> memref<128xi32, #tpu.memory_space<vmem>>
        %dma_start3A_285 = arith.constant 0 : i32
        %dma_start3A_286 = arith.constant 0 : i32
        %dma_start3A_287 = tpu.memref_slice %arg2[%dma_start3A_285, %dma_start3A_286] : memref<10000x128xf32, #tpu.memory_space<hbm>> -> memref<10000x128xf32, #tpu.memory_space<hbm>>
        tpu.enqueue_indirect_dma source(%dma_start3A_287 : memref<10000x128xf32, #tpu.memory_space<hbm>>) target(%dma_start3A_283 : memref<128x128xf32, #tpu.memory_space<vmem>>) offsets(%dma_start3A_284 : memref<128xi32, #tpu.memory_space<vmem>>) semaphore(%arg10 : memref<!tpu.dma_semaphore, #tpu.memory_space<semaphore_mem>>)
      } else {
      }
      %dma_wait3A_106 = arith.constant 0 : i32
      %dma_wait3A_107 = arith.constant 0 : i32
      %dma_wait3A_108 = arith.constant 0 : i32
      %dma_wait3A_109 = tpu.memref_slice %arg6[%dma_wait3A_106, %dma_wait3A_107, %dma_wait3A_108] : memref<4x128x128xf32, #tpu.memory_space<vmem>> -> memref<1x128x128xf32, #tpu.memory_space<vmem>>
      %dma_wait3A_110 = tpu.memref_squeeze %dma_wait3A_109 : memref<1x128x128xf32, #tpu.memory_space<vmem>> -> memref<128x128xf32, #tpu.memory_space<vmem>>
      %dma_wait3A_111 = arith.constant 0 : i32
      %dma_wait3A_112 = arith.constant 0 : i32
      %dma_wait3A_113 = tpu.memref_slice %arg2[%dma_wait3A_111, %dma_wait3A_112] : memref<10000x128xf32, #tpu.memory_space<hbm>> -> memref<128x128xf32, #tpu.memory_space<hbm>>
      %dma_wait3A_114 = arith.constant 0 : i32
      %dma_wait3A_115 = arith.constant 0 : i32
      %dma_wait3A_116 = tpu.memref_slice %arg6[%dma_wait3A_106, %dma_wait3A_114, %dma_wait3A_115] : memref<4x128x128xf32, #tpu.memory_space<vmem>> -> memref<1x128x128xf32, #tpu.memory_space<vmem>>
      %dma_wait3A_117 = tpu.memref_squeeze %dma_wait3A_116 : memref<1x128x128xf32, #tpu.memory_space<vmem>> -> memref<128x128xf32, #tpu.memory_space<vmem>>
      %dma_wait3A_118 = arith.constant 0 : i32
      %dma_wait3A_119 = arith.constant 0 : i32
      %dma_wait3A_120 = tpu.memref_slice %arg2[%dma_wait3A_118, %dma_wait3A_119] : memref<10000x128xf32, #tpu.memory_space<hbm>> -> memref<128x128xf32, #tpu.memory_space<hbm>>
      tpu.wait_dma2 semaphore(%arg7 : memref<!tpu.dma_semaphore, #tpu.memory_space<semaphore_mem>>) src(%dma_wait3A_120 : memref<128x128xf32, #tpu.memory_space<hbm>>) dst(%dma_wait3A_117 : memref<128x128xf32, #tpu.memory_space<vmem>>)
      %mul3A_121 = arith.constant 128 : i32
      %mul3A_122 = arith.muli %add3A_100, %mul3A_121 : i32
      %add3A_123 = arith.addi %mul3A_2, %mul3A_122 : i32
      %dma_start3A_124 = arith.constant 0 : i32
      %dma_start3A_125 = arith.constant 0 : i32
      %dma_start3A_126 = arith.constant 0 : i32
      %dma_start3A_127 = tpu.memref_slice %arg6[%dma_start3A_124, %dma_start3A_125, %dma_start3A_126] : memref<4x128x128xf32, #tpu.memory_space<vmem>> -> memref<1x128x128xf32, #tpu.memory_space<vmem>>
      %dma_start3A_128 = tpu.memref_squeeze %dma_start3A_127 : memref<1x128x128xf32, #tpu.memory_space<vmem>> -> memref<128x128xf32, #tpu.memory_space<vmem>>
      %dma_start3A_129 = arith.constant 0 : i32
      %dma_start3A_130 = tpu.memref_slice %arg4[%add3A_123, %dma_start3A_129] : memref<163840x128xf32, #tpu.memory_space<hbm>> -> memref<128x128xf32, #tpu.memory_space<hbm>>
      %dma_start3A_131 = arith.constant 0 : i32
      %dma_start3A_132 = tpu.memref_slice %arg4[%add3A_123, %dma_start3A_131] : memref<163840x128xf32, #tpu.memory_space<hbm>> -> memref<128x128xf32, #tpu.memory_space<hbm>>
      %dma_start3A_133 = arith.constant 0 : i32
      %dma_start3A_134 = arith.constant 0 : i32
      %dma_start3A_135 = tpu.memref_slice %arg6[%dma_start3A_124, %dma_start3A_133, %dma_start3A_134] : memref<4x128x128xf32, #tpu.memory_space<vmem>> -> memref<1x128x128xf32, #tpu.memory_space<vmem>>
      %dma_start3A_136 = tpu.memref_squeeze %dma_start3A_135 : memref<1x128x128xf32, #tpu.memory_space<vmem>> -> memref<128x128xf32, #tpu.memory_space<vmem>>
      tpu.enqueue_dma source(%dma_start3A_136 : memref<128x128xf32, #tpu.memory_space<vmem>>) target(%dma_start3A_132 : memref<128x128xf32, #tpu.memory_space<hbm>>) target_semaphore(%arg11 : memref<!tpu.dma_semaphore, #tpu.memory_space<semaphore_mem>>)
      %mul3A_137 = arith.constant 4 : i32
      %mul3A_138 = arith.muli %scan3A_96, %mul3A_137 : i32
      %add3A_139 = arith.constant 1 : i32
      %add3A_140 = arith.addi %mul3A_138, %add3A_139 : i32
      %add3A_141 = arith.constant 4 : i32
      %add3A_142 = arith.addi %add3A_140, %add3A_141 : i32
      %sub3A_143 = arith.constant 1 : i32
      %sub3A_144 = arith.subi %add3A_142, %sub3A_143 : i32
      %lt3A_145 = arith.constant 40 : i32
      %lt3A_146 = arith.cmpi slt, %sub3A_144, %lt3A_145 : i32
      %convert_element_type3A_147 = arith.extui %lt3A_146 : i1 to i32
      %cond3A_148 = arith.constant 0 : i32
      %cond3A_149 = arith.cmpi ne, %convert_element_type3A_147, %cond3A_148 : i32
      scf.if %cond3A_149 {
        %ge3A = arith.constant 1 : i32
        %ge3A_269 = arith.cmpi sge, %add3A_140, %ge3A : i32
        %convert_element_type3A_270 = arith.extui %ge3A_269 : i1 to i32
        %cond3A_271 = arith.constant 0 : i32
        %cond3A_272 = arith.cmpi ne, %convert_element_type3A_270, %cond3A_271 : i32
        scf.if %cond3A_272 {
          %dma_wait3A_288 = arith.constant 0 : i32
          %dma_wait3A_289 = arith.constant 0 : i32
          %dma_wait3A_290 = arith.constant 0 : i32
          %dma_wait3A_291 = tpu.memref_slice %arg6[%dma_wait3A_288, %dma_wait3A_289, %dma_wait3A_290] : memref<4x128x128xf32, #tpu.memory_space<vmem>> -> memref<1x128x128xf32, #tpu.memory_space<vmem>>
          %dma_wait3A_292 = tpu.memref_squeeze %dma_wait3A_291 : memref<1x128x128xf32, #tpu.memory_space<vmem>> -> memref<128x128xf32, #tpu.memory_space<vmem>>
          %dma_wait3A_293 = arith.constant 0 : i32
          %dma_wait3A_294 = arith.constant 0 : i32
          %dma_wait3A_295 = tpu.memref_slice %arg2[%dma_wait3A_293, %dma_wait3A_294] : memref<10000x128xf32, #tpu.memory_space<hbm>> -> memref<128x128xf32, #tpu.memory_space<hbm>>
          %dma_wait3A_296 = arith.constant 0 : i32
          %dma_wait3A_297 = arith.constant 0 : i32
          %dma_wait3A_298 = tpu.memref_slice %arg6[%dma_wait3A_288, %dma_wait3A_296, %dma_wait3A_297] : memref<4x128x128xf32, #tpu.memory_space<vmem>> -> memref<1x128x128xf32, #tpu.memory_space<vmem>>
          %dma_wait3A_299 = tpu.memref_squeeze %dma_wait3A_298 : memref<1x128x128xf32, #tpu.memory_space<vmem>> -> memref<128x128xf32, #tpu.memory_space<vmem>>
          %dma_wait3A_300 = arith.constant 0 : i32
          %dma_wait3A_301 = arith.constant 0 : i32
          %dma_wait3A_302 = tpu.memref_slice %arg2[%dma_wait3A_300, %dma_wait3A_301] : memref<10000x128xf32, #tpu.memory_space<hbm>> -> memref<128x128xf32, #tpu.memory_space<hbm>>
          tpu.wait_dma2 semaphore(%arg11 : memref<!tpu.dma_semaphore, #tpu.memory_space<semaphore_mem>>) src(%dma_wait3A_302 : memref<128x128xf32, #tpu.memory_space<hbm>>) dst(%dma_wait3A_299 : memref<128x128xf32, #tpu.memory_space<vmem>>)
        } else {
        }
        %add3A_273 = arith.constant 4 : i32
        %add3A_274 = arith.addi %add3A_140, %add3A_273 : i32
        %sub3A_275 = arith.constant 1 : i32
        %sub3A_276 = arith.subi %add3A_274, %sub3A_275 : i32
        %mul3A_277 = arith.constant 128 : i32
        %mul3A_278 = arith.muli %sub3A_276, %mul3A_277 : i32
        %dma_start3A_279 = arith.constant 0 : i32
        %dma_start3A_280 = arith.constant 0 : i32
        %dma_start3A_281 = arith.constant 0 : i32
        %dma_start3A_282 = tpu.memref_slice %arg6[%dma_start3A_279, %dma_start3A_280, %dma_start3A_281] : memref<4x128x128xf32, #tpu.memory_space<vmem>> -> memref<1x128x128xf32, #tpu.memory_space<vmem>>
        %dma_start3A_283 = tpu.memref_squeeze %dma_start3A_282 : memref<1x128x128xf32, #tpu.memory_space<vmem>> -> memref<128x128xf32, #tpu.memory_space<vmem>>
        %dma_start3A_284 = tpu.memref_slice %arg5[%mul3A_278] : memref<5120xi32, #tpu.memory_space<vmem>> -> memref<128xi32, #tpu.memory_space<vmem>>
        %dma_start3A_285 = arith.constant 0 : i32
        %dma_start3A_286 = arith.constant 0 : i32
        %dma_start3A_287 = tpu.memref_slice %arg2[%dma_start3A_285, %dma_start3A_286] : memref<10000x128xf32, #tpu.memory_space<hbm>> -> memref<10000x128xf32, #tpu.memory_space<hbm>>
        tpu.enqueue_indirect_dma source(%dma_start3A_287 : memref<10000x128xf32, #tpu.memory_space<hbm>>) target(%dma_start3A_283 : memref<128x128xf32, #tpu.memory_space<vmem>>) offsets(%dma_start3A_284 : memref<128xi32, #tpu.memory_space<vmem>>) semaphore(%arg7 : memref<!tpu.dma_semaphore, #tpu.memory_space<semaphore_mem>>)
      } else {
      }
      %dma_wait3A_150 = arith.constant 1 : i32
      %dma_wait3A_151 = arith.constant 0 : i32
      %dma_wait3A_152 = arith.constant 0 : i32
      %dma_wait3A_153 = tpu.memref_slice %arg6[%dma_wait3A_150, %dma_wait3A_151, %dma_wait3A_152] : memref<4x128x128xf32, #tpu.memory_space<vmem>> -> memref<1x128x128xf32, #tpu.memory_space<vmem>>
      %dma_wait3A_154 = tpu.memref_squeeze %dma_wait3A_153 : memref<1x128x128xf32, #tpu.memory_space<vmem>> -> memref<128x128xf32, #tpu.memory_space<vmem>>
      %dma_wait3A_155 = arith.constant 0 : i32
      %dma_wait3A_156 = arith.constant 0 : i32
      %dma_wait3A_157 = tpu.memref_slice %arg2[%dma_wait3A_155, %dma_wait3A_156] : memref<10000x128xf32, #tpu.memory_space<hbm>> -> memref<128x128xf32, #tpu.memory_space<hbm>>
      %dma_wait3A_158 = arith.constant 0 : i32
      %dma_wait3A_159 = arith.constant 0 : i32
      %dma_wait3A_160 = tpu.memref_slice %arg6[%dma_wait3A_150, %dma_wait3A_158, %dma_wait3A_159] : memref<4x128x128xf32, #tpu.memory_space<vmem>> -> memref<1x128x128xf32, #tpu.memory_space<vmem>>
      %dma_wait3A_161 = tpu.memref_squeeze %dma_wait3A_160 : memref<1x128x128xf32, #tpu.memory_space<vmem>> -> memref<128x128xf32, #tpu.memory_space<vmem>>
      %dma_wait3A_162 = arith.constant 0 : i32
      %dma_wait3A_163 = arith.constant 0 : i32
      %dma_wait3A_164 = tpu.memref_slice %arg2[%dma_wait3A_162, %dma_wait3A_163] : memref<10000x128xf32, #tpu.memory_space<hbm>> -> memref<128x128xf32, #tpu.memory_space<hbm>>
      tpu.wait_dma2 semaphore(%arg8 : memref<!tpu.dma_semaphore, #tpu.memory_space<semaphore_mem>>) src(%dma_wait3A_164 : memref<128x128xf32, #tpu.memory_space<hbm>>) dst(%dma_wait3A_161 : memref<128x128xf32, #tpu.memory_space<vmem>>)
      %mul3A_165 = arith.constant 128 : i32
      %mul3A_166 = arith.muli %add3A_140, %mul3A_165 : i32
      %add3A_167 = arith.addi %mul3A_2, %mul3A_166 : i32
      %dma_start3A_168 = arith.constant 1 : i32
      %dma_start3A_169 = arith.constant 0 : i32
      %dma_start3A_170 = arith.constant 0 : i32
      %dma_start3A_171 = tpu.memref_slice %arg6[%dma_start3A_168, %dma_start3A_169, %dma_start3A_170] : memref<4x128x128xf32, #tpu.memory_space<vmem>> -> memref<1x128x128xf32, #tpu.memory_space<vmem>>
      %dma_start3A_172 = tpu.memref_squeeze %dma_start3A_171 : memref<1x128x128xf32, #tpu.memory_space<vmem>> -> memref<128x128xf32, #tpu.memory_space<vmem>>
      %dma_start3A_173 = arith.constant 0 : i32
      %dma_start3A_174 = tpu.memref_slice %arg4[%add3A_167, %dma_start3A_173] : memref<163840x128xf32, #tpu.memory_space<hbm>> -> memref<128x128xf32, #tpu.memory_space<hbm>>
      %dma_start3A_175 = arith.constant 0 : i32
      %dma_start3A_176 = tpu.memref_slice %arg4[%add3A_167, %dma_start3A_175] : memref<163840x128xf32, #tpu.memory_space<hbm>> -> memref<128x128xf32, #tpu.memory_space<hbm>>
      %dma_start3A_177 = arith.constant 0 : i32
      %dma_start3A_178 = arith.constant 0 : i32
      %dma_start3A_179 = tpu.memref_slice %arg6[%dma_start3A_168, %dma_start3A_177, %dma_start3A_178] : memref<4x128x128xf32, #tpu.memory_space<vmem>> -> memref<1x128x128xf32, #tpu.memory_space<vmem>>
      %dma_start3A_180 = tpu.memref_squeeze %dma_start3A_179 : memref<1x128x128xf32, #tpu.memory_space<vmem>> -> memref<128x128xf32, #tpu.memory_space<vmem>>
      tpu.enqueue_dma source(%dma_start3A_180 : memref<128x128xf32, #tpu.memory_space<vmem>>) target(%dma_start3A_176 : memref<128x128xf32, #tpu.memory_space<hbm>>) target_semaphore(%arg12 : memref<!tpu.dma_semaphore, #tpu.memory_space<semaphore_mem>>)
      %mul3A_181 = arith.constant 4 : i32
      %mul3A_182 = arith.muli %scan3A_96, %mul3A_181 : i32
      %add3A_183 = arith.constant 2 : i32
      %add3A_184 = arith.addi %mul3A_182, %add3A_183 : i32
      %add3A_185 = arith.constant 4 : i32
      %add3A_186 = arith.addi %add3A_184, %add3A_185 : i32
      %sub3A_187 = arith.constant 1 : i32
      %sub3A_188 = arith.subi %add3A_186, %sub3A_187 : i32
      %lt3A_189 = arith.constant 40 : i32
      %lt3A_190 = arith.cmpi slt, %sub3A_188, %lt3A_189 : i32
      %convert_element_type3A_191 = arith.extui %lt3A_190 : i1 to i32
      %cond3A_192 = arith.constant 0 : i32
      %cond3A_193 = arith.cmpi ne, %convert_element_type3A_191, %cond3A_192 : i32
      scf.if %cond3A_193 {
        %ge3A = arith.constant 1 : i32
        %ge3A_269 = arith.cmpi sge, %add3A_184, %ge3A : i32
        %convert_element_type3A_270 = arith.extui %ge3A_269 : i1 to i32
        %cond3A_271 = arith.constant 0 : i32
        %cond3A_272 = arith.cmpi ne, %convert_element_type3A_270, %cond3A_271 : i32
        scf.if %cond3A_272 {
          %dma_wait3A_288 = arith.constant 1 : i32
          %dma_wait3A_289 = arith.constant 0 : i32
          %dma_wait3A_290 = arith.constant 0 : i32
          %dma_wait3A_291 = tpu.memref_slice %arg6[%dma_wait3A_288, %dma_wait3A_289, %dma_wait3A_290] : memref<4x128x128xf32, #tpu.memory_space<vmem>> -> memref<1x128x128xf32, #tpu.memory_space<vmem>>
          %dma_wait3A_292 = tpu.memref_squeeze %dma_wait3A_291 : memref<1x128x128xf32, #tpu.memory_space<vmem>> -> memref<128x128xf32, #tpu.memory_space<vmem>>
          %dma_wait3A_293 = arith.constant 0 : i32
          %dma_wait3A_294 = arith.constant 0 : i32
          %dma_wait3A_295 = tpu.memref_slice %arg2[%dma_wait3A_293, %dma_wait3A_294] : memref<10000x128xf32, #tpu.memory_space<hbm>> -> memref<128x128xf32, #tpu.memory_space<hbm>>
          %dma_wait3A_296 = arith.constant 0 : i32
          %dma_wait3A_297 = arith.constant 0 : i32
          %dma_wait3A_298 = tpu.memref_slice %arg6[%dma_wait3A_288, %dma_wait3A_296, %dma_wait3A_297] : memref<4x128x128xf32, #tpu.memory_space<vmem>> -> memref<1x128x128xf32, #tpu.memory_space<vmem>>
          %dma_wait3A_299 = tpu.memref_squeeze %dma_wait3A_298 : memref<1x128x128xf32, #tpu.memory_space<vmem>> -> memref<128x128xf32, #tpu.memory_space<vmem>>
          %dma_wait3A_300 = arith.constant 0 : i32
          %dma_wait3A_301 = arith.constant 0 : i32
          %dma_wait3A_302 = tpu.memref_slice %arg2[%dma_wait3A_300, %dma_wait3A_301] : memref<10000x128xf32, #tpu.memory_space<hbm>> -> memref<128x128xf32, #tpu.memory_space<hbm>>
          tpu.wait_dma2 semaphore(%arg12 : memref<!tpu.dma_semaphore, #tpu.memory_space<semaphore_mem>>) src(%dma_wait3A_302 : memref<128x128xf32, #tpu.memory_space<hbm>>) dst(%dma_wait3A_299 : memref<128x128xf32, #tpu.memory_space<vmem>>)
        } else {
        }
        %add3A_273 = arith.constant 4 : i32
        %add3A_274 = arith.addi %add3A_184, %add3A_273 : i32
        %sub3A_275 = arith.constant 1 : i32
        %sub3A_276 = arith.subi %add3A_274, %sub3A_275 : i32
        %mul3A_277 = arith.constant 128 : i32
        %mul3A_278 = arith.muli %sub3A_276, %mul3A_277 : i32
        %dma_start3A_279 = arith.constant 1 : i32
        %dma_start3A_280 = arith.constant 0 : i32
        %dma_start3A_281 = arith.constant 0 : i32
        %dma_start3A_282 = tpu.memref_slice %arg6[%dma_start3A_279, %dma_start3A_280, %dma_start3A_281] : memref<4x128x128xf32, #tpu.memory_space<vmem>> -> memref<1x128x128xf32, #tpu.memory_space<vmem>>
        %dma_start3A_283 = tpu.memref_squeeze %dma_start3A_282 : memref<1x128x128xf32, #tpu.memory_space<vmem>> -> memref<128x128xf32, #tpu.memory_space<vmem>>
        %dma_start3A_284 = tpu.memref_slice %arg5[%mul3A_278] : memref<5120xi32, #tpu.memory_space<vmem>> -> memref<128xi32, #tpu.memory_space<vmem>>
        %dma_start3A_285 = arith.constant 0 : i32
        %dma_start3A_286 = arith.constant 0 : i32
        %dma_start3A_287 = tpu.memref_slice %arg2[%dma_start3A_285, %dma_start3A_286] : memref<10000x128xf32, #tpu.memory_space<hbm>> -> memref<10000x128xf32, #tpu.memory_space<hbm>>
        tpu.enqueue_indirect_dma source(%dma_start3A_287 : memref<10000x128xf32, #tpu.memory_space<hbm>>) target(%dma_start3A_283 : memref<128x128xf32, #tpu.memory_space<vmem>>) offsets(%dma_start3A_284 : memref<128xi32, #tpu.memory_space<vmem>>) semaphore(%arg8 : memref<!tpu.dma_semaphore, #tpu.memory_space<semaphore_mem>>)
      } else {
      }
      %dma_wait3A_194 = arith.constant 2 : i32
      %dma_wait3A_195 = arith.constant 0 : i32
      %dma_wait3A_196 = arith.constant 0 : i32
      %dma_wait3A_197 = tpu.memref_slice %arg6[%dma_wait3A_194, %dma_wait3A_195, %dma_wait3A_196] : memref<4x128x128xf32, #tpu.memory_space<vmem>> -> memref<1x128x128xf32, #tpu.memory_space<vmem>>
      %dma_wait3A_198 = tpu.memref_squeeze %dma_wait3A_197 : memref<1x128x128xf32, #tpu.memory_space<vmem>> -> memref<128x128xf32, #tpu.memory_space<vmem>>
      %dma_wait3A_199 = arith.constant 0 : i32
      %dma_wait3A_200 = arith.constant 0 : i32
      %dma_wait3A_201 = tpu.memref_slice %arg2[%dma_wait3A_199, %dma_wait3A_200] : memref<10000x128xf32, #tpu.memory_space<hbm>> -> memref<128x128xf32, #tpu.memory_space<hbm>>
      %dma_wait3A_202 = arith.constant 0 : i32
      %dma_wait3A_203 = arith.constant 0 : i32
      %dma_wait3A_204 = tpu.memref_slice %arg6[%dma_wait3A_194, %dma_wait3A_202, %dma_wait3A_203] : memref<4x128x128xf32, #tpu.memory_space<vmem>> -> memref<1x128x128xf32, #tpu.memory_space<vmem>>
      %dma_wait3A_205 = tpu.memref_squeeze %dma_wait3A_204 : memref<1x128x128xf32, #tpu.memory_space<vmem>> -> memref<128x128xf32, #tpu.memory_space<vmem>>
      %dma_wait3A_206 = arith.constant 0 : i32
      %dma_wait3A_207 = arith.constant 0 : i32
      %dma_wait3A_208 = tpu.memref_slice %arg2[%dma_wait3A_206, %dma_wait3A_207] : memref<10000x128xf32, #tpu.memory_space<hbm>> -> memref<128x128xf32, #tpu.memory_space<hbm>>
      tpu.wait_dma2 semaphore(%arg9 : memref<!tpu.dma_semaphore, #tpu.memory_space<semaphore_mem>>) src(%dma_wait3A_208 : memref<128x128xf32, #tpu.memory_space<hbm>>) dst(%dma_wait3A_205 : memref<128x128xf32, #tpu.memory_space<vmem>>)
      %mul3A_209 = arith.constant 128 : i32
      %mul3A_210 = arith.muli %add3A_184, %mul3A_209 : i32
      %add3A_211 = arith.addi %mul3A_2, %mul3A_210 : i32
      %dma_start3A_212 = arith.constant 2 : i32
      %dma_start3A_213 = arith.constant 0 : i32
      %dma_start3A_214 = arith.constant 0 : i32
      %dma_start3A_215 = tpu.memref_slice %arg6[%dma_start3A_212, %dma_start3A_213, %dma_start3A_214] : memref<4x128x128xf32, #tpu.memory_space<vmem>> -> memref<1x128x128xf32, #tpu.memory_space<vmem>>
      %dma_start3A_216 = tpu.memref_squeeze %dma_start3A_215 : memref<1x128x128xf32, #tpu.memory_space<vmem>> -> memref<128x128xf32, #tpu.memory_space<vmem>>
      %dma_start3A_217 = arith.constant 0 : i32
      %dma_start3A_218 = tpu.memref_slice %arg4[%add3A_211, %dma_start3A_217] : memref<163840x128xf32, #tpu.memory_space<hbm>> -> memref<128x128xf32, #tpu.memory_space<hbm>>
      %dma_start3A_219 = arith.constant 0 : i32
      %dma_start3A_220 = tpu.memref_slice %arg4[%add3A_211, %dma_start3A_219] : memref<163840x128xf32, #tpu.memory_space<hbm>> -> memref<128x128xf32, #tpu.memory_space<hbm>>
      %dma_start3A_221 = arith.constant 0 : i32
      %dma_start3A_222 = arith.constant 0 : i32
      %dma_start3A_223 = tpu.memref_slice %arg6[%dma_start3A_212, %dma_start3A_221, %dma_start3A_222] : memref<4x128x128xf32, #tpu.memory_space<vmem>> -> memref<1x128x128xf32, #tpu.memory_space<vmem>>
      %dma_start3A_224 = tpu.memref_squeeze %dma_start3A_223 : memref<1x128x128xf32, #tpu.memory_space<vmem>> -> memref<128x128xf32, #tpu.memory_space<vmem>>
      tpu.enqueue_dma source(%dma_start3A_224 : memref<128x128xf32, #tpu.memory_space<vmem>>) target(%dma_start3A_220 : memref<128x128xf32, #tpu.memory_space<hbm>>) target_semaphore(%arg13 : memref<!tpu.dma_semaphore, #tpu.memory_space<semaphore_mem>>)
      %mul3A_225 = arith.constant 4 : i32
      %mul3A_226 = arith.muli %scan3A_96, %mul3A_225 : i32
      %add3A_227 = arith.constant 3 : i32
      %add3A_228 = arith.addi %mul3A_226, %add3A_227 : i32
      %add3A_229 = arith.constant 4 : i32
      %add3A_230 = arith.addi %add3A_228, %add3A_229 : i32
      %sub3A_231 = arith.constant 1 : i32
      %sub3A_232 = arith.subi %add3A_230, %sub3A_231 : i32
      %lt3A_233 = arith.constant 40 : i32
      %lt3A_234 = arith.cmpi slt, %sub3A_232, %lt3A_233 : i32
      %convert_element_type3A_235 = arith.extui %lt3A_234 : i1 to i32
      %cond3A_236 = arith.constant 0 : i32
      %cond3A_237 = arith.cmpi ne, %convert_element_type3A_235, %cond3A_236 : i32
      scf.if %cond3A_237 {
        %ge3A = arith.constant 1 : i32
        %ge3A_269 = arith.cmpi sge, %add3A_228, %ge3A : i32
        %convert_element_type3A_270 = arith.extui %ge3A_269 : i1 to i32
        %cond3A_271 = arith.constant 0 : i32
        %cond3A_272 = arith.cmpi ne, %convert_element_type3A_270, %cond3A_271 : i32
        scf.if %cond3A_272 {
          %dma_wait3A_288 = arith.constant 2 : i32
          %dma_wait3A_289 = arith.constant 0 : i32
          %dma_wait3A_290 = arith.constant 0 : i32
          %dma_wait3A_291 = tpu.memref_slice %arg6[%dma_wait3A_288, %dma_wait3A_289, %dma_wait3A_290] : memref<4x128x128xf32, #tpu.memory_space<vmem>> -> memref<1x128x128xf32, #tpu.memory_space<vmem>>
          %dma_wait3A_292 = tpu.memref_squeeze %dma_wait3A_291 : memref<1x128x128xf32, #tpu.memory_space<vmem>> -> memref<128x128xf32, #tpu.memory_space<vmem>>
          %dma_wait3A_293 = arith.constant 0 : i32
          %dma_wait3A_294 = arith.constant 0 : i32
          %dma_wait3A_295 = tpu.memref_slice %arg2[%dma_wait3A_293, %dma_wait3A_294] : memref<10000x128xf32, #tpu.memory_space<hbm>> -> memref<128x128xf32, #tpu.memory_space<hbm>>
          %dma_wait3A_296 = arith.constant 0 : i32
          %dma_wait3A_297 = arith.constant 0 : i32
          %dma_wait3A_298 = tpu.memref_slice %arg6[%dma_wait3A_288, %dma_wait3A_296, %dma_wait3A_297] : memref<4x128x128xf32, #tpu.memory_space<vmem>> -> memref<1x128x128xf32, #tpu.memory_space<vmem>>
          %dma_wait3A_299 = tpu.memref_squeeze %dma_wait3A_298 : memref<1x128x128xf32, #tpu.memory_space<vmem>> -> memref<128x128xf32, #tpu.memory_space<vmem>>
          %dma_wait3A_300 = arith.constant 0 : i32
          %dma_wait3A_301 = arith.constant 0 : i32
          %dma_wait3A_302 = tpu.memref_slice %arg2[%dma_wait3A_300, %dma_wait3A_301] : memref<10000x128xf32, #tpu.memory_space<hbm>> -> memref<128x128xf32, #tpu.memory_space<hbm>>
          tpu.wait_dma2 semaphore(%arg13 : memref<!tpu.dma_semaphore, #tpu.memory_space<semaphore_mem>>) src(%dma_wait3A_302 : memref<128x128xf32, #tpu.memory_space<hbm>>) dst(%dma_wait3A_299 : memref<128x128xf32, #tpu.memory_space<vmem>>)
        } else {
        }
        %add3A_273 = arith.constant 4 : i32
        %add3A_274 = arith.addi %add3A_228, %add3A_273 : i32
        %sub3A_275 = arith.constant 1 : i32
        %sub3A_276 = arith.subi %add3A_274, %sub3A_275 : i32
        %mul3A_277 = arith.constant 128 : i32
        %mul3A_278 = arith.muli %sub3A_276, %mul3A_277 : i32
        %dma_start3A_279 = arith.constant 2 : i32
        %dma_start3A_280 = arith.constant 0 : i32
        %dma_start3A_281 = arith.constant 0 : i32
        %dma_start3A_282 = tpu.memref_slice %arg6[%dma_start3A_279, %dma_start3A_280, %dma_start3A_281] : memref<4x128x128xf32, #tpu.memory_space<vmem>> -> memref<1x128x128xf32, #tpu.memory_space<vmem>>
        %dma_start3A_283 = tpu.memref_squeeze %dma_start3A_282 : memref<1x128x128xf32, #tpu.memory_space<vmem>> -> memref<128x128xf32, #tpu.memory_space<vmem>>
        %dma_start3A_284 = tpu.memref_slice %arg5[%mul3A_278] : memref<5120xi32, #tpu.memory_space<vmem>> -> memref<128xi32, #tpu.memory_space<vmem>>
        %dma_start3A_285 = arith.constant 0 : i32
        %dma_start3A_286 = arith.constant 0 : i32
        %dma_start3A_287 = tpu.memref_slice %arg2[%dma_start3A_285, %dma_start3A_286] : memref<10000x128xf32, #tpu.memory_space<hbm>> -> memref<10000x128xf32, #tpu.memory_space<hbm>>
        tpu.enqueue_indirect_dma source(%dma_start3A_287 : memref<10000x128xf32, #tpu.memory_space<hbm>>) target(%dma_start3A_283 : memref<128x128xf32, #tpu.memory_space<vmem>>) offsets(%dma_start3A_284 : memref<128xi32, #tpu.memory_space<vmem>>) semaphore(%arg9 : memref<!tpu.dma_semaphore, #tpu.memory_space<semaphore_mem>>)
      } else {
      }
      %dma_wait3A_238 = arith.constant 3 : i32
      %dma_wait3A_239 = arith.constant 0 : i32
      %dma_wait3A_240 = arith.constant 0 : i32
      %dma_wait3A_241 = tpu.memref_slice %arg6[%dma_wait3A_238, %dma_wait3A_239, %dma_wait3A_240] : memref<4x128x128xf32, #tpu.memory_space<vmem>> -> memref<1x128x128xf32, #tpu.memory_space<vmem>>
      %dma_wait3A_242 = tpu.memref_squeeze %dma_wait3A_241 : memref<1x128x128xf32, #tpu.memory_space<vmem>> -> memref<128x128xf32, #tpu.memory_space<vmem>>
      %dma_wait3A_243 = arith.constant 0 : i32
      %dma_wait3A_244 = arith.constant 0 : i32
      %dma_wait3A_245 = tpu.memref_slice %arg2[%dma_wait3A_243, %dma_wait3A_244] : memref<10000x128xf32, #tpu.memory_space<hbm>> -> memref<128x128xf32, #tpu.memory_space<hbm>>
      %dma_wait3A_246 = arith.constant 0 : i32
      %dma_wait3A_247 = arith.constant 0 : i32
      %dma_wait3A_248 = tpu.memref_slice %arg6[%dma_wait3A_238, %dma_wait3A_246, %dma_wait3A_247] : memref<4x128x128xf32, #tpu.memory_space<vmem>> -> memref<1x128x128xf32, #tpu.memory_space<vmem>>
      %dma_wait3A_249 = tpu.memref_squeeze %dma_wait3A_248 : memref<1x128x128xf32, #tpu.memory_space<vmem>> -> memref<128x128xf32, #tpu.memory_space<vmem>>
      %dma_wait3A_250 = arith.constant 0 : i32
      %dma_wait3A_251 = arith.constant 0 : i32
      %dma_wait3A_252 = tpu.memref_slice %arg2[%dma_wait3A_250, %dma_wait3A_251] : memref<10000x128xf32, #tpu.memory_space<hbm>> -> memref<128x128xf32, #tpu.memory_space<hbm>>
      tpu.wait_dma2 semaphore(%arg10 : memref<!tpu.dma_semaphore, #tpu.memory_space<semaphore_mem>>) src(%dma_wait3A_252 : memref<128x128xf32, #tpu.memory_space<hbm>>) dst(%dma_wait3A_249 : memref<128x128xf32, #tpu.memory_space<vmem>>)
      %mul3A_253 = arith.constant 128 : i32
      %mul3A_254 = arith.muli %add3A_228, %mul3A_253 : i32
      %add3A_255 = arith.addi %mul3A_2, %mul3A_254 : i32
      %dma_start3A_256 = arith.constant 3 : i32
      %dma_start3A_257 = arith.constant 0 : i32
      %dma_start3A_258 = arith.constant 0 : i32
      %dma_start3A_259 = tpu.memref_slice %arg6[%dma_start3A_256, %dma_start3A_257, %dma_start3A_258] : memref<4x128x128xf32, #tpu.memory_space<vmem>> -> memref<1x128x128xf32, #tpu.memory_space<vmem>>
      %dma_start3A_260 = tpu.memref_squeeze %dma_start3A_259 : memref<1x128x128xf32, #tpu.memory_space<vmem>> -> memref<128x128xf32, #tpu.memory_space<vmem>>
      %dma_start3A_261 = arith.constant 0 : i32
      %dma_start3A_262 = tpu.memref_slice %arg4[%add3A_255, %dma_start3A_261] : memref<163840x128xf32, #tpu.memory_space<hbm>> -> memref<128x128xf32, #tpu.memory_space<hbm>>
      %dma_start3A_263 = arith.constant 0 : i32
      %dma_start3A_264 = tpu.memref_slice %arg4[%add3A_255, %dma_start3A_263] : memref<163840x128xf32, #tpu.memory_space<hbm>> -> memref<128x128xf32, #tpu.memory_space<hbm>>
      %dma_start3A_265 = arith.constant 0 : i32
      %dma_start3A_266 = arith.constant 0 : i32
      %dma_start3A_267 = tpu.memref_slice %arg6[%dma_start3A_256, %dma_start3A_265, %dma_start3A_266] : memref<4x128x128xf32, #tpu.memory_space<vmem>> -> memref<1x128x128xf32, #tpu.memory_space<vmem>>
      %dma_start3A_268 = tpu.memref_squeeze %dma_start3A_267 : memref<1x128x128xf32, #tpu.memory_space<vmem>> -> memref<128x128xf32, #tpu.memory_space<vmem>>
      tpu.enqueue_dma source(%dma_start3A_268 : memref<128x128xf32, #tpu.memory_space<vmem>>) target(%dma_start3A_264 : memref<128x128xf32, #tpu.memory_space<hbm>>) target_semaphore(%arg14 : memref<!tpu.dma_semaphore, #tpu.memory_space<semaphore_mem>>)
    }
    %scan3A_36 = arith.constant 10 : i32
    %dma_wait3A = arith.constant 0 : i32
    %dma_wait3A_37 = arith.constant 0 : i32
    %dma_wait3A_38 = arith.constant 0 : i32
    %dma_wait3A_39 = tpu.memref_slice %arg6[%dma_wait3A, %dma_wait3A_37, %dma_wait3A_38] : memref<4x128x128xf32, #tpu.memory_space<vmem>> -> memref<1x128x128xf32, #tpu.memory_space<vmem>>
    %dma_wait3A_40 = tpu.memref_squeeze %dma_wait3A_39 : memref<1x128x128xf32, #tpu.memory_space<vmem>> -> memref<128x128xf32, #tpu.memory_space<vmem>>
    %dma_wait3A_41 = arith.constant 0 : i32
    %dma_wait3A_42 = arith.constant 0 : i32
    %dma_wait3A_43 = tpu.memref_slice %arg2[%dma_wait3A_41, %dma_wait3A_42] : memref<10000x128xf32, #tpu.memory_space<hbm>> -> memref<128x128xf32, #tpu.memory_space<hbm>>
    %dma_wait3A_44 = arith.constant 0 : i32
    %dma_wait3A_45 = arith.constant 0 : i32
    %dma_wait3A_46 = tpu.memref_slice %arg6[%dma_wait3A, %dma_wait3A_44, %dma_wait3A_45] : memref<4x128x128xf32, #tpu.memory_space<vmem>> -> memref<1x128x128xf32, #tpu.memory_space<vmem>>
    %dma_wait3A_47 = tpu.memref_squeeze %dma_wait3A_46 : memref<1x128x128xf32, #tpu.memory_space<vmem>> -> memref<128x128xf32, #tpu.memory_space<vmem>>
    %dma_wait3A_48 = arith.constant 0 : i32
    %dma_wait3A_49 = arith.constant 0 : i32
    %dma_wait3A_50 = tpu.memref_slice %arg2[%dma_wait3A_48, %dma_wait3A_49] : memref<10000x128xf32, #tpu.memory_space<hbm>> -> memref<128x128xf32, #tpu.memory_space<hbm>>
    tpu.wait_dma2 semaphore(%arg11 : memref<!tpu.dma_semaphore, #tpu.memory_space<semaphore_mem>>) src(%dma_wait3A_50 : memref<128x128xf32, #tpu.memory_space<hbm>>) dst(%dma_wait3A_47 : memref<128x128xf32, #tpu.memory_space<vmem>>)
    %dma_wait3A_51 = arith.constant 1 : i32
    %dma_wait3A_52 = arith.constant 0 : i32
    %dma_wait3A_53 = arith.constant 0 : i32
    %dma_wait3A_54 = tpu.memref_slice %arg6[%dma_wait3A_51, %dma_wait3A_52, %dma_wait3A_53] : memref<4x128x128xf32, #tpu.memory_space<vmem>> -> memref<1x128x128xf32, #tpu.memory_space<vmem>>
    %dma_wait3A_55 = tpu.memref_squeeze %dma_wait3A_54 : memref<1x128x128xf32, #tpu.memory_space<vmem>> -> memref<128x128xf32, #tpu.memory_space<vmem>>
    %dma_wait3A_56 = arith.constant 0 : i32
    %dma_wait3A_57 = arith.constant 0 : i32
    %dma_wait3A_58 = tpu.memref_slice %arg2[%dma_wait3A_56, %dma_wait3A_57] : memref<10000x128xf32, #tpu.memory_space<hbm>> -> memref<128x128xf32, #tpu.memory_space<hbm>>
    %dma_wait3A_59 = arith.constant 0 : i32
    %dma_wait3A_60 = arith.constant 0 : i32
    %dma_wait3A_61 = tpu.memref_slice %arg6[%dma_wait3A_51, %dma_wait3A_59, %dma_wait3A_60] : memref<4x128x128xf32, #tpu.memory_space<vmem>> -> memref<1x128x128xf32, #tpu.memory_space<vmem>>
    %dma_wait3A_62 = tpu.memref_squeeze %dma_wait3A_61 : memref<1x128x128xf32, #tpu.memory_space<vmem>> -> memref<128x128xf32, #tpu.memory_space<vmem>>
    %dma_wait3A_63 = arith.constant 0 : i32
    %dma_wait3A_64 = arith.constant 0 : i32
    %dma_wait3A_65 = tpu.memref_slice %arg2[%dma_wait3A_63, %dma_wait3A_64] : memref<10000x128xf32, #tpu.memory_space<hbm>> -> memref<128x128xf32, #tpu.memory_space<hbm>>
    tpu.wait_dma2 semaphore(%arg12 : memref<!tpu.dma_semaphore, #tpu.memory_space<semaphore_mem>>) src(%dma_wait3A_65 : memref<128x128xf32, #tpu.memory_space<hbm>>) dst(%dma_wait3A_62 : memref<128x128xf32, #tpu.memory_space<vmem>>)
    %dma_wait3A_66 = arith.constant 2 : i32
    %dma_wait3A_67 = arith.constant 0 : i32
    %dma_wait3A_68 = arith.constant 0 : i32
    %dma_wait3A_69 = tpu.memref_slice %arg6[%dma_wait3A_66, %dma_wait3A_67, %dma_wait3A_68] : memref<4x128x128xf32, #tpu.memory_space<vmem>> -> memref<1x128x128xf32, #tpu.memory_space<vmem>>
    %dma_wait3A_70 = tpu.memref_squeeze %dma_wait3A_69 : memref<1x128x128xf32, #tpu.memory_space<vmem>> -> memref<128x128xf32, #tpu.memory_space<vmem>>
    %dma_wait3A_71 = arith.constant 0 : i32
    %dma_wait3A_72 = arith.constant 0 : i32
    %dma_wait3A_73 = tpu.memref_slice %arg2[%dma_wait3A_71, %dma_wait3A_72] : memref<10000x128xf32, #tpu.memory_space<hbm>> -> memref<128x128xf32, #tpu.memory_space<hbm>>
    %dma_wait3A_74 = arith.constant 0 : i32
    %dma_wait3A_75 = arith.constant 0 : i32
    %dma_wait3A_76 = tpu.memref_slice %arg6[%dma_wait3A_66, %dma_wait3A_74, %dma_wait3A_75] : memref<4x128x128xf32, #tpu.memory_space<vmem>> -> memref<1x128x128xf32, #tpu.memory_space<vmem>>
    %dma_wait3A_77 = tpu.memref_squeeze %dma_wait3A_76 : memref<1x128x128xf32, #tpu.memory_space<vmem>> -> memref<128x128xf32, #tpu.memory_space<vmem>>
    %dma_wait3A_78 = arith.constant 0 : i32
    %dma_wait3A_79 = arith.constant 0 : i32
    %dma_wait3A_80 = tpu.memref_slice %arg2[%dma_wait3A_78, %dma_wait3A_79] : memref<10000x128xf32, #tpu.memory_space<hbm>> -> memref<128x128xf32, #tpu.memory_space<hbm>>
    tpu.wait_dma2 semaphore(%arg13 : memref<!tpu.dma_semaphore, #tpu.memory_space<semaphore_mem>>) src(%dma_wait3A_80 : memref<128x128xf32, #tpu.memory_space<hbm>>) dst(%dma_wait3A_77 : memref<128x128xf32, #tpu.memory_space<vmem>>)
    %dma_wait3A_81 = arith.constant 3 : i32
    %dma_wait3A_82 = arith.constant 0 : i32
    %dma_wait3A_83 = arith.constant 0 : i32
    %dma_wait3A_84 = tpu.memref_slice %arg6[%dma_wait3A_81, %dma_wait3A_82, %dma_wait3A_83] : memref<4x128x128xf32, #tpu.memory_space<vmem>> -> memref<1x128x128xf32, #tpu.memory_space<vmem>>
    %dma_wait3A_85 = tpu.memref_squeeze %dma_wait3A_84 : memref<1x128x128xf32, #tpu.memory_space<vmem>> -> memref<128x128xf32, #tpu.memory_space<vmem>>
    %dma_wait3A_86 = arith.constant 0 : i32
    %dma_wait3A_87 = arith.constant 0 : i32
    %dma_wait3A_88 = tpu.memref_slice %arg2[%dma_wait3A_86, %dma_wait3A_87] : memref<10000x128xf32, #tpu.memory_space<hbm>> -> memref<128x128xf32, #tpu.memory_space<hbm>>
    %dma_wait3A_89 = arith.constant 0 : i32
    %dma_wait3A_90 = arith.constant 0 : i32
    %dma_wait3A_91 = tpu.memref_slice %arg6[%dma_wait3A_81, %dma_wait3A_89, %dma_wait3A_90] : memref<4x128x128xf32, #tpu.memory_space<vmem>> -> memref<1x128x128xf32, #tpu.memory_space<vmem>>
    %dma_wait3A_92 = tpu.memref_squeeze %dma_wait3A_91 : memref<1x128x128xf32, #tpu.memory_space<vmem>> -> memref<128x128xf32, #tpu.memory_space<vmem>>
    %dma_wait3A_93 = arith.constant 0 : i32
    %dma_wait3A_94 = arith.constant 0 : i32
    %dma_wait3A_95 = tpu.memref_slice %arg2[%dma_wait3A_93, %dma_wait3A_94] : memref<10000x128xf32, #tpu.memory_space<hbm>> -> memref<128x128xf32, #tpu.memory_space<hbm>>
    tpu.wait_dma2 semaphore(%arg14 : memref<!tpu.dma_semaphore, #tpu.memory_space<semaphore_mem>>) src(%dma_wait3A_95 : memref<128x128xf32, #tpu.memory_space<hbm>>) dst(%dma_wait3A_92 : memref<128x128xf32, #tpu.memory_space<vmem>>)
    return
  }
}

#map = affine_map<(d0, d1) -> (0, 0)>
#map1 = affine_map<(d0, d1) -> (0)>
module attributes {stable_mosaic.version = 14 : i64} {
  func.func @_gather_body(%arg0: i32, %arg1: i32, %arg2: memref<10000x128xf32, #tpu.memory_space<hbm>>, %arg3: memref<163840xi32, #tpu.memory_space<hbm>>, %arg4: memref<163840x128xf32, #tpu.memory_space<hbm>>, %arg5: memref<5120xi32, #tpu.memory_space<vmem>>, %arg6: memref<4x128x128xf32, #tpu.memory_space<vmem>>, %arg7: memref<!tpu.dma_semaphore, #tpu.memory_space<semaphore_mem>>, %arg8: memref<!tpu.dma_semaphore, #tpu.memory_space<semaphore_mem>>, %arg9: memref<!tpu.dma_semaphore, #tpu.memory_space<semaphore_mem>>, %arg10: memref<!tpu.dma_semaphore, #tpu.memory_space<semaphore_mem>>, %arg11: memref<!tpu.dma_semaphore, #tpu.memory_space<semaphore_mem>>, %arg12: memref<!tpu.dma_semaphore, #tpu.memory_space<semaphore_mem>>, %arg13: memref<!tpu.dma_semaphore, #tpu.memory_space<semaphore_mem>>, %arg14: memref<!tpu.dma_semaphore, #tpu.memory_space<semaphore_mem>>) attributes {dimension_semantics = [#tpu.dimension_semantics<core_parallel>, #tpu.dimension_semantics<subcore_parallel>], iteration_bounds = array<i64: 2, 16>, scalar_prefetch = 0 : i64, scratch_operands = 10 : i64, tpu.core_type = #tpu.core_type<sc_vector_subcore>, window_params = [{transform_indices = #map}, {transform_indices = #map1}, {transform_indices = #map}]} {
    %mul3A = arith.constant 2 : i32
    %mul3A_0 = arith.muli %arg1, %mul3A : i32
    %add3A = arith.addi %mul3A_0, %arg0 : i32
    %mul3A_1 = arith.constant 5120 : i32
    %mul3A_2 = arith.muli %add3A, %mul3A_1 : i32
    "tpu.region"() ({
      %run_scoped3A = tpu.sem_alloc : memref<!tpu.dma_semaphore, #tpu.memory_space<semaphore_mem>>
      %dma_start3A_96 = tpu.memref_slice %arg3[%mul3A_2] : memref<163840xi32, #tpu.memory_space<hbm>> -> memref<5120xi32, #tpu.memory_space<hbm>>
      %dma_start3A_97 = tpu.memref_slice %arg3[%mul3A_2] : memref<163840xi32, #tpu.memory_space<hbm>> -> memref<5120xi32, #tpu.memory_space<hbm>>
      tpu.enqueue_dma source(%dma_start3A_97 : memref<5120xi32, #tpu.memory_space<hbm>>) target(%arg5 : memref<5120xi32, #tpu.memory_space<vmem>>) target_semaphore(%run_scoped3A : memref<!tpu.dma_semaphore, #tpu.memory_space<semaphore_mem>>)
      %dma_wait3A_98 = tpu.memref_slice %arg3[%mul3A_2] : memref<163840xi32, #tpu.memory_space<hbm>> -> memref<5120xi32, #tpu.memory_space<hbm>>
      %dma_wait3A_99 = tpu.memref_slice %arg3[%mul3A_2] : memref<163840xi32, #tpu.memory_space<hbm>> -> memref<5120xi32, #tpu.memory_space<hbm>>
      tpu.wait_dma2 semaphore(%run_scoped3A : memref<!tpu.dma_semaphore, #tpu.memory_space<semaphore_mem>>) src(%dma_wait3A_99 : memref<5120xi32, #tpu.memory_space<hbm>>) dst(%arg5 : memref<5120xi32, #tpu.memory_space<vmem>>)
      tpu.yield
    }) : () -> ()
    %dma_start3A = arith.constant 0 : i32
    %dma_start3A_3 = arith.constant 0 : i32
    %dma_start3A_4 = arith.constant 0 : i32
    %dma_start3A_5 = tpu.memref_slice %arg6[%dma_start3A, %dma_start3A_3, %dma_start3A_4] : memref<4x128x128xf32, #tpu.memory_space<vmem>> -> memref<1x128x128xf32, #tpu.memory_space<vmem>>
    %dma_start3A_6 = tpu.memref_squeeze %dma_start3A_5 : memref<1x128x128xf32, #tpu.memory_space<vmem>> -> memref<128x128xf32, #tpu.memory_space<vmem>>
    %dma_start3A_7 = arith.constant 0 : i32
    %dma_start3A_8 = tpu.memref_slice %arg5[%dma_start3A_7] : memref<5120xi32, #tpu.memory_space<vmem>> -> memref<128xi32, #tpu.memory_space<vmem>>
    %dma_start3A_9 = arith.constant 0 : i32
    %dma_start3A_10 = arith.constant 0 : i32
    %dma_start3A_11 = tpu.memref_slice %arg2[%dma_start3A_9, %dma_start3A_10] : memref<10000x128xf32, #tpu.memory_space<hbm>> -> memref<10000x128xf32, #tpu.memory_space<hbm>>
    tpu.enqueue_indirect_dma source(%dma_start3A_11 : memref<10000x128xf32, #tpu.memory_space<hbm>>) target(%dma_start3A_6 : memref<128x128xf32, #tpu.memory_space<vmem>>) offsets(%dma_start3A_8 : memref<128xi32, #tpu.memory_space<vmem>>) semaphore(%arg7 : memref<!tpu.dma_semaphore, #tpu.memory_space<semaphore_mem>>)
    %dma_start3A_12 = arith.constant 1 : i32
    %dma_start3A_13 = arith.constant 0 : i32
    %dma_start3A_14 = arith.constant 0 : i32
    %dma_start3A_15 = tpu.memref_slice %arg6[%dma_start3A_12, %dma_start3A_13, %dma_start3A_14] : memref<4x128x128xf32, #tpu.memory_space<vmem>> -> memref<1x128x128xf32, #tpu.memory_space<vmem>>
    %dma_start3A_16 = tpu.memref_squeeze %dma_start3A_15 : memref<1x128x128xf32, #tpu.memory_space<vmem>> -> memref<128x128xf32, #tpu.memory_space<vmem>>
    %dma_start3A_17 = arith.constant 128 : i32
    %dma_start3A_18 = tpu.memref_slice %arg5[%dma_start3A_17] : memref<5120xi32, #tpu.memory_space<vmem>> -> memref<128xi32, #tpu.memory_space<vmem>>
    %dma_start3A_19 = arith.constant 0 : i32
    %dma_start3A_20 = arith.constant 0 : i32
    %dma_start3A_21 = tpu.memref_slice %arg2[%dma_start3A_19, %dma_start3A_20] : memref<10000x128xf32, #tpu.memory_space<hbm>> -> memref<10000x128xf32, #tpu.memory_space<hbm>>
    tpu.enqueue_indirect_dma source(%dma_start3A_21 : memref<10000x128xf32, #tpu.memory_space<hbm>>) target(%dma_start3A_16 : memref<128x128xf32, #tpu.memory_space<vmem>>) offsets(%dma_start3A_18 : memref<128xi32, #tpu.memory_space<vmem>>) semaphore(%arg8 : memref<!tpu.dma_semaphore, #tpu.memory_space<semaphore_mem>>)
    %dma_start3A_22 = arith.constant 2 : i32
    %dma_start3A_23 = arith.constant 0 : i32
    %dma_start3A_24 = arith.constant 0 : i32
    %dma_start3A_25 = tpu.memref_slice %arg6[%dma_start3A_22, %dma_start3A_23, %dma_start3A_24] : memref<4x128x128xf32, #tpu.memory_space<vmem>> -> memref<1x128x128xf32, #tpu.memory_space<vmem>>
    %dma_start3A_26 = tpu.memref_squeeze %dma_start3A_25 : memref<1x128x128xf32, #tpu.memory_space<vmem>> -> memref<128x128xf32, #tpu.memory_space<vmem>>
    %dma_start3A_27 = arith.constant 256 : i32
    %dma_start3A_28 = tpu.memref_slice %arg5[%dma_start3A_27] : memref<5120xi32, #tpu.memory_space<vmem>> -> memref<128xi32, #tpu.memory_space<vmem>>
    %dma_start3A_29 = arith.constant 0 : i32
    %dma_start3A_30 = arith.constant 0 : i32
    %dma_start3A_31 = tpu.memref_slice %arg2[%dma_start3A_29, %dma_start3A_30] : memref<10000x128xf32, #tpu.memory_space<hbm>> -> memref<10000x128xf32, #tpu.memory_space<hbm>>
    tpu.enqueue_indirect_dma source(%dma_start3A_31 : memref<10000x128xf32, #tpu.memory_space<hbm>>) target(%dma_start3A_26 : memref<128x128xf32, #tpu.memory_space<vmem>>) offsets(%dma_start3A_28 : memref<128xi32, #tpu.memory_space<vmem>>) semaphore(%arg9 : memref<!tpu.dma_semaphore, #tpu.memory_space<semaphore_mem>>)
    %scan3A = arith.constant 0 : i32
    %scan3A_32 = arith.constant 0 : i32
    %scan3A_33 = arith.constant 10 : i32
    %scan3A_34 = arith.addi %scan3A_32, %scan3A_33 : i32
    %scan3A_35 = arith.constant 1 : i32
    scf.for %scan3A_96 = %scan3A_32 to %scan3A_34 step %scan3A_35  : i32 {
      %mul3A_97 = arith.constant 4 : i32
      %mul3A_98 = arith.muli %scan3A_96, %mul3A_97 : i32
      %add3A_99 = arith.constant 0 : i32
      %add3A_100 = arith.addi %mul3A_98, %add3A_99 : i32
      %add3A_101 = arith.constant 4 : i32
      %add3A_102 = arith.addi %add3A_100, %add3A_101 : i32
      %sub3A = arith.constant 1 : i32
      %sub3A_103 = arith.subi %add3A_102, %sub3A : i32
      %lt3A = arith.constant 40 : i32
      %lt3A_104 = arith.cmpi slt, %sub3A_103, %lt3A : i32
      %convert_element_type3A = arith.extui %lt3A_104 : i1 to i32
      %cond3A = arith.constant 0 : i32
      %cond3A_105 = arith.cmpi ne, %convert_element_type3A, %cond3A : i32
      scf.if %cond3A_105 {
        %ge3A = arith.constant 1 : i32
        %ge3A_269 = arith.cmpi sge, %add3A_100, %ge3A : i32
        %convert_element_type3A_270 = arith.extui %ge3A_269 : i1 to i32
        %cond3A_271 = arith.constant 0 : i32
        %cond3A_272 = arith.cmpi ne, %convert_element_type3A_270, %cond3A_271 : i32
        scf.if %cond3A_272 {
          %dma_wait3A_288 = arith.constant 3 : i32
          %dma_wait3A_289 = arith.constant 0 : i32
          %dma_wait3A_290 = arith.constant 0 : i32
          %dma_wait3A_291 = tpu.memref_slice %arg6[%dma_wait3A_288, %dma_wait3A_289, %dma_wait3A_290] : memref<4x128x128xf32, #tpu.memory_space<vmem>> -> memref<1x128x128xf32, #tpu.memory_space<vmem>>
          %dma_wait3A_292 = tpu.memref_squeeze %dma_wait3A_291 : memref<1x128x128xf32, #tpu.memory_space<vmem>> -> memref<128x128xf32, #tpu.memory_space<vmem>>
          %dma_wait3A_293 = arith.constant 0 : i32
          %dma_wait3A_294 = arith.constant 0 : i32
          %dma_wait3A_295 = tpu.memref_slice %arg2[%dma_wait3A_293, %dma_wait3A_294] : memref<10000x128xf32, #tpu.memory_space<hbm>> -> memref<128x128xf32, #tpu.memory_space<hbm>>
          %dma_wait3A_296 = arith.constant 0 : i32
          %dma_wait3A_297 = arith.constant 0 : i32
          %dma_wait3A_298 = tpu.memref_slice %arg6[%dma_wait3A_288, %dma_wait3A_296, %dma_wait3A_297] : memref<4x128x128xf32, #tpu.memory_space<vmem>> -> memref<1x128x128xf32, #tpu.memory_space<vmem>>
          %dma_wait3A_299 = tpu.memref_squeeze %dma_wait3A_298 : memref<1x128x128xf32, #tpu.memory_space<vmem>> -> memref<128x128xf32, #tpu.memory_space<vmem>>
          %dma_wait3A_300 = arith.constant 0 : i32
          %dma_wait3A_301 = arith.constant 0 : i32
          %dma_wait3A_302 = tpu.memref_slice %arg2[%dma_wait3A_300, %dma_wait3A_301] : memref<10000x128xf32, #tpu.memory_space<hbm>> -> memref<128x128xf32, #tpu.memory_space<hbm>>
          tpu.wait_dma2 semaphore(%arg14 : memref<!tpu.dma_semaphore, #tpu.memory_space<semaphore_mem>>) src(%dma_wait3A_302 : memref<128x128xf32, #tpu.memory_space<hbm>>) dst(%dma_wait3A_299 : memref<128x128xf32, #tpu.memory_space<vmem>>)
        } else {
        }
        %add3A_273 = arith.constant 4 : i32
        %add3A_274 = arith.addi %add3A_100, %add3A_273 : i32
        %sub3A_275 = arith.constant 1 : i32
        %sub3A_276 = arith.subi %add3A_274, %sub3A_275 : i32
        %mul3A_277 = arith.constant 128 : i32
        %mul3A_278 = arith.muli %sub3A_276, %mul3A_277 : i32
        %dma_start3A_279 = arith.constant 3 : i32
        %dma_start3A_280 = arith.constant 0 : i32
        %dma_start3A_281 = arith.constant 0 : i32
        %dma_start3A_282 = tpu.memref_slice %arg6[%dma_start3A_279, %dma_start3A_280, %dma_start3A_281] : memref<4x128x128xf32, #tpu.memory_space<vmem>> -> memref<1x128x128xf32, #tpu.memory_space<vmem>>
        %dma_start3A_283 = tpu.memref_squeeze %dma_start3A_282 : memref<1x128x128xf32, #tpu.memory_space<vmem>> -> memref<128x128xf32, #tpu.memory_space<vmem>>
        %dma_start3A_284 = tpu.memref_slice %arg5[%mul3A_278] : memref<5120xi32, #tpu.memory_space<vmem>> -> memref<128xi32, #tpu.memory_space<vmem>>
        %dma_start3A_285 = arith.constant 0 : i32
        %dma_start3A_286 = arith.constant 0 : i32
        %dma_start3A_287 = tpu.memref_slice %arg2[%dma_start3A_285, %dma_start3A_286] : memref<10000x128xf32, #tpu.memory_space<hbm>> -> memref<10000x128xf32, #tpu.memory_space<hbm>>
        tpu.enqueue_indirect_dma source(%dma_start3A_287 : memref<10000x128xf32, #tpu.memory_space<hbm>>) target(%dma_start3A_283 : memref<128x128xf32, #tpu.memory_space<vmem>>) offsets(%dma_start3A_284 : memref<128xi32, #tpu.memory_space<vmem>>) semaphore(%arg10 : memref<!tpu.dma_semaphore, #tpu.memory_space<semaphore_mem>>)
      } else {
      }
      %dma_wait3A_106 = arith.constant 0 : i32
      %dma_wait3A_107 = arith.constant 0 : i32
      %dma_wait3A_108 = arith.constant 0 : i32
      %dma_wait3A_109 = tpu.memref_slice %arg6[%dma_wait3A_106, %dma_wait3A_107, %dma_wait3A_108] : memref<4x128x128xf32, #tpu.memory_space<vmem>> -> memref<1x128x128xf32, #tpu.memory_space<vmem>>
      %dma_wait3A_110 = tpu.memref_squeeze %dma_wait3A_109 : memref<1x128x128xf32, #tpu.memory_space<vmem>> -> memref<128x128xf32, #tpu.memory_space<vmem>>
      %dma_wait3A_111 = arith.constant 0 : i32
      %dma_wait3A_112 = arith.constant 0 : i32
      %dma_wait3A_113 = tpu.memref_slice %arg2[%dma_wait3A_111, %dma_wait3A_112] : memref<10000x128xf32, #tpu.memory_space<hbm>> -> memref<128x128xf32, #tpu.memory_space<hbm>>
      %dma_wait3A_114 = arith.constant 0 : i32
      %dma_wait3A_115 = arith.constant 0 : i32
      %dma_wait3A_116 = tpu.memref_slice %arg6[%dma_wait3A_106, %dma_wait3A_114, %dma_wait3A_115] : memref<4x128x128xf32, #tpu.memory_space<vmem>> -> memref<1x128x128xf32, #tpu.memory_space<vmem>>
      %dma_wait3A_117 = tpu.memref_squeeze %dma_wait3A_116 : memref<1x128x128xf32, #tpu.memory_space<vmem>> -> memref<128x128xf32, #tpu.memory_space<vmem>>
      %dma_wait3A_118 = arith.constant 0 : i32
      %dma_wait3A_119 = arith.constant 0 : i32
      %dma_wait3A_120 = tpu.memref_slice %arg2[%dma_wait3A_118, %dma_wait3A_119] : memref<10000x128xf32, #tpu.memory_space<hbm>> -> memref<128x128xf32, #tpu.memory_space<hbm>>
      tpu.wait_dma2 semaphore(%arg7 : memref<!tpu.dma_semaphore, #tpu.memory_space<semaphore_mem>>) src(%dma_wait3A_120 : memref<128x128xf32, #tpu.memory_space<hbm>>) dst(%dma_wait3A_117 : memref<128x128xf32, #tpu.memory_space<vmem>>)
      %mul3A_121 = arith.constant 128 : i32
      %mul3A_122 = arith.muli %add3A_100, %mul3A_121 : i32
      %add3A_123 = arith.addi %mul3A_2, %mul3A_122 : i32
      %dma_start3A_124 = arith.constant 0 : i32
      %dma_start3A_125 = arith.constant 0 : i32
      %dma_start3A_126 = arith.constant 0 : i32
      %dma_start3A_127 = tpu.memref_slice %arg6[%dma_start3A_124, %dma_start3A_125, %dma_start3A_126] : memref<4x128x128xf32, #tpu.memory_space<vmem>> -> memref<1x128x128xf32, #tpu.memory_space<vmem>>
      %dma_start3A_128 = tpu.memref_squeeze %dma_start3A_127 : memref<1x128x128xf32, #tpu.memory_space<vmem>> -> memref<128x128xf32, #tpu.memory_space<vmem>>
      %dma_start3A_129 = arith.constant 0 : i32
      %dma_start3A_130 = tpu.memref_slice %arg4[%add3A_123, %dma_start3A_129] : memref<163840x128xf32, #tpu.memory_space<hbm>> -> memref<128x128xf32, #tpu.memory_space<hbm>>
      %dma_start3A_131 = arith.constant 0 : i32
      %dma_start3A_132 = tpu.memref_slice %arg4[%add3A_123, %dma_start3A_131] : memref<163840x128xf32, #tpu.memory_space<hbm>> -> memref<128x128xf32, #tpu.memory_space<hbm>>
      %dma_start3A_133 = arith.constant 0 : i32
      %dma_start3A_134 = arith.constant 0 : i32
      %dma_start3A_135 = tpu.memref_slice %arg6[%dma_start3A_124, %dma_start3A_133, %dma_start3A_134] : memref<4x128x128xf32, #tpu.memory_space<vmem>> -> memref<1x128x128xf32, #tpu.memory_space<vmem>>
      %dma_start3A_136 = tpu.memref_squeeze %dma_start3A_135 : memref<1x128x128xf32, #tpu.memory_space<vmem>> -> memref<128x128xf32, #tpu.memory_space<vmem>>
      tpu.enqueue_dma source(%dma_start3A_136 : memref<128x128xf32, #tpu.memory_space<vmem>>) target(%dma_start3A_132 : memref<128x128xf32, #tpu.memory_space<hbm>>) target_semaphore(%arg11 : memref<!tpu.dma_semaphore, #tpu.memory_space<semaphore_mem>>)
      %mul3A_137 = arith.constant 4 : i32
      %mul3A_138 = arith.muli %scan3A_96, %mul3A_137 : i32
      %add3A_139 = arith.constant 1 : i32
      %add3A_140 = arith.addi %mul3A_138, %add3A_139 : i32
      %add3A_141 = arith.constant 4 : i32
      %add3A_142 = arith.addi %add3A_140, %add3A_141 : i32
      %sub3A_143 = arith.constant 1 : i32
      %sub3A_144 = arith.subi %add3A_142, %sub3A_143 : i32
      %lt3A_145 = arith.constant 40 : i32
      %lt3A_146 = arith.cmpi slt, %sub3A_144, %lt3A_145 : i32
      %convert_element_type3A_147 = arith.extui %lt3A_146 : i1 to i32
      %cond3A_148 = arith.constant 0 : i32
      %cond3A_149 = arith.cmpi ne, %convert_element_type3A_147, %cond3A_148 : i32
      scf.if %cond3A_149 {
        %ge3A = arith.constant 1 : i32
        %ge3A_269 = arith.cmpi sge, %add3A_140, %ge3A : i32
        %convert_element_type3A_270 = arith.extui %ge3A_269 : i1 to i32
        %cond3A_271 = arith.constant 0 : i32
        %cond3A_272 = arith.cmpi ne, %convert_element_type3A_270, %cond3A_271 : i32
        scf.if %cond3A_272 {
          %dma_wait3A_288 = arith.constant 0 : i32
          %dma_wait3A_289 = arith.constant 0 : i32
          %dma_wait3A_290 = arith.constant 0 : i32
          %dma_wait3A_291 = tpu.memref_slice %arg6[%dma_wait3A_288, %dma_wait3A_289, %dma_wait3A_290] : memref<4x128x128xf32, #tpu.memory_space<vmem>> -> memref<1x128x128xf32, #tpu.memory_space<vmem>>
          %dma_wait3A_292 = tpu.memref_squeeze %dma_wait3A_291 : memref<1x128x128xf32, #tpu.memory_space<vmem>> -> memref<128x128xf32, #tpu.memory_space<vmem>>
          %dma_wait3A_293 = arith.constant 0 : i32
          %dma_wait3A_294 = arith.constant 0 : i32
          %dma_wait3A_295 = tpu.memref_slice %arg2[%dma_wait3A_293, %dma_wait3A_294] : memref<10000x128xf32, #tpu.memory_space<hbm>> -> memref<128x128xf32, #tpu.memory_space<hbm>>
          %dma_wait3A_296 = arith.constant 0 : i32
          %dma_wait3A_297 = arith.constant 0 : i32
          %dma_wait3A_298 = tpu.memref_slice %arg6[%dma_wait3A_288, %dma_wait3A_296, %dma_wait3A_297] : memref<4x128x128xf32, #tpu.memory_space<vmem>> -> memref<1x128x128xf32, #tpu.memory_space<vmem>>
          %dma_wait3A_299 = tpu.memref_squeeze %dma_wait3A_298 : memref<1x128x128xf32, #tpu.memory_space<vmem>> -> memref<128x128xf32, #tpu.memory_space<vmem>>
          %dma_wait3A_300 = arith.constant 0 : i32
          %dma_wait3A_301 = arith.constant 0 : i32
          %dma_wait3A_302 = tpu.memref_slice %arg2[%dma_wait3A_300, %dma_wait3A_301] : memref<10000x128xf32, #tpu.memory_space<hbm>> -> memref<128x128xf32, #tpu.memory_space<hbm>>
          tpu.wait_dma2 semaphore(%arg11 : memref<!tpu.dma_semaphore, #tpu.memory_space<semaphore_mem>>) src(%dma_wait3A_302 : memref<128x128xf32, #tpu.memory_space<hbm>>) dst(%dma_wait3A_299 : memref<128x128xf32, #tpu.memory_space<vmem>>)
        } else {
        }
        %add3A_273 = arith.constant 4 : i32
        %add3A_274 = arith.addi %add3A_140, %add3A_273 : i32
        %sub3A_275 = arith.constant 1 : i32
        %sub3A_276 = arith.subi %add3A_274, %sub3A_275 : i32
        %mul3A_277 = arith.constant 128 : i32
        %mul3A_278 = arith.muli %sub3A_276, %mul3A_277 : i32
        %dma_start3A_279 = arith.constant 0 : i32
        %dma_start3A_280 = arith.constant 0 : i32
        %dma_start3A_281 = arith.constant 0 : i32
        %dma_start3A_282 = tpu.memref_slice %arg6[%dma_start3A_279, %dma_start3A_280, %dma_start3A_281] : memref<4x128x128xf32, #tpu.memory_space<vmem>> -> memref<1x128x128xf32, #tpu.memory_space<vmem>>
        %dma_start3A_283 = tpu.memref_squeeze %dma_start3A_282 : memref<1x128x128xf32, #tpu.memory_space<vmem>> -> memref<128x128xf32, #tpu.memory_space<vmem>>
        %dma_start3A_284 = tpu.memref_slice %arg5[%mul3A_278] : memref<5120xi32, #tpu.memory_space<vmem>> -> memref<128xi32, #tpu.memory_space<vmem>>
        %dma_start3A_285 = arith.constant 0 : i32
        %dma_start3A_286 = arith.constant 0 : i32
        %dma_start3A_287 = tpu.memref_slice %arg2[%dma_start3A_285, %dma_start3A_286] : memref<10000x128xf32, #tpu.memory_space<hbm>> -> memref<10000x128xf32, #tpu.memory_space<hbm>>
        tpu.enqueue_indirect_dma source(%dma_start3A_287 : memref<10000x128xf32, #tpu.memory_space<hbm>>) target(%dma_start3A_283 : memref<128x128xf32, #tpu.memory_space<vmem>>) offsets(%dma_start3A_284 : memref<128xi32, #tpu.memory_space<vmem>>) semaphore(%arg7 : memref<!tpu.dma_semaphore, #tpu.memory_space<semaphore_mem>>)
      } else {
      }
      %dma_wait3A_150 = arith.constant 1 : i32
      %dma_wait3A_151 = arith.constant 0 : i32
      %dma_wait3A_152 = arith.constant 0 : i32
      %dma_wait3A_153 = tpu.memref_slice %arg6[%dma_wait3A_150, %dma_wait3A_151, %dma_wait3A_152] : memref<4x128x128xf32, #tpu.memory_space<vmem>> -> memref<1x128x128xf32, #tpu.memory_space<vmem>>
      %dma_wait3A_154 = tpu.memref_squeeze %dma_wait3A_153 : memref<1x128x128xf32, #tpu.memory_space<vmem>> -> memref<128x128xf32, #tpu.memory_space<vmem>>
      %dma_wait3A_155 = arith.constant 0 : i32
      %dma_wait3A_156 = arith.constant 0 : i32
      %dma_wait3A_157 = tpu.memref_slice %arg2[%dma_wait3A_155, %dma_wait3A_156] : memref<10000x128xf32, #tpu.memory_space<hbm>> -> memref<128x128xf32, #tpu.memory_space<hbm>>
      %dma_wait3A_158 = arith.constant 0 : i32
      %dma_wait3A_159 = arith.constant 0 : i32
      %dma_wait3A_160 = tpu.memref_slice %arg6[%dma_wait3A_150, %dma_wait3A_158, %dma_wait3A_159] : memref<4x128x128xf32, #tpu.memory_space<vmem>> -> memref<1x128x128xf32, #tpu.memory_space<vmem>>
      %dma_wait3A_161 = tpu.memref_squeeze %dma_wait3A_160 : memref<1x128x128xf32, #tpu.memory_space<vmem>> -> memref<128x128xf32, #tpu.memory_space<vmem>>
      %dma_wait3A_162 = arith.constant 0 : i32
      %dma_wait3A_163 = arith.constant 0 : i32
      %dma_wait3A_164 = tpu.memref_slice %arg2[%dma_wait3A_162, %dma_wait3A_163] : memref<10000x128xf32, #tpu.memory_space<hbm>> -> memref<128x128xf32, #tpu.memory_space<hbm>>
      tpu.wait_dma2 semaphore(%arg8 : memref<!tpu.dma_semaphore, #tpu.memory_space<semaphore_mem>>) src(%dma_wait3A_164 : memref<128x128xf32, #tpu.memory_space<hbm>>) dst(%dma_wait3A_161 : memref<128x128xf32, #tpu.memory_space<vmem>>)
      %mul3A_165 = arith.constant 128 : i32
      %mul3A_166 = arith.muli %add3A_140, %mul3A_165 : i32
      %add3A_167 = arith.addi %mul3A_2, %mul3A_166 : i32
      %dma_start3A_168 = arith.constant 1 : i32
      %dma_start3A_169 = arith.constant 0 : i32
      %dma_start3A_170 = arith.constant 0 : i32
      %dma_start3A_171 = tpu.memref_slice %arg6[%dma_start3A_168, %dma_start3A_169, %dma_start3A_170] : memref<4x128x128xf32, #tpu.memory_space<vmem>> -> memref<1x128x128xf32, #tpu.memory_space<vmem>>
      %dma_start3A_172 = tpu.memref_squeeze %dma_start3A_171 : memref<1x128x128xf32, #tpu.memory_space<vmem>> -> memref<128x128xf32, #tpu.memory_space<vmem>>
      %dma_start3A_173 = arith.constant 0 : i32
      %dma_start3A_174 = tpu.memref_slice %arg4[%add3A_167, %dma_start3A_173] : memref<163840x128xf32, #tpu.memory_space<hbm>> -> memref<128x128xf32, #tpu.memory_space<hbm>>
      %dma_start3A_175 = arith.constant 0 : i32
      %dma_start3A_176 = tpu.memref_slice %arg4[%add3A_167, %dma_start3A_175] : memref<163840x128xf32, #tpu.memory_space<hbm>> -> memref<128x128xf32, #tpu.memory_space<hbm>>
      %dma_start3A_177 = arith.constant 0 : i32
      %dma_start3A_178 = arith.constant 0 : i32
      %dma_start3A_179 = tpu.memref_slice %arg6[%dma_start3A_168, %dma_start3A_177, %dma_start3A_178] : memref<4x128x128xf32, #tpu.memory_space<vmem>> -> memref<1x128x128xf32, #tpu.memory_space<vmem>>
      %dma_start3A_180 = tpu.memref_squeeze %dma_start3A_179 : memref<1x128x128xf32, #tpu.memory_space<vmem>> -> memref<128x128xf32, #tpu.memory_space<vmem>>
      tpu.enqueue_dma source(%dma_start3A_180 : memref<128x128xf32, #tpu.memory_space<vmem>>) target(%dma_start3A_176 : memref<128x128xf32, #tpu.memory_space<hbm>>) target_semaphore(%arg12 : memref<!tpu.dma_semaphore, #tpu.memory_space<semaphore_mem>>)
      %mul3A_181 = arith.constant 4 : i32
      %mul3A_182 = arith.muli %scan3A_96, %mul3A_181 : i32
      %add3A_183 = arith.constant 2 : i32
      %add3A_184 = arith.addi %mul3A_182, %add3A_183 : i32
      %add3A_185 = arith.constant 4 : i32
      %add3A_186 = arith.addi %add3A_184, %add3A_185 : i32
      %sub3A_187 = arith.constant 1 : i32
      %sub3A_188 = arith.subi %add3A_186, %sub3A_187 : i32
      %lt3A_189 = arith.constant 40 : i32
      %lt3A_190 = arith.cmpi slt, %sub3A_188, %lt3A_189 : i32
      %convert_element_type3A_191 = arith.extui %lt3A_190 : i1 to i32
      %cond3A_192 = arith.constant 0 : i32
      %cond3A_193 = arith.cmpi ne, %convert_element_type3A_191, %cond3A_192 : i32
      scf.if %cond3A_193 {
        %ge3A = arith.constant 1 : i32
        %ge3A_269 = arith.cmpi sge, %add3A_184, %ge3A : i32
        %convert_element_type3A_270 = arith.extui %ge3A_269 : i1 to i32
        %cond3A_271 = arith.constant 0 : i32
        %cond3A_272 = arith.cmpi ne, %convert_element_type3A_270, %cond3A_271 : i32
        scf.if %cond3A_272 {
          %dma_wait3A_288 = arith.constant 1 : i32
          %dma_wait3A_289 = arith.constant 0 : i32
          %dma_wait3A_290 = arith.constant 0 : i32
          %dma_wait3A_291 = tpu.memref_slice %arg6[%dma_wait3A_288, %dma_wait3A_289, %dma_wait3A_290] : memref<4x128x128xf32, #tpu.memory_space<vmem>> -> memref<1x128x128xf32, #tpu.memory_space<vmem>>
          %dma_wait3A_292 = tpu.memref_squeeze %dma_wait3A_291 : memref<1x128x128xf32, #tpu.memory_space<vmem>> -> memref<128x128xf32, #tpu.memory_space<vmem>>
          %dma_wait3A_293 = arith.constant 0 : i32
          %dma_wait3A_294 = arith.constant 0 : i32
          %dma_wait3A_295 = tpu.memref_slice %arg2[%dma_wait3A_293, %dma_wait3A_294] : memref<10000x128xf32, #tpu.memory_space<hbm>> -> memref<128x128xf32, #tpu.memory_space<hbm>>
          %dma_wait3A_296 = arith.constant 0 : i32
          %dma_wait3A_297 = arith.constant 0 : i32
          %dma_wait3A_298 = tpu.memref_slice %arg6[%dma_wait3A_288, %dma_wait3A_296, %dma_wait3A_297] : memref<4x128x128xf32, #tpu.memory_space<vmem>> -> memref<1x128x128xf32, #tpu.memory_space<vmem>>
          %dma_wait3A_299 = tpu.memref_squeeze %dma_wait3A_298 : memref<1x128x128xf32, #tpu.memory_space<vmem>> -> memref<128x128xf32, #tpu.memory_space<vmem>>
          %dma_wait3A_300 = arith.constant 0 : i32
          %dma_wait3A_301 = arith.constant 0 : i32
          %dma_wait3A_302 = tpu.memref_slice %arg2[%dma_wait3A_300, %dma_wait3A_301] : memref<10000x128xf32, #tpu.memory_space<hbm>> -> memref<128x128xf32, #tpu.memory_space<hbm>>
          tpu.wait_dma2 semaphore(%arg12 : memref<!tpu.dma_semaphore, #tpu.memory_space<semaphore_mem>>) src(%dma_wait3A_302 : memref<128x128xf32, #tpu.memory_space<hbm>>) dst(%dma_wait3A_299 : memref<128x128xf32, #tpu.memory_space<vmem>>)
        } else {
        }
        %add3A_273 = arith.constant 4 : i32
        %add3A_274 = arith.addi %add3A_184, %add3A_273 : i32
        %sub3A_275 = arith.constant 1 : i32
        %sub3A_276 = arith.subi %add3A_274, %sub3A_275 : i32
        %mul3A_277 = arith.constant 128 : i32
        %mul3A_278 = arith.muli %sub3A_276, %mul3A_277 : i32
        %dma_start3A_279 = arith.constant 1 : i32
        %dma_start3A_280 = arith.constant 0 : i32
        %dma_start3A_281 = arith.constant 0 : i32
        %dma_start3A_282 = tpu.memref_slice %arg6[%dma_start3A_279, %dma_start3A_280, %dma_start3A_281] : memref<4x128x128xf32, #tpu.memory_space<vmem>> -> memref<1x128x128xf32, #tpu.memory_space<vmem>>
        %dma_start3A_283 = tpu.memref_squeeze %dma_start3A_282 : memref<1x128x128xf32, #tpu.memory_space<vmem>> -> memref<128x128xf32, #tpu.memory_space<vmem>>
        %dma_start3A_284 = tpu.memref_slice %arg5[%mul3A_278] : memref<5120xi32, #tpu.memory_space<vmem>> -> memref<128xi32, #tpu.memory_space<vmem>>
        %dma_start3A_285 = arith.constant 0 : i32
        %dma_start3A_286 = arith.constant 0 : i32
        %dma_start3A_287 = tpu.memref_slice %arg2[%dma_start3A_285, %dma_start3A_286] : memref<10000x128xf32, #tpu.memory_space<hbm>> -> memref<10000x128xf32, #tpu.memory_space<hbm>>
        tpu.enqueue_indirect_dma source(%dma_start3A_287 : memref<10000x128xf32, #tpu.memory_space<hbm>>) target(%dma_start3A_283 : memref<128x128xf32, #tpu.memory_space<vmem>>) offsets(%dma_start3A_284 : memref<128xi32, #tpu.memory_space<vmem>>) semaphore(%arg8 : memref<!tpu.dma_semaphore, #tpu.memory_space<semaphore_mem>>)
      } else {
      }
      %dma_wait3A_194 = arith.constant 2 : i32
      %dma_wait3A_195 = arith.constant 0 : i32
      %dma_wait3A_196 = arith.constant 0 : i32
      %dma_wait3A_197 = tpu.memref_slice %arg6[%dma_wait3A_194, %dma_wait3A_195, %dma_wait3A_196] : memref<4x128x128xf32, #tpu.memory_space<vmem>> -> memref<1x128x128xf32, #tpu.memory_space<vmem>>
      %dma_wait3A_198 = tpu.memref_squeeze %dma_wait3A_197 : memref<1x128x128xf32, #tpu.memory_space<vmem>> -> memref<128x128xf32, #tpu.memory_space<vmem>>
      %dma_wait3A_199 = arith.constant 0 : i32
      %dma_wait3A_200 = arith.constant 0 : i32
      %dma_wait3A_201 = tpu.memref_slice %arg2[%dma_wait3A_199, %dma_wait3A_200] : memref<10000x128xf32, #tpu.memory_space<hbm>> -> memref<128x128xf32, #tpu.memory_space<hbm>>
      %dma_wait3A_202 = arith.constant 0 : i32
      %dma_wait3A_203 = arith.constant 0 : i32
      %dma_wait3A_204 = tpu.memref_slice %arg6[%dma_wait3A_194, %dma_wait3A_202, %dma_wait3A_203] : memref<4x128x128xf32, #tpu.memory_space<vmem>> -> memref<1x128x128xf32, #tpu.memory_space<vmem>>
      %dma_wait3A_205 = tpu.memref_squeeze %dma_wait3A_204 : memref<1x128x128xf32, #tpu.memory_space<vmem>> -> memref<128x128xf32, #tpu.memory_space<vmem>>
      %dma_wait3A_206 = arith.constant 0 : i32
      %dma_wait3A_207 = arith.constant 0 : i32
      %dma_wait3A_208 = tpu.memref_slice %arg2[%dma_wait3A_206, %dma_wait3A_207] : memref<10000x128xf32, #tpu.memory_space<hbm>> -> memref<128x128xf32, #tpu.memory_space<hbm>>
      tpu.wait_dma2 semaphore(%arg9 : memref<!tpu.dma_semaphore, #tpu.memory_space<semaphore_mem>>) src(%dma_wait3A_208 : memref<128x128xf32, #tpu.memory_space<hbm>>) dst(%dma_wait3A_205 : memref<128x128xf32, #tpu.memory_space<vmem>>)
      %mul3A_209 = arith.constant 128 : i32
      %mul3A_210 = arith.muli %add3A_184, %mul3A_209 : i32
      %add3A_211 = arith.addi %mul3A_2, %mul3A_210 : i32
      %dma_start3A_212 = arith.constant 2 : i32
      %dma_start3A_213 = arith.constant 0 : i32
      %dma_start3A_214 = arith.constant 0 : i32
      %dma_start3A_215 = tpu.memref_slice %arg6[%dma_start3A_212, %dma_start3A_213, %dma_start3A_214] : memref<4x128x128xf32, #tpu.memory_space<vmem>> -> memref<1x128x128xf32, #tpu.memory_space<vmem>>
      %dma_start3A_216 = tpu.memref_squeeze %dma_start3A_215 : memref<1x128x128xf32, #tpu.memory_space<vmem>> -> memref<128x128xf32, #tpu.memory_space<vmem>>
      %dma_start3A_217 = arith.constant 0 : i32
      %dma_start3A_218 = tpu.memref_slice %arg4[%add3A_211, %dma_start3A_217] : memref<163840x128xf32, #tpu.memory_space<hbm>> -> memref<128x128xf32, #tpu.memory_space<hbm>>
      %dma_start3A_219 = arith.constant 0 : i32
      %dma_start3A_220 = tpu.memref_slice %arg4[%add3A_211, %dma_start3A_219] : memref<163840x128xf32, #tpu.memory_space<hbm>> -> memref<128x128xf32, #tpu.memory_space<hbm>>
      %dma_start3A_221 = arith.constant 0 : i32
      %dma_start3A_222 = arith.constant 0 : i32
      %dma_start3A_223 = tpu.memref_slice %arg6[%dma_start3A_212, %dma_start3A_221, %dma_start3A_222] : memref<4x128x128xf32, #tpu.memory_space<vmem>> -> memref<1x128x128xf32, #tpu.memory_space<vmem>>
      %dma_start3A_224 = tpu.memref_squeeze %dma_start3A_223 : memref<1x128x128xf32, #tpu.memory_space<vmem>> -> memref<128x128xf32, #tpu.memory_space<vmem>>
      tpu.enqueue_dma source(%dma_start3A_224 : memref<128x128xf32, #tpu.memory_space<vmem>>) target(%dma_start3A_220 : memref<128x128xf32, #tpu.memory_space<hbm>>) target_semaphore(%arg13 : memref<!tpu.dma_semaphore, #tpu.memory_space<semaphore_mem>>)
      %mul3A_225 = arith.constant 4 : i32
      %mul3A_226 = arith.muli %scan3A_96, %mul3A_225 : i32
      %add3A_227 = arith.constant 3 : i32
      %add3A_228 = arith.addi %mul3A_226, %add3A_227 : i32
      %add3A_229 = arith.constant 4 : i32
      %add3A_230 = arith.addi %add3A_228, %add3A_229 : i32
      %sub3A_231 = arith.constant 1 : i32
      %sub3A_232 = arith.subi %add3A_230, %sub3A_231 : i32
      %lt3A_233 = arith.constant 40 : i32
      %lt3A_234 = arith.cmpi slt, %sub3A_232, %lt3A_233 : i32
      %convert_element_type3A_235 = arith.extui %lt3A_234 : i1 to i32
      %cond3A_236 = arith.constant 0 : i32
      %cond3A_237 = arith.cmpi ne, %convert_element_type3A_235, %cond3A_236 : i32
      scf.if %cond3A_237 {
        %ge3A = arith.constant 1 : i32
        %ge3A_269 = arith.cmpi sge, %add3A_228, %ge3A : i32
        %convert_element_type3A_270 = arith.extui %ge3A_269 : i1 to i32
        %cond3A_271 = arith.constant 0 : i32
        %cond3A_272 = arith.cmpi ne, %convert_element_type3A_270, %cond3A_271 : i32
        scf.if %cond3A_272 {
          %dma_wait3A_288 = arith.constant 2 : i32
          %dma_wait3A_289 = arith.constant 0 : i32
          %dma_wait3A_290 = arith.constant 0 : i32
          %dma_wait3A_291 = tpu.memref_slice %arg6[%dma_wait3A_288, %dma_wait3A_289, %dma_wait3A_290] : memref<4x128x128xf32, #tpu.memory_space<vmem>> -> memref<1x128x128xf32, #tpu.memory_space<vmem>>
          %dma_wait3A_292 = tpu.memref_squeeze %dma_wait3A_291 : memref<1x128x128xf32, #tpu.memory_space<vmem>> -> memref<128x128xf32, #tpu.memory_space<vmem>>
          %dma_wait3A_293 = arith.constant 0 : i32
          %dma_wait3A_294 = arith.constant 0 : i32
          %dma_wait3A_295 = tpu.memref_slice %arg2[%dma_wait3A_293, %dma_wait3A_294] : memref<10000x128xf32, #tpu.memory_space<hbm>> -> memref<128x128xf32, #tpu.memory_space<hbm>>
          %dma_wait3A_296 = arith.constant 0 : i32
          %dma_wait3A_297 = arith.constant 0 : i32
          %dma_wait3A_298 = tpu.memref_slice %arg6[%dma_wait3A_288, %dma_wait3A_296, %dma_wait3A_297] : memref<4x128x128xf32, #tpu.memory_space<vmem>> -> memref<1x128x128xf32, #tpu.memory_space<vmem>>
          %dma_wait3A_299 = tpu.memref_squeeze %dma_wait3A_298 : memref<1x128x128xf32, #tpu.memory_space<vmem>> -> memref<128x128xf32, #tpu.memory_space<vmem>>
          %dma_wait3A_300 = arith.constant 0 : i32
          %dma_wait3A_301 = arith.constant 0 : i32
          %dma_wait3A_302 = tpu.memref_slice %arg2[%dma_wait3A_300, %dma_wait3A_301] : memref<10000x128xf32, #tpu.memory_space<hbm>> -> memref<128x128xf32, #tpu.memory_space<hbm>>
          tpu.wait_dma2 semaphore(%arg13 : memref<!tpu.dma_semaphore, #tpu.memory_space<semaphore_mem>>) src(%dma_wait3A_302 : memref<128x128xf32, #tpu.memory_space<hbm>>) dst(%dma_wait3A_299 : memref<128x128xf32, #tpu.memory_space<vmem>>)
        } else {
        }
        %add3A_273 = arith.constant 4 : i32
        %add3A_274 = arith.addi %add3A_228, %add3A_273 : i32
        %sub3A_275 = arith.constant 1 : i32
        %sub3A_276 = arith.subi %add3A_274, %sub3A_275 : i32
        %mul3A_277 = arith.constant 128 : i32
        %mul3A_278 = arith.muli %sub3A_276, %mul3A_277 : i32
        %dma_start3A_279 = arith.constant 2 : i32
        %dma_start3A_280 = arith.constant 0 : i32
        %dma_start3A_281 = arith.constant 0 : i32
        %dma_start3A_282 = tpu.memref_slice %arg6[%dma_start3A_279, %dma_start3A_280, %dma_start3A_281] : memref<4x128x128xf32, #tpu.memory_space<vmem>> -> memref<1x128x128xf32, #tpu.memory_space<vmem>>
        %dma_start3A_283 = tpu.memref_squeeze %dma_start3A_282 : memref<1x128x128xf32, #tpu.memory_space<vmem>> -> memref<128x128xf32, #tpu.memory_space<vmem>>
        %dma_start3A_284 = tpu.memref_slice %arg5[%mul3A_278] : memref<5120xi32, #tpu.memory_space<vmem>> -> memref<128xi32, #tpu.memory_space<vmem>>
        %dma_start3A_285 = arith.constant 0 : i32
        %dma_start3A_286 = arith.constant 0 : i32
        %dma_start3A_287 = tpu.memref_slice %arg2[%dma_start3A_285, %dma_start3A_286] : memref<10000x128xf32, #tpu.memory_space<hbm>> -> memref<10000x128xf32, #tpu.memory_space<hbm>>
        tpu.enqueue_indirect_dma source(%dma_start3A_287 : memref<10000x128xf32, #tpu.memory_space<hbm>>) target(%dma_start3A_283 : memref<128x128xf32, #tpu.memory_space<vmem>>) offsets(%dma_start3A_284 : memref<128xi32, #tpu.memory_space<vmem>>) semaphore(%arg9 : memref<!tpu.dma_semaphore, #tpu.memory_space<semaphore_mem>>)
      } else {
      }
      %dma_wait3A_238 = arith.constant 3 : i32
      %dma_wait3A_239 = arith.constant 0 : i32
      %dma_wait3A_240 = arith.constant 0 : i32
      %dma_wait3A_241 = tpu.memref_slice %arg6[%dma_wait3A_238, %dma_wait3A_239, %dma_wait3A_240] : memref<4x128x128xf32, #tpu.memory_space<vmem>> -> memref<1x128x128xf32, #tpu.memory_space<vmem>>
      %dma_wait3A_242 = tpu.memref_squeeze %dma_wait3A_241 : memref<1x128x128xf32, #tpu.memory_space<vmem>> -> memref<128x128xf32, #tpu.memory_space<vmem>>
      %dma_wait3A_243 = arith.constant 0 : i32
      %dma_wait3A_244 = arith.constant 0 : i32
      %dma_wait3A_245 = tpu.memref_slice %arg2[%dma_wait3A_243, %dma_wait3A_244] : memref<10000x128xf32, #tpu.memory_space<hbm>> -> memref<128x128xf32, #tpu.memory_space<hbm>>
      %dma_wait3A_246 = arith.constant 0 : i32
      %dma_wait3A_247 = arith.constant 0 : i32
      %dma_wait3A_248 = tpu.memref_slice %arg6[%dma_wait3A_238, %dma_wait3A_246, %dma_wait3A_247] : memref<4x128x128xf32, #tpu.memory_space<vmem>> -> memref<1x128x128xf32, #tpu.memory_space<vmem>>
      %dma_wait3A_249 = tpu.memref_squeeze %dma_wait3A_248 : memref<1x128x128xf32, #tpu.memory_space<vmem>> -> memref<128x128xf32, #tpu.memory_space<vmem>>
      %dma_wait3A_250 = arith.constant 0 : i32
      %dma_wait3A_251 = arith.constant 0 : i32
      %dma_wait3A_252 = tpu.memref_slice %arg2[%dma_wait3A_250, %dma_wait3A_251] : memref<10000x128xf32, #tpu.memory_space<hbm>> -> memref<128x128xf32, #tpu.memory_space<hbm>>
      tpu.wait_dma2 semaphore(%arg10 : memref<!tpu.dma_semaphore, #tpu.memory_space<semaphore_mem>>) src(%dma_wait3A_252 : memref<128x128xf32, #tpu.memory_space<hbm>>) dst(%dma_wait3A_249 : memref<128x128xf32, #tpu.memory_space<vmem>>)
      %mul3A_253 = arith.constant 128 : i32
      %mul3A_254 = arith.muli %add3A_228, %mul3A_253 : i32
      %add3A_255 = arith.addi %mul3A_2, %mul3A_254 : i32
      %dma_start3A_256 = arith.constant 3 : i32
      %dma_start3A_257 = arith.constant 0 : i32
      %dma_start3A_258 = arith.constant 0 : i32
      %dma_start3A_259 = tpu.memref_slice %arg6[%dma_start3A_256, %dma_start3A_257, %dma_start3A_258] : memref<4x128x128xf32, #tpu.memory_space<vmem>> -> memref<1x128x128xf32, #tpu.memory_space<vmem>>
      %dma_start3A_260 = tpu.memref_squeeze %dma_start3A_259 : memref<1x128x128xf32, #tpu.memory_space<vmem>> -> memref<128x128xf32, #tpu.memory_space<vmem>>
      %dma_start3A_261 = arith.constant 0 : i32
      %dma_start3A_262 = tpu.memref_slice %arg4[%add3A_255, %dma_start3A_261] : memref<163840x128xf32, #tpu.memory_space<hbm>> -> memref<128x128xf32, #tpu.memory_space<hbm>>
      %dma_start3A_263 = arith.constant 0 : i32
      %dma_start3A_264 = tpu.memref_slice %arg4[%add3A_255, %dma_start3A_263] : memref<163840x128xf32, #tpu.memory_space<hbm>> -> memref<128x128xf32, #tpu.memory_space<hbm>>
      %dma_start3A_265 = arith.constant 0 : i32
      %dma_start3A_266 = arith.constant 0 : i32
      %dma_start3A_267 = tpu.memref_slice %arg6[%dma_start3A_256, %dma_start3A_265, %dma_start3A_266] : memref<4x128x128xf32, #tpu.memory_space<vmem>> -> memref<1x128x128xf32, #tpu.memory_space<vmem>>
      %dma_start3A_268 = tpu.memref_squeeze %dma_start3A_267 : memref<1x128x128xf32, #tpu.memory_space<vmem>> -> memref<128x128xf32, #tpu.memory_space<vmem>>
      tpu.enqueue_dma source(%dma_start3A_268 : memref<128x128xf32, #tpu.memory_space<vmem>>) target(%dma_start3A_264 : memref<128x128xf32, #tpu.memory_space<hbm>>) target_semaphore(%arg14 : memref<!tpu.dma_semaphore, #tpu.memory_space<semaphore_mem>>)
    }
    %scan3A_36 = arith.constant 10 : i32
    %dma_wait3A = arith.constant 0 : i32
    %dma_wait3A_37 = arith.constant 0 : i32
    %dma_wait3A_38 = arith.constant 0 : i32
    %dma_wait3A_39 = tpu.memref_slice %arg6[%dma_wait3A, %dma_wait3A_37, %dma_wait3A_38] : memref<4x128x128xf32, #tpu.memory_space<vmem>> -> memref<1x128x128xf32, #tpu.memory_space<vmem>>
    %dma_wait3A_40 = tpu.memref_squeeze %dma_wait3A_39 : memref<1x128x128xf32, #tpu.memory_space<vmem>> -> memref<128x128xf32, #tpu.memory_space<vmem>>
    %dma_wait3A_41 = arith.constant 0 : i32
    %dma_wait3A_42 = arith.constant 0 : i32
    %dma_wait3A_43 = tpu.memref_slice %arg2[%dma_wait3A_41, %dma_wait3A_42] : memref<10000x128xf32, #tpu.memory_space<hbm>> -> memref<128x128xf32, #tpu.memory_space<hbm>>
    %dma_wait3A_44 = arith.constant 0 : i32
    %dma_wait3A_45 = arith.constant 0 : i32
    %dma_wait3A_46 = tpu.memref_slice %arg6[%dma_wait3A, %dma_wait3A_44, %dma_wait3A_45] : memref<4x128x128xf32, #tpu.memory_space<vmem>> -> memref<1x128x128xf32, #tpu.memory_space<vmem>>
    %dma_wait3A_47 = tpu.memref_squeeze %dma_wait3A_46 : memref<1x128x128xf32, #tpu.memory_space<vmem>> -> memref<128x128xf32, #tpu.memory_space<vmem>>
    %dma_wait3A_48 = arith.constant 0 : i32
    %dma_wait3A_49 = arith.constant 0 : i32
    %dma_wait3A_50 = tpu.memref_slice %arg2[%dma_wait3A_48, %dma_wait3A_49] : memref<10000x128xf32, #tpu.memory_space<hbm>> -> memref<128x128xf32, #tpu.memory_space<hbm>>
    tpu.wait_dma2 semaphore(%arg11 : memref<!tpu.dma_semaphore, #tpu.memory_space<semaphore_mem>>) src(%dma_wait3A_50 : memref<128x128xf32, #tpu.memory_space<hbm>>) dst(%dma_wait3A_47 : memref<128x128xf32, #tpu.memory_space<vmem>>)
    %dma_wait3A_51 = arith.constant 1 : i32
    %dma_wait3A_52 = arith.constant 0 : i32
    %dma_wait3A_53 = arith.constant 0 : i32
    %dma_wait3A_54 = tpu.memref_slice %arg6[%dma_wait3A_51, %dma_wait3A_52, %dma_wait3A_53] : memref<4x128x128xf32, #tpu.memory_space<vmem>> -> memref<1x128x128xf32, #tpu.memory_space<vmem>>
    %dma_wait3A_55 = tpu.memref_squeeze %dma_wait3A_54 : memref<1x128x128xf32, #tpu.memory_space<vmem>> -> memref<128x128xf32, #tpu.memory_space<vmem>>
    %dma_wait3A_56 = arith.constant 0 : i32
    %dma_wait3A_57 = arith.constant 0 : i32
    %dma_wait3A_58 = tpu.memref_slice %arg2[%dma_wait3A_56, %dma_wait3A_57] : memref<10000x128xf32, #tpu.memory_space<hbm>> -> memref<128x128xf32, #tpu.memory_space<hbm>>
    %dma_wait3A_59 = arith.constant 0 : i32
    %dma_wait3A_60 = arith.constant 0 : i32
    %dma_wait3A_61 = tpu.memref_slice %arg6[%dma_wait3A_51, %dma_wait3A_59, %dma_wait3A_60] : memref<4x128x128xf32, #tpu.memory_space<vmem>> -> memref<1x128x128xf32, #tpu.memory_space<vmem>>
    %dma_wait3A_62 = tpu.memref_squeeze %dma_wait3A_61 : memref<1x128x128xf32, #tpu.memory_space<vmem>> -> memref<128x128xf32, #tpu.memory_space<vmem>>
    %dma_wait3A_63 = arith.constant 0 : i32
    %dma_wait3A_64 = arith.constant 0 : i32
    %dma_wait3A_65 = tpu.memref_slice %arg2[%dma_wait3A_63, %dma_wait3A_64] : memref<10000x128xf32, #tpu.memory_space<hbm>> -> memref<128x128xf32, #tpu.memory_space<hbm>>
    tpu.wait_dma2 semaphore(%arg12 : memref<!tpu.dma_semaphore, #tpu.memory_space<semaphore_mem>>) src(%dma_wait3A_65 : memref<128x128xf32, #tpu.memory_space<hbm>>) dst(%dma_wait3A_62 : memref<128x128xf32, #tpu.memory_space<vmem>>)
    %dma_wait3A_66 = arith.constant 2 : i32
    %dma_wait3A_67 = arith.constant 0 : i32
    %dma_wait3A_68 = arith.constant 0 : i32
    %dma_wait3A_69 = tpu.memref_slice %arg6[%dma_wait3A_66, %dma_wait3A_67, %dma_wait3A_68] : memref<4x128x128xf32, #tpu.memory_space<vmem>> -> memref<1x128x128xf32, #tpu.memory_space<vmem>>
    %dma_wait3A_70 = tpu.memref_squeeze %dma_wait3A_69 : memref<1x128x128xf32, #tpu.memory_space<vmem>> -> memref<128x128xf32, #tpu.memory_space<vmem>>
    %dma_wait3A_71 = arith.constant 0 : i32
    %dma_wait3A_72 = arith.constant 0 : i32
    %dma_wait3A_73 = tpu.memref_slice %arg2[%dma_wait3A_71, %dma_wait3A_72] : memref<10000x128xf32, #tpu.memory_space<hbm>> -> memref<128x128xf32, #tpu.memory_space<hbm>>
    %dma_wait3A_74 = arith.constant 0 : i32
    %dma_wait3A_75 = arith.constant 0 : i32
    %dma_wait3A_76 = tpu.memref_slice %arg6[%dma_wait3A_66, %dma_wait3A_74, %dma_wait3A_75] : memref<4x128x128xf32, #tpu.memory_space<vmem>> -> memref<1x128x128xf32, #tpu.memory_space<vmem>>
    %dma_wait3A_77 = tpu.memref_squeeze %dma_wait3A_76 : memref<1x128x128xf32, #tpu.memory_space<vmem>> -> memref<128x128xf32, #tpu.memory_space<vmem>>
    %dma_wait3A_78 = arith.constant 0 : i32
    %dma_wait3A_79 = arith.constant 0 : i32
    %dma_wait3A_80 = tpu.memref_slice %arg2[%dma_wait3A_78, %dma_wait3A_79] : memref<10000x128xf32, #tpu.memory_space<hbm>> -> memref<128x128xf32, #tpu.memory_space<hbm>>
    tpu.wait_dma2 semaphore(%arg13 : memref<!tpu.dma_semaphore, #tpu.memory_space<semaphore_mem>>) src(%dma_wait3A_80 : memref<128x128xf32, #tpu.memory_space<hbm>>) dst(%dma_wait3A_77 : memref<128x128xf32, #tpu.memory_space<vmem>>)
    %dma_wait3A_81 = arith.constant 3 : i32
    %dma_wait3A_82 = arith.constant 0 : i32
    %dma_wait3A_83 = arith.constant 0 : i32
    %dma_wait3A_84 = tpu.memref_slice %arg6[%dma_wait3A_81, %dma_wait3A_82, %dma_wait3A_83] : memref<4x128x128xf32, #tpu.memory_space<vmem>> -> memref<1x128x128xf32, #tpu.memory_space<vmem>>
    %dma_wait3A_85 = tpu.memref_squeeze %dma_wait3A_84 : memref<1x128x128xf32, #tpu.memory_space<vmem>> -> memref<128x128xf32, #tpu.memory_space<vmem>>
    %dma_wait3A_86 = arith.constant 0 : i32
    %dma_wait3A_87 = arith.constant 0 : i32
    %dma_wait3A_88 = tpu.memref_slice %arg2[%dma_wait3A_86, %dma_wait3A_87] : memref<10000x128xf32, #tpu.memory_space<hbm>> -> memref<128x128xf32, #tpu.memory_space<hbm>>
    %dma_wait3A_89 = arith.constant 0 : i32
    %dma_wait3A_90 = arith.constant 0 : i32
    %dma_wait3A_91 = tpu.memref_slice %arg6[%dma_wait3A_81, %dma_wait3A_89, %dma_wait3A_90] : memref<4x128x128xf32, #tpu.memory_space<vmem>> -> memref<1x128x128xf32, #tpu.memory_space<vmem>>
    %dma_wait3A_92 = tpu.memref_squeeze %dma_wait3A_91 : memref<1x128x128xf32, #tpu.memory_space<vmem>> -> memref<128x128xf32, #tpu.memory_space<vmem>>
    %dma_wait3A_93 = arith.constant 0 : i32
    %dma_wait3A_94 = arith.constant 0 : i32
    %dma_wait3A_95 = tpu.memref_slice %arg2[%dma_wait3A_93, %dma_wait3A_94] : memref<10000x128xf32, #tpu.memory_space<hbm>> -> memref<128x128xf32, #tpu.memory_space<hbm>>
    tpu.wait_dma2 semaphore(%arg14 : memref<!tpu.dma_semaphore, #tpu.memory_space<semaphore_mem>>) src(%dma_wait3A_95 : memref<128x128xf32, #tpu.memory_space<hbm>>) dst(%dma_wait3A_92 : memref<128x128xf32, #tpu.memory_space<vmem>>)
    return
  }
}

#map = affine_map<(d0, d1) -> (0, 0)>
#map1 = affine_map<(d0, d1) -> (0)>
module attributes {stable_mosaic.version = 14 : i64} {
  func.func @_gather_body(%arg0: i32, %arg1: i32, %arg2: memref<10000x128xf32, #tpu.memory_space<hbm>>, %arg3: memref<163840xi32, #tpu.memory_space<hbm>>, %arg4: memref<163840x128xf32, #tpu.memory_space<hbm>>, %arg5: memref<5120xi32, #tpu.memory_space<vmem>>, %arg6: memref<4x128x128xf32, #tpu.memory_space<vmem>>, %arg7: memref<!tpu.dma_semaphore, #tpu.memory_space<semaphore_mem>>, %arg8: memref<!tpu.dma_semaphore, #tpu.memory_space<semaphore_mem>>, %arg9: memref<!tpu.dma_semaphore, #tpu.memory_space<semaphore_mem>>, %arg10: memref<!tpu.dma_semaphore, #tpu.memory_space<semaphore_mem>>, %arg11: memref<!tpu.dma_semaphore, #tpu.memory_space<semaphore_mem>>, %arg12: memref<!tpu.dma_semaphore, #tpu.memory_space<semaphore_mem>>, %arg13: memref<!tpu.dma_semaphore, #tpu.memory_space<semaphore_mem>>, %arg14: memref<!tpu.dma_semaphore, #tpu.memory_space<semaphore_mem>>) attributes {dimension_semantics = [#tpu.dimension_semantics<core_parallel>, #tpu.dimension_semantics<subcore_parallel>], iteration_bounds = array<i64: 2, 16>, scalar_prefetch = 0 : i64, scratch_operands = 10 : i64, tpu.core_type = #tpu.core_type<sc_vector_subcore>, window_params = [{transform_indices = #map}, {transform_indices = #map1}, {transform_indices = #map}]} {
    %mul3A = arith.constant 2 : i32
    %mul3A_0 = arith.muli %arg1, %mul3A : i32
    %add3A = arith.addi %mul3A_0, %arg0 : i32
    %mul3A_1 = arith.constant 5120 : i32
    %mul3A_2 = arith.muli %add3A, %mul3A_1 : i32
    "tpu.region"() ({
      %run_scoped3A = tpu.sem_alloc : memref<!tpu.dma_semaphore, #tpu.memory_space<semaphore_mem>>
      %dma_start3A_96 = tpu.memref_slice %arg3[%mul3A_2] : memref<163840xi32, #tpu.memory_space<hbm>> -> memref<5120xi32, #tpu.memory_space<hbm>>
      %dma_start3A_97 = tpu.memref_slice %arg3[%mul3A_2] : memref<163840xi32, #tpu.memory_space<hbm>> -> memref<5120xi32, #tpu.memory_space<hbm>>
      tpu.enqueue_dma source(%dma_start3A_97 : memref<5120xi32, #tpu.memory_space<hbm>>) target(%arg5 : memref<5120xi32, #tpu.memory_space<vmem>>) target_semaphore(%run_scoped3A : memref<!tpu.dma_semaphore, #tpu.memory_space<semaphore_mem>>)
      %dma_wait3A_98 = tpu.memref_slice %arg3[%mul3A_2] : memref<163840xi32, #tpu.memory_space<hbm>> -> memref<5120xi32, #tpu.memory_space<hbm>>
      %dma_wait3A_99 = tpu.memref_slice %arg3[%mul3A_2] : memref<163840xi32, #tpu.memory_space<hbm>> -> memref<5120xi32, #tpu.memory_space<hbm>>
      tpu.wait_dma2 semaphore(%run_scoped3A : memref<!tpu.dma_semaphore, #tpu.memory_space<semaphore_mem>>) src(%dma_wait3A_99 : memref<5120xi32, #tpu.memory_space<hbm>>) dst(%arg5 : memref<5120xi32, #tpu.memory_space<vmem>>)
      tpu.yield
    }) : () -> ()
    %dma_start3A = arith.constant 0 : i32
    %dma_start3A_3 = arith.constant 0 : i32
    %dma_start3A_4 = arith.constant 0 : i32
    %dma_start3A_5 = tpu.memref_slice %arg6[%dma_start3A, %dma_start3A_3, %dma_start3A_4] : memref<4x128x128xf32, #tpu.memory_space<vmem>> -> memref<1x128x128xf32, #tpu.memory_space<vmem>>
    %dma_start3A_6 = tpu.memref_squeeze %dma_start3A_5 : memref<1x128x128xf32, #tpu.memory_space<vmem>> -> memref<128x128xf32, #tpu.memory_space<vmem>>
    %dma_start3A_7 = arith.constant 0 : i32
    %dma_start3A_8 = tpu.memref_slice %arg5[%dma_start3A_7] : memref<5120xi32, #tpu.memory_space<vmem>> -> memref<128xi32, #tpu.memory_space<vmem>>
    %dma_start3A_9 = arith.constant 0 : i32
    %dma_start3A_10 = arith.constant 0 : i32
    %dma_start3A_11 = tpu.memref_slice %arg2[%dma_start3A_9, %dma_start3A_10] : memref<10000x128xf32, #tpu.memory_space<hbm>> -> memref<10000x128xf32, #tpu.memory_space<hbm>>
    tpu.enqueue_indirect_dma source(%dma_start3A_11 : memref<10000x128xf32, #tpu.memory_space<hbm>>) target(%dma_start3A_6 : memref<128x128xf32, #tpu.memory_space<vmem>>) offsets(%dma_start3A_8 : memref<128xi32, #tpu.memory_space<vmem>>) semaphore(%arg7 : memref<!tpu.dma_semaphore, #tpu.memory_space<semaphore_mem>>)
    %dma_start3A_12 = arith.constant 1 : i32
    %dma_start3A_13 = arith.constant 0 : i32
    %dma_start3A_14 = arith.constant 0 : i32
    %dma_start3A_15 = tpu.memref_slice %arg6[%dma_start3A_12, %dma_start3A_13, %dma_start3A_14] : memref<4x128x128xf32, #tpu.memory_space<vmem>> -> memref<1x128x128xf32, #tpu.memory_space<vmem>>
    %dma_start3A_16 = tpu.memref_squeeze %dma_start3A_15 : memref<1x128x128xf32, #tpu.memory_space<vmem>> -> memref<128x128xf32, #tpu.memory_space<vmem>>
    %dma_start3A_17 = arith.constant 128 : i32
    %dma_start3A_18 = tpu.memref_slice %arg5[%dma_start3A_17] : memref<5120xi32, #tpu.memory_space<vmem>> -> memref<128xi32, #tpu.memory_space<vmem>>
    %dma_start3A_19 = arith.constant 0 : i32
    %dma_start3A_20 = arith.constant 0 : i32
    %dma_start3A_21 = tpu.memref_slice %arg2[%dma_start3A_19, %dma_start3A_20] : memref<10000x128xf32, #tpu.memory_space<hbm>> -> memref<10000x128xf32, #tpu.memory_space<hbm>>
    tpu.enqueue_indirect_dma source(%dma_start3A_21 : memref<10000x128xf32, #tpu.memory_space<hbm>>) target(%dma_start3A_16 : memref<128x128xf32, #tpu.memory_space<vmem>>) offsets(%dma_start3A_18 : memref<128xi32, #tpu.memory_space<vmem>>) semaphore(%arg8 : memref<!tpu.dma_semaphore, #tpu.memory_space<semaphore_mem>>)
    %dma_start3A_22 = arith.constant 2 : i32
    %dma_start3A_23 = arith.constant 0 : i32
    %dma_start3A_24 = arith.constant 0 : i32
    %dma_start3A_25 = tpu.memref_slice %arg6[%dma_start3A_22, %dma_start3A_23, %dma_start3A_24] : memref<4x128x128xf32, #tpu.memory_space<vmem>> -> memref<1x128x128xf32, #tpu.memory_space<vmem>>
    %dma_start3A_26 = tpu.memref_squeeze %dma_start3A_25 : memref<1x128x128xf32, #tpu.memory_space<vmem>> -> memref<128x128xf32, #tpu.memory_space<vmem>>
    %dma_start3A_27 = arith.constant 256 : i32
    %dma_start3A_28 = tpu.memref_slice %arg5[%dma_start3A_27] : memref<5120xi32, #tpu.memory_space<vmem>> -> memref<128xi32, #tpu.memory_space<vmem>>
    %dma_start3A_29 = arith.constant 0 : i32
    %dma_start3A_30 = arith.constant 0 : i32
    %dma_start3A_31 = tpu.memref_slice %arg2[%dma_start3A_29, %dma_start3A_30] : memref<10000x128xf32, #tpu.memory_space<hbm>> -> memref<10000x128xf32, #tpu.memory_space<hbm>>
    tpu.enqueue_indirect_dma source(%dma_start3A_31 : memref<10000x128xf32, #tpu.memory_space<hbm>>) target(%dma_start3A_26 : memref<128x128xf32, #tpu.memory_space<vmem>>) offsets(%dma_start3A_28 : memref<128xi32, #tpu.memory_space<vmem>>) semaphore(%arg9 : memref<!tpu.dma_semaphore, #tpu.memory_space<semaphore_mem>>)
    %scan3A = arith.constant 0 : i32
    %scan3A_32 = arith.constant 0 : i32
    %scan3A_33 = arith.constant 10 : i32
    %scan3A_34 = arith.addi %scan3A_32, %scan3A_33 : i32
    %scan3A_35 = arith.constant 1 : i32
    scf.for %scan3A_96 = %scan3A_32 to %scan3A_34 step %scan3A_35  : i32 {
      %mul3A_97 = arith.constant 4 : i32
      %mul3A_98 = arith.muli %scan3A_96, %mul3A_97 : i32
      %add3A_99 = arith.constant 0 : i32
      %add3A_100 = arith.addi %mul3A_98, %add3A_99 : i32
      %add3A_101 = arith.constant 4 : i32
      %add3A_102 = arith.addi %add3A_100, %add3A_101 : i32
      %sub3A = arith.constant 1 : i32
      %sub3A_103 = arith.subi %add3A_102, %sub3A : i32
      %lt3A = arith.constant 40 : i32
      %lt3A_104 = arith.cmpi slt, %sub3A_103, %lt3A : i32
      %convert_element_type3A = arith.extui %lt3A_104 : i1 to i32
      %cond3A = arith.constant 0 : i32
      %cond3A_105 = arith.cmpi ne, %convert_element_type3A, %cond3A : i32
      scf.if %cond3A_105 {
        %ge3A = arith.constant 1 : i32
        %ge3A_269 = arith.cmpi sge, %add3A_100, %ge3A : i32
        %convert_element_type3A_270 = arith.extui %ge3A_269 : i1 to i32
        %cond3A_271 = arith.constant 0 : i32
        %cond3A_272 = arith.cmpi ne, %convert_element_type3A_270, %cond3A_271 : i32
        scf.if %cond3A_272 {
          %dma_wait3A_288 = arith.constant 3 : i32
          %dma_wait3A_289 = arith.constant 0 : i32
          %dma_wait3A_290 = arith.constant 0 : i32
          %dma_wait3A_291 = tpu.memref_slice %arg6[%dma_wait3A_288, %dma_wait3A_289, %dma_wait3A_290] : memref<4x128x128xf32, #tpu.memory_space<vmem>> -> memref<1x128x128xf32, #tpu.memory_space<vmem>>
          %dma_wait3A_292 = tpu.memref_squeeze %dma_wait3A_291 : memref<1x128x128xf32, #tpu.memory_space<vmem>> -> memref<128x128xf32, #tpu.memory_space<vmem>>
          %dma_wait3A_293 = arith.constant 0 : i32
          %dma_wait3A_294 = arith.constant 0 : i32
          %dma_wait3A_295 = tpu.memref_slice %arg2[%dma_wait3A_293, %dma_wait3A_294] : memref<10000x128xf32, #tpu.memory_space<hbm>> -> memref<128x128xf32, #tpu.memory_space<hbm>>
          %dma_wait3A_296 = arith.constant 0 : i32
          %dma_wait3A_297 = arith.constant 0 : i32
          %dma_wait3A_298 = tpu.memref_slice %arg6[%dma_wait3A_288, %dma_wait3A_296, %dma_wait3A_297] : memref<4x128x128xf32, #tpu.memory_space<vmem>> -> memref<1x128x128xf32, #tpu.memory_space<vmem>>
          %dma_wait3A_299 = tpu.memref_squeeze %dma_wait3A_298 : memref<1x128x128xf32, #tpu.memory_space<vmem>> -> memref<128x128xf32, #tpu.memory_space<vmem>>
          %dma_wait3A_300 = arith.constant 0 : i32
          %dma_wait3A_301 = arith.constant 0 : i32
          %dma_wait3A_302 = tpu.memref_slice %arg2[%dma_wait3A_300, %dma_wait3A_301] : memref<10000x128xf32, #tpu.memory_space<hbm>> -> memref<128x128xf32, #tpu.memory_space<hbm>>
          tpu.wait_dma2 semaphore(%arg14 : memref<!tpu.dma_semaphore, #tpu.memory_space<semaphore_mem>>) src(%dma_wait3A_302 : memref<128x128xf32, #tpu.memory_space<hbm>>) dst(%dma_wait3A_299 : memref<128x128xf32, #tpu.memory_space<vmem>>)
        } else {
        }
        %add3A_273 = arith.constant 4 : i32
        %add3A_274 = arith.addi %add3A_100, %add3A_273 : i32
        %sub3A_275 = arith.constant 1 : i32
        %sub3A_276 = arith.subi %add3A_274, %sub3A_275 : i32
        %mul3A_277 = arith.constant 128 : i32
        %mul3A_278 = arith.muli %sub3A_276, %mul3A_277 : i32
        %dma_start3A_279 = arith.constant 3 : i32
        %dma_start3A_280 = arith.constant 0 : i32
        %dma_start3A_281 = arith.constant 0 : i32
        %dma_start3A_282 = tpu.memref_slice %arg6[%dma_start3A_279, %dma_start3A_280, %dma_start3A_281] : memref<4x128x128xf32, #tpu.memory_space<vmem>> -> memref<1x128x128xf32, #tpu.memory_space<vmem>>
        %dma_start3A_283 = tpu.memref_squeeze %dma_start3A_282 : memref<1x128x128xf32, #tpu.memory_space<vmem>> -> memref<128x128xf32, #tpu.memory_space<vmem>>
        %dma_start3A_284 = tpu.memref_slice %arg5[%mul3A_278] : memref<5120xi32, #tpu.memory_space<vmem>> -> memref<128xi32, #tpu.memory_space<vmem>>
        %dma_start3A_285 = arith.constant 0 : i32
        %dma_start3A_286 = arith.constant 0 : i32
        %dma_start3A_287 = tpu.memref_slice %arg2[%dma_start3A_285, %dma_start3A_286] : memref<10000x128xf32, #tpu.memory_space<hbm>> -> memref<10000x128xf32, #tpu.memory_space<hbm>>
        tpu.enqueue_indirect_dma source(%dma_start3A_287 : memref<10000x128xf32, #tpu.memory_space<hbm>>) target(%dma_start3A_283 : memref<128x128xf32, #tpu.memory_space<vmem>>) offsets(%dma_start3A_284 : memref<128xi32, #tpu.memory_space<vmem>>) semaphore(%arg10 : memref<!tpu.dma_semaphore, #tpu.memory_space<semaphore_mem>>)
      } else {
      }
      %dma_wait3A_106 = arith.constant 0 : i32
      %dma_wait3A_107 = arith.constant 0 : i32
      %dma_wait3A_108 = arith.constant 0 : i32
      %dma_wait3A_109 = tpu.memref_slice %arg6[%dma_wait3A_106, %dma_wait3A_107, %dma_wait3A_108] : memref<4x128x128xf32, #tpu.memory_space<vmem>> -> memref<1x128x128xf32, #tpu.memory_space<vmem>>
      %dma_wait3A_110 = tpu.memref_squeeze %dma_wait3A_109 : memref<1x128x128xf32, #tpu.memory_space<vmem>> -> memref<128x128xf32, #tpu.memory_space<vmem>>
      %dma_wait3A_111 = arith.constant 0 : i32
      %dma_wait3A_112 = arith.constant 0 : i32
      %dma_wait3A_113 = tpu.memref_slice %arg2[%dma_wait3A_111, %dma_wait3A_112] : memref<10000x128xf32, #tpu.memory_space<hbm>> -> memref<128x128xf32, #tpu.memory_space<hbm>>
      %dma_wait3A_114 = arith.constant 0 : i32
      %dma_wait3A_115 = arith.constant 0 : i32
      %dma_wait3A_116 = tpu.memref_slice %arg6[%dma_wait3A_106, %dma_wait3A_114, %dma_wait3A_115] : memref<4x128x128xf32, #tpu.memory_space<vmem>> -> memref<1x128x128xf32, #tpu.memory_space<vmem>>
      %dma_wait3A_117 = tpu.memref_squeeze %dma_wait3A_116 : memref<1x128x128xf32, #tpu.memory_space<vmem>> -> memref<128x128xf32, #tpu.memory_space<vmem>>
      %dma_wait3A_118 = arith.constant 0 : i32
      %dma_wait3A_119 = arith.constant 0 : i32
      %dma_wait3A_120 = tpu.memref_slice %arg2[%dma_wait3A_118, %dma_wait3A_119] : memref<10000x128xf32, #tpu.memory_space<hbm>> -> memref<128x128xf32, #tpu.memory_space<hbm>>
      tpu.wait_dma2 semaphore(%arg7 : memref<!tpu.dma_semaphore, #tpu.memory_space<semaphore_mem>>) src(%dma_wait3A_120 : memref<128x128xf32, #tpu.memory_space<hbm>>) dst(%dma_wait3A_117 : memref<128x128xf32, #tpu.memory_space<vmem>>)
      %mul3A_121 = arith.constant 128 : i32
      %mul3A_122 = arith.muli %add3A_100, %mul3A_121 : i32
      %add3A_123 = arith.addi %mul3A_2, %mul3A_122 : i32
      %dma_start3A_124 = arith.constant 0 : i32
      %dma_start3A_125 = arith.constant 0 : i32
      %dma_start3A_126 = arith.constant 0 : i32
      %dma_start3A_127 = tpu.memref_slice %arg6[%dma_start3A_124, %dma_start3A_125, %dma_start3A_126] : memref<4x128x128xf32, #tpu.memory_space<vmem>> -> memref<1x128x128xf32, #tpu.memory_space<vmem>>
      %dma_start3A_128 = tpu.memref_squeeze %dma_start3A_127 : memref<1x128x128xf32, #tpu.memory_space<vmem>> -> memref<128x128xf32, #tpu.memory_space<vmem>>
      %dma_start3A_129 = arith.constant 0 : i32
      %dma_start3A_130 = tpu.memref_slice %arg4[%add3A_123, %dma_start3A_129] : memref<163840x128xf32, #tpu.memory_space<hbm>> -> memref<128x128xf32, #tpu.memory_space<hbm>>
      %dma_start3A_131 = arith.constant 0 : i32
      %dma_start3A_132 = tpu.memref_slice %arg4[%add3A_123, %dma_start3A_131] : memref<163840x128xf32, #tpu.memory_space<hbm>> -> memref<128x128xf32, #tpu.memory_space<hbm>>
      %dma_start3A_133 = arith.constant 0 : i32
      %dma_start3A_134 = arith.constant 0 : i32
      %dma_start3A_135 = tpu.memref_slice %arg6[%dma_start3A_124, %dma_start3A_133, %dma_start3A_134] : memref<4x128x128xf32, #tpu.memory_space<vmem>> -> memref<1x128x128xf32, #tpu.memory_space<vmem>>
      %dma_start3A_136 = tpu.memref_squeeze %dma_start3A_135 : memref<1x128x128xf32, #tpu.memory_space<vmem>> -> memref<128x128xf32, #tpu.memory_space<vmem>>
      tpu.enqueue_dma source(%dma_start3A_136 : memref<128x128xf32, #tpu.memory_space<vmem>>) target(%dma_start3A_132 : memref<128x128xf32, #tpu.memory_space<hbm>>) target_semaphore(%arg11 : memref<!tpu.dma_semaphore, #tpu.memory_space<semaphore_mem>>)
      %mul3A_137 = arith.constant 4 : i32
      %mul3A_138 = arith.muli %scan3A_96, %mul3A_137 : i32
      %add3A_139 = arith.constant 1 : i32
      %add3A_140 = arith.addi %mul3A_138, %add3A_139 : i32
      %add3A_141 = arith.constant 4 : i32
      %add3A_142 = arith.addi %add3A_140, %add3A_141 : i32
      %sub3A_143 = arith.constant 1 : i32
      %sub3A_144 = arith.subi %add3A_142, %sub3A_143 : i32
      %lt3A_145 = arith.constant 40 : i32
      %lt3A_146 = arith.cmpi slt, %sub3A_144, %lt3A_145 : i32
      %convert_element_type3A_147 = arith.extui %lt3A_146 : i1 to i32
      %cond3A_148 = arith.constant 0 : i32
      %cond3A_149 = arith.cmpi ne, %convert_element_type3A_147, %cond3A_148 : i32
      scf.if %cond3A_149 {
        %ge3A = arith.constant 1 : i32
        %ge3A_269 = arith.cmpi sge, %add3A_140, %ge3A : i32
        %convert_element_type3A_270 = arith.extui %ge3A_269 : i1 to i32
        %cond3A_271 = arith.constant 0 : i32
        %cond3A_272 = arith.cmpi ne, %convert_element_type3A_270, %cond3A_271 : i32
        scf.if %cond3A_272 {
          %dma_wait3A_288 = arith.constant 0 : i32
          %dma_wait3A_289 = arith.constant 0 : i32
          %dma_wait3A_290 = arith.constant 0 : i32
          %dma_wait3A_291 = tpu.memref_slice %arg6[%dma_wait3A_288, %dma_wait3A_289, %dma_wait3A_290] : memref<4x128x128xf32, #tpu.memory_space<vmem>> -> memref<1x128x128xf32, #tpu.memory_space<vmem>>
          %dma_wait3A_292 = tpu.memref_squeeze %dma_wait3A_291 : memref<1x128x128xf32, #tpu.memory_space<vmem>> -> memref<128x128xf32, #tpu.memory_space<vmem>>
          %dma_wait3A_293 = arith.constant 0 : i32
          %dma_wait3A_294 = arith.constant 0 : i32
          %dma_wait3A_295 = tpu.memref_slice %arg2[%dma_wait3A_293, %dma_wait3A_294] : memref<10000x128xf32, #tpu.memory_space<hbm>> -> memref<128x128xf32, #tpu.memory_space<hbm>>
          %dma_wait3A_296 = arith.constant 0 : i32
          %dma_wait3A_297 = arith.constant 0 : i32
          %dma_wait3A_298 = tpu.memref_slice %arg6[%dma_wait3A_288, %dma_wait3A_296, %dma_wait3A_297] : memref<4x128x128xf32, #tpu.memory_space<vmem>> -> memref<1x128x128xf32, #tpu.memory_space<vmem>>
          %dma_wait3A_299 = tpu.memref_squeeze %dma_wait3A_298 : memref<1x128x128xf32, #tpu.memory_space<vmem>> -> memref<128x128xf32, #tpu.memory_space<vmem>>
          %dma_wait3A_300 = arith.constant 0 : i32
          %dma_wait3A_301 = arith.constant 0 : i32
          %dma_wait3A_302 = tpu.memref_slice %arg2[%dma_wait3A_300, %dma_wait3A_301] : memref<10000x128xf32, #tpu.memory_space<hbm>> -> memref<128x128xf32, #tpu.memory_space<hbm>>
          tpu.wait_dma2 semaphore(%arg11 : memref<!tpu.dma_semaphore, #tpu.memory_space<semaphore_mem>>) src(%dma_wait3A_302 : memref<128x128xf32, #tpu.memory_space<hbm>>) dst(%dma_wait3A_299 : memref<128x128xf32, #tpu.memory_space<vmem>>)
        } else {
        }
        %add3A_273 = arith.constant 4 : i32
        %add3A_274 = arith.addi %add3A_140, %add3A_273 : i32
        %sub3A_275 = arith.constant 1 : i32
        %sub3A_276 = arith.subi %add3A_274, %sub3A_275 : i32
        %mul3A_277 = arith.constant 128 : i32
        %mul3A_278 = arith.muli %sub3A_276, %mul3A_277 : i32
        %dma_start3A_279 = arith.constant 0 : i32
        %dma_start3A_280 = arith.constant 0 : i32
        %dma_start3A_281 = arith.constant 0 : i32
        %dma_start3A_282 = tpu.memref_slice %arg6[%dma_start3A_279, %dma_start3A_280, %dma_start3A_281] : memref<4x128x128xf32, #tpu.memory_space<vmem>> -> memref<1x128x128xf32, #tpu.memory_space<vmem>>
        %dma_start3A_283 = tpu.memref_squeeze %dma_start3A_282 : memref<1x128x128xf32, #tpu.memory_space<vmem>> -> memref<128x128xf32, #tpu.memory_space<vmem>>
        %dma_start3A_284 = tpu.memref_slice %arg5[%mul3A_278] : memref<5120xi32, #tpu.memory_space<vmem>> -> memref<128xi32, #tpu.memory_space<vmem>>
        %dma_start3A_285 = arith.constant 0 : i32
        %dma_start3A_286 = arith.constant 0 : i32
        %dma_start3A_287 = tpu.memref_slice %arg2[%dma_start3A_285, %dma_start3A_286] : memref<10000x128xf32, #tpu.memory_space<hbm>> -> memref<10000x128xf32, #tpu.memory_space<hbm>>
        tpu.enqueue_indirect_dma source(%dma_start3A_287 : memref<10000x128xf32, #tpu.memory_space<hbm>>) target(%dma_start3A_283 : memref<128x128xf32, #tpu.memory_space<vmem>>) offsets(%dma_start3A_284 : memref<128xi32, #tpu.memory_space<vmem>>) semaphore(%arg7 : memref<!tpu.dma_semaphore, #tpu.memory_space<semaphore_mem>>)
      } else {
      }
      %dma_wait3A_150 = arith.constant 1 : i32
      %dma_wait3A_151 = arith.constant 0 : i32
      %dma_wait3A_152 = arith.constant 0 : i32
      %dma_wait3A_153 = tpu.memref_slice %arg6[%dma_wait3A_150, %dma_wait3A_151, %dma_wait3A_152] : memref<4x128x128xf32, #tpu.memory_space<vmem>> -> memref<1x128x128xf32, #tpu.memory_space<vmem>>
      %dma_wait3A_154 = tpu.memref_squeeze %dma_wait3A_153 : memref<1x128x128xf32, #tpu.memory_space<vmem>> -> memref<128x128xf32, #tpu.memory_space<vmem>>
      %dma_wait3A_155 = arith.constant 0 : i32
      %dma_wait3A_156 = arith.constant 0 : i32
      %dma_wait3A_157 = tpu.memref_slice %arg2[%dma_wait3A_155, %dma_wait3A_156] : memref<10000x128xf32, #tpu.memory_space<hbm>> -> memref<128x128xf32, #tpu.memory_space<hbm>>
      %dma_wait3A_158 = arith.constant 0 : i32
      %dma_wait3A_159 = arith.constant 0 : i32
      %dma_wait3A_160 = tpu.memref_slice %arg6[%dma_wait3A_150, %dma_wait3A_158, %dma_wait3A_159] : memref<4x128x128xf32, #tpu.memory_space<vmem>> -> memref<1x128x128xf32, #tpu.memory_space<vmem>>
      %dma_wait3A_161 = tpu.memref_squeeze %dma_wait3A_160 : memref<1x128x128xf32, #tpu.memory_space<vmem>> -> memref<128x128xf32, #tpu.memory_space<vmem>>
      %dma_wait3A_162 = arith.constant 0 : i32
      %dma_wait3A_163 = arith.constant 0 : i32
      %dma_wait3A_164 = tpu.memref_slice %arg2[%dma_wait3A_162, %dma_wait3A_163] : memref<10000x128xf32, #tpu.memory_space<hbm>> -> memref<128x128xf32, #tpu.memory_space<hbm>>
      tpu.wait_dma2 semaphore(%arg8 : memref<!tpu.dma_semaphore, #tpu.memory_space<semaphore_mem>>) src(%dma_wait3A_164 : memref<128x128xf32, #tpu.memory_space<hbm>>) dst(%dma_wait3A_161 : memref<128x128xf32, #tpu.memory_space<vmem>>)
      %mul3A_165 = arith.constant 128 : i32
      %mul3A_166 = arith.muli %add3A_140, %mul3A_165 : i32
      %add3A_167 = arith.addi %mul3A_2, %mul3A_166 : i32
      %dma_start3A_168 = arith.constant 1 : i32
      %dma_start3A_169 = arith.constant 0 : i32
      %dma_start3A_170 = arith.constant 0 : i32
      %dma_start3A_171 = tpu.memref_slice %arg6[%dma_start3A_168, %dma_start3A_169, %dma_start3A_170] : memref<4x128x128xf32, #tpu.memory_space<vmem>> -> memref<1x128x128xf32, #tpu.memory_space<vmem>>
      %dma_start3A_172 = tpu.memref_squeeze %dma_start3A_171 : memref<1x128x128xf32, #tpu.memory_space<vmem>> -> memref<128x128xf32, #tpu.memory_space<vmem>>
      %dma_start3A_173 = arith.constant 0 : i32
      %dma_start3A_174 = tpu.memref_slice %arg4[%add3A_167, %dma_start3A_173] : memref<163840x128xf32, #tpu.memory_space<hbm>> -> memref<128x128xf32, #tpu.memory_space<hbm>>
      %dma_start3A_175 = arith.constant 0 : i32
      %dma_start3A_176 = tpu.memref_slice %arg4[%add3A_167, %dma_start3A_175] : memref<163840x128xf32, #tpu.memory_space<hbm>> -> memref<128x128xf32, #tpu.memory_space<hbm>>
      %dma_start3A_177 = arith.constant 0 : i32
      %dma_start3A_178 = arith.constant 0 : i32
      %dma_start3A_179 = tpu.memref_slice %arg6[%dma_start3A_168, %dma_start3A_177, %dma_start3A_178] : memref<4x128x128xf32, #tpu.memory_space<vmem>> -> memref<1x128x128xf32, #tpu.memory_space<vmem>>
      %dma_start3A_180 = tpu.memref_squeeze %dma_start3A_179 : memref<1x128x128xf32, #tpu.memory_space<vmem>> -> memref<128x128xf32, #tpu.memory_space<vmem>>
      tpu.enqueue_dma source(%dma_start3A_180 : memref<128x128xf32, #tpu.memory_space<vmem>>) target(%dma_start3A_176 : memref<128x128xf32, #tpu.memory_space<hbm>>) target_semaphore(%arg12 : memref<!tpu.dma_semaphore, #tpu.memory_space<semaphore_mem>>)
      %mul3A_181 = arith.constant 4 : i32
      %mul3A_182 = arith.muli %scan3A_96, %mul3A_181 : i32
      %add3A_183 = arith.constant 2 : i32
      %add3A_184 = arith.addi %mul3A_182, %add3A_183 : i32
      %add3A_185 = arith.constant 4 : i32
      %add3A_186 = arith.addi %add3A_184, %add3A_185 : i32
      %sub3A_187 = arith.constant 1 : i32
      %sub3A_188 = arith.subi %add3A_186, %sub3A_187 : i32
      %lt3A_189 = arith.constant 40 : i32
      %lt3A_190 = arith.cmpi slt, %sub3A_188, %lt3A_189 : i32
      %convert_element_type3A_191 = arith.extui %lt3A_190 : i1 to i32
      %cond3A_192 = arith.constant 0 : i32
      %cond3A_193 = arith.cmpi ne, %convert_element_type3A_191, %cond3A_192 : i32
      scf.if %cond3A_193 {
        %ge3A = arith.constant 1 : i32
        %ge3A_269 = arith.cmpi sge, %add3A_184, %ge3A : i32
        %convert_element_type3A_270 = arith.extui %ge3A_269 : i1 to i32
        %cond3A_271 = arith.constant 0 : i32
        %cond3A_272 = arith.cmpi ne, %convert_element_type3A_270, %cond3A_271 : i32
        scf.if %cond3A_272 {
          %dma_wait3A_288 = arith.constant 1 : i32
          %dma_wait3A_289 = arith.constant 0 : i32
          %dma_wait3A_290 = arith.constant 0 : i32
          %dma_wait3A_291 = tpu.memref_slice %arg6[%dma_wait3A_288, %dma_wait3A_289, %dma_wait3A_290] : memref<4x128x128xf32, #tpu.memory_space<vmem>> -> memref<1x128x128xf32, #tpu.memory_space<vmem>>
          %dma_wait3A_292 = tpu.memref_squeeze %dma_wait3A_291 : memref<1x128x128xf32, #tpu.memory_space<vmem>> -> memref<128x128xf32, #tpu.memory_space<vmem>>
          %dma_wait3A_293 = arith.constant 0 : i32
          %dma_wait3A_294 = arith.constant 0 : i32
          %dma_wait3A_295 = tpu.memref_slice %arg2[%dma_wait3A_293, %dma_wait3A_294] : memref<10000x128xf32, #tpu.memory_space<hbm>> -> memref<128x128xf32, #tpu.memory_space<hbm>>
          %dma_wait3A_296 = arith.constant 0 : i32
          %dma_wait3A_297 = arith.constant 0 : i32
          %dma_wait3A_298 = tpu.memref_slice %arg6[%dma_wait3A_288, %dma_wait3A_296, %dma_wait3A_297] : memref<4x128x128xf32, #tpu.memory_space<vmem>> -> memref<1x128x128xf32, #tpu.memory_space<vmem>>
          %dma_wait3A_299 = tpu.memref_squeeze %dma_wait3A_298 : memref<1x128x128xf32, #tpu.memory_space<vmem>> -> memref<128x128xf32, #tpu.memory_space<vmem>>
          %dma_wait3A_300 = arith.constant 0 : i32
          %dma_wait3A_301 = arith.constant 0 : i32
          %dma_wait3A_302 = tpu.memref_slice %arg2[%dma_wait3A_300, %dma_wait3A_301] : memref<10000x128xf32, #tpu.memory_space<hbm>> -> memref<128x128xf32, #tpu.memory_space<hbm>>
          tpu.wait_dma2 semaphore(%arg12 : memref<!tpu.dma_semaphore, #tpu.memory_space<semaphore_mem>>) src(%dma_wait3A_302 : memref<128x128xf32, #tpu.memory_space<hbm>>) dst(%dma_wait3A_299 : memref<128x128xf32, #tpu.memory_space<vmem>>)
        } else {
        }
        %add3A_273 = arith.constant 4 : i32
        %add3A_274 = arith.addi %add3A_184, %add3A_273 : i32
        %sub3A_275 = arith.constant 1 : i32
        %sub3A_276 = arith.subi %add3A_274, %sub3A_275 : i32
        %mul3A_277 = arith.constant 128 : i32
        %mul3A_278 = arith.muli %sub3A_276, %mul3A_277 : i32
        %dma_start3A_279 = arith.constant 1 : i32
        %dma_start3A_280 = arith.constant 0 : i32
        %dma_start3A_281 = arith.constant 0 : i32
        %dma_start3A_282 = tpu.memref_slice %arg6[%dma_start3A_279, %dma_start3A_280, %dma_start3A_281] : memref<4x128x128xf32, #tpu.memory_space<vmem>> -> memref<1x128x128xf32, #tpu.memory_space<vmem>>
        %dma_start3A_283 = tpu.memref_squeeze %dma_start3A_282 : memref<1x128x128xf32, #tpu.memory_space<vmem>> -> memref<128x128xf32, #tpu.memory_space<vmem>>
        %dma_start3A_284 = tpu.memref_slice %arg5[%mul3A_278] : memref<5120xi32, #tpu.memory_space<vmem>> -> memref<128xi32, #tpu.memory_space<vmem>>
        %dma_start3A_285 = arith.constant 0 : i32
        %dma_start3A_286 = arith.constant 0 : i32
        %dma_start3A_287 = tpu.memref_slice %arg2[%dma_start3A_285, %dma_start3A_286] : memref<10000x128xf32, #tpu.memory_space<hbm>> -> memref<10000x128xf32, #tpu.memory_space<hbm>>
        tpu.enqueue_indirect_dma source(%dma_start3A_287 : memref<10000x128xf32, #tpu.memory_space<hbm>>) target(%dma_start3A_283 : memref<128x128xf32, #tpu.memory_space<vmem>>) offsets(%dma_start3A_284 : memref<128xi32, #tpu.memory_space<vmem>>) semaphore(%arg8 : memref<!tpu.dma_semaphore, #tpu.memory_space<semaphore_mem>>)
      } else {
      }
      %dma_wait3A_194 = arith.constant 2 : i32
      %dma_wait3A_195 = arith.constant 0 : i32
      %dma_wait3A_196 = arith.constant 0 : i32
      %dma_wait3A_197 = tpu.memref_slice %arg6[%dma_wait3A_194, %dma_wait3A_195, %dma_wait3A_196] : memref<4x128x128xf32, #tpu.memory_space<vmem>> -> memref<1x128x128xf32, #tpu.memory_space<vmem>>
      %dma_wait3A_198 = tpu.memref_squeeze %dma_wait3A_197 : memref<1x128x128xf32, #tpu.memory_space<vmem>> -> memref<128x128xf32, #tpu.memory_space<vmem>>
      %dma_wait3A_199 = arith.constant 0 : i32
      %dma_wait3A_200 = arith.constant 0 : i32
      %dma_wait3A_201 = tpu.memref_slice %arg2[%dma_wait3A_199, %dma_wait3A_200] : memref<10000x128xf32, #tpu.memory_space<hbm>> -> memref<128x128xf32, #tpu.memory_space<hbm>>
      %dma_wait3A_202 = arith.constant 0 : i32
      %dma_wait3A_203 = arith.constant 0 : i32
      %dma_wait3A_204 = tpu.memref_slice %arg6[%dma_wait3A_194, %dma_wait3A_202, %dma_wait3A_203] : memref<4x128x128xf32, #tpu.memory_space<vmem>> -> memref<1x128x128xf32, #tpu.memory_space<vmem>>
      %dma_wait3A_205 = tpu.memref_squeeze %dma_wait3A_204 : memref<1x128x128xf32, #tpu.memory_space<vmem>> -> memref<128x128xf32, #tpu.memory_space<vmem>>
      %dma_wait3A_206 = arith.constant 0 : i32
      %dma_wait3A_207 = arith.constant 0 : i32
      %dma_wait3A_208 = tpu.memref_slice %arg2[%dma_wait3A_206, %dma_wait3A_207] : memref<10000x128xf32, #tpu.memory_space<hbm>> -> memref<128x128xf32, #tpu.memory_space<hbm>>
      tpu.wait_dma2 semaphore(%arg9 : memref<!tpu.dma_semaphore, #tpu.memory_space<semaphore_mem>>) src(%dma_wait3A_208 : memref<128x128xf32, #tpu.memory_space<hbm>>) dst(%dma_wait3A_205 : memref<128x128xf32, #tpu.memory_space<vmem>>)
      %mul3A_209 = arith.constant 128 : i32
      %mul3A_210 = arith.muli %add3A_184, %mul3A_209 : i32
      %add3A_211 = arith.addi %mul3A_2, %mul3A_210 : i32
      %dma_start3A_212 = arith.constant 2 : i32
      %dma_start3A_213 = arith.constant 0 : i32
      %dma_start3A_214 = arith.constant 0 : i32
      %dma_start3A_215 = tpu.memref_slice %arg6[%dma_start3A_212, %dma_start3A_213, %dma_start3A_214] : memref<4x128x128xf32, #tpu.memory_space<vmem>> -> memref<1x128x128xf32, #tpu.memory_space<vmem>>
      %dma_start3A_216 = tpu.memref_squeeze %dma_start3A_215 : memref<1x128x128xf32, #tpu.memory_space<vmem>> -> memref<128x128xf32, #tpu.memory_space<vmem>>
      %dma_start3A_217 = arith.constant 0 : i32
      %dma_start3A_218 = tpu.memref_slice %arg4[%add3A_211, %dma_start3A_217] : memref<163840x128xf32, #tpu.memory_space<hbm>> -> memref<128x128xf32, #tpu.memory_space<hbm>>
      %dma_start3A_219 = arith.constant 0 : i32
      %dma_start3A_220 = tpu.memref_slice %arg4[%add3A_211, %dma_start3A_219] : memref<163840x128xf32, #tpu.memory_space<hbm>> -> memref<128x128xf32, #tpu.memory_space<hbm>>
      %dma_start3A_221 = arith.constant 0 : i32
      %dma_start3A_222 = arith.constant 0 : i32
      %dma_start3A_223 = tpu.memref_slice %arg6[%dma_start3A_212, %dma_start3A_221, %dma_start3A_222] : memref<4x128x128xf32, #tpu.memory_space<vmem>> -> memref<1x128x128xf32, #tpu.memory_space<vmem>>
      %dma_start3A_224 = tpu.memref_squeeze %dma_start3A_223 : memref<1x128x128xf32, #tpu.memory_space<vmem>> -> memref<128x128xf32, #tpu.memory_space<vmem>>
      tpu.enqueue_dma source(%dma_start3A_224 : memref<128x128xf32, #tpu.memory_space<vmem>>) target(%dma_start3A_220 : memref<128x128xf32, #tpu.memory_space<hbm>>) target_semaphore(%arg13 : memref<!tpu.dma_semaphore, #tpu.memory_space<semaphore_mem>>)
      %mul3A_225 = arith.constant 4 : i32
      %mul3A_226 = arith.muli %scan3A_96, %mul3A_225 : i32
      %add3A_227 = arith.constant 3 : i32
      %add3A_228 = arith.addi %mul3A_226, %add3A_227 : i32
      %add3A_229 = arith.constant 4 : i32
      %add3A_230 = arith.addi %add3A_228, %add3A_229 : i32
      %sub3A_231 = arith.constant 1 : i32
      %sub3A_232 = arith.subi %add3A_230, %sub3A_231 : i32
      %lt3A_233 = arith.constant 40 : i32
      %lt3A_234 = arith.cmpi slt, %sub3A_232, %lt3A_233 : i32
      %convert_element_type3A_235 = arith.extui %lt3A_234 : i1 to i32
      %cond3A_236 = arith.constant 0 : i32
      %cond3A_237 = arith.cmpi ne, %convert_element_type3A_235, %cond3A_236 : i32
      scf.if %cond3A_237 {
        %ge3A = arith.constant 1 : i32
        %ge3A_269 = arith.cmpi sge, %add3A_228, %ge3A : i32
        %convert_element_type3A_270 = arith.extui %ge3A_269 : i1 to i32
        %cond3A_271 = arith.constant 0 : i32
        %cond3A_272 = arith.cmpi ne, %convert_element_type3A_270, %cond3A_271 : i32
        scf.if %cond3A_272 {
          %dma_wait3A_288 = arith.constant 2 : i32
          %dma_wait3A_289 = arith.constant 0 : i32
          %dma_wait3A_290 = arith.constant 0 : i32
          %dma_wait3A_291 = tpu.memref_slice %arg6[%dma_wait3A_288, %dma_wait3A_289, %dma_wait3A_290] : memref<4x128x128xf32, #tpu.memory_space<vmem>> -> memref<1x128x128xf32, #tpu.memory_space<vmem>>
          %dma_wait3A_292 = tpu.memref_squeeze %dma_wait3A_291 : memref<1x128x128xf32, #tpu.memory_space<vmem>> -> memref<128x128xf32, #tpu.memory_space<vmem>>
          %dma_wait3A_293 = arith.constant 0 : i32
          %dma_wait3A_294 = arith.constant 0 : i32
          %dma_wait3A_295 = tpu.memref_slice %arg2[%dma_wait3A_293, %dma_wait3A_294] : memref<10000x128xf32, #tpu.memory_space<hbm>> -> memref<128x128xf32, #tpu.memory_space<hbm>>
          %dma_wait3A_296 = arith.constant 0 : i32
          %dma_wait3A_297 = arith.constant 0 : i32
          %dma_wait3A_298 = tpu.memref_slice %arg6[%dma_wait3A_288, %dma_wait3A_296, %dma_wait3A_297] : memref<4x128x128xf32, #tpu.memory_space<vmem>> -> memref<1x128x128xf32, #tpu.memory_space<vmem>>
          %dma_wait3A_299 = tpu.memref_squeeze %dma_wait3A_298 : memref<1x128x128xf32, #tpu.memory_space<vmem>> -> memref<128x128xf32, #tpu.memory_space<vmem>>
          %dma_wait3A_300 = arith.constant 0 : i32
          %dma_wait3A_301 = arith.constant 0 : i32
          %dma_wait3A_302 = tpu.memref_slice %arg2[%dma_wait3A_300, %dma_wait3A_301] : memref<10000x128xf32, #tpu.memory_space<hbm>> -> memref<128x128xf32, #tpu.memory_space<hbm>>
          tpu.wait_dma2 semaphore(%arg13 : memref<!tpu.dma_semaphore, #tpu.memory_space<semaphore_mem>>) src(%dma_wait3A_302 : memref<128x128xf32, #tpu.memory_space<hbm>>) dst(%dma_wait3A_299 : memref<128x128xf32, #tpu.memory_space<vmem>>)
        } else {
        }
        %add3A_273 = arith.constant 4 : i32
        %add3A_274 = arith.addi %add3A_228, %add3A_273 : i32
        %sub3A_275 = arith.constant 1 : i32
        %sub3A_276 = arith.subi %add3A_274, %sub3A_275 : i32
        %mul3A_277 = arith.constant 128 : i32
        %mul3A_278 = arith.muli %sub3A_276, %mul3A_277 : i32
        %dma_start3A_279 = arith.constant 2 : i32
        %dma_start3A_280 = arith.constant 0 : i32
        %dma_start3A_281 = arith.constant 0 : i32
        %dma_start3A_282 = tpu.memref_slice %arg6[%dma_start3A_279, %dma_start3A_280, %dma_start3A_281] : memref<4x128x128xf32, #tpu.memory_space<vmem>> -> memref<1x128x128xf32, #tpu.memory_space<vmem>>
        %dma_start3A_283 = tpu.memref_squeeze %dma_start3A_282 : memref<1x128x128xf32, #tpu.memory_space<vmem>> -> memref<128x128xf32, #tpu.memory_space<vmem>>
        %dma_start3A_284 = tpu.memref_slice %arg5[%mul3A_278] : memref<5120xi32, #tpu.memory_space<vmem>> -> memref<128xi32, #tpu.memory_space<vmem>>
        %dma_start3A_285 = arith.constant 0 : i32
        %dma_start3A_286 = arith.constant 0 : i32
        %dma_start3A_287 = tpu.memref_slice %arg2[%dma_start3A_285, %dma_start3A_286] : memref<10000x128xf32, #tpu.memory_space<hbm>> -> memref<10000x128xf32, #tpu.memory_space<hbm>>
        tpu.enqueue_indirect_dma source(%dma_start3A_287 : memref<10000x128xf32, #tpu.memory_space<hbm>>) target(%dma_start3A_283 : memref<128x128xf32, #tpu.memory_space<vmem>>) offsets(%dma_start3A_284 : memref<128xi32, #tpu.memory_space<vmem>>) semaphore(%arg9 : memref<!tpu.dma_semaphore, #tpu.memory_space<semaphore_mem>>)
      } else {
      }
      %dma_wait3A_238 = arith.constant 3 : i32
      %dma_wait3A_239 = arith.constant 0 : i32
      %dma_wait3A_240 = arith.constant 0 : i32
      %dma_wait3A_241 = tpu.memref_slice %arg6[%dma_wait3A_238, %dma_wait3A_239, %dma_wait3A_240] : memref<4x128x128xf32, #tpu.memory_space<vmem>> -> memref<1x128x128xf32, #tpu.memory_space<vmem>>
      %dma_wait3A_242 = tpu.memref_squeeze %dma_wait3A_241 : memref<1x128x128xf32, #tpu.memory_space<vmem>> -> memref<128x128xf32, #tpu.memory_space<vmem>>
      %dma_wait3A_243 = arith.constant 0 : i32
      %dma_wait3A_244 = arith.constant 0 : i32
      %dma_wait3A_245 = tpu.memref_slice %arg2[%dma_wait3A_243, %dma_wait3A_244] : memref<10000x128xf32, #tpu.memory_space<hbm>> -> memref<128x128xf32, #tpu.memory_space<hbm>>
      %dma_wait3A_246 = arith.constant 0 : i32
      %dma_wait3A_247 = arith.constant 0 : i32
      %dma_wait3A_248 = tpu.memref_slice %arg6[%dma_wait3A_238, %dma_wait3A_246, %dma_wait3A_247] : memref<4x128x128xf32, #tpu.memory_space<vmem>> -> memref<1x128x128xf32, #tpu.memory_space<vmem>>
      %dma_wait3A_249 = tpu.memref_squeeze %dma_wait3A_248 : memref<1x128x128xf32, #tpu.memory_space<vmem>> -> memref<128x128xf32, #tpu.memory_space<vmem>>
      %dma_wait3A_250 = arith.constant 0 : i32
      %dma_wait3A_251 = arith.constant 0 : i32
      %dma_wait3A_252 = tpu.memref_slice %arg2[%dma_wait3A_250, %dma_wait3A_251] : memref<10000x128xf32, #tpu.memory_space<hbm>> -> memref<128x128xf32, #tpu.memory_space<hbm>>
      tpu.wait_dma2 semaphore(%arg10 : memref<!tpu.dma_semaphore, #tpu.memory_space<semaphore_mem>>) src(%dma_wait3A_252 : memref<128x128xf32, #tpu.memory_space<hbm>>) dst(%dma_wait3A_249 : memref<128x128xf32, #tpu.memory_space<vmem>>)
      %mul3A_253 = arith.constant 128 : i32
      %mul3A_254 = arith.muli %add3A_228, %mul3A_253 : i32
      %add3A_255 = arith.addi %mul3A_2, %mul3A_254 : i32
      %dma_start3A_256 = arith.constant 3 : i32
      %dma_start3A_257 = arith.constant 0 : i32
      %dma_start3A_258 = arith.constant 0 : i32
      %dma_start3A_259 = tpu.memref_slice %arg6[%dma_start3A_256, %dma_start3A_257, %dma_start3A_258] : memref<4x128x128xf32, #tpu.memory_space<vmem>> -> memref<1x128x128xf32, #tpu.memory_space<vmem>>
      %dma_start3A_260 = tpu.memref_squeeze %dma_start3A_259 : memref<1x128x128xf32, #tpu.memory_space<vmem>> -> memref<128x128xf32, #tpu.memory_space<vmem>>
      %dma_start3A_261 = arith.constant 0 : i32
      %dma_start3A_262 = tpu.memref_slice %arg4[%add3A_255, %dma_start3A_261] : memref<163840x128xf32, #tpu.memory_space<hbm>> -> memref<128x128xf32, #tpu.memory_space<hbm>>
      %dma_start3A_263 = arith.constant 0 : i32
      %dma_start3A_264 = tpu.memref_slice %arg4[%add3A_255, %dma_start3A_263] : memref<163840x128xf32, #tpu.memory_space<hbm>> -> memref<128x128xf32, #tpu.memory_space<hbm>>
      %dma_start3A_265 = arith.constant 0 : i32
      %dma_start3A_266 = arith.constant 0 : i32
      %dma_start3A_267 = tpu.memref_slice %arg6[%dma_start3A_256, %dma_start3A_265, %dma_start3A_266] : memref<4x128x128xf32, #tpu.memory_space<vmem>> -> memref<1x128x128xf32, #tpu.memory_space<vmem>>
      %dma_start3A_268 = tpu.memref_squeeze %dma_start3A_267 : memref<1x128x128xf32, #tpu.memory_space<vmem>> -> memref<128x128xf32, #tpu.memory_space<vmem>>
      tpu.enqueue_dma source(%dma_start3A_268 : memref<128x128xf32, #tpu.memory_space<vmem>>) target(%dma_start3A_264 : memref<128x128xf32, #tpu.memory_space<hbm>>) target_semaphore(%arg14 : memref<!tpu.dma_semaphore, #tpu.memory_space<semaphore_mem>>)
    }
    %scan3A_36 = arith.constant 10 : i32
    %dma_wait3A = arith.constant 0 : i32
    %dma_wait3A_37 = arith.constant 0 : i32
    %dma_wait3A_38 = arith.constant 0 : i32
    %dma_wait3A_39 = tpu.memref_slice %arg6[%dma_wait3A, %dma_wait3A_37, %dma_wait3A_38] : memref<4x128x128xf32, #tpu.memory_space<vmem>> -> memref<1x128x128xf32, #tpu.memory_space<vmem>>
    %dma_wait3A_40 = tpu.memref_squeeze %dma_wait3A_39 : memref<1x128x128xf32, #tpu.memory_space<vmem>> -> memref<128x128xf32, #tpu.memory_space<vmem>>
    %dma_wait3A_41 = arith.constant 0 : i32
    %dma_wait3A_42 = arith.constant 0 : i32
    %dma_wait3A_43 = tpu.memref_slice %arg2[%dma_wait3A_41, %dma_wait3A_42] : memref<10000x128xf32, #tpu.memory_space<hbm>> -> memref<128x128xf32, #tpu.memory_space<hbm>>
    %dma_wait3A_44 = arith.constant 0 : i32
    %dma_wait3A_45 = arith.constant 0 : i32
    %dma_wait3A_46 = tpu.memref_slice %arg6[%dma_wait3A, %dma_wait3A_44, %dma_wait3A_45] : memref<4x128x128xf32, #tpu.memory_space<vmem>> -> memref<1x128x128xf32, #tpu.memory_space<vmem>>
    %dma_wait3A_47 = tpu.memref_squeeze %dma_wait3A_46 : memref<1x128x128xf32, #tpu.memory_space<vmem>> -> memref<128x128xf32, #tpu.memory_space<vmem>>
    %dma_wait3A_48 = arith.constant 0 : i32
    %dma_wait3A_49 = arith.constant 0 : i32
    %dma_wait3A_50 = tpu.memref_slice %arg2[%dma_wait3A_48, %dma_wait3A_49] : memref<10000x128xf32, #tpu.memory_space<hbm>> -> memref<128x128xf32, #tpu.memory_space<hbm>>
    tpu.wait_dma2 semaphore(%arg11 : memref<!tpu.dma_semaphore, #tpu.memory_space<semaphore_mem>>) src(%dma_wait3A_50 : memref<128x128xf32, #tpu.memory_space<hbm>>) dst(%dma_wait3A_47 : memref<128x128xf32, #tpu.memory_space<vmem>>)
    %dma_wait3A_51 = arith.constant 1 : i32
    %dma_wait3A_52 = arith.constant 0 : i32
    %dma_wait3A_53 = arith.constant 0 : i32
    %dma_wait3A_54 = tpu.memref_slice %arg6[%dma_wait3A_51, %dma_wait3A_52, %dma_wait3A_53] : memref<4x128x128xf32, #tpu.memory_space<vmem>> -> memref<1x128x128xf32, #tpu.memory_space<vmem>>
    %dma_wait3A_55 = tpu.memref_squeeze %dma_wait3A_54 : memref<1x128x128xf32, #tpu.memory_space<vmem>> -> memref<128x128xf32, #tpu.memory_space<vmem>>
    %dma_wait3A_56 = arith.constant 0 : i32
    %dma_wait3A_57 = arith.constant 0 : i32
    %dma_wait3A_58 = tpu.memref_slice %arg2[%dma_wait3A_56, %dma_wait3A_57] : memref<10000x128xf32, #tpu.memory_space<hbm>> -> memref<128x128xf32, #tpu.memory_space<hbm>>
    %dma_wait3A_59 = arith.constant 0 : i32
    %dma_wait3A_60 = arith.constant 0 : i32
    %dma_wait3A_61 = tpu.memref_slice %arg6[%dma_wait3A_51, %dma_wait3A_59, %dma_wait3A_60] : memref<4x128x128xf32, #tpu.memory_space<vmem>> -> memref<1x128x128xf32, #tpu.memory_space<vmem>>
    %dma_wait3A_62 = tpu.memref_squeeze %dma_wait3A_61 : memref<1x128x128xf32, #tpu.memory_space<vmem>> -> memref<128x128xf32, #tpu.memory_space<vmem>>
    %dma_wait3A_63 = arith.constant 0 : i32
    %dma_wait3A_64 = arith.constant 0 : i32
    %dma_wait3A_65 = tpu.memref_slice %arg2[%dma_wait3A_63, %dma_wait3A_64] : memref<10000x128xf32, #tpu.memory_space<hbm>> -> memref<128x128xf32, #tpu.memory_space<hbm>>
    tpu.wait_dma2 semaphore(%arg12 : memref<!tpu.dma_semaphore, #tpu.memory_space<semaphore_mem>>) src(%dma_wait3A_65 : memref<128x128xf32, #tpu.memory_space<hbm>>) dst(%dma_wait3A_62 : memref<128x128xf32, #tpu.memory_space<vmem>>)
    %dma_wait3A_66 = arith.constant 2 : i32
    %dma_wait3A_67 = arith.constant 0 : i32
    %dma_wait3A_68 = arith.constant 0 : i32
    %dma_wait3A_69 = tpu.memref_slice %arg6[%dma_wait3A_66, %dma_wait3A_67, %dma_wait3A_68] : memref<4x128x128xf32, #tpu.memory_space<vmem>> -> memref<1x128x128xf32, #tpu.memory_space<vmem>>
    %dma_wait3A_70 = tpu.memref_squeeze %dma_wait3A_69 : memref<1x128x128xf32, #tpu.memory_space<vmem>> -> memref<128x128xf32, #tpu.memory_space<vmem>>
    %dma_wait3A_71 = arith.constant 0 : i32
    %dma_wait3A_72 = arith.constant 0 : i32
    %dma_wait3A_73 = tpu.memref_slice %arg2[%dma_wait3A_71, %dma_wait3A_72] : memref<10000x128xf32, #tpu.memory_space<hbm>> -> memref<128x128xf32, #tpu.memory_space<hbm>>
    %dma_wait3A_74 = arith.constant 0 : i32
    %dma_wait3A_75 = arith.constant 0 : i32
    %dma_wait3A_76 = tpu.memref_slice %arg6[%dma_wait3A_66, %dma_wait3A_74, %dma_wait3A_75] : memref<4x128x128xf32, #tpu.memory_space<vmem>> -> memref<1x128x128xf32, #tpu.memory_space<vmem>>
    %dma_wait3A_77 = tpu.memref_squeeze %dma_wait3A_76 : memref<1x128x128xf32, #tpu.memory_space<vmem>> -> memref<128x128xf32, #tpu.memory_space<vmem>>
    %dma_wait3A_78 = arith.constant 0 : i32
    %dma_wait3A_79 = arith.constant 0 : i32
    %dma_wait3A_80 = tpu.memref_slice %arg2[%dma_wait3A_78, %dma_wait3A_79] : memref<10000x128xf32, #tpu.memory_space<hbm>> -> memref<128x128xf32, #tpu.memory_space<hbm>>
    tpu.wait_dma2 semaphore(%arg13 : memref<!tpu.dma_semaphore, #tpu.memory_space<semaphore_mem>>) src(%dma_wait3A_80 : memref<128x128xf32, #tpu.memory_space<hbm>>) dst(%dma_wait3A_77 : memref<128x128xf32, #tpu.memory_space<vmem>>)
    %dma_wait3A_81 = arith.constant 3 : i32
    %dma_wait3A_82 = arith.constant 0 : i32
    %dma_wait3A_83 = arith.constant 0 : i32
    %dma_wait3A_84 = tpu.memref_slice %arg6[%dma_wait3A_81, %dma_wait3A_82, %dma_wait3A_83] : memref<4x128x128xf32, #tpu.memory_space<vmem>> -> memref<1x128x128xf32, #tpu.memory_space<vmem>>
    %dma_wait3A_85 = tpu.memref_squeeze %dma_wait3A_84 : memref<1x128x128xf32, #tpu.memory_space<vmem>> -> memref<128x128xf32, #tpu.memory_space<vmem>>
    %dma_wait3A_86 = arith.constant 0 : i32
    %dma_wait3A_87 = arith.constant 0 : i32
    %dma_wait3A_88 = tpu.memref_slice %arg2[%dma_wait3A_86, %dma_wait3A_87] : memref<10000x128xf32, #tpu.memory_space<hbm>> -> memref<128x128xf32, #tpu.memory_space<hbm>>
    %dma_wait3A_89 = arith.constant 0 : i32
    %dma_wait3A_90 = arith.constant 0 : i32
    %dma_wait3A_91 = tpu.memref_slice %arg6[%dma_wait3A_81, %dma_wait3A_89, %dma_wait3A_90] : memref<4x128x128xf32, #tpu.memory_space<vmem>> -> memref<1x128x128xf32, #tpu.memory_space<vmem>>
    %dma_wait3A_92 = tpu.memref_squeeze %dma_wait3A_91 : memref<1x128x128xf32, #tpu.memory_space<vmem>> -> memref<128x128xf32, #tpu.memory_space<vmem>>
    %dma_wait3A_93 = arith.constant 0 : i32
    %dma_wait3A_94 = arith.constant 0 : i32
    %dma_wait3A_95 = tpu.memref_slice %arg2[%dma_wait3A_93, %dma_wait3A_94] : memref<10000x128xf32, #tpu.memory_space<hbm>> -> memref<128x128xf32, #tpu.memory_space<hbm>>
    tpu.wait_dma2 semaphore(%arg14 : memref<!tpu.dma_semaphore, #tpu.memory_space<semaphore_mem>>) src(%dma_wait3A_95 : memref<128x128xf32, #tpu.memory_space<hbm>>) dst(%dma_wait3A_92 : memref<128x128xf32, #tpu.memory_space<vmem>>)
    return
  }
}

#map = affine_map<(d0, d1) -> (0, 0)>
#map1 = affine_map<(d0, d1) -> (0)>
module attributes {stable_mosaic.version = 14 : i64} {
  func.func @_gather_body(%arg0: i32, %arg1: i32, %arg2: memref<10000x128xf32, #tpu.memory_space<hbm>>, %arg3: memref<163840xi32, #tpu.memory_space<hbm>>, %arg4: memref<163840x128xf32, #tpu.memory_space<hbm>>, %arg5: memref<5120xi32, #tpu.memory_space<vmem>>, %arg6: memref<4x128x128xf32, #tpu.memory_space<vmem>>, %arg7: memref<!tpu.dma_semaphore, #tpu.memory_space<semaphore_mem>>, %arg8: memref<!tpu.dma_semaphore, #tpu.memory_space<semaphore_mem>>, %arg9: memref<!tpu.dma_semaphore, #tpu.memory_space<semaphore_mem>>, %arg10: memref<!tpu.dma_semaphore, #tpu.memory_space<semaphore_mem>>, %arg11: memref<!tpu.dma_semaphore, #tpu.memory_space<semaphore_mem>>, %arg12: memref<!tpu.dma_semaphore, #tpu.memory_space<semaphore_mem>>, %arg13: memref<!tpu.dma_semaphore, #tpu.memory_space<semaphore_mem>>, %arg14: memref<!tpu.dma_semaphore, #tpu.memory_space<semaphore_mem>>) attributes {dimension_semantics = [#tpu.dimension_semantics<core_parallel>, #tpu.dimension_semantics<subcore_parallel>], iteration_bounds = array<i64: 2, 16>, scalar_prefetch = 0 : i64, scratch_operands = 10 : i64, tpu.core_type = #tpu.core_type<sc_vector_subcore>, window_params = [{transform_indices = #map}, {transform_indices = #map1}, {transform_indices = #map}]} {
    %mul3A = arith.constant 2 : i32
    %mul3A_0 = arith.muli %arg1, %mul3A : i32
    %add3A = arith.addi %mul3A_0, %arg0 : i32
    %mul3A_1 = arith.constant 5120 : i32
    %mul3A_2 = arith.muli %add3A, %mul3A_1 : i32
    "tpu.region"() ({
      %run_scoped3A = tpu.sem_alloc : memref<!tpu.dma_semaphore, #tpu.memory_space<semaphore_mem>>
      %dma_start3A_96 = tpu.memref_slice %arg3[%mul3A_2] : memref<163840xi32, #tpu.memory_space<hbm>> -> memref<5120xi32, #tpu.memory_space<hbm>>
      %dma_start3A_97 = tpu.memref_slice %arg3[%mul3A_2] : memref<163840xi32, #tpu.memory_space<hbm>> -> memref<5120xi32, #tpu.memory_space<hbm>>
      tpu.enqueue_dma source(%dma_start3A_97 : memref<5120xi32, #tpu.memory_space<hbm>>) target(%arg5 : memref<5120xi32, #tpu.memory_space<vmem>>) target_semaphore(%run_scoped3A : memref<!tpu.dma_semaphore, #tpu.memory_space<semaphore_mem>>)
      %dma_wait3A_98 = tpu.memref_slice %arg3[%mul3A_2] : memref<163840xi32, #tpu.memory_space<hbm>> -> memref<5120xi32, #tpu.memory_space<hbm>>
      %dma_wait3A_99 = tpu.memref_slice %arg3[%mul3A_2] : memref<163840xi32, #tpu.memory_space<hbm>> -> memref<5120xi32, #tpu.memory_space<hbm>>
      tpu.wait_dma2 semaphore(%run_scoped3A : memref<!tpu.dma_semaphore, #tpu.memory_space<semaphore_mem>>) src(%dma_wait3A_99 : memref<5120xi32, #tpu.memory_space<hbm>>) dst(%arg5 : memref<5120xi32, #tpu.memory_space<vmem>>)
      tpu.yield
    }) : () -> ()
    %dma_start3A = arith.constant 0 : i32
    %dma_start3A_3 = arith.constant 0 : i32
    %dma_start3A_4 = arith.constant 0 : i32
    %dma_start3A_5 = tpu.memref_slice %arg6[%dma_start3A, %dma_start3A_3, %dma_start3A_4] : memref<4x128x128xf32, #tpu.memory_space<vmem>> -> memref<1x128x128xf32, #tpu.memory_space<vmem>>
    %dma_start3A_6 = tpu.memref_squeeze %dma_start3A_5 : memref<1x128x128xf32, #tpu.memory_space<vmem>> -> memref<128x128xf32, #tpu.memory_space<vmem>>
    %dma_start3A_7 = arith.constant 0 : i32
    %dma_start3A_8 = tpu.memref_slice %arg5[%dma_start3A_7] : memref<5120xi32, #tpu.memory_space<vmem>> -> memref<128xi32, #tpu.memory_space<vmem>>
    %dma_start3A_9 = arith.constant 0 : i32
    %dma_start3A_10 = arith.constant 0 : i32
    %dma_start3A_11 = tpu.memref_slice %arg2[%dma_start3A_9, %dma_start3A_10] : memref<10000x128xf32, #tpu.memory_space<hbm>> -> memref<10000x128xf32, #tpu.memory_space<hbm>>
    tpu.enqueue_indirect_dma source(%dma_start3A_11 : memref<10000x128xf32, #tpu.memory_space<hbm>>) target(%dma_start3A_6 : memref<128x128xf32, #tpu.memory_space<vmem>>) offsets(%dma_start3A_8 : memref<128xi32, #tpu.memory_space<vmem>>) semaphore(%arg7 : memref<!tpu.dma_semaphore, #tpu.memory_space<semaphore_mem>>)
    %dma_start3A_12 = arith.constant 1 : i32
    %dma_start3A_13 = arith.constant 0 : i32
    %dma_start3A_14 = arith.constant 0 : i32
    %dma_start3A_15 = tpu.memref_slice %arg6[%dma_start3A_12, %dma_start3A_13, %dma_start3A_14] : memref<4x128x128xf32, #tpu.memory_space<vmem>> -> memref<1x128x128xf32, #tpu.memory_space<vmem>>
    %dma_start3A_16 = tpu.memref_squeeze %dma_start3A_15 : memref<1x128x128xf32, #tpu.memory_space<vmem>> -> memref<128x128xf32, #tpu.memory_space<vmem>>
    %dma_start3A_17 = arith.constant 128 : i32
    %dma_start3A_18 = tpu.memref_slice %arg5[%dma_start3A_17] : memref<5120xi32, #tpu.memory_space<vmem>> -> memref<128xi32, #tpu.memory_space<vmem>>
    %dma_start3A_19 = arith.constant 0 : i32
    %dma_start3A_20 = arith.constant 0 : i32
    %dma_start3A_21 = tpu.memref_slice %arg2[%dma_start3A_19, %dma_start3A_20] : memref<10000x128xf32, #tpu.memory_space<hbm>> -> memref<10000x128xf32, #tpu.memory_space<hbm>>
    tpu.enqueue_indirect_dma source(%dma_start3A_21 : memref<10000x128xf32, #tpu.memory_space<hbm>>) target(%dma_start3A_16 : memref<128x128xf32, #tpu.memory_space<vmem>>) offsets(%dma_start3A_18 : memref<128xi32, #tpu.memory_space<vmem>>) semaphore(%arg8 : memref<!tpu.dma_semaphore, #tpu.memory_space<semaphore_mem>>)
    %dma_start3A_22 = arith.constant 2 : i32
    %dma_start3A_23 = arith.constant 0 : i32
    %dma_start3A_24 = arith.constant 0 : i32
    %dma_start3A_25 = tpu.memref_slice %arg6[%dma_start3A_22, %dma_start3A_23, %dma_start3A_24] : memref<4x128x128xf32, #tpu.memory_space<vmem>> -> memref<1x128x128xf32, #tpu.memory_space<vmem>>
    %dma_start3A_26 = tpu.memref_squeeze %dma_start3A_25 : memref<1x128x128xf32, #tpu.memory_space<vmem>> -> memref<128x128xf32, #tpu.memory_space<vmem>>
    %dma_start3A_27 = arith.constant 256 : i32
    %dma_start3A_28 = tpu.memref_slice %arg5[%dma_start3A_27] : memref<5120xi32, #tpu.memory_space<vmem>> -> memref<128xi32, #tpu.memory_space<vmem>>
    %dma_start3A_29 = arith.constant 0 : i32
    %dma_start3A_30 = arith.constant 0 : i32
    %dma_start3A_31 = tpu.memref_slice %arg2[%dma_start3A_29, %dma_start3A_30] : memref<10000x128xf32, #tpu.memory_space<hbm>> -> memref<10000x128xf32, #tpu.memory_space<hbm>>
    tpu.enqueue_indirect_dma source(%dma_start3A_31 : memref<10000x128xf32, #tpu.memory_space<hbm>>) target(%dma_start3A_26 : memref<128x128xf32, #tpu.memory_space<vmem>>) offsets(%dma_start3A_28 : memref<128xi32, #tpu.memory_space<vmem>>) semaphore(%arg9 : memref<!tpu.dma_semaphore, #tpu.memory_space<semaphore_mem>>)
    %scan3A = arith.constant 0 : i32
    %scan3A_32 = arith.constant 0 : i32
    %scan3A_33 = arith.constant 10 : i32
    %scan3A_34 = arith.addi %scan3A_32, %scan3A_33 : i32
    %scan3A_35 = arith.constant 1 : i32
    scf.for %scan3A_96 = %scan3A_32 to %scan3A_34 step %scan3A_35  : i32 {
      %mul3A_97 = arith.constant 4 : i32
      %mul3A_98 = arith.muli %scan3A_96, %mul3A_97 : i32
      %add3A_99 = arith.constant 0 : i32
      %add3A_100 = arith.addi %mul3A_98, %add3A_99 : i32
      %add3A_101 = arith.constant 4 : i32
      %add3A_102 = arith.addi %add3A_100, %add3A_101 : i32
      %sub3A = arith.constant 1 : i32
      %sub3A_103 = arith.subi %add3A_102, %sub3A : i32
      %lt3A = arith.constant 40 : i32
      %lt3A_104 = arith.cmpi slt, %sub3A_103, %lt3A : i32
      %convert_element_type3A = arith.extui %lt3A_104 : i1 to i32
      %cond3A = arith.constant 0 : i32
      %cond3A_105 = arith.cmpi ne, %convert_element_type3A, %cond3A : i32
      scf.if %cond3A_105 {
        %ge3A = arith.constant 1 : i32
        %ge3A_269 = arith.cmpi sge, %add3A_100, %ge3A : i32
        %convert_element_type3A_270 = arith.extui %ge3A_269 : i1 to i32
        %cond3A_271 = arith.constant 0 : i32
        %cond3A_272 = arith.cmpi ne, %convert_element_type3A_270, %cond3A_271 : i32
        scf.if %cond3A_272 {
          %dma_wait3A_288 = arith.constant 3 : i32
          %dma_wait3A_289 = arith.constant 0 : i32
          %dma_wait3A_290 = arith.constant 0 : i32
          %dma_wait3A_291 = tpu.memref_slice %arg6[%dma_wait3A_288, %dma_wait3A_289, %dma_wait3A_290] : memref<4x128x128xf32, #tpu.memory_space<vmem>> -> memref<1x128x128xf32, #tpu.memory_space<vmem>>
          %dma_wait3A_292 = tpu.memref_squeeze %dma_wait3A_291 : memref<1x128x128xf32, #tpu.memory_space<vmem>> -> memref<128x128xf32, #tpu.memory_space<vmem>>
          %dma_wait3A_293 = arith.constant 0 : i32
          %dma_wait3A_294 = arith.constant 0 : i32
          %dma_wait3A_295 = tpu.memref_slice %arg2[%dma_wait3A_293, %dma_wait3A_294] : memref<10000x128xf32, #tpu.memory_space<hbm>> -> memref<128x128xf32, #tpu.memory_space<hbm>>
          %dma_wait3A_296 = arith.constant 0 : i32
          %dma_wait3A_297 = arith.constant 0 : i32
          %dma_wait3A_298 = tpu.memref_slice %arg6[%dma_wait3A_288, %dma_wait3A_296, %dma_wait3A_297] : memref<4x128x128xf32, #tpu.memory_space<vmem>> -> memref<1x128x128xf32, #tpu.memory_space<vmem>>
          %dma_wait3A_299 = tpu.memref_squeeze %dma_wait3A_298 : memref<1x128x128xf32, #tpu.memory_space<vmem>> -> memref<128x128xf32, #tpu.memory_space<vmem>>
          %dma_wait3A_300 = arith.constant 0 : i32
          %dma_wait3A_301 = arith.constant 0 : i32
          %dma_wait3A_302 = tpu.memref_slice %arg2[%dma_wait3A_300, %dma_wait3A_301] : memref<10000x128xf32, #tpu.memory_space<hbm>> -> memref<128x128xf32, #tpu.memory_space<hbm>>
          tpu.wait_dma2 semaphore(%arg14 : memref<!tpu.dma_semaphore, #tpu.memory_space<semaphore_mem>>) src(%dma_wait3A_302 : memref<128x128xf32, #tpu.memory_space<hbm>>) dst(%dma_wait3A_299 : memref<128x128xf32, #tpu.memory_space<vmem>>)
        } else {
        }
        %add3A_273 = arith.constant 4 : i32
        %add3A_274 = arith.addi %add3A_100, %add3A_273 : i32
        %sub3A_275 = arith.constant 1 : i32
        %sub3A_276 = arith.subi %add3A_274, %sub3A_275 : i32
        %mul3A_277 = arith.constant 128 : i32
        %mul3A_278 = arith.muli %sub3A_276, %mul3A_277 : i32
        %dma_start3A_279 = arith.constant 3 : i32
        %dma_start3A_280 = arith.constant 0 : i32
        %dma_start3A_281 = arith.constant 0 : i32
        %dma_start3A_282 = tpu.memref_slice %arg6[%dma_start3A_279, %dma_start3A_280, %dma_start3A_281] : memref<4x128x128xf32, #tpu.memory_space<vmem>> -> memref<1x128x128xf32, #tpu.memory_space<vmem>>
        %dma_start3A_283 = tpu.memref_squeeze %dma_start3A_282 : memref<1x128x128xf32, #tpu.memory_space<vmem>> -> memref<128x128xf32, #tpu.memory_space<vmem>>
        %dma_start3A_284 = tpu.memref_slice %arg5[%mul3A_278] : memref<5120xi32, #tpu.memory_space<vmem>> -> memref<128xi32, #tpu.memory_space<vmem>>
        %dma_start3A_285 = arith.constant 0 : i32
        %dma_start3A_286 = arith.constant 0 : i32
        %dma_start3A_287 = tpu.memref_slice %arg2[%dma_start3A_285, %dma_start3A_286] : memref<10000x128xf32, #tpu.memory_space<hbm>> -> memref<10000x128xf32, #tpu.memory_space<hbm>>
        tpu.enqueue_indirect_dma source(%dma_start3A_287 : memref<10000x128xf32, #tpu.memory_space<hbm>>) target(%dma_start3A_283 : memref<128x128xf32, #tpu.memory_space<vmem>>) offsets(%dma_start3A_284 : memref<128xi32, #tpu.memory_space<vmem>>) semaphore(%arg10 : memref<!tpu.dma_semaphore, #tpu.memory_space<semaphore_mem>>)
      } else {
      }
      %dma_wait3A_106 = arith.constant 0 : i32
      %dma_wait3A_107 = arith.constant 0 : i32
      %dma_wait3A_108 = arith.constant 0 : i32
      %dma_wait3A_109 = tpu.memref_slice %arg6[%dma_wait3A_106, %dma_wait3A_107, %dma_wait3A_108] : memref<4x128x128xf32, #tpu.memory_space<vmem>> -> memref<1x128x128xf32, #tpu.memory_space<vmem>>
      %dma_wait3A_110 = tpu.memref_squeeze %dma_wait3A_109 : memref<1x128x128xf32, #tpu.memory_space<vmem>> -> memref<128x128xf32, #tpu.memory_space<vmem>>
      %dma_wait3A_111 = arith.constant 0 : i32
      %dma_wait3A_112 = arith.constant 0 : i32
      %dma_wait3A_113 = tpu.memref_slice %arg2[%dma_wait3A_111, %dma_wait3A_112] : memref<10000x128xf32, #tpu.memory_space<hbm>> -> memref<128x128xf32, #tpu.memory_space<hbm>>
      %dma_wait3A_114 = arith.constant 0 : i32
      %dma_wait3A_115 = arith.constant 0 : i32
      %dma_wait3A_116 = tpu.memref_slice %arg6[%dma_wait3A_106, %dma_wait3A_114, %dma_wait3A_115] : memref<4x128x128xf32, #tpu.memory_space<vmem>> -> memref<1x128x128xf32, #tpu.memory_space<vmem>>
      %dma_wait3A_117 = tpu.memref_squeeze %dma_wait3A_116 : memref<1x128x128xf32, #tpu.memory_space<vmem>> -> memref<128x128xf32, #tpu.memory_space<vmem>>
      %dma_wait3A_118 = arith.constant 0 : i32
      %dma_wait3A_119 = arith.constant 0 : i32
      %dma_wait3A_120 = tpu.memref_slice %arg2[%dma_wait3A_118, %dma_wait3A_119] : memref<10000x128xf32, #tpu.memory_space<hbm>> -> memref<128x128xf32, #tpu.memory_space<hbm>>
      tpu.wait_dma2 semaphore(%arg7 : memref<!tpu.dma_semaphore, #tpu.memory_space<semaphore_mem>>) src(%dma_wait3A_120 : memref<128x128xf32, #tpu.memory_space<hbm>>) dst(%dma_wait3A_117 : memref<128x128xf32, #tpu.memory_space<vmem>>)
      %mul3A_121 = arith.constant 128 : i32
      %mul3A_122 = arith.muli %add3A_100, %mul3A_121 : i32
      %add3A_123 = arith.addi %mul3A_2, %mul3A_122 : i32
      %dma_start3A_124 = arith.constant 0 : i32
      %dma_start3A_125 = arith.constant 0 : i32
      %dma_start3A_126 = arith.constant 0 : i32
      %dma_start3A_127 = tpu.memref_slice %arg6[%dma_start3A_124, %dma_start3A_125, %dma_start3A_126] : memref<4x128x128xf32, #tpu.memory_space<vmem>> -> memref<1x128x128xf32, #tpu.memory_space<vmem>>
      %dma_start3A_128 = tpu.memref_squeeze %dma_start3A_127 : memref<1x128x128xf32, #tpu.memory_space<vmem>> -> memref<128x128xf32, #tpu.memory_space<vmem>>
      %dma_start3A_129 = arith.constant 0 : i32
      %dma_start3A_130 = tpu.memref_slice %arg4[%add3A_123, %dma_start3A_129] : memref<163840x128xf32, #tpu.memory_space<hbm>> -> memref<128x128xf32, #tpu.memory_space<hbm>>
      %dma_start3A_131 = arith.constant 0 : i32
      %dma_start3A_132 = tpu.memref_slice %arg4[%add3A_123, %dma_start3A_131] : memref<163840x128xf32, #tpu.memory_space<hbm>> -> memref<128x128xf32, #tpu.memory_space<hbm>>
      %dma_start3A_133 = arith.constant 0 : i32
      %dma_start3A_134 = arith.constant 0 : i32
      %dma_start3A_135 = tpu.memref_slice %arg6[%dma_start3A_124, %dma_start3A_133, %dma_start3A_134] : memref<4x128x128xf32, #tpu.memory_space<vmem>> -> memref<1x128x128xf32, #tpu.memory_space<vmem>>
      %dma_start3A_136 = tpu.memref_squeeze %dma_start3A_135 : memref<1x128x128xf32, #tpu.memory_space<vmem>> -> memref<128x128xf32, #tpu.memory_space<vmem>>
      tpu.enqueue_dma source(%dma_start3A_136 : memref<128x128xf32, #tpu.memory_space<vmem>>) target(%dma_start3A_132 : memref<128x128xf32, #tpu.memory_space<hbm>>) target_semaphore(%arg11 : memref<!tpu.dma_semaphore, #tpu.memory_space<semaphore_mem>>)
      %mul3A_137 = arith.constant 4 : i32
      %mul3A_138 = arith.muli %scan3A_96, %mul3A_137 : i32
      %add3A_139 = arith.constant 1 : i32
      %add3A_140 = arith.addi %mul3A_138, %add3A_139 : i32
      %add3A_141 = arith.constant 4 : i32
      %add3A_142 = arith.addi %add3A_140, %add3A_141 : i32
      %sub3A_143 = arith.constant 1 : i32
      %sub3A_144 = arith.subi %add3A_142, %sub3A_143 : i32
      %lt3A_145 = arith.constant 40 : i32
      %lt3A_146 = arith.cmpi slt, %sub3A_144, %lt3A_145 : i32
      %convert_element_type3A_147 = arith.extui %lt3A_146 : i1 to i32
      %cond3A_148 = arith.constant 0 : i32
      %cond3A_149 = arith.cmpi ne, %convert_element_type3A_147, %cond3A_148 : i32
      scf.if %cond3A_149 {
        %ge3A = arith.constant 1 : i32
        %ge3A_269 = arith.cmpi sge, %add3A_140, %ge3A : i32
        %convert_element_type3A_270 = arith.extui %ge3A_269 : i1 to i32
        %cond3A_271 = arith.constant 0 : i32
        %cond3A_272 = arith.cmpi ne, %convert_element_type3A_270, %cond3A_271 : i32
        scf.if %cond3A_272 {
          %dma_wait3A_288 = arith.constant 0 : i32
          %dma_wait3A_289 = arith.constant 0 : i32
          %dma_wait3A_290 = arith.constant 0 : i32
          %dma_wait3A_291 = tpu.memref_slice %arg6[%dma_wait3A_288, %dma_wait3A_289, %dma_wait3A_290] : memref<4x128x128xf32, #tpu.memory_space<vmem>> -> memref<1x128x128xf32, #tpu.memory_space<vmem>>
          %dma_wait3A_292 = tpu.memref_squeeze %dma_wait3A_291 : memref<1x128x128xf32, #tpu.memory_space<vmem>> -> memref<128x128xf32, #tpu.memory_space<vmem>>
          %dma_wait3A_293 = arith.constant 0 : i32
          %dma_wait3A_294 = arith.constant 0 : i32
          %dma_wait3A_295 = tpu.memref_slice %arg2[%dma_wait3A_293, %dma_wait3A_294] : memref<10000x128xf32, #tpu.memory_space<hbm>> -> memref<128x128xf32, #tpu.memory_space<hbm>>
          %dma_wait3A_296 = arith.constant 0 : i32
          %dma_wait3A_297 = arith.constant 0 : i32
          %dma_wait3A_298 = tpu.memref_slice %arg6[%dma_wait3A_288, %dma_wait3A_296, %dma_wait3A_297] : memref<4x128x128xf32, #tpu.memory_space<vmem>> -> memref<1x128x128xf32, #tpu.memory_space<vmem>>
          %dma_wait3A_299 = tpu.memref_squeeze %dma_wait3A_298 : memref<1x128x128xf32, #tpu.memory_space<vmem>> -> memref<128x128xf32, #tpu.memory_space<vmem>>
          %dma_wait3A_300 = arith.constant 0 : i32
          %dma_wait3A_301 = arith.constant 0 : i32
          %dma_wait3A_302 = tpu.memref_slice %arg2[%dma_wait3A_300, %dma_wait3A_301] : memref<10000x128xf32, #tpu.memory_space<hbm>> -> memref<128x128xf32, #tpu.memory_space<hbm>>
          tpu.wait_dma2 semaphore(%arg11 : memref<!tpu.dma_semaphore, #tpu.memory_space<semaphore_mem>>) src(%dma_wait3A_302 : memref<128x128xf32, #tpu.memory_space<hbm>>) dst(%dma_wait3A_299 : memref<128x128xf32, #tpu.memory_space<vmem>>)
        } else {
        }
        %add3A_273 = arith.constant 4 : i32
        %add3A_274 = arith.addi %add3A_140, %add3A_273 : i32
        %sub3A_275 = arith.constant 1 : i32
        %sub3A_276 = arith.subi %add3A_274, %sub3A_275 : i32
        %mul3A_277 = arith.constant 128 : i32
        %mul3A_278 = arith.muli %sub3A_276, %mul3A_277 : i32
        %dma_start3A_279 = arith.constant 0 : i32
        %dma_start3A_280 = arith.constant 0 : i32
        %dma_start3A_281 = arith.constant 0 : i32
        %dma_start3A_282 = tpu.memref_slice %arg6[%dma_start3A_279, %dma_start3A_280, %dma_start3A_281] : memref<4x128x128xf32, #tpu.memory_space<vmem>> -> memref<1x128x128xf32, #tpu.memory_space<vmem>>
        %dma_start3A_283 = tpu.memref_squeeze %dma_start3A_282 : memref<1x128x128xf32, #tpu.memory_space<vmem>> -> memref<128x128xf32, #tpu.memory_space<vmem>>
        %dma_start3A_284 = tpu.memref_slice %arg5[%mul3A_278] : memref<5120xi32, #tpu.memory_space<vmem>> -> memref<128xi32, #tpu.memory_space<vmem>>
        %dma_start3A_285 = arith.constant 0 : i32
        %dma_start3A_286 = arith.constant 0 : i32
        %dma_start3A_287 = tpu.memref_slice %arg2[%dma_start3A_285, %dma_start3A_286] : memref<10000x128xf32, #tpu.memory_space<hbm>> -> memref<10000x128xf32, #tpu.memory_space<hbm>>
        tpu.enqueue_indirect_dma source(%dma_start3A_287 : memref<10000x128xf32, #tpu.memory_space<hbm>>) target(%dma_start3A_283 : memref<128x128xf32, #tpu.memory_space<vmem>>) offsets(%dma_start3A_284 : memref<128xi32, #tpu.memory_space<vmem>>) semaphore(%arg7 : memref<!tpu.dma_semaphore, #tpu.memory_space<semaphore_mem>>)
      } else {
      }
      %dma_wait3A_150 = arith.constant 1 : i32
      %dma_wait3A_151 = arith.constant 0 : i32
      %dma_wait3A_152 = arith.constant 0 : i32
      %dma_wait3A_153 = tpu.memref_slice %arg6[%dma_wait3A_150, %dma_wait3A_151, %dma_wait3A_152] : memref<4x128x128xf32, #tpu.memory_space<vmem>> -> memref<1x128x128xf32, #tpu.memory_space<vmem>>
      %dma_wait3A_154 = tpu.memref_squeeze %dma_wait3A_153 : memref<1x128x128xf32, #tpu.memory_space<vmem>> -> memref<128x128xf32, #tpu.memory_space<vmem>>
      %dma_wait3A_155 = arith.constant 0 : i32
      %dma_wait3A_156 = arith.constant 0 : i32
      %dma_wait3A_157 = tpu.memref_slice %arg2[%dma_wait3A_155, %dma_wait3A_156] : memref<10000x128xf32, #tpu.memory_space<hbm>> -> memref<128x128xf32, #tpu.memory_space<hbm>>
      %dma_wait3A_158 = arith.constant 0 : i32
      %dma_wait3A_159 = arith.constant 0 : i32
      %dma_wait3A_160 = tpu.memref_slice %arg6[%dma_wait3A_150, %dma_wait3A_158, %dma_wait3A_159] : memref<4x128x128xf32, #tpu.memory_space<vmem>> -> memref<1x128x128xf32, #tpu.memory_space<vmem>>
      %dma_wait3A_161 = tpu.memref_squeeze %dma_wait3A_160 : memref<1x128x128xf32, #tpu.memory_space<vmem>> -> memref<128x128xf32, #tpu.memory_space<vmem>>
      %dma_wait3A_162 = arith.constant 0 : i32
      %dma_wait3A_163 = arith.constant 0 : i32
      %dma_wait3A_164 = tpu.memref_slice %arg2[%dma_wait3A_162, %dma_wait3A_163] : memref<10000x128xf32, #tpu.memory_space<hbm>> -> memref<128x128xf32, #tpu.memory_space<hbm>>
      tpu.wait_dma2 semaphore(%arg8 : memref<!tpu.dma_semaphore, #tpu.memory_space<semaphore_mem>>) src(%dma_wait3A_164 : memref<128x128xf32, #tpu.memory_space<hbm>>) dst(%dma_wait3A_161 : memref<128x128xf32, #tpu.memory_space<vmem>>)
      %mul3A_165 = arith.constant 128 : i32
      %mul3A_166 = arith.muli %add3A_140, %mul3A_165 : i32
      %add3A_167 = arith.addi %mul3A_2, %mul3A_166 : i32
      %dma_start3A_168 = arith.constant 1 : i32
      %dma_start3A_169 = arith.constant 0 : i32
      %dma_start3A_170 = arith.constant 0 : i32
      %dma_start3A_171 = tpu.memref_slice %arg6[%dma_start3A_168, %dma_start3A_169, %dma_start3A_170] : memref<4x128x128xf32, #tpu.memory_space<vmem>> -> memref<1x128x128xf32, #tpu.memory_space<vmem>>
      %dma_start3A_172 = tpu.memref_squeeze %dma_start3A_171 : memref<1x128x128xf32, #tpu.memory_space<vmem>> -> memref<128x128xf32, #tpu.memory_space<vmem>>
      %dma_start3A_173 = arith.constant 0 : i32
      %dma_start3A_174 = tpu.memref_slice %arg4[%add3A_167, %dma_start3A_173] : memref<163840x128xf32, #tpu.memory_space<hbm>> -> memref<128x128xf32, #tpu.memory_space<hbm>>
      %dma_start3A_175 = arith.constant 0 : i32
      %dma_start3A_176 = tpu.memref_slice %arg4[%add3A_167, %dma_start3A_175] : memref<163840x128xf32, #tpu.memory_space<hbm>> -> memref<128x128xf32, #tpu.memory_space<hbm>>
      %dma_start3A_177 = arith.constant 0 : i32
      %dma_start3A_178 = arith.constant 0 : i32
      %dma_start3A_179 = tpu.memref_slice %arg6[%dma_start3A_168, %dma_start3A_177, %dma_start3A_178] : memref<4x128x128xf32, #tpu.memory_space<vmem>> -> memref<1x128x128xf32, #tpu.memory_space<vmem>>
      %dma_start3A_180 = tpu.memref_squeeze %dma_start3A_179 : memref<1x128x128xf32, #tpu.memory_space<vmem>> -> memref<128x128xf32, #tpu.memory_space<vmem>>
      tpu.enqueue_dma source(%dma_start3A_180 : memref<128x128xf32, #tpu.memory_space<vmem>>) target(%dma_start3A_176 : memref<128x128xf32, #tpu.memory_space<hbm>>) target_semaphore(%arg12 : memref<!tpu.dma_semaphore, #tpu.memory_space<semaphore_mem>>)
      %mul3A_181 = arith.constant 4 : i32
      %mul3A_182 = arith.muli %scan3A_96, %mul3A_181 : i32
      %add3A_183 = arith.constant 2 : i32
      %add3A_184 = arith.addi %mul3A_182, %add3A_183 : i32
      %add3A_185 = arith.constant 4 : i32
      %add3A_186 = arith.addi %add3A_184, %add3A_185 : i32
      %sub3A_187 = arith.constant 1 : i32
      %sub3A_188 = arith.subi %add3A_186, %sub3A_187 : i32
      %lt3A_189 = arith.constant 40 : i32
      %lt3A_190 = arith.cmpi slt, %sub3A_188, %lt3A_189 : i32
      %convert_element_type3A_191 = arith.extui %lt3A_190 : i1 to i32
      %cond3A_192 = arith.constant 0 : i32
      %cond3A_193 = arith.cmpi ne, %convert_element_type3A_191, %cond3A_192 : i32
      scf.if %cond3A_193 {
        %ge3A = arith.constant 1 : i32
        %ge3A_269 = arith.cmpi sge, %add3A_184, %ge3A : i32
        %convert_element_type3A_270 = arith.extui %ge3A_269 : i1 to i32
        %cond3A_271 = arith.constant 0 : i32
        %cond3A_272 = arith.cmpi ne, %convert_element_type3A_270, %cond3A_271 : i32
        scf.if %cond3A_272 {
          %dma_wait3A_288 = arith.constant 1 : i32
          %dma_wait3A_289 = arith.constant 0 : i32
          %dma_wait3A_290 = arith.constant 0 : i32
          %dma_wait3A_291 = tpu.memref_slice %arg6[%dma_wait3A_288, %dma_wait3A_289, %dma_wait3A_290] : memref<4x128x128xf32, #tpu.memory_space<vmem>> -> memref<1x128x128xf32, #tpu.memory_space<vmem>>
          %dma_wait3A_292 = tpu.memref_squeeze %dma_wait3A_291 : memref<1x128x128xf32, #tpu.memory_space<vmem>> -> memref<128x128xf32, #tpu.memory_space<vmem>>
          %dma_wait3A_293 = arith.constant 0 : i32
          %dma_wait3A_294 = arith.constant 0 : i32
          %dma_wait3A_295 = tpu.memref_slice %arg2[%dma_wait3A_293, %dma_wait3A_294] : memref<10000x128xf32, #tpu.memory_space<hbm>> -> memref<128x128xf32, #tpu.memory_space<hbm>>
          %dma_wait3A_296 = arith.constant 0 : i32
          %dma_wait3A_297 = arith.constant 0 : i32
          %dma_wait3A_298 = tpu.memref_slice %arg6[%dma_wait3A_288, %dma_wait3A_296, %dma_wait3A_297] : memref<4x128x128xf32, #tpu.memory_space<vmem>> -> memref<1x128x128xf32, #tpu.memory_space<vmem>>
          %dma_wait3A_299 = tpu.memref_squeeze %dma_wait3A_298 : memref<1x128x128xf32, #tpu.memory_space<vmem>> -> memref<128x128xf32, #tpu.memory_space<vmem>>
          %dma_wait3A_300 = arith.constant 0 : i32
          %dma_wait3A_301 = arith.constant 0 : i32
          %dma_wait3A_302 = tpu.memref_slice %arg2[%dma_wait3A_300, %dma_wait3A_301] : memref<10000x128xf32, #tpu.memory_space<hbm>> -> memref<128x128xf32, #tpu.memory_space<hbm>>
          tpu.wait_dma2 semaphore(%arg12 : memref<!tpu.dma_semaphore, #tpu.memory_space<semaphore_mem>>) src(%dma_wait3A_302 : memref<128x128xf32, #tpu.memory_space<hbm>>) dst(%dma_wait3A_299 : memref<128x128xf32, #tpu.memory_space<vmem>>)
        } else {
        }
        %add3A_273 = arith.constant 4 : i32
        %add3A_274 = arith.addi %add3A_184, %add3A_273 : i32
        %sub3A_275 = arith.constant 1 : i32
        %sub3A_276 = arith.subi %add3A_274, %sub3A_275 : i32
        %mul3A_277 = arith.constant 128 : i32
        %mul3A_278 = arith.muli %sub3A_276, %mul3A_277 : i32
        %dma_start3A_279 = arith.constant 1 : i32
        %dma_start3A_280 = arith.constant 0 : i32
        %dma_start3A_281 = arith.constant 0 : i32
        %dma_start3A_282 = tpu.memref_slice %arg6[%dma_start3A_279, %dma_start3A_280, %dma_start3A_281] : memref<4x128x128xf32, #tpu.memory_space<vmem>> -> memref<1x128x128xf32, #tpu.memory_space<vmem>>
        %dma_start3A_283 = tpu.memref_squeeze %dma_start3A_282 : memref<1x128x128xf32, #tpu.memory_space<vmem>> -> memref<128x128xf32, #tpu.memory_space<vmem>>
        %dma_start3A_284 = tpu.memref_slice %arg5[%mul3A_278] : memref<5120xi32, #tpu.memory_space<vmem>> -> memref<128xi32, #tpu.memory_space<vmem>>
        %dma_start3A_285 = arith.constant 0 : i32
        %dma_start3A_286 = arith.constant 0 : i32
        %dma_start3A_287 = tpu.memref_slice %arg2[%dma_start3A_285, %dma_start3A_286] : memref<10000x128xf32, #tpu.memory_space<hbm>> -> memref<10000x128xf32, #tpu.memory_space<hbm>>
        tpu.enqueue_indirect_dma source(%dma_start3A_287 : memref<10000x128xf32, #tpu.memory_space<hbm>>) target(%dma_start3A_283 : memref<128x128xf32, #tpu.memory_space<vmem>>) offsets(%dma_start3A_284 : memref<128xi32, #tpu.memory_space<vmem>>) semaphore(%arg8 : memref<!tpu.dma_semaphore, #tpu.memory_space<semaphore_mem>>)
      } else {
      }
      %dma_wait3A_194 = arith.constant 2 : i32
      %dma_wait3A_195 = arith.constant 0 : i32
      %dma_wait3A_196 = arith.constant 0 : i32
      %dma_wait3A_197 = tpu.memref_slice %arg6[%dma_wait3A_194, %dma_wait3A_195, %dma_wait3A_196] : memref<4x128x128xf32, #tpu.memory_space<vmem>> -> memref<1x128x128xf32, #tpu.memory_space<vmem>>
      %dma_wait3A_198 = tpu.memref_squeeze %dma_wait3A_197 : memref<1x128x128xf32, #tpu.memory_space<vmem>> -> memref<128x128xf32, #tpu.memory_space<vmem>>
      %dma_wait3A_199 = arith.constant 0 : i32
      %dma_wait3A_200 = arith.constant 0 : i32
      %dma_wait3A_201 = tpu.memref_slice %arg2[%dma_wait3A_199, %dma_wait3A_200] : memref<10000x128xf32, #tpu.memory_space<hbm>> -> memref<128x128xf32, #tpu.memory_space<hbm>>
      %dma_wait3A_202 = arith.constant 0 : i32
      %dma_wait3A_203 = arith.constant 0 : i32
      %dma_wait3A_204 = tpu.memref_slice %arg6[%dma_wait3A_194, %dma_wait3A_202, %dma_wait3A_203] : memref<4x128x128xf32, #tpu.memory_space<vmem>> -> memref<1x128x128xf32, #tpu.memory_space<vmem>>
      %dma_wait3A_205 = tpu.memref_squeeze %dma_wait3A_204 : memref<1x128x128xf32, #tpu.memory_space<vmem>> -> memref<128x128xf32, #tpu.memory_space<vmem>>
      %dma_wait3A_206 = arith.constant 0 : i32
      %dma_wait3A_207 = arith.constant 0 : i32
      %dma_wait3A_208 = tpu.memref_slice %arg2[%dma_wait3A_206, %dma_wait3A_207] : memref<10000x128xf32, #tpu.memory_space<hbm>> -> memref<128x128xf32, #tpu.memory_space<hbm>>
      tpu.wait_dma2 semaphore(%arg9 : memref<!tpu.dma_semaphore, #tpu.memory_space<semaphore_mem>>) src(%dma_wait3A_208 : memref<128x128xf32, #tpu.memory_space<hbm>>) dst(%dma_wait3A_205 : memref<128x128xf32, #tpu.memory_space<vmem>>)
      %mul3A_209 = arith.constant 128 : i32
      %mul3A_210 = arith.muli %add3A_184, %mul3A_209 : i32
      %add3A_211 = arith.addi %mul3A_2, %mul3A_210 : i32
      %dma_start3A_212 = arith.constant 2 : i32
      %dma_start3A_213 = arith.constant 0 : i32
      %dma_start3A_214 = arith.constant 0 : i32
      %dma_start3A_215 = tpu.memref_slice %arg6[%dma_start3A_212, %dma_start3A_213, %dma_start3A_214] : memref<4x128x128xf32, #tpu.memory_space<vmem>> -> memref<1x128x128xf32, #tpu.memory_space<vmem>>
      %dma_start3A_216 = tpu.memref_squeeze %dma_start3A_215 : memref<1x128x128xf32, #tpu.memory_space<vmem>> -> memref<128x128xf32, #tpu.memory_space<vmem>>
      %dma_start3A_217 = arith.constant 0 : i32
      %dma_start3A_218 = tpu.memref_slice %arg4[%add3A_211, %dma_start3A_217] : memref<163840x128xf32, #tpu.memory_space<hbm>> -> memref<128x128xf32, #tpu.memory_space<hbm>>
      %dma_start3A_219 = arith.constant 0 : i32
      %dma_start3A_220 = tpu.memref_slice %arg4[%add3A_211, %dma_start3A_219] : memref<163840x128xf32, #tpu.memory_space<hbm>> -> memref<128x128xf32, #tpu.memory_space<hbm>>
      %dma_start3A_221 = arith.constant 0 : i32
      %dma_start3A_222 = arith.constant 0 : i32
      %dma_start3A_223 = tpu.memref_slice %arg6[%dma_start3A_212, %dma_start3A_221, %dma_start3A_222] : memref<4x128x128xf32, #tpu.memory_space<vmem>> -> memref<1x128x128xf32, #tpu.memory_space<vmem>>
      %dma_start3A_224 = tpu.memref_squeeze %dma_start3A_223 : memref<1x128x128xf32, #tpu.memory_space<vmem>> -> memref<128x128xf32, #tpu.memory_space<vmem>>
      tpu.enqueue_dma source(%dma_start3A_224 : memref<128x128xf32, #tpu.memory_space<vmem>>) target(%dma_start3A_220 : memref<128x128xf32, #tpu.memory_space<hbm>>) target_semaphore(%arg13 : memref<!tpu.dma_semaphore, #tpu.memory_space<semaphore_mem>>)
      %mul3A_225 = arith.constant 4 : i32
      %mul3A_226 = arith.muli %scan3A_96, %mul3A_225 : i32
      %add3A_227 = arith.constant 3 : i32
      %add3A_228 = arith.addi %mul3A_226, %add3A_227 : i32
      %add3A_229 = arith.constant 4 : i32
      %add3A_230 = arith.addi %add3A_228, %add3A_229 : i32
      %sub3A_231 = arith.constant 1 : i32
      %sub3A_232 = arith.subi %add3A_230, %sub3A_231 : i32
      %lt3A_233 = arith.constant 40 : i32
      %lt3A_234 = arith.cmpi slt, %sub3A_232, %lt3A_233 : i32
      %convert_element_type3A_235 = arith.extui %lt3A_234 : i1 to i32
      %cond3A_236 = arith.constant 0 : i32
      %cond3A_237 = arith.cmpi ne, %convert_element_type3A_235, %cond3A_236 : i32
      scf.if %cond3A_237 {
        %ge3A = arith.constant 1 : i32
        %ge3A_269 = arith.cmpi sge, %add3A_228, %ge3A : i32
        %convert_element_type3A_270 = arith.extui %ge3A_269 : i1 to i32
        %cond3A_271 = arith.constant 0 : i32
        %cond3A_272 = arith.cmpi ne, %convert_element_type3A_270, %cond3A_271 : i32
        scf.if %cond3A_272 {
          %dma_wait3A_288 = arith.constant 2 : i32
          %dma_wait3A_289 = arith.constant 0 : i32
          %dma_wait3A_290 = arith.constant 0 : i32
          %dma_wait3A_291 = tpu.memref_slice %arg6[%dma_wait3A_288, %dma_wait3A_289, %dma_wait3A_290] : memref<4x128x128xf32, #tpu.memory_space<vmem>> -> memref<1x128x128xf32, #tpu.memory_space<vmem>>
          %dma_wait3A_292 = tpu.memref_squeeze %dma_wait3A_291 : memref<1x128x128xf32, #tpu.memory_space<vmem>> -> memref<128x128xf32, #tpu.memory_space<vmem>>
          %dma_wait3A_293 = arith.constant 0 : i32
          %dma_wait3A_294 = arith.constant 0 : i32
          %dma_wait3A_295 = tpu.memref_slice %arg2[%dma_wait3A_293, %dma_wait3A_294] : memref<10000x128xf32, #tpu.memory_space<hbm>> -> memref<128x128xf32, #tpu.memory_space<hbm>>
          %dma_wait3A_296 = arith.constant 0 : i32
          %dma_wait3A_297 = arith.constant 0 : i32
          %dma_wait3A_298 = tpu.memref_slice %arg6[%dma_wait3A_288, %dma_wait3A_296, %dma_wait3A_297] : memref<4x128x128xf32, #tpu.memory_space<vmem>> -> memref<1x128x128xf32, #tpu.memory_space<vmem>>
          %dma_wait3A_299 = tpu.memref_squeeze %dma_wait3A_298 : memref<1x128x128xf32, #tpu.memory_space<vmem>> -> memref<128x128xf32, #tpu.memory_space<vmem>>
          %dma_wait3A_300 = arith.constant 0 : i32
          %dma_wait3A_301 = arith.constant 0 : i32
          %dma_wait3A_302 = tpu.memref_slice %arg2[%dma_wait3A_300, %dma_wait3A_301] : memref<10000x128xf32, #tpu.memory_space<hbm>> -> memref<128x128xf32, #tpu.memory_space<hbm>>
          tpu.wait_dma2 semaphore(%arg13 : memref<!tpu.dma_semaphore, #tpu.memory_space<semaphore_mem>>) src(%dma_wait3A_302 : memref<128x128xf32, #tpu.memory_space<hbm>>) dst(%dma_wait3A_299 : memref<128x128xf32, #tpu.memory_space<vmem>>)
        } else {
        }
        %add3A_273 = arith.constant 4 : i32
        %add3A_274 = arith.addi %add3A_228, %add3A_273 : i32
        %sub3A_275 = arith.constant 1 : i32
        %sub3A_276 = arith.subi %add3A_274, %sub3A_275 : i32
        %mul3A_277 = arith.constant 128 : i32
        %mul3A_278 = arith.muli %sub3A_276, %mul3A_277 : i32
        %dma_start3A_279 = arith.constant 2 : i32
        %dma_start3A_280 = arith.constant 0 : i32
        %dma_start3A_281 = arith.constant 0 : i32
        %dma_start3A_282 = tpu.memref_slice %arg6[%dma_start3A_279, %dma_start3A_280, %dma_start3A_281] : memref<4x128x128xf32, #tpu.memory_space<vmem>> -> memref<1x128x128xf32, #tpu.memory_space<vmem>>
        %dma_start3A_283 = tpu.memref_squeeze %dma_start3A_282 : memref<1x128x128xf32, #tpu.memory_space<vmem>> -> memref<128x128xf32, #tpu.memory_space<vmem>>
        %dma_start3A_284 = tpu.memref_slice %arg5[%mul3A_278] : memref<5120xi32, #tpu.memory_space<vmem>> -> memref<128xi32, #tpu.memory_space<vmem>>
        %dma_start3A_285 = arith.constant 0 : i32
        %dma_start3A_286 = arith.constant 0 : i32
        %dma_start3A_287 = tpu.memref_slice %arg2[%dma_start3A_285, %dma_start3A_286] : memref<10000x128xf32, #tpu.memory_space<hbm>> -> memref<10000x128xf32, #tpu.memory_space<hbm>>
        tpu.enqueue_indirect_dma source(%dma_start3A_287 : memref<10000x128xf32, #tpu.memory_space<hbm>>) target(%dma_start3A_283 : memref<128x128xf32, #tpu.memory_space<vmem>>) offsets(%dma_start3A_284 : memref<128xi32, #tpu.memory_space<vmem>>) semaphore(%arg9 : memref<!tpu.dma_semaphore, #tpu.memory_space<semaphore_mem>>)
      } else {
      }
      %dma_wait3A_238 = arith.constant 3 : i32
      %dma_wait3A_239 = arith.constant 0 : i32
      %dma_wait3A_240 = arith.constant 0 : i32
      %dma_wait3A_241 = tpu.memref_slice %arg6[%dma_wait3A_238, %dma_wait3A_239, %dma_wait3A_240] : memref<4x128x128xf32, #tpu.memory_space<vmem>> -> memref<1x128x128xf32, #tpu.memory_space<vmem>>
      %dma_wait3A_242 = tpu.memref_squeeze %dma_wait3A_241 : memref<1x128x128xf32, #tpu.memory_space<vmem>> -> memref<128x128xf32, #tpu.memory_space<vmem>>
      %dma_wait3A_243 = arith.constant 0 : i32
      %dma_wait3A_244 = arith.constant 0 : i32
      %dma_wait3A_245 = tpu.memref_slice %arg2[%dma_wait3A_243, %dma_wait3A_244] : memref<10000x128xf32, #tpu.memory_space<hbm>> -> memref<128x128xf32, #tpu.memory_space<hbm>>
      %dma_wait3A_246 = arith.constant 0 : i32
      %dma_wait3A_247 = arith.constant 0 : i32
      %dma_wait3A_248 = tpu.memref_slice %arg6[%dma_wait3A_238, %dma_wait3A_246, %dma_wait3A_247] : memref<4x128x128xf32, #tpu.memory_space<vmem>> -> memref<1x128x128xf32, #tpu.memory_space<vmem>>
      %dma_wait3A_249 = tpu.memref_squeeze %dma_wait3A_248 : memref<1x128x128xf32, #tpu.memory_space<vmem>> -> memref<128x128xf32, #tpu.memory_space<vmem>>
      %dma_wait3A_250 = arith.constant 0 : i32
      %dma_wait3A_251 = arith.constant 0 : i32
      %dma_wait3A_252 = tpu.memref_slice %arg2[%dma_wait3A_250, %dma_wait3A_251] : memref<10000x128xf32, #tpu.memory_space<hbm>> -> memref<128x128xf32, #tpu.memory_space<hbm>>
      tpu.wait_dma2 semaphore(%arg10 : memref<!tpu.dma_semaphore, #tpu.memory_space<semaphore_mem>>) src(%dma_wait3A_252 : memref<128x128xf32, #tpu.memory_space<hbm>>) dst(%dma_wait3A_249 : memref<128x128xf32, #tpu.memory_space<vmem>>)
      %mul3A_253 = arith.constant 128 : i32
      %mul3A_254 = arith.muli %add3A_228, %mul3A_253 : i32
      %add3A_255 = arith.addi %mul3A_2, %mul3A_254 : i32
      %dma_start3A_256 = arith.constant 3 : i32
      %dma_start3A_257 = arith.constant 0 : i32
      %dma_start3A_258 = arith.constant 0 : i32
      %dma_start3A_259 = tpu.memref_slice %arg6[%dma_start3A_256, %dma_start3A_257, %dma_start3A_258] : memref<4x128x128xf32, #tpu.memory_space<vmem>> -> memref<1x128x128xf32, #tpu.memory_space<vmem>>
      %dma_start3A_260 = tpu.memref_squeeze %dma_start3A_259 : memref<1x128x128xf32, #tpu.memory_space<vmem>> -> memref<128x128xf32, #tpu.memory_space<vmem>>
      %dma_start3A_261 = arith.constant 0 : i32
      %dma_start3A_262 = tpu.memref_slice %arg4[%add3A_255, %dma_start3A_261] : memref<163840x128xf32, #tpu.memory_space<hbm>> -> memref<128x128xf32, #tpu.memory_space<hbm>>
      %dma_start3A_263 = arith.constant 0 : i32
      %dma_start3A_264 = tpu.memref_slice %arg4[%add3A_255, %dma_start3A_263] : memref<163840x128xf32, #tpu.memory_space<hbm>> -> memref<128x128xf32, #tpu.memory_space<hbm>>
      %dma_start3A_265 = arith.constant 0 : i32
      %dma_start3A_266 = arith.constant 0 : i32
      %dma_start3A_267 = tpu.memref_slice %arg6[%dma_start3A_256, %dma_start3A_265, %dma_start3A_266] : memref<4x128x128xf32, #tpu.memory_space<vmem>> -> memref<1x128x128xf32, #tpu.memory_space<vmem>>
      %dma_start3A_268 = tpu.memref_squeeze %dma_start3A_267 : memref<1x128x128xf32, #tpu.memory_space<vmem>> -> memref<128x128xf32, #tpu.memory_space<vmem>>
      tpu.enqueue_dma source(%dma_start3A_268 : memref<128x128xf32, #tpu.memory_space<vmem>>) target(%dma_start3A_264 : memref<128x128xf32, #tpu.memory_space<hbm>>) target_semaphore(%arg14 : memref<!tpu.dma_semaphore, #tpu.memory_space<semaphore_mem>>)
    }
    %scan3A_36 = arith.constant 10 : i32
    %dma_wait3A = arith.constant 0 : i32
    %dma_wait3A_37 = arith.constant 0 : i32
    %dma_wait3A_38 = arith.constant 0 : i32
    %dma_wait3A_39 = tpu.memref_slice %arg6[%dma_wait3A, %dma_wait3A_37, %dma_wait3A_38] : memref<4x128x128xf32, #tpu.memory_space<vmem>> -> memref<1x128x128xf32, #tpu.memory_space<vmem>>
    %dma_wait3A_40 = tpu.memref_squeeze %dma_wait3A_39 : memref<1x128x128xf32, #tpu.memory_space<vmem>> -> memref<128x128xf32, #tpu.memory_space<vmem>>
    %dma_wait3A_41 = arith.constant 0 : i32
    %dma_wait3A_42 = arith.constant 0 : i32
    %dma_wait3A_43 = tpu.memref_slice %arg2[%dma_wait3A_41, %dma_wait3A_42] : memref<10000x128xf32, #tpu.memory_space<hbm>> -> memref<128x128xf32, #tpu.memory_space<hbm>>
    %dma_wait3A_44 = arith.constant 0 : i32
    %dma_wait3A_45 = arith.constant 0 : i32
    %dma_wait3A_46 = tpu.memref_slice %arg6[%dma_wait3A, %dma_wait3A_44, %dma_wait3A_45] : memref<4x128x128xf32, #tpu.memory_space<vmem>> -> memref<1x128x128xf32, #tpu.memory_space<vmem>>
    %dma_wait3A_47 = tpu.memref_squeeze %dma_wait3A_46 : memref<1x128x128xf32, #tpu.memory_space<vmem>> -> memref<128x128xf32, #tpu.memory_space<vmem>>
    %dma_wait3A_48 = arith.constant 0 : i32
    %dma_wait3A_49 = arith.constant 0 : i32
    %dma_wait3A_50 = tpu.memref_slice %arg2[%dma_wait3A_48, %dma_wait3A_49] : memref<10000x128xf32, #tpu.memory_space<hbm>> -> memref<128x128xf32, #tpu.memory_space<hbm>>
    tpu.wait_dma2 semaphore(%arg11 : memref<!tpu.dma_semaphore, #tpu.memory_space<semaphore_mem>>) src(%dma_wait3A_50 : memref<128x128xf32, #tpu.memory_space<hbm>>) dst(%dma_wait3A_47 : memref<128x128xf32, #tpu.memory_space<vmem>>)
    %dma_wait3A_51 = arith.constant 1 : i32
    %dma_wait3A_52 = arith.constant 0 : i32
    %dma_wait3A_53 = arith.constant 0 : i32
    %dma_wait3A_54 = tpu.memref_slice %arg6[%dma_wait3A_51, %dma_wait3A_52, %dma_wait3A_53] : memref<4x128x128xf32, #tpu.memory_space<vmem>> -> memref<1x128x128xf32, #tpu.memory_space<vmem>>
    %dma_wait3A_55 = tpu.memref_squeeze %dma_wait3A_54 : memref<1x128x128xf32, #tpu.memory_space<vmem>> -> memref<128x128xf32, #tpu.memory_space<vmem>>
    %dma_wait3A_56 = arith.constant 0 : i32
    %dma_wait3A_57 = arith.constant 0 : i32
    %dma_wait3A_58 = tpu.memref_slice %arg2[%dma_wait3A_56, %dma_wait3A_57] : memref<10000x128xf32, #tpu.memory_space<hbm>> -> memref<128x128xf32, #tpu.memory_space<hbm>>
    %dma_wait3A_59 = arith.constant 0 : i32
    %dma_wait3A_60 = arith.constant 0 : i32
    %dma_wait3A_61 = tpu.memref_slice %arg6[%dma_wait3A_51, %dma_wait3A_59, %dma_wait3A_60] : memref<4x128x128xf32, #tpu.memory_space<vmem>> -> memref<1x128x128xf32, #tpu.memory_space<vmem>>
    %dma_wait3A_62 = tpu.memref_squeeze %dma_wait3A_61 : memref<1x128x128xf32, #tpu.memory_space<vmem>> -> memref<128x128xf32, #tpu.memory_space<vmem>>
    %dma_wait3A_63 = arith.constant 0 : i32
    %dma_wait3A_64 = arith.constant 0 : i32
    %dma_wait3A_65 = tpu.memref_slice %arg2[%dma_wait3A_63, %dma_wait3A_64] : memref<10000x128xf32, #tpu.memory_space<hbm>> -> memref<128x128xf32, #tpu.memory_space<hbm>>
    tpu.wait_dma2 semaphore(%arg12 : memref<!tpu.dma_semaphore, #tpu.memory_space<semaphore_mem>>) src(%dma_wait3A_65 : memref<128x128xf32, #tpu.memory_space<hbm>>) dst(%dma_wait3A_62 : memref<128x128xf32, #tpu.memory_space<vmem>>)
    %dma_wait3A_66 = arith.constant 2 : i32
    %dma_wait3A_67 = arith.constant 0 : i32
    %dma_wait3A_68 = arith.constant 0 : i32
    %dma_wait3A_69 = tpu.memref_slice %arg6[%dma_wait3A_66, %dma_wait3A_67, %dma_wait3A_68] : memref<4x128x128xf32, #tpu.memory_space<vmem>> -> memref<1x128x128xf32, #tpu.memory_space<vmem>>
    %dma_wait3A_70 = tpu.memref_squeeze %dma_wait3A_69 : memref<1x128x128xf32, #tpu.memory_space<vmem>> -> memref<128x128xf32, #tpu.memory_space<vmem>>
    %dma_wait3A_71 = arith.constant 0 : i32
    %dma_wait3A_72 = arith.constant 0 : i32
    %dma_wait3A_73 = tpu.memref_slice %arg2[%dma_wait3A_71, %dma_wait3A_72] : memref<10000x128xf32, #tpu.memory_space<hbm>> -> memref<128x128xf32, #tpu.memory_space<hbm>>
    %dma_wait3A_74 = arith.constant 0 : i32
    %dma_wait3A_75 = arith.constant 0 : i32
    %dma_wait3A_76 = tpu.memref_slice %arg6[%dma_wait3A_66, %dma_wait3A_74, %dma_wait3A_75] : memref<4x128x128xf32, #tpu.memory_space<vmem>> -> memref<1x128x128xf32, #tpu.memory_space<vmem>>
    %dma_wait3A_77 = tpu.memref_squeeze %dma_wait3A_76 : memref<1x128x128xf32, #tpu.memory_space<vmem>> -> memref<128x128xf32, #tpu.memory_space<vmem>>
    %dma_wait3A_78 = arith.constant 0 : i32
    %dma_wait3A_79 = arith.constant 0 : i32
    %dma_wait3A_80 = tpu.memref_slice %arg2[%dma_wait3A_78, %dma_wait3A_79] : memref<10000x128xf32, #tpu.memory_space<hbm>> -> memref<128x128xf32, #tpu.memory_space<hbm>>
    tpu.wait_dma2 semaphore(%arg13 : memref<!tpu.dma_semaphore, #tpu.memory_space<semaphore_mem>>) src(%dma_wait3A_80 : memref<128x128xf32, #tpu.memory_space<hbm>>) dst(%dma_wait3A_77 : memref<128x128xf32, #tpu.memory_space<vmem>>)
    %dma_wait3A_81 = arith.constant 3 : i32
    %dma_wait3A_82 = arith.constant 0 : i32
    %dma_wait3A_83 = arith.constant 0 : i32
    %dma_wait3A_84 = tpu.memref_slice %arg6[%dma_wait3A_81, %dma_wait3A_82, %dma_wait3A_83] : memref<4x128x128xf32, #tpu.memory_space<vmem>> -> memref<1x128x128xf32, #tpu.memory_space<vmem>>
    %dma_wait3A_85 = tpu.memref_squeeze %dma_wait3A_84 : memref<1x128x128xf32, #tpu.memory_space<vmem>> -> memref<128x128xf32, #tpu.memory_space<vmem>>
    %dma_wait3A_86 = arith.constant 0 : i32
    %dma_wait3A_87 = arith.constant 0 : i32
    %dma_wait3A_88 = tpu.memref_slice %arg2[%dma_wait3A_86, %dma_wait3A_87] : memref<10000x128xf32, #tpu.memory_space<hbm>> -> memref<128x128xf32, #tpu.memory_space<hbm>>
    %dma_wait3A_89 = arith.constant 0 : i32
    %dma_wait3A_90 = arith.constant 0 : i32
    %dma_wait3A_91 = tpu.memref_slice %arg6[%dma_wait3A_81, %dma_wait3A_89, %dma_wait3A_90] : memref<4x128x128xf32, #tpu.memory_space<vmem>> -> memref<1x128x128xf32, #tpu.memory_space<vmem>>
    %dma_wait3A_92 = tpu.memref_squeeze %dma_wait3A_91 : memref<1x128x128xf32, #tpu.memory_space<vmem>> -> memref<128x128xf32, #tpu.memory_space<vmem>>
    %dma_wait3A_93 = arith.constant 0 : i32
    %dma_wait3A_94 = arith.constant 0 : i32
    %dma_wait3A_95 = tpu.memref_slice %arg2[%dma_wait3A_93, %dma_wait3A_94] : memref<10000x128xf32, #tpu.memory_space<hbm>> -> memref<128x128xf32, #tpu.memory_space<hbm>>
    tpu.wait_dma2 semaphore(%arg14 : memref<!tpu.dma_semaphore, #tpu.memory_space<semaphore_mem>>) src(%dma_wait3A_95 : memref<128x128xf32, #tpu.memory_space<hbm>>) dst(%dma_wait3A_92 : memref<128x128xf32, #tpu.memory_space<vmem>>)
    return
  }
}

#map = affine_map<(d0, d1) -> (0, 0)>
#map1 = affine_map<(d0, d1) -> (0)>
module attributes {stable_mosaic.version = 14 : i64} {
  func.func @_gather_body(%arg0: i32, %arg1: i32, %arg2: memref<10000x128xf32, #tpu.memory_space<hbm>>, %arg3: memref<163840xi32, #tpu.memory_space<hbm>>, %arg4: memref<163840x128xf32, #tpu.memory_space<hbm>>, %arg5: memref<5120xi32, #tpu.memory_space<vmem>>, %arg6: memref<4x128x128xf32, #tpu.memory_space<vmem>>, %arg7: memref<!tpu.dma_semaphore, #tpu.memory_space<semaphore_mem>>, %arg8: memref<!tpu.dma_semaphore, #tpu.memory_space<semaphore_mem>>, %arg9: memref<!tpu.dma_semaphore, #tpu.memory_space<semaphore_mem>>, %arg10: memref<!tpu.dma_semaphore, #tpu.memory_space<semaphore_mem>>, %arg11: memref<!tpu.dma_semaphore, #tpu.memory_space<semaphore_mem>>, %arg12: memref<!tpu.dma_semaphore, #tpu.memory_space<semaphore_mem>>, %arg13: memref<!tpu.dma_semaphore, #tpu.memory_space<semaphore_mem>>, %arg14: memref<!tpu.dma_semaphore, #tpu.memory_space<semaphore_mem>>) attributes {dimension_semantics = [#tpu.dimension_semantics<core_parallel>, #tpu.dimension_semantics<subcore_parallel>], iteration_bounds = array<i64: 2, 16>, scalar_prefetch = 0 : i64, scratch_operands = 10 : i64, tpu.core_type = #tpu.core_type<sc_vector_subcore>, window_params = [{transform_indices = #map}, {transform_indices = #map1}, {transform_indices = #map}]} {
    %mul3A = arith.constant 2 : i32
    %mul3A_0 = arith.muli %arg1, %mul3A : i32
    %add3A = arith.addi %mul3A_0, %arg0 : i32
    %mul3A_1 = arith.constant 5120 : i32
    %mul3A_2 = arith.muli %add3A, %mul3A_1 : i32
    "tpu.region"() ({
      %run_scoped3A = tpu.sem_alloc : memref<!tpu.dma_semaphore, #tpu.memory_space<semaphore_mem>>
      %dma_start3A_96 = tpu.memref_slice %arg3[%mul3A_2] : memref<163840xi32, #tpu.memory_space<hbm>> -> memref<5120xi32, #tpu.memory_space<hbm>>
      %dma_start3A_97 = tpu.memref_slice %arg3[%mul3A_2] : memref<163840xi32, #tpu.memory_space<hbm>> -> memref<5120xi32, #tpu.memory_space<hbm>>
      tpu.enqueue_dma source(%dma_start3A_97 : memref<5120xi32, #tpu.memory_space<hbm>>) target(%arg5 : memref<5120xi32, #tpu.memory_space<vmem>>) target_semaphore(%run_scoped3A : memref<!tpu.dma_semaphore, #tpu.memory_space<semaphore_mem>>)
      %dma_wait3A_98 = tpu.memref_slice %arg3[%mul3A_2] : memref<163840xi32, #tpu.memory_space<hbm>> -> memref<5120xi32, #tpu.memory_space<hbm>>
      %dma_wait3A_99 = tpu.memref_slice %arg3[%mul3A_2] : memref<163840xi32, #tpu.memory_space<hbm>> -> memref<5120xi32, #tpu.memory_space<hbm>>
      tpu.wait_dma2 semaphore(%run_scoped3A : memref<!tpu.dma_semaphore, #tpu.memory_space<semaphore_mem>>) src(%dma_wait3A_99 : memref<5120xi32, #tpu.memory_space<hbm>>) dst(%arg5 : memref<5120xi32, #tpu.memory_space<vmem>>)
      tpu.yield
    }) : () -> ()
    %dma_start3A = arith.constant 0 : i32
    %dma_start3A_3 = arith.constant 0 : i32
    %dma_start3A_4 = arith.constant 0 : i32
    %dma_start3A_5 = tpu.memref_slice %arg6[%dma_start3A, %dma_start3A_3, %dma_start3A_4] : memref<4x128x128xf32, #tpu.memory_space<vmem>> -> memref<1x128x128xf32, #tpu.memory_space<vmem>>
    %dma_start3A_6 = tpu.memref_squeeze %dma_start3A_5 : memref<1x128x128xf32, #tpu.memory_space<vmem>> -> memref<128x128xf32, #tpu.memory_space<vmem>>
    %dma_start3A_7 = arith.constant 0 : i32
    %dma_start3A_8 = tpu.memref_slice %arg5[%dma_start3A_7] : memref<5120xi32, #tpu.memory_space<vmem>> -> memref<128xi32, #tpu.memory_space<vmem>>
    %dma_start3A_9 = arith.constant 0 : i32
    %dma_start3A_10 = arith.constant 0 : i32
    %dma_start3A_11 = tpu.memref_slice %arg2[%dma_start3A_9, %dma_start3A_10] : memref<10000x128xf32, #tpu.memory_space<hbm>> -> memref<10000x128xf32, #tpu.memory_space<hbm>>
    tpu.enqueue_indirect_dma source(%dma_start3A_11 : memref<10000x128xf32, #tpu.memory_space<hbm>>) target(%dma_start3A_6 : memref<128x128xf32, #tpu.memory_space<vmem>>) offsets(%dma_start3A_8 : memref<128xi32, #tpu.memory_space<vmem>>) semaphore(%arg7 : memref<!tpu.dma_semaphore, #tpu.memory_space<semaphore_mem>>)
    %dma_start3A_12 = arith.constant 1 : i32
    %dma_start3A_13 = arith.constant 0 : i32
    %dma_start3A_14 = arith.constant 0 : i32
    %dma_start3A_15 = tpu.memref_slice %arg6[%dma_start3A_12, %dma_start3A_13, %dma_start3A_14] : memref<4x128x128xf32, #tpu.memory_space<vmem>> -> memref<1x128x128xf32, #tpu.memory_space<vmem>>
    %dma_start3A_16 = tpu.memref_squeeze %dma_start3A_15 : memref<1x128x128xf32, #tpu.memory_space<vmem>> -> memref<128x128xf32, #tpu.memory_space<vmem>>
    %dma_start3A_17 = arith.constant 128 : i32
    %dma_start3A_18 = tpu.memref_slice %arg5[%dma_start3A_17] : memref<5120xi32, #tpu.memory_space<vmem>> -> memref<128xi32, #tpu.memory_space<vmem>>
    %dma_start3A_19 = arith.constant 0 : i32
    %dma_start3A_20 = arith.constant 0 : i32
    %dma_start3A_21 = tpu.memref_slice %arg2[%dma_start3A_19, %dma_start3A_20] : memref<10000x128xf32, #tpu.memory_space<hbm>> -> memref<10000x128xf32, #tpu.memory_space<hbm>>
    tpu.enqueue_indirect_dma source(%dma_start3A_21 : memref<10000x128xf32, #tpu.memory_space<hbm>>) target(%dma_start3A_16 : memref<128x128xf32, #tpu.memory_space<vmem>>) offsets(%dma_start3A_18 : memref<128xi32, #tpu.memory_space<vmem>>) semaphore(%arg8 : memref<!tpu.dma_semaphore, #tpu.memory_space<semaphore_mem>>)
    %dma_start3A_22 = arith.constant 2 : i32
    %dma_start3A_23 = arith.constant 0 : i32
    %dma_start3A_24 = arith.constant 0 : i32
    %dma_start3A_25 = tpu.memref_slice %arg6[%dma_start3A_22, %dma_start3A_23, %dma_start3A_24] : memref<4x128x128xf32, #tpu.memory_space<vmem>> -> memref<1x128x128xf32, #tpu.memory_space<vmem>>
    %dma_start3A_26 = tpu.memref_squeeze %dma_start3A_25 : memref<1x128x128xf32, #tpu.memory_space<vmem>> -> memref<128x128xf32, #tpu.memory_space<vmem>>
    %dma_start3A_27 = arith.constant 256 : i32
    %dma_start3A_28 = tpu.memref_slice %arg5[%dma_start3A_27] : memref<5120xi32, #tpu.memory_space<vmem>> -> memref<128xi32, #tpu.memory_space<vmem>>
    %dma_start3A_29 = arith.constant 0 : i32
    %dma_start3A_30 = arith.constant 0 : i32
    %dma_start3A_31 = tpu.memref_slice %arg2[%dma_start3A_29, %dma_start3A_30] : memref<10000x128xf32, #tpu.memory_space<hbm>> -> memref<10000x128xf32, #tpu.memory_space<hbm>>
    tpu.enqueue_indirect_dma source(%dma_start3A_31 : memref<10000x128xf32, #tpu.memory_space<hbm>>) target(%dma_start3A_26 : memref<128x128xf32, #tpu.memory_space<vmem>>) offsets(%dma_start3A_28 : memref<128xi32, #tpu.memory_space<vmem>>) semaphore(%arg9 : memref<!tpu.dma_semaphore, #tpu.memory_space<semaphore_mem>>)
    %scan3A = arith.constant 0 : i32
    %scan3A_32 = arith.constant 0 : i32
    %scan3A_33 = arith.constant 10 : i32
    %scan3A_34 = arith.addi %scan3A_32, %scan3A_33 : i32
    %scan3A_35 = arith.constant 1 : i32
    scf.for %scan3A_96 = %scan3A_32 to %scan3A_34 step %scan3A_35  : i32 {
      %mul3A_97 = arith.constant 4 : i32
      %mul3A_98 = arith.muli %scan3A_96, %mul3A_97 : i32
      %add3A_99 = arith.constant 0 : i32
      %add3A_100 = arith.addi %mul3A_98, %add3A_99 : i32
      %add3A_101 = arith.constant 4 : i32
      %add3A_102 = arith.addi %add3A_100, %add3A_101 : i32
      %sub3A = arith.constant 1 : i32
      %sub3A_103 = arith.subi %add3A_102, %sub3A : i32
      %lt3A = arith.constant 40 : i32
      %lt3A_104 = arith.cmpi slt, %sub3A_103, %lt3A : i32
      %convert_element_type3A = arith.extui %lt3A_104 : i1 to i32
      %cond3A = arith.constant 0 : i32
      %cond3A_105 = arith.cmpi ne, %convert_element_type3A, %cond3A : i32
      scf.if %cond3A_105 {
        %ge3A = arith.constant 1 : i32
        %ge3A_269 = arith.cmpi sge, %add3A_100, %ge3A : i32
        %convert_element_type3A_270 = arith.extui %ge3A_269 : i1 to i32
        %cond3A_271 = arith.constant 0 : i32
        %cond3A_272 = arith.cmpi ne, %convert_element_type3A_270, %cond3A_271 : i32
        scf.if %cond3A_272 {
          %dma_wait3A_288 = arith.constant 3 : i32
          %dma_wait3A_289 = arith.constant 0 : i32
          %dma_wait3A_290 = arith.constant 0 : i32
          %dma_wait3A_291 = tpu.memref_slice %arg6[%dma_wait3A_288, %dma_wait3A_289, %dma_wait3A_290] : memref<4x128x128xf32, #tpu.memory_space<vmem>> -> memref<1x128x128xf32, #tpu.memory_space<vmem>>
          %dma_wait3A_292 = tpu.memref_squeeze %dma_wait3A_291 : memref<1x128x128xf32, #tpu.memory_space<vmem>> -> memref<128x128xf32, #tpu.memory_space<vmem>>
          %dma_wait3A_293 = arith.constant 0 : i32
          %dma_wait3A_294 = arith.constant 0 : i32
          %dma_wait3A_295 = tpu.memref_slice %arg2[%dma_wait3A_293, %dma_wait3A_294] : memref<10000x128xf32, #tpu.memory_space<hbm>> -> memref<128x128xf32, #tpu.memory_space<hbm>>
          %dma_wait3A_296 = arith.constant 0 : i32
          %dma_wait3A_297 = arith.constant 0 : i32
          %dma_wait3A_298 = tpu.memref_slice %arg6[%dma_wait3A_288, %dma_wait3A_296, %dma_wait3A_297] : memref<4x128x128xf32, #tpu.memory_space<vmem>> -> memref<1x128x128xf32, #tpu.memory_space<vmem>>
          %dma_wait3A_299 = tpu.memref_squeeze %dma_wait3A_298 : memref<1x128x128xf32, #tpu.memory_space<vmem>> -> memref<128x128xf32, #tpu.memory_space<vmem>>
          %dma_wait3A_300 = arith.constant 0 : i32
          %dma_wait3A_301 = arith.constant 0 : i32
          %dma_wait3A_302 = tpu.memref_slice %arg2[%dma_wait3A_300, %dma_wait3A_301] : memref<10000x128xf32, #tpu.memory_space<hbm>> -> memref<128x128xf32, #tpu.memory_space<hbm>>
          tpu.wait_dma2 semaphore(%arg14 : memref<!tpu.dma_semaphore, #tpu.memory_space<semaphore_mem>>) src(%dma_wait3A_302 : memref<128x128xf32, #tpu.memory_space<hbm>>) dst(%dma_wait3A_299 : memref<128x128xf32, #tpu.memory_space<vmem>>)
        } else {
        }
        %add3A_273 = arith.constant 4 : i32
        %add3A_274 = arith.addi %add3A_100, %add3A_273 : i32
        %sub3A_275 = arith.constant 1 : i32
        %sub3A_276 = arith.subi %add3A_274, %sub3A_275 : i32
        %mul3A_277 = arith.constant 128 : i32
        %mul3A_278 = arith.muli %sub3A_276, %mul3A_277 : i32
        %dma_start3A_279 = arith.constant 3 : i32
        %dma_start3A_280 = arith.constant 0 : i32
        %dma_start3A_281 = arith.constant 0 : i32
        %dma_start3A_282 = tpu.memref_slice %arg6[%dma_start3A_279, %dma_start3A_280, %dma_start3A_281] : memref<4x128x128xf32, #tpu.memory_space<vmem>> -> memref<1x128x128xf32, #tpu.memory_space<vmem>>
        %dma_start3A_283 = tpu.memref_squeeze %dma_start3A_282 : memref<1x128x128xf32, #tpu.memory_space<vmem>> -> memref<128x128xf32, #tpu.memory_space<vmem>>
        %dma_start3A_284 = tpu.memref_slice %arg5[%mul3A_278] : memref<5120xi32, #tpu.memory_space<vmem>> -> memref<128xi32, #tpu.memory_space<vmem>>
        %dma_start3A_285 = arith.constant 0 : i32
        %dma_start3A_286 = arith.constant 0 : i32
        %dma_start3A_287 = tpu.memref_slice %arg2[%dma_start3A_285, %dma_start3A_286] : memref<10000x128xf32, #tpu.memory_space<hbm>> -> memref<10000x128xf32, #tpu.memory_space<hbm>>
        tpu.enqueue_indirect_dma source(%dma_start3A_287 : memref<10000x128xf32, #tpu.memory_space<hbm>>) target(%dma_start3A_283 : memref<128x128xf32, #tpu.memory_space<vmem>>) offsets(%dma_start3A_284 : memref<128xi32, #tpu.memory_space<vmem>>) semaphore(%arg10 : memref<!tpu.dma_semaphore, #tpu.memory_space<semaphore_mem>>)
      } else {
      }
      %dma_wait3A_106 = arith.constant 0 : i32
      %dma_wait3A_107 = arith.constant 0 : i32
      %dma_wait3A_108 = arith.constant 0 : i32
      %dma_wait3A_109 = tpu.memref_slice %arg6[%dma_wait3A_106, %dma_wait3A_107, %dma_wait3A_108] : memref<4x128x128xf32, #tpu.memory_space<vmem>> -> memref<1x128x128xf32, #tpu.memory_space<vmem>>
      %dma_wait3A_110 = tpu.memref_squeeze %dma_wait3A_109 : memref<1x128x128xf32, #tpu.memory_space<vmem>> -> memref<128x128xf32, #tpu.memory_space<vmem>>
      %dma_wait3A_111 = arith.constant 0 : i32
      %dma_wait3A_112 = arith.constant 0 : i32
      %dma_wait3A_113 = tpu.memref_slice %arg2[%dma_wait3A_111, %dma_wait3A_112] : memref<10000x128xf32, #tpu.memory_space<hbm>> -> memref<128x128xf32, #tpu.memory_space<hbm>>
      %dma_wait3A_114 = arith.constant 0 : i32
      %dma_wait3A_115 = arith.constant 0 : i32
      %dma_wait3A_116 = tpu.memref_slice %arg6[%dma_wait3A_106, %dma_wait3A_114, %dma_wait3A_115] : memref<4x128x128xf32, #tpu.memory_space<vmem>> -> memref<1x128x128xf32, #tpu.memory_space<vmem>>
      %dma_wait3A_117 = tpu.memref_squeeze %dma_wait3A_116 : memref<1x128x128xf32, #tpu.memory_space<vmem>> -> memref<128x128xf32, #tpu.memory_space<vmem>>
      %dma_wait3A_118 = arith.constant 0 : i32
      %dma_wait3A_119 = arith.constant 0 : i32
      %dma_wait3A_120 = tpu.memref_slice %arg2[%dma_wait3A_118, %dma_wait3A_119] : memref<10000x128xf32, #tpu.memory_space<hbm>> -> memref<128x128xf32, #tpu.memory_space<hbm>>
      tpu.wait_dma2 semaphore(%arg7 : memref<!tpu.dma_semaphore, #tpu.memory_space<semaphore_mem>>) src(%dma_wait3A_120 : memref<128x128xf32, #tpu.memory_space<hbm>>) dst(%dma_wait3A_117 : memref<128x128xf32, #tpu.memory_space<vmem>>)
      %mul3A_121 = arith.constant 128 : i32
      %mul3A_122 = arith.muli %add3A_100, %mul3A_121 : i32
      %add3A_123 = arith.addi %mul3A_2, %mul3A_122 : i32
      %dma_start3A_124 = arith.constant 0 : i32
      %dma_start3A_125 = arith.constant 0 : i32
      %dma_start3A_126 = arith.constant 0 : i32
      %dma_start3A_127 = tpu.memref_slice %arg6[%dma_start3A_124, %dma_start3A_125, %dma_start3A_126] : memref<4x128x128xf32, #tpu.memory_space<vmem>> -> memref<1x128x128xf32, #tpu.memory_space<vmem>>
      %dma_start3A_128 = tpu.memref_squeeze %dma_start3A_127 : memref<1x128x128xf32, #tpu.memory_space<vmem>> -> memref<128x128xf32, #tpu.memory_space<vmem>>
      %dma_start3A_129 = arith.constant 0 : i32
      %dma_start3A_130 = tpu.memref_slice %arg4[%add3A_123, %dma_start3A_129] : memref<163840x128xf32, #tpu.memory_space<hbm>> -> memref<128x128xf32, #tpu.memory_space<hbm>>
      %dma_start3A_131 = arith.constant 0 : i32
      %dma_start3A_132 = tpu.memref_slice %arg4[%add3A_123, %dma_start3A_131] : memref<163840x128xf32, #tpu.memory_space<hbm>> -> memref<128x128xf32, #tpu.memory_space<hbm>>
      %dma_start3A_133 = arith.constant 0 : i32
      %dma_start3A_134 = arith.constant 0 : i32
      %dma_start3A_135 = tpu.memref_slice %arg6[%dma_start3A_124, %dma_start3A_133, %dma_start3A_134] : memref<4x128x128xf32, #tpu.memory_space<vmem>> -> memref<1x128x128xf32, #tpu.memory_space<vmem>>
      %dma_start3A_136 = tpu.memref_squeeze %dma_start3A_135 : memref<1x128x128xf32, #tpu.memory_space<vmem>> -> memref<128x128xf32, #tpu.memory_space<vmem>>
      tpu.enqueue_dma source(%dma_start3A_136 : memref<128x128xf32, #tpu.memory_space<vmem>>) target(%dma_start3A_132 : memref<128x128xf32, #tpu.memory_space<hbm>>) target_semaphore(%arg11 : memref<!tpu.dma_semaphore, #tpu.memory_space<semaphore_mem>>)
      %mul3A_137 = arith.constant 4 : i32
      %mul3A_138 = arith.muli %scan3A_96, %mul3A_137 : i32
      %add3A_139 = arith.constant 1 : i32
      %add3A_140 = arith.addi %mul3A_138, %add3A_139 : i32
      %add3A_141 = arith.constant 4 : i32
      %add3A_142 = arith.addi %add3A_140, %add3A_141 : i32
      %sub3A_143 = arith.constant 1 : i32
      %sub3A_144 = arith.subi %add3A_142, %sub3A_143 : i32
      %lt3A_145 = arith.constant 40 : i32
      %lt3A_146 = arith.cmpi slt, %sub3A_144, %lt3A_145 : i32
      %convert_element_type3A_147 = arith.extui %lt3A_146 : i1 to i32
      %cond3A_148 = arith.constant 0 : i32
      %cond3A_149 = arith.cmpi ne, %convert_element_type3A_147, %cond3A_148 : i32
      scf.if %cond3A_149 {
        %ge3A = arith.constant 1 : i32
        %ge3A_269 = arith.cmpi sge, %add3A_140, %ge3A : i32
        %convert_element_type3A_270 = arith.extui %ge3A_269 : i1 to i32
        %cond3A_271 = arith.constant 0 : i32
        %cond3A_272 = arith.cmpi ne, %convert_element_type3A_270, %cond3A_271 : i32
        scf.if %cond3A_272 {
          %dma_wait3A_288 = arith.constant 0 : i32
          %dma_wait3A_289 = arith.constant 0 : i32
          %dma_wait3A_290 = arith.constant 0 : i32
          %dma_wait3A_291 = tpu.memref_slice %arg6[%dma_wait3A_288, %dma_wait3A_289, %dma_wait3A_290] : memref<4x128x128xf32, #tpu.memory_space<vmem>> -> memref<1x128x128xf32, #tpu.memory_space<vmem>>
          %dma_wait3A_292 = tpu.memref_squeeze %dma_wait3A_291 : memref<1x128x128xf32, #tpu.memory_space<vmem>> -> memref<128x128xf32, #tpu.memory_space<vmem>>
          %dma_wait3A_293 = arith.constant 0 : i32
          %dma_wait3A_294 = arith.constant 0 : i32
          %dma_wait3A_295 = tpu.memref_slice %arg2[%dma_wait3A_293, %dma_wait3A_294] : memref<10000x128xf32, #tpu.memory_space<hbm>> -> memref<128x128xf32, #tpu.memory_space<hbm>>
          %dma_wait3A_296 = arith.constant 0 : i32
          %dma_wait3A_297 = arith.constant 0 : i32
          %dma_wait3A_298 = tpu.memref_slice %arg6[%dma_wait3A_288, %dma_wait3A_296, %dma_wait3A_297] : memref<4x128x128xf32, #tpu.memory_space<vmem>> -> memref<1x128x128xf32, #tpu.memory_space<vmem>>
          %dma_wait3A_299 = tpu.memref_squeeze %dma_wait3A_298 : memref<1x128x128xf32, #tpu.memory_space<vmem>> -> memref<128x128xf32, #tpu.memory_space<vmem>>
          %dma_wait3A_300 = arith.constant 0 : i32
          %dma_wait3A_301 = arith.constant 0 : i32
          %dma_wait3A_302 = tpu.memref_slice %arg2[%dma_wait3A_300, %dma_wait3A_301] : memref<10000x128xf32, #tpu.memory_space<hbm>> -> memref<128x128xf32, #tpu.memory_space<hbm>>
          tpu.wait_dma2 semaphore(%arg11 : memref<!tpu.dma_semaphore, #tpu.memory_space<semaphore_mem>>) src(%dma_wait3A_302 : memref<128x128xf32, #tpu.memory_space<hbm>>) dst(%dma_wait3A_299 : memref<128x128xf32, #tpu.memory_space<vmem>>)
        } else {
        }
        %add3A_273 = arith.constant 4 : i32
        %add3A_274 = arith.addi %add3A_140, %add3A_273 : i32
        %sub3A_275 = arith.constant 1 : i32
        %sub3A_276 = arith.subi %add3A_274, %sub3A_275 : i32
        %mul3A_277 = arith.constant 128 : i32
        %mul3A_278 = arith.muli %sub3A_276, %mul3A_277 : i32
        %dma_start3A_279 = arith.constant 0 : i32
        %dma_start3A_280 = arith.constant 0 : i32
        %dma_start3A_281 = arith.constant 0 : i32
        %dma_start3A_282 = tpu.memref_slice %arg6[%dma_start3A_279, %dma_start3A_280, %dma_start3A_281] : memref<4x128x128xf32, #tpu.memory_space<vmem>> -> memref<1x128x128xf32, #tpu.memory_space<vmem>>
        %dma_start3A_283 = tpu.memref_squeeze %dma_start3A_282 : memref<1x128x128xf32, #tpu.memory_space<vmem>> -> memref<128x128xf32, #tpu.memory_space<vmem>>
        %dma_start3A_284 = tpu.memref_slice %arg5[%mul3A_278] : memref<5120xi32, #tpu.memory_space<vmem>> -> memref<128xi32, #tpu.memory_space<vmem>>
        %dma_start3A_285 = arith.constant 0 : i32
        %dma_start3A_286 = arith.constant 0 : i32
        %dma_start3A_287 = tpu.memref_slice %arg2[%dma_start3A_285, %dma_start3A_286] : memref<10000x128xf32, #tpu.memory_space<hbm>> -> memref<10000x128xf32, #tpu.memory_space<hbm>>
        tpu.enqueue_indirect_dma source(%dma_start3A_287 : memref<10000x128xf32, #tpu.memory_space<hbm>>) target(%dma_start3A_283 : memref<128x128xf32, #tpu.memory_space<vmem>>) offsets(%dma_start3A_284 : memref<128xi32, #tpu.memory_space<vmem>>) semaphore(%arg7 : memref<!tpu.dma_semaphore, #tpu.memory_space<semaphore_mem>>)
      } else {
      }
      %dma_wait3A_150 = arith.constant 1 : i32
      %dma_wait3A_151 = arith.constant 0 : i32
      %dma_wait3A_152 = arith.constant 0 : i32
      %dma_wait3A_153 = tpu.memref_slice %arg6[%dma_wait3A_150, %dma_wait3A_151, %dma_wait3A_152] : memref<4x128x128xf32, #tpu.memory_space<vmem>> -> memref<1x128x128xf32, #tpu.memory_space<vmem>>
      %dma_wait3A_154 = tpu.memref_squeeze %dma_wait3A_153 : memref<1x128x128xf32, #tpu.memory_space<vmem>> -> memref<128x128xf32, #tpu.memory_space<vmem>>
      %dma_wait3A_155 = arith.constant 0 : i32
      %dma_wait3A_156 = arith.constant 0 : i32
      %dma_wait3A_157 = tpu.memref_slice %arg2[%dma_wait3A_155, %dma_wait3A_156] : memref<10000x128xf32, #tpu.memory_space<hbm>> -> memref<128x128xf32, #tpu.memory_space<hbm>>
      %dma_wait3A_158 = arith.constant 0 : i32
      %dma_wait3A_159 = arith.constant 0 : i32
      %dma_wait3A_160 = tpu.memref_slice %arg6[%dma_wait3A_150, %dma_wait3A_158, %dma_wait3A_159] : memref<4x128x128xf32, #tpu.memory_space<vmem>> -> memref<1x128x128xf32, #tpu.memory_space<vmem>>
      %dma_wait3A_161 = tpu.memref_squeeze %dma_wait3A_160 : memref<1x128x128xf32, #tpu.memory_space<vmem>> -> memref<128x128xf32, #tpu.memory_space<vmem>>
      %dma_wait3A_162 = arith.constant 0 : i32
      %dma_wait3A_163 = arith.constant 0 : i32
      %dma_wait3A_164 = tpu.memref_slice %arg2[%dma_wait3A_162, %dma_wait3A_163] : memref<10000x128xf32, #tpu.memory_space<hbm>> -> memref<128x128xf32, #tpu.memory_space<hbm>>
      tpu.wait_dma2 semaphore(%arg8 : memref<!tpu.dma_semaphore, #tpu.memory_space<semaphore_mem>>) src(%dma_wait3A_164 : memref<128x128xf32, #tpu.memory_space<hbm>>) dst(%dma_wait3A_161 : memref<128x128xf32, #tpu.memory_space<vmem>>)
      %mul3A_165 = arith.constant 128 : i32
      %mul3A_166 = arith.muli %add3A_140, %mul3A_165 : i32
      %add3A_167 = arith.addi %mul3A_2, %mul3A_166 : i32
      %dma_start3A_168 = arith.constant 1 : i32
      %dma_start3A_169 = arith.constant 0 : i32
      %dma_start3A_170 = arith.constant 0 : i32
      %dma_start3A_171 = tpu.memref_slice %arg6[%dma_start3A_168, %dma_start3A_169, %dma_start3A_170] : memref<4x128x128xf32, #tpu.memory_space<vmem>> -> memref<1x128x128xf32, #tpu.memory_space<vmem>>
      %dma_start3A_172 = tpu.memref_squeeze %dma_start3A_171 : memref<1x128x128xf32, #tpu.memory_space<vmem>> -> memref<128x128xf32, #tpu.memory_space<vmem>>
      %dma_start3A_173 = arith.constant 0 : i32
      %dma_start3A_174 = tpu.memref_slice %arg4[%add3A_167, %dma_start3A_173] : memref<163840x128xf32, #tpu.memory_space<hbm>> -> memref<128x128xf32, #tpu.memory_space<hbm>>
      %dma_start3A_175 = arith.constant 0 : i32
      %dma_start3A_176 = tpu.memref_slice %arg4[%add3A_167, %dma_start3A_175] : memref<163840x128xf32, #tpu.memory_space<hbm>> -> memref<128x128xf32, #tpu.memory_space<hbm>>
      %dma_start3A_177 = arith.constant 0 : i32
      %dma_start3A_178 = arith.constant 0 : i32
      %dma_start3A_179 = tpu.memref_slice %arg6[%dma_start3A_168, %dma_start3A_177, %dma_start3A_178] : memref<4x128x128xf32, #tpu.memory_space<vmem>> -> memref<1x128x128xf32, #tpu.memory_space<vmem>>
      %dma_start3A_180 = tpu.memref_squeeze %dma_start3A_179 : memref<1x128x128xf32, #tpu.memory_space<vmem>> -> memref<128x128xf32, #tpu.memory_space<vmem>>
      tpu.enqueue_dma source(%dma_start3A_180 : memref<128x128xf32, #tpu.memory_space<vmem>>) target(%dma_start3A_176 : memref<128x128xf32, #tpu.memory_space<hbm>>) target_semaphore(%arg12 : memref<!tpu.dma_semaphore, #tpu.memory_space<semaphore_mem>>)
      %mul3A_181 = arith.constant 4 : i32
      %mul3A_182 = arith.muli %scan3A_96, %mul3A_181 : i32
      %add3A_183 = arith.constant 2 : i32
      %add3A_184 = arith.addi %mul3A_182, %add3A_183 : i32
      %add3A_185 = arith.constant 4 : i32
      %add3A_186 = arith.addi %add3A_184, %add3A_185 : i32
      %sub3A_187 = arith.constant 1 : i32
      %sub3A_188 = arith.subi %add3A_186, %sub3A_187 : i32
      %lt3A_189 = arith.constant 40 : i32
      %lt3A_190 = arith.cmpi slt, %sub3A_188, %lt3A_189 : i32
      %convert_element_type3A_191 = arith.extui %lt3A_190 : i1 to i32
      %cond3A_192 = arith.constant 0 : i32
      %cond3A_193 = arith.cmpi ne, %convert_element_type3A_191, %cond3A_192 : i32
      scf.if %cond3A_193 {
        %ge3A = arith.constant 1 : i32
        %ge3A_269 = arith.cmpi sge, %add3A_184, %ge3A : i32
        %convert_element_type3A_270 = arith.extui %ge3A_269 : i1 to i32
        %cond3A_271 = arith.constant 0 : i32
        %cond3A_272 = arith.cmpi ne, %convert_element_type3A_270, %cond3A_271 : i32
        scf.if %cond3A_272 {
          %dma_wait3A_288 = arith.constant 1 : i32
          %dma_wait3A_289 = arith.constant 0 : i32
          %dma_wait3A_290 = arith.constant 0 : i32
          %dma_wait3A_291 = tpu.memref_slice %arg6[%dma_wait3A_288, %dma_wait3A_289, %dma_wait3A_290] : memref<4x128x128xf32, #tpu.memory_space<vmem>> -> memref<1x128x128xf32, #tpu.memory_space<vmem>>
          %dma_wait3A_292 = tpu.memref_squeeze %dma_wait3A_291 : memref<1x128x128xf32, #tpu.memory_space<vmem>> -> memref<128x128xf32, #tpu.memory_space<vmem>>
          %dma_wait3A_293 = arith.constant 0 : i32
          %dma_wait3A_294 = arith.constant 0 : i32
          %dma_wait3A_295 = tpu.memref_slice %arg2[%dma_wait3A_293, %dma_wait3A_294] : memref<10000x128xf32, #tpu.memory_space<hbm>> -> memref<128x128xf32, #tpu.memory_space<hbm>>
          %dma_wait3A_296 = arith.constant 0 : i32
          %dma_wait3A_297 = arith.constant 0 : i32
          %dma_wait3A_298 = tpu.memref_slice %arg6[%dma_wait3A_288, %dma_wait3A_296, %dma_wait3A_297] : memref<4x128x128xf32, #tpu.memory_space<vmem>> -> memref<1x128x128xf32, #tpu.memory_space<vmem>>
          %dma_wait3A_299 = tpu.memref_squeeze %dma_wait3A_298 : memref<1x128x128xf32, #tpu.memory_space<vmem>> -> memref<128x128xf32, #tpu.memory_space<vmem>>
          %dma_wait3A_300 = arith.constant 0 : i32
          %dma_wait3A_301 = arith.constant 0 : i32
          %dma_wait3A_302 = tpu.memref_slice %arg2[%dma_wait3A_300, %dma_wait3A_301] : memref<10000x128xf32, #tpu.memory_space<hbm>> -> memref<128x128xf32, #tpu.memory_space<hbm>>
          tpu.wait_dma2 semaphore(%arg12 : memref<!tpu.dma_semaphore, #tpu.memory_space<semaphore_mem>>) src(%dma_wait3A_302 : memref<128x128xf32, #tpu.memory_space<hbm>>) dst(%dma_wait3A_299 : memref<128x128xf32, #tpu.memory_space<vmem>>)
        } else {
        }
        %add3A_273 = arith.constant 4 : i32
        %add3A_274 = arith.addi %add3A_184, %add3A_273 : i32
        %sub3A_275 = arith.constant 1 : i32
        %sub3A_276 = arith.subi %add3A_274, %sub3A_275 : i32
        %mul3A_277 = arith.constant 128 : i32
        %mul3A_278 = arith.muli %sub3A_276, %mul3A_277 : i32
        %dma_start3A_279 = arith.constant 1 : i32
        %dma_start3A_280 = arith.constant 0 : i32
        %dma_start3A_281 = arith.constant 0 : i32
        %dma_start3A_282 = tpu.memref_slice %arg6[%dma_start3A_279, %dma_start3A_280, %dma_start3A_281] : memref<4x128x128xf32, #tpu.memory_space<vmem>> -> memref<1x128x128xf32, #tpu.memory_space<vmem>>
        %dma_start3A_283 = tpu.memref_squeeze %dma_start3A_282 : memref<1x128x128xf32, #tpu.memory_space<vmem>> -> memref<128x128xf32, #tpu.memory_space<vmem>>
        %dma_start3A_284 = tpu.memref_slice %arg5[%mul3A_278] : memref<5120xi32, #tpu.memory_space<vmem>> -> memref<128xi32, #tpu.memory_space<vmem>>
        %dma_start3A_285 = arith.constant 0 : i32
        %dma_start3A_286 = arith.constant 0 : i32
        %dma_start3A_287 = tpu.memref_slice %arg2[%dma_start3A_285, %dma_start3A_286] : memref<10000x128xf32, #tpu.memory_space<hbm>> -> memref<10000x128xf32, #tpu.memory_space<hbm>>
        tpu.enqueue_indirect_dma source(%dma_start3A_287 : memref<10000x128xf32, #tpu.memory_space<hbm>>) target(%dma_start3A_283 : memref<128x128xf32, #tpu.memory_space<vmem>>) offsets(%dma_start3A_284 : memref<128xi32, #tpu.memory_space<vmem>>) semaphore(%arg8 : memref<!tpu.dma_semaphore, #tpu.memory_space<semaphore_mem>>)
      } else {
      }
      %dma_wait3A_194 = arith.constant 2 : i32
      %dma_wait3A_195 = arith.constant 0 : i32
      %dma_wait3A_196 = arith.constant 0 : i32
      %dma_wait3A_197 = tpu.memref_slice %arg6[%dma_wait3A_194, %dma_wait3A_195, %dma_wait3A_196] : memref<4x128x128xf32, #tpu.memory_space<vmem>> -> memref<1x128x128xf32, #tpu.memory_space<vmem>>
      %dma_wait3A_198 = tpu.memref_squeeze %dma_wait3A_197 : memref<1x128x128xf32, #tpu.memory_space<vmem>> -> memref<128x128xf32, #tpu.memory_space<vmem>>
      %dma_wait3A_199 = arith.constant 0 : i32
      %dma_wait3A_200 = arith.constant 0 : i32
      %dma_wait3A_201 = tpu.memref_slice %arg2[%dma_wait3A_199, %dma_wait3A_200] : memref<10000x128xf32, #tpu.memory_space<hbm>> -> memref<128x128xf32, #tpu.memory_space<hbm>>
      %dma_wait3A_202 = arith.constant 0 : i32
      %dma_wait3A_203 = arith.constant 0 : i32
      %dma_wait3A_204 = tpu.memref_slice %arg6[%dma_wait3A_194, %dma_wait3A_202, %dma_wait3A_203] : memref<4x128x128xf32, #tpu.memory_space<vmem>> -> memref<1x128x128xf32, #tpu.memory_space<vmem>>
      %dma_wait3A_205 = tpu.memref_squeeze %dma_wait3A_204 : memref<1x128x128xf32, #tpu.memory_space<vmem>> -> memref<128x128xf32, #tpu.memory_space<vmem>>
      %dma_wait3A_206 = arith.constant 0 : i32
      %dma_wait3A_207 = arith.constant 0 : i32
      %dma_wait3A_208 = tpu.memref_slice %arg2[%dma_wait3A_206, %dma_wait3A_207] : memref<10000x128xf32, #tpu.memory_space<hbm>> -> memref<128x128xf32, #tpu.memory_space<hbm>>
      tpu.wait_dma2 semaphore(%arg9 : memref<!tpu.dma_semaphore, #tpu.memory_space<semaphore_mem>>) src(%dma_wait3A_208 : memref<128x128xf32, #tpu.memory_space<hbm>>) dst(%dma_wait3A_205 : memref<128x128xf32, #tpu.memory_space<vmem>>)
      %mul3A_209 = arith.constant 128 : i32
      %mul3A_210 = arith.muli %add3A_184, %mul3A_209 : i32
      %add3A_211 = arith.addi %mul3A_2, %mul3A_210 : i32
      %dma_start3A_212 = arith.constant 2 : i32
      %dma_start3A_213 = arith.constant 0 : i32
      %dma_start3A_214 = arith.constant 0 : i32
      %dma_start3A_215 = tpu.memref_slice %arg6[%dma_start3A_212, %dma_start3A_213, %dma_start3A_214] : memref<4x128x128xf32, #tpu.memory_space<vmem>> -> memref<1x128x128xf32, #tpu.memory_space<vmem>>
      %dma_start3A_216 = tpu.memref_squeeze %dma_start3A_215 : memref<1x128x128xf32, #tpu.memory_space<vmem>> -> memref<128x128xf32, #tpu.memory_space<vmem>>
      %dma_start3A_217 = arith.constant 0 : i32
      %dma_start3A_218 = tpu.memref_slice %arg4[%add3A_211, %dma_start3A_217] : memref<163840x128xf32, #tpu.memory_space<hbm>> -> memref<128x128xf32, #tpu.memory_space<hbm>>
      %dma_start3A_219 = arith.constant 0 : i32
      %dma_start3A_220 = tpu.memref_slice %arg4[%add3A_211, %dma_start3A_219] : memref<163840x128xf32, #tpu.memory_space<hbm>> -> memref<128x128xf32, #tpu.memory_space<hbm>>
      %dma_start3A_221 = arith.constant 0 : i32
      %dma_start3A_222 = arith.constant 0 : i32
      %dma_start3A_223 = tpu.memref_slice %arg6[%dma_start3A_212, %dma_start3A_221, %dma_start3A_222] : memref<4x128x128xf32, #tpu.memory_space<vmem>> -> memref<1x128x128xf32, #tpu.memory_space<vmem>>
      %dma_start3A_224 = tpu.memref_squeeze %dma_start3A_223 : memref<1x128x128xf32, #tpu.memory_space<vmem>> -> memref<128x128xf32, #tpu.memory_space<vmem>>
      tpu.enqueue_dma source(%dma_start3A_224 : memref<128x128xf32, #tpu.memory_space<vmem>>) target(%dma_start3A_220 : memref<128x128xf32, #tpu.memory_space<hbm>>) target_semaphore(%arg13 : memref<!tpu.dma_semaphore, #tpu.memory_space<semaphore_mem>>)
      %mul3A_225 = arith.constant 4 : i32
      %mul3A_226 = arith.muli %scan3A_96, %mul3A_225 : i32
      %add3A_227 = arith.constant 3 : i32
      %add3A_228 = arith.addi %mul3A_226, %add3A_227 : i32
      %add3A_229 = arith.constant 4 : i32
      %add3A_230 = arith.addi %add3A_228, %add3A_229 : i32
      %sub3A_231 = arith.constant 1 : i32
      %sub3A_232 = arith.subi %add3A_230, %sub3A_231 : i32
      %lt3A_233 = arith.constant 40 : i32
      %lt3A_234 = arith.cmpi slt, %sub3A_232, %lt3A_233 : i32
      %convert_element_type3A_235 = arith.extui %lt3A_234 : i1 to i32
      %cond3A_236 = arith.constant 0 : i32
      %cond3A_237 = arith.cmpi ne, %convert_element_type3A_235, %cond3A_236 : i32
      scf.if %cond3A_237 {
        %ge3A = arith.constant 1 : i32
        %ge3A_269 = arith.cmpi sge, %add3A_228, %ge3A : i32
        %convert_element_type3A_270 = arith.extui %ge3A_269 : i1 to i32
        %cond3A_271 = arith.constant 0 : i32
        %cond3A_272 = arith.cmpi ne, %convert_element_type3A_270, %cond3A_271 : i32
        scf.if %cond3A_272 {
          %dma_wait3A_288 = arith.constant 2 : i32
          %dma_wait3A_289 = arith.constant 0 : i32
          %dma_wait3A_290 = arith.constant 0 : i32
          %dma_wait3A_291 = tpu.memref_slice %arg6[%dma_wait3A_288, %dma_wait3A_289, %dma_wait3A_290] : memref<4x128x128xf32, #tpu.memory_space<vmem>> -> memref<1x128x128xf32, #tpu.memory_space<vmem>>
          %dma_wait3A_292 = tpu.memref_squeeze %dma_wait3A_291 : memref<1x128x128xf32, #tpu.memory_space<vmem>> -> memref<128x128xf32, #tpu.memory_space<vmem>>
          %dma_wait3A_293 = arith.constant 0 : i32
          %dma_wait3A_294 = arith.constant 0 : i32
          %dma_wait3A_295 = tpu.memref_slice %arg2[%dma_wait3A_293, %dma_wait3A_294] : memref<10000x128xf32, #tpu.memory_space<hbm>> -> memref<128x128xf32, #tpu.memory_space<hbm>>
          %dma_wait3A_296 = arith.constant 0 : i32
          %dma_wait3A_297 = arith.constant 0 : i32
          %dma_wait3A_298 = tpu.memref_slice %arg6[%dma_wait3A_288, %dma_wait3A_296, %dma_wait3A_297] : memref<4x128x128xf32, #tpu.memory_space<vmem>> -> memref<1x128x128xf32, #tpu.memory_space<vmem>>
          %dma_wait3A_299 = tpu.memref_squeeze %dma_wait3A_298 : memref<1x128x128xf32, #tpu.memory_space<vmem>> -> memref<128x128xf32, #tpu.memory_space<vmem>>
          %dma_wait3A_300 = arith.constant 0 : i32
          %dma_wait3A_301 = arith.constant 0 : i32
          %dma_wait3A_302 = tpu.memref_slice %arg2[%dma_wait3A_300, %dma_wait3A_301] : memref<10000x128xf32, #tpu.memory_space<hbm>> -> memref<128x128xf32, #tpu.memory_space<hbm>>
          tpu.wait_dma2 semaphore(%arg13 : memref<!tpu.dma_semaphore, #tpu.memory_space<semaphore_mem>>) src(%dma_wait3A_302 : memref<128x128xf32, #tpu.memory_space<hbm>>) dst(%dma_wait3A_299 : memref<128x128xf32, #tpu.memory_space<vmem>>)
        } else {
        }
        %add3A_273 = arith.constant 4 : i32
        %add3A_274 = arith.addi %add3A_228, %add3A_273 : i32
        %sub3A_275 = arith.constant 1 : i32
        %sub3A_276 = arith.subi %add3A_274, %sub3A_275 : i32
        %mul3A_277 = arith.constant 128 : i32
        %mul3A_278 = arith.muli %sub3A_276, %mul3A_277 : i32
        %dma_start3A_279 = arith.constant 2 : i32
        %dma_start3A_280 = arith.constant 0 : i32
        %dma_start3A_281 = arith.constant 0 : i32
        %dma_start3A_282 = tpu.memref_slice %arg6[%dma_start3A_279, %dma_start3A_280, %dma_start3A_281] : memref<4x128x128xf32, #tpu.memory_space<vmem>> -> memref<1x128x128xf32, #tpu.memory_space<vmem>>
        %dma_start3A_283 = tpu.memref_squeeze %dma_start3A_282 : memref<1x128x128xf32, #tpu.memory_space<vmem>> -> memref<128x128xf32, #tpu.memory_space<vmem>>
        %dma_start3A_284 = tpu.memref_slice %arg5[%mul3A_278] : memref<5120xi32, #tpu.memory_space<vmem>> -> memref<128xi32, #tpu.memory_space<vmem>>
        %dma_start3A_285 = arith.constant 0 : i32
        %dma_start3A_286 = arith.constant 0 : i32
        %dma_start3A_287 = tpu.memref_slice %arg2[%dma_start3A_285, %dma_start3A_286] : memref<10000x128xf32, #tpu.memory_space<hbm>> -> memref<10000x128xf32, #tpu.memory_space<hbm>>
        tpu.enqueue_indirect_dma source(%dma_start3A_287 : memref<10000x128xf32, #tpu.memory_space<hbm>>) target(%dma_start3A_283 : memref<128x128xf32, #tpu.memory_space<vmem>>) offsets(%dma_start3A_284 : memref<128xi32, #tpu.memory_space<vmem>>) semaphore(%arg9 : memref<!tpu.dma_semaphore, #tpu.memory_space<semaphore_mem>>)
      } else {
      }
      %dma_wait3A_238 = arith.constant 3 : i32
      %dma_wait3A_239 = arith.constant 0 : i32
      %dma_wait3A_240 = arith.constant 0 : i32
      %dma_wait3A_241 = tpu.memref_slice %arg6[%dma_wait3A_238, %dma_wait3A_239, %dma_wait3A_240] : memref<4x128x128xf32, #tpu.memory_space<vmem>> -> memref<1x128x128xf32, #tpu.memory_space<vmem>>
      %dma_wait3A_242 = tpu.memref_squeeze %dma_wait3A_241 : memref<1x128x128xf32, #tpu.memory_space<vmem>> -> memref<128x128xf32, #tpu.memory_space<vmem>>
      %dma_wait3A_243 = arith.constant 0 : i32
      %dma_wait3A_244 = arith.constant 0 : i32
      %dma_wait3A_245 = tpu.memref_slice %arg2[%dma_wait3A_243, %dma_wait3A_244] : memref<10000x128xf32, #tpu.memory_space<hbm>> -> memref<128x128xf32, #tpu.memory_space<hbm>>
      %dma_wait3A_246 = arith.constant 0 : i32
      %dma_wait3A_247 = arith.constant 0 : i32
      %dma_wait3A_248 = tpu.memref_slice %arg6[%dma_wait3A_238, %dma_wait3A_246, %dma_wait3A_247] : memref<4x128x128xf32, #tpu.memory_space<vmem>> -> memref<1x128x128xf32, #tpu.memory_space<vmem>>
      %dma_wait3A_249 = tpu.memref_squeeze %dma_wait3A_248 : memref<1x128x128xf32, #tpu.memory_space<vmem>> -> memref<128x128xf32, #tpu.memory_space<vmem>>
      %dma_wait3A_250 = arith.constant 0 : i32
      %dma_wait3A_251 = arith.constant 0 : i32
      %dma_wait3A_252 = tpu.memref_slice %arg2[%dma_wait3A_250, %dma_wait3A_251] : memref<10000x128xf32, #tpu.memory_space<hbm>> -> memref<128x128xf32, #tpu.memory_space<hbm>>
      tpu.wait_dma2 semaphore(%arg10 : memref<!tpu.dma_semaphore, #tpu.memory_space<semaphore_mem>>) src(%dma_wait3A_252 : memref<128x128xf32, #tpu.memory_space<hbm>>) dst(%dma_wait3A_249 : memref<128x128xf32, #tpu.memory_space<vmem>>)
      %mul3A_253 = arith.constant 128 : i32
      %mul3A_254 = arith.muli %add3A_228, %mul3A_253 : i32
      %add3A_255 = arith.addi %mul3A_2, %mul3A_254 : i32
      %dma_start3A_256 = arith.constant 3 : i32
      %dma_start3A_257 = arith.constant 0 : i32
      %dma_start3A_258 = arith.constant 0 : i32
      %dma_start3A_259 = tpu.memref_slice %arg6[%dma_start3A_256, %dma_start3A_257, %dma_start3A_258] : memref<4x128x128xf32, #tpu.memory_space<vmem>> -> memref<1x128x128xf32, #tpu.memory_space<vmem>>
      %dma_start3A_260 = tpu.memref_squeeze %dma_start3A_259 : memref<1x128x128xf32, #tpu.memory_space<vmem>> -> memref<128x128xf32, #tpu.memory_space<vmem>>
      %dma_start3A_261 = arith.constant 0 : i32
      %dma_start3A_262 = tpu.memref_slice %arg4[%add3A_255, %dma_start3A_261] : memref<163840x128xf32, #tpu.memory_space<hbm>> -> memref<128x128xf32, #tpu.memory_space<hbm>>
      %dma_start3A_263 = arith.constant 0 : i32
      %dma_start3A_264 = tpu.memref_slice %arg4[%add3A_255, %dma_start3A_263] : memref<163840x128xf32, #tpu.memory_space<hbm>> -> memref<128x128xf32, #tpu.memory_space<hbm>>
      %dma_start3A_265 = arith.constant 0 : i32
      %dma_start3A_266 = arith.constant 0 : i32
      %dma_start3A_267 = tpu.memref_slice %arg6[%dma_start3A_256, %dma_start3A_265, %dma_start3A_266] : memref<4x128x128xf32, #tpu.memory_space<vmem>> -> memref<1x128x128xf32, #tpu.memory_space<vmem>>
      %dma_start3A_268 = tpu.memref_squeeze %dma_start3A_267 : memref<1x128x128xf32, #tpu.memory_space<vmem>> -> memref<128x128xf32, #tpu.memory_space<vmem>>
      tpu.enqueue_dma source(%dma_start3A_268 : memref<128x128xf32, #tpu.memory_space<vmem>>) target(%dma_start3A_264 : memref<128x128xf32, #tpu.memory_space<hbm>>) target_semaphore(%arg14 : memref<!tpu.dma_semaphore, #tpu.memory_space<semaphore_mem>>)
    }
    %scan3A_36 = arith.constant 10 : i32
    %dma_wait3A = arith.constant 0 : i32
    %dma_wait3A_37 = arith.constant 0 : i32
    %dma_wait3A_38 = arith.constant 0 : i32
    %dma_wait3A_39 = tpu.memref_slice %arg6[%dma_wait3A, %dma_wait3A_37, %dma_wait3A_38] : memref<4x128x128xf32, #tpu.memory_space<vmem>> -> memref<1x128x128xf32, #tpu.memory_space<vmem>>
    %dma_wait3A_40 = tpu.memref_squeeze %dma_wait3A_39 : memref<1x128x128xf32, #tpu.memory_space<vmem>> -> memref<128x128xf32, #tpu.memory_space<vmem>>
    %dma_wait3A_41 = arith.constant 0 : i32
    %dma_wait3A_42 = arith.constant 0 : i32
    %dma_wait3A_43 = tpu.memref_slice %arg2[%dma_wait3A_41, %dma_wait3A_42] : memref<10000x128xf32, #tpu.memory_space<hbm>> -> memref<128x128xf32, #tpu.memory_space<hbm>>
    %dma_wait3A_44 = arith.constant 0 : i32
    %dma_wait3A_45 = arith.constant 0 : i32
    %dma_wait3A_46 = tpu.memref_slice %arg6[%dma_wait3A, %dma_wait3A_44, %dma_wait3A_45] : memref<4x128x128xf32, #tpu.memory_space<vmem>> -> memref<1x128x128xf32, #tpu.memory_space<vmem>>
    %dma_wait3A_47 = tpu.memref_squeeze %dma_wait3A_46 : memref<1x128x128xf32, #tpu.memory_space<vmem>> -> memref<128x128xf32, #tpu.memory_space<vmem>>
    %dma_wait3A_48 = arith.constant 0 : i32
    %dma_wait3A_49 = arith.constant 0 : i32
    %dma_wait3A_50 = tpu.memref_slice %arg2[%dma_wait3A_48, %dma_wait3A_49] : memref<10000x128xf32, #tpu.memory_space<hbm>> -> memref<128x128xf32, #tpu.memory_space<hbm>>
    tpu.wait_dma2 semaphore(%arg11 : memref<!tpu.dma_semaphore, #tpu.memory_space<semaphore_mem>>) src(%dma_wait3A_50 : memref<128x128xf32, #tpu.memory_space<hbm>>) dst(%dma_wait3A_47 : memref<128x128xf32, #tpu.memory_space<vmem>>)
    %dma_wait3A_51 = arith.constant 1 : i32
    %dma_wait3A_52 = arith.constant 0 : i32
    %dma_wait3A_53 = arith.constant 0 : i32
    %dma_wait3A_54 = tpu.memref_slice %arg6[%dma_wait3A_51, %dma_wait3A_52, %dma_wait3A_53] : memref<4x128x128xf32, #tpu.memory_space<vmem>> -> memref<1x128x128xf32, #tpu.memory_space<vmem>>
    %dma_wait3A_55 = tpu.memref_squeeze %dma_wait3A_54 : memref<1x128x128xf32, #tpu.memory_space<vmem>> -> memref<128x128xf32, #tpu.memory_space<vmem>>
    %dma_wait3A_56 = arith.constant 0 : i32
    %dma_wait3A_57 = arith.constant 0 : i32
    %dma_wait3A_58 = tpu.memref_slice %arg2[%dma_wait3A_56, %dma_wait3A_57] : memref<10000x128xf32, #tpu.memory_space<hbm>> -> memref<128x128xf32, #tpu.memory_space<hbm>>
    %dma_wait3A_59 = arith.constant 0 : i32
    %dma_wait3A_60 = arith.constant 0 : i32
    %dma_wait3A_61 = tpu.memref_slice %arg6[%dma_wait3A_51, %dma_wait3A_59, %dma_wait3A_60] : memref<4x128x128xf32, #tpu.memory_space<vmem>> -> memref<1x128x128xf32, #tpu.memory_space<vmem>>
    %dma_wait3A_62 = tpu.memref_squeeze %dma_wait3A_61 : memref<1x128x128xf32, #tpu.memory_space<vmem>> -> memref<128x128xf32, #tpu.memory_space<vmem>>
    %dma_wait3A_63 = arith.constant 0 : i32
    %dma_wait3A_64 = arith.constant 0 : i32
    %dma_wait3A_65 = tpu.memref_slice %arg2[%dma_wait3A_63, %dma_wait3A_64] : memref<10000x128xf32, #tpu.memory_space<hbm>> -> memref<128x128xf32, #tpu.memory_space<hbm>>
    tpu.wait_dma2 semaphore(%arg12 : memref<!tpu.dma_semaphore, #tpu.memory_space<semaphore_mem>>) src(%dma_wait3A_65 : memref<128x128xf32, #tpu.memory_space<hbm>>) dst(%dma_wait3A_62 : memref<128x128xf32, #tpu.memory_space<vmem>>)
    %dma_wait3A_66 = arith.constant 2 : i32
    %dma_wait3A_67 = arith.constant 0 : i32
    %dma_wait3A_68 = arith.constant 0 : i32
    %dma_wait3A_69 = tpu.memref_slice %arg6[%dma_wait3A_66, %dma_wait3A_67, %dma_wait3A_68] : memref<4x128x128xf32, #tpu.memory_space<vmem>> -> memref<1x128x128xf32, #tpu.memory_space<vmem>>
    %dma_wait3A_70 = tpu.memref_squeeze %dma_wait3A_69 : memref<1x128x128xf32, #tpu.memory_space<vmem>> -> memref<128x128xf32, #tpu.memory_space<vmem>>
    %dma_wait3A_71 = arith.constant 0 : i32
    %dma_wait3A_72 = arith.constant 0 : i32
    %dma_wait3A_73 = tpu.memref_slice %arg2[%dma_wait3A_71, %dma_wait3A_72] : memref<10000x128xf32, #tpu.memory_space<hbm>> -> memref<128x128xf32, #tpu.memory_space<hbm>>
    %dma_wait3A_74 = arith.constant 0 : i32
    %dma_wait3A_75 = arith.constant 0 : i32
    %dma_wait3A_76 = tpu.memref_slice %arg6[%dma_wait3A_66, %dma_wait3A_74, %dma_wait3A_75] : memref<4x128x128xf32, #tpu.memory_space<vmem>> -> memref<1x128x128xf32, #tpu.memory_space<vmem>>
    %dma_wait3A_77 = tpu.memref_squeeze %dma_wait3A_76 : memref<1x128x128xf32, #tpu.memory_space<vmem>> -> memref<128x128xf32, #tpu.memory_space<vmem>>
    %dma_wait3A_78 = arith.constant 0 : i32
    %dma_wait3A_79 = arith.constant 0 : i32
    %dma_wait3A_80 = tpu.memref_slice %arg2[%dma_wait3A_78, %dma_wait3A_79] : memref<10000x128xf32, #tpu.memory_space<hbm>> -> memref<128x128xf32, #tpu.memory_space<hbm>>
    tpu.wait_dma2 semaphore(%arg13 : memref<!tpu.dma_semaphore, #tpu.memory_space<semaphore_mem>>) src(%dma_wait3A_80 : memref<128x128xf32, #tpu.memory_space<hbm>>) dst(%dma_wait3A_77 : memref<128x128xf32, #tpu.memory_space<vmem>>)
    %dma_wait3A_81 = arith.constant 3 : i32
    %dma_wait3A_82 = arith.constant 0 : i32
    %dma_wait3A_83 = arith.constant 0 : i32
    %dma_wait3A_84 = tpu.memref_slice %arg6[%dma_wait3A_81, %dma_wait3A_82, %dma_wait3A_83] : memref<4x128x128xf32, #tpu.memory_space<vmem>> -> memref<1x128x128xf32, #tpu.memory_space<vmem>>
    %dma_wait3A_85 = tpu.memref_squeeze %dma_wait3A_84 : memref<1x128x128xf32, #tpu.memory_space<vmem>> -> memref<128x128xf32, #tpu.memory_space<vmem>>
    %dma_wait3A_86 = arith.constant 0 : i32
    %dma_wait3A_87 = arith.constant 0 : i32
    %dma_wait3A_88 = tpu.memref_slice %arg2[%dma_wait3A_86, %dma_wait3A_87] : memref<10000x128xf32, #tpu.memory_space<hbm>> -> memref<128x128xf32, #tpu.memory_space<hbm>>
    %dma_wait3A_89 = arith.constant 0 : i32
    %dma_wait3A_90 = arith.constant 0 : i32
    %dma_wait3A_91 = tpu.memref_slice %arg6[%dma_wait3A_81, %dma_wait3A_89, %dma_wait3A_90] : memref<4x128x128xf32, #tpu.memory_space<vmem>> -> memref<1x128x128xf32, #tpu.memory_space<vmem>>
    %dma_wait3A_92 = tpu.memref_squeeze %dma_wait3A_91 : memref<1x128x128xf32, #tpu.memory_space<vmem>> -> memref<128x128xf32, #tpu.memory_space<vmem>>
    %dma_wait3A_93 = arith.constant 0 : i32
    %dma_wait3A_94 = arith.constant 0 : i32
    %dma_wait3A_95 = tpu.memref_slice %arg2[%dma_wait3A_93, %dma_wait3A_94] : memref<10000x128xf32, #tpu.memory_space<hbm>> -> memref<128x128xf32, #tpu.memory_space<hbm>>
    tpu.wait_dma2 semaphore(%arg14 : memref<!tpu.dma_semaphore, #tpu.memory_space<semaphore_mem>>) src(%dma_wait3A_95 : memref<128x128xf32, #tpu.memory_space<hbm>>) dst(%dma_wait3A_92 : memref<128x128xf32, #tpu.memory_space<vmem>>)
    return
  }
}

#map = affine_map<(d0, d1) -> (0, 0)>
#map1 = affine_map<(d0, d1) -> (0)>
module attributes {stable_mosaic.version = 14 : i64} {
  func.func @_gather_body(%arg0: i32, %arg1: i32, %arg2: memref<10000x128xf32, #tpu.memory_space<hbm>>, %arg3: memref<163840xi32, #tpu.memory_space<hbm>>, %arg4: memref<163840x128xf32, #tpu.memory_space<hbm>>, %arg5: memref<5120xi32, #tpu.memory_space<vmem>>, %arg6: memref<4x128x128xf32, #tpu.memory_space<vmem>>, %arg7: memref<!tpu.dma_semaphore, #tpu.memory_space<semaphore_mem>>, %arg8: memref<!tpu.dma_semaphore, #tpu.memory_space<semaphore_mem>>, %arg9: memref<!tpu.dma_semaphore, #tpu.memory_space<semaphore_mem>>, %arg10: memref<!tpu.dma_semaphore, #tpu.memory_space<semaphore_mem>>, %arg11: memref<!tpu.dma_semaphore, #tpu.memory_space<semaphore_mem>>, %arg12: memref<!tpu.dma_semaphore, #tpu.memory_space<semaphore_mem>>, %arg13: memref<!tpu.dma_semaphore, #tpu.memory_space<semaphore_mem>>, %arg14: memref<!tpu.dma_semaphore, #tpu.memory_space<semaphore_mem>>) attributes {dimension_semantics = [#tpu.dimension_semantics<core_parallel>, #tpu.dimension_semantics<subcore_parallel>], iteration_bounds = array<i64: 2, 16>, scalar_prefetch = 0 : i64, scratch_operands = 10 : i64, tpu.core_type = #tpu.core_type<sc_vector_subcore>, window_params = [{transform_indices = #map}, {transform_indices = #map1}, {transform_indices = #map}]} {
    %mul3A = arith.constant 2 : i32
    %mul3A_0 = arith.muli %arg1, %mul3A : i32
    %add3A = arith.addi %mul3A_0, %arg0 : i32
    %mul3A_1 = arith.constant 5120 : i32
    %mul3A_2 = arith.muli %add3A, %mul3A_1 : i32
    "tpu.region"() ({
      %run_scoped3A = tpu.sem_alloc : memref<!tpu.dma_semaphore, #tpu.memory_space<semaphore_mem>>
      %dma_start3A_96 = tpu.memref_slice %arg3[%mul3A_2] : memref<163840xi32, #tpu.memory_space<hbm>> -> memref<5120xi32, #tpu.memory_space<hbm>>
      %dma_start3A_97 = tpu.memref_slice %arg3[%mul3A_2] : memref<163840xi32, #tpu.memory_space<hbm>> -> memref<5120xi32, #tpu.memory_space<hbm>>
      tpu.enqueue_dma source(%dma_start3A_97 : memref<5120xi32, #tpu.memory_space<hbm>>) target(%arg5 : memref<5120xi32, #tpu.memory_space<vmem>>) target_semaphore(%run_scoped3A : memref<!tpu.dma_semaphore, #tpu.memory_space<semaphore_mem>>)
      %dma_wait3A_98 = tpu.memref_slice %arg3[%mul3A_2] : memref<163840xi32, #tpu.memory_space<hbm>> -> memref<5120xi32, #tpu.memory_space<hbm>>
      %dma_wait3A_99 = tpu.memref_slice %arg3[%mul3A_2] : memref<163840xi32, #tpu.memory_space<hbm>> -> memref<5120xi32, #tpu.memory_space<hbm>>
      tpu.wait_dma2 semaphore(%run_scoped3A : memref<!tpu.dma_semaphore, #tpu.memory_space<semaphore_mem>>) src(%dma_wait3A_99 : memref<5120xi32, #tpu.memory_space<hbm>>) dst(%arg5 : memref<5120xi32, #tpu.memory_space<vmem>>)
      tpu.yield
    }) : () -> ()
    %dma_start3A = arith.constant 0 : i32
    %dma_start3A_3 = arith.constant 0 : i32
    %dma_start3A_4 = arith.constant 0 : i32
    %dma_start3A_5 = tpu.memref_slice %arg6[%dma_start3A, %dma_start3A_3, %dma_start3A_4] : memref<4x128x128xf32, #tpu.memory_space<vmem>> -> memref<1x128x128xf32, #tpu.memory_space<vmem>>
    %dma_start3A_6 = tpu.memref_squeeze %dma_start3A_5 : memref<1x128x128xf32, #tpu.memory_space<vmem>> -> memref<128x128xf32, #tpu.memory_space<vmem>>
    %dma_start3A_7 = arith.constant 0 : i32
    %dma_start3A_8 = tpu.memref_slice %arg5[%dma_start3A_7] : memref<5120xi32, #tpu.memory_space<vmem>> -> memref<128xi32, #tpu.memory_space<vmem>>
    %dma_start3A_9 = arith.constant 0 : i32
    %dma_start3A_10 = arith.constant 0 : i32
    %dma_start3A_11 = tpu.memref_slice %arg2[%dma_start3A_9, %dma_start3A_10] : memref<10000x128xf32, #tpu.memory_space<hbm>> -> memref<10000x128xf32, #tpu.memory_space<hbm>>
    tpu.enqueue_indirect_dma source(%dma_start3A_11 : memref<10000x128xf32, #tpu.memory_space<hbm>>) target(%dma_start3A_6 : memref<128x128xf32, #tpu.memory_space<vmem>>) offsets(%dma_start3A_8 : memref<128xi32, #tpu.memory_space<vmem>>) semaphore(%arg7 : memref<!tpu.dma_semaphore, #tpu.memory_space<semaphore_mem>>)
    %dma_start3A_12 = arith.constant 1 : i32
    %dma_start3A_13 = arith.constant 0 : i32
    %dma_start3A_14 = arith.constant 0 : i32
    %dma_start3A_15 = tpu.memref_slice %arg6[%dma_start3A_12, %dma_start3A_13, %dma_start3A_14] : memref<4x128x128xf32, #tpu.memory_space<vmem>> -> memref<1x128x128xf32, #tpu.memory_space<vmem>>
    %dma_start3A_16 = tpu.memref_squeeze %dma_start3A_15 : memref<1x128x128xf32, #tpu.memory_space<vmem>> -> memref<128x128xf32, #tpu.memory_space<vmem>>
    %dma_start3A_17 = arith.constant 128 : i32
    %dma_start3A_18 = tpu.memref_slice %arg5[%dma_start3A_17] : memref<5120xi32, #tpu.memory_space<vmem>> -> memref<128xi32, #tpu.memory_space<vmem>>
    %dma_start3A_19 = arith.constant 0 : i32
    %dma_start3A_20 = arith.constant 0 : i32
    %dma_start3A_21 = tpu.memref_slice %arg2[%dma_start3A_19, %dma_start3A_20] : memref<10000x128xf32, #tpu.memory_space<hbm>> -> memref<10000x128xf32, #tpu.memory_space<hbm>>
    tpu.enqueue_indirect_dma source(%dma_start3A_21 : memref<10000x128xf32, #tpu.memory_space<hbm>>) target(%dma_start3A_16 : memref<128x128xf32, #tpu.memory_space<vmem>>) offsets(%dma_start3A_18 : memref<128xi32, #tpu.memory_space<vmem>>) semaphore(%arg8 : memref<!tpu.dma_semaphore, #tpu.memory_space<semaphore_mem>>)
    %dma_start3A_22 = arith.constant 2 : i32
    %dma_start3A_23 = arith.constant 0 : i32
    %dma_start3A_24 = arith.constant 0 : i32
    %dma_start3A_25 = tpu.memref_slice %arg6[%dma_start3A_22, %dma_start3A_23, %dma_start3A_24] : memref<4x128x128xf32, #tpu.memory_space<vmem>> -> memref<1x128x128xf32, #tpu.memory_space<vmem>>
    %dma_start3A_26 = tpu.memref_squeeze %dma_start3A_25 : memref<1x128x128xf32, #tpu.memory_space<vmem>> -> memref<128x128xf32, #tpu.memory_space<vmem>>
    %dma_start3A_27 = arith.constant 256 : i32
    %dma_start3A_28 = tpu.memref_slice %arg5[%dma_start3A_27] : memref<5120xi32, #tpu.memory_space<vmem>> -> memref<128xi32, #tpu.memory_space<vmem>>
    %dma_start3A_29 = arith.constant 0 : i32
    %dma_start3A_30 = arith.constant 0 : i32
    %dma_start3A_31 = tpu.memref_slice %arg2[%dma_start3A_29, %dma_start3A_30] : memref<10000x128xf32, #tpu.memory_space<hbm>> -> memref<10000x128xf32, #tpu.memory_space<hbm>>
    tpu.enqueue_indirect_dma source(%dma_start3A_31 : memref<10000x128xf32, #tpu.memory_space<hbm>>) target(%dma_start3A_26 : memref<128x128xf32, #tpu.memory_space<vmem>>) offsets(%dma_start3A_28 : memref<128xi32, #tpu.memory_space<vmem>>) semaphore(%arg9 : memref<!tpu.dma_semaphore, #tpu.memory_space<semaphore_mem>>)
    %scan3A = arith.constant 0 : i32
    %scan3A_32 = arith.constant 0 : i32
    %scan3A_33 = arith.constant 10 : i32
    %scan3A_34 = arith.addi %scan3A_32, %scan3A_33 : i32
    %scan3A_35 = arith.constant 1 : i32
    scf.for %scan3A_96 = %scan3A_32 to %scan3A_34 step %scan3A_35  : i32 {
      %mul3A_97 = arith.constant 4 : i32
      %mul3A_98 = arith.muli %scan3A_96, %mul3A_97 : i32
      %add3A_99 = arith.constant 0 : i32
      %add3A_100 = arith.addi %mul3A_98, %add3A_99 : i32
      %add3A_101 = arith.constant 4 : i32
      %add3A_102 = arith.addi %add3A_100, %add3A_101 : i32
      %sub3A = arith.constant 1 : i32
      %sub3A_103 = arith.subi %add3A_102, %sub3A : i32
      %lt3A = arith.constant 40 : i32
      %lt3A_104 = arith.cmpi slt, %sub3A_103, %lt3A : i32
      %convert_element_type3A = arith.extui %lt3A_104 : i1 to i32
      %cond3A = arith.constant 0 : i32
      %cond3A_105 = arith.cmpi ne, %convert_element_type3A, %cond3A : i32
      scf.if %cond3A_105 {
        %ge3A = arith.constant 1 : i32
        %ge3A_269 = arith.cmpi sge, %add3A_100, %ge3A : i32
        %convert_element_type3A_270 = arith.extui %ge3A_269 : i1 to i32
        %cond3A_271 = arith.constant 0 : i32
        %cond3A_272 = arith.cmpi ne, %convert_element_type3A_270, %cond3A_271 : i32
        scf.if %cond3A_272 {
          %dma_wait3A_288 = arith.constant 3 : i32
          %dma_wait3A_289 = arith.constant 0 : i32
          %dma_wait3A_290 = arith.constant 0 : i32
          %dma_wait3A_291 = tpu.memref_slice %arg6[%dma_wait3A_288, %dma_wait3A_289, %dma_wait3A_290] : memref<4x128x128xf32, #tpu.memory_space<vmem>> -> memref<1x128x128xf32, #tpu.memory_space<vmem>>
          %dma_wait3A_292 = tpu.memref_squeeze %dma_wait3A_291 : memref<1x128x128xf32, #tpu.memory_space<vmem>> -> memref<128x128xf32, #tpu.memory_space<vmem>>
          %dma_wait3A_293 = arith.constant 0 : i32
          %dma_wait3A_294 = arith.constant 0 : i32
          %dma_wait3A_295 = tpu.memref_slice %arg2[%dma_wait3A_293, %dma_wait3A_294] : memref<10000x128xf32, #tpu.memory_space<hbm>> -> memref<128x128xf32, #tpu.memory_space<hbm>>
          %dma_wait3A_296 = arith.constant 0 : i32
          %dma_wait3A_297 = arith.constant 0 : i32
          %dma_wait3A_298 = tpu.memref_slice %arg6[%dma_wait3A_288, %dma_wait3A_296, %dma_wait3A_297] : memref<4x128x128xf32, #tpu.memory_space<vmem>> -> memref<1x128x128xf32, #tpu.memory_space<vmem>>
          %dma_wait3A_299 = tpu.memref_squeeze %dma_wait3A_298 : memref<1x128x128xf32, #tpu.memory_space<vmem>> -> memref<128x128xf32, #tpu.memory_space<vmem>>
          %dma_wait3A_300 = arith.constant 0 : i32
          %dma_wait3A_301 = arith.constant 0 : i32
          %dma_wait3A_302 = tpu.memref_slice %arg2[%dma_wait3A_300, %dma_wait3A_301] : memref<10000x128xf32, #tpu.memory_space<hbm>> -> memref<128x128xf32, #tpu.memory_space<hbm>>
          tpu.wait_dma2 semaphore(%arg14 : memref<!tpu.dma_semaphore, #tpu.memory_space<semaphore_mem>>) src(%dma_wait3A_302 : memref<128x128xf32, #tpu.memory_space<hbm>>) dst(%dma_wait3A_299 : memref<128x128xf32, #tpu.memory_space<vmem>>)
        } else {
        }
        %add3A_273 = arith.constant 4 : i32
        %add3A_274 = arith.addi %add3A_100, %add3A_273 : i32
        %sub3A_275 = arith.constant 1 : i32
        %sub3A_276 = arith.subi %add3A_274, %sub3A_275 : i32
        %mul3A_277 = arith.constant 128 : i32
        %mul3A_278 = arith.muli %sub3A_276, %mul3A_277 : i32
        %dma_start3A_279 = arith.constant 3 : i32
        %dma_start3A_280 = arith.constant 0 : i32
        %dma_start3A_281 = arith.constant 0 : i32
        %dma_start3A_282 = tpu.memref_slice %arg6[%dma_start3A_279, %dma_start3A_280, %dma_start3A_281] : memref<4x128x128xf32, #tpu.memory_space<vmem>> -> memref<1x128x128xf32, #tpu.memory_space<vmem>>
        %dma_start3A_283 = tpu.memref_squeeze %dma_start3A_282 : memref<1x128x128xf32, #tpu.memory_space<vmem>> -> memref<128x128xf32, #tpu.memory_space<vmem>>
        %dma_start3A_284 = tpu.memref_slice %arg5[%mul3A_278] : memref<5120xi32, #tpu.memory_space<vmem>> -> memref<128xi32, #tpu.memory_space<vmem>>
        %dma_start3A_285 = arith.constant 0 : i32
        %dma_start3A_286 = arith.constant 0 : i32
        %dma_start3A_287 = tpu.memref_slice %arg2[%dma_start3A_285, %dma_start3A_286] : memref<10000x128xf32, #tpu.memory_space<hbm>> -> memref<10000x128xf32, #tpu.memory_space<hbm>>
        tpu.enqueue_indirect_dma source(%dma_start3A_287 : memref<10000x128xf32, #tpu.memory_space<hbm>>) target(%dma_start3A_283 : memref<128x128xf32, #tpu.memory_space<vmem>>) offsets(%dma_start3A_284 : memref<128xi32, #tpu.memory_space<vmem>>) semaphore(%arg10 : memref<!tpu.dma_semaphore, #tpu.memory_space<semaphore_mem>>)
      } else {
      }
      %dma_wait3A_106 = arith.constant 0 : i32
      %dma_wait3A_107 = arith.constant 0 : i32
      %dma_wait3A_108 = arith.constant 0 : i32
      %dma_wait3A_109 = tpu.memref_slice %arg6[%dma_wait3A_106, %dma_wait3A_107, %dma_wait3A_108] : memref<4x128x128xf32, #tpu.memory_space<vmem>> -> memref<1x128x128xf32, #tpu.memory_space<vmem>>
      %dma_wait3A_110 = tpu.memref_squeeze %dma_wait3A_109 : memref<1x128x128xf32, #tpu.memory_space<vmem>> -> memref<128x128xf32, #tpu.memory_space<vmem>>
      %dma_wait3A_111 = arith.constant 0 : i32
      %dma_wait3A_112 = arith.constant 0 : i32
      %dma_wait3A_113 = tpu.memref_slice %arg2[%dma_wait3A_111, %dma_wait3A_112] : memref<10000x128xf32, #tpu.memory_space<hbm>> -> memref<128x128xf32, #tpu.memory_space<hbm>>
      %dma_wait3A_114 = arith.constant 0 : i32
      %dma_wait3A_115 = arith.constant 0 : i32
      %dma_wait3A_116 = tpu.memref_slice %arg6[%dma_wait3A_106, %dma_wait3A_114, %dma_wait3A_115] : memref<4x128x128xf32, #tpu.memory_space<vmem>> -> memref<1x128x128xf32, #tpu.memory_space<vmem>>
      %dma_wait3A_117 = tpu.memref_squeeze %dma_wait3A_116 : memref<1x128x128xf32, #tpu.memory_space<vmem>> -> memref<128x128xf32, #tpu.memory_space<vmem>>
      %dma_wait3A_118 = arith.constant 0 : i32
      %dma_wait3A_119 = arith.constant 0 : i32
      %dma_wait3A_120 = tpu.memref_slice %arg2[%dma_wait3A_118, %dma_wait3A_119] : memref<10000x128xf32, #tpu.memory_space<hbm>> -> memref<128x128xf32, #tpu.memory_space<hbm>>
      tpu.wait_dma2 semaphore(%arg7 : memref<!tpu.dma_semaphore, #tpu.memory_space<semaphore_mem>>) src(%dma_wait3A_120 : memref<128x128xf32, #tpu.memory_space<hbm>>) dst(%dma_wait3A_117 : memref<128x128xf32, #tpu.memory_space<vmem>>)
      %mul3A_121 = arith.constant 128 : i32
      %mul3A_122 = arith.muli %add3A_100, %mul3A_121 : i32
      %add3A_123 = arith.addi %mul3A_2, %mul3A_122 : i32
      %dma_start3A_124 = arith.constant 0 : i32
      %dma_start3A_125 = arith.constant 0 : i32
      %dma_start3A_126 = arith.constant 0 : i32
      %dma_start3A_127 = tpu.memref_slice %arg6[%dma_start3A_124, %dma_start3A_125, %dma_start3A_126] : memref<4x128x128xf32, #tpu.memory_space<vmem>> -> memref<1x128x128xf32, #tpu.memory_space<vmem>>
      %dma_start3A_128 = tpu.memref_squeeze %dma_start3A_127 : memref<1x128x128xf32, #tpu.memory_space<vmem>> -> memref<128x128xf32, #tpu.memory_space<vmem>>
      %dma_start3A_129 = arith.constant 0 : i32
      %dma_start3A_130 = tpu.memref_slice %arg4[%add3A_123, %dma_start3A_129] : memref<163840x128xf32, #tpu.memory_space<hbm>> -> memref<128x128xf32, #tpu.memory_space<hbm>>
      %dma_start3A_131 = arith.constant 0 : i32
      %dma_start3A_132 = tpu.memref_slice %arg4[%add3A_123, %dma_start3A_131] : memref<163840x128xf32, #tpu.memory_space<hbm>> -> memref<128x128xf32, #tpu.memory_space<hbm>>
      %dma_start3A_133 = arith.constant 0 : i32
      %dma_start3A_134 = arith.constant 0 : i32
      %dma_start3A_135 = tpu.memref_slice %arg6[%dma_start3A_124, %dma_start3A_133, %dma_start3A_134] : memref<4x128x128xf32, #tpu.memory_space<vmem>> -> memref<1x128x128xf32, #tpu.memory_space<vmem>>
      %dma_start3A_136 = tpu.memref_squeeze %dma_start3A_135 : memref<1x128x128xf32, #tpu.memory_space<vmem>> -> memref<128x128xf32, #tpu.memory_space<vmem>>
      tpu.enqueue_dma source(%dma_start3A_136 : memref<128x128xf32, #tpu.memory_space<vmem>>) target(%dma_start3A_132 : memref<128x128xf32, #tpu.memory_space<hbm>>) target_semaphore(%arg11 : memref<!tpu.dma_semaphore, #tpu.memory_space<semaphore_mem>>)
      %mul3A_137 = arith.constant 4 : i32
      %mul3A_138 = arith.muli %scan3A_96, %mul3A_137 : i32
      %add3A_139 = arith.constant 1 : i32
      %add3A_140 = arith.addi %mul3A_138, %add3A_139 : i32
      %add3A_141 = arith.constant 4 : i32
      %add3A_142 = arith.addi %add3A_140, %add3A_141 : i32
      %sub3A_143 = arith.constant 1 : i32
      %sub3A_144 = arith.subi %add3A_142, %sub3A_143 : i32
      %lt3A_145 = arith.constant 40 : i32
      %lt3A_146 = arith.cmpi slt, %sub3A_144, %lt3A_145 : i32
      %convert_element_type3A_147 = arith.extui %lt3A_146 : i1 to i32
      %cond3A_148 = arith.constant 0 : i32
      %cond3A_149 = arith.cmpi ne, %convert_element_type3A_147, %cond3A_148 : i32
      scf.if %cond3A_149 {
        %ge3A = arith.constant 1 : i32
        %ge3A_269 = arith.cmpi sge, %add3A_140, %ge3A : i32
        %convert_element_type3A_270 = arith.extui %ge3A_269 : i1 to i32
        %cond3A_271 = arith.constant 0 : i32
        %cond3A_272 = arith.cmpi ne, %convert_element_type3A_270, %cond3A_271 : i32
        scf.if %cond3A_272 {
          %dma_wait3A_288 = arith.constant 0 : i32
          %dma_wait3A_289 = arith.constant 0 : i32
          %dma_wait3A_290 = arith.constant 0 : i32
          %dma_wait3A_291 = tpu.memref_slice %arg6[%dma_wait3A_288, %dma_wait3A_289, %dma_wait3A_290] : memref<4x128x128xf32, #tpu.memory_space<vmem>> -> memref<1x128x128xf32, #tpu.memory_space<vmem>>
          %dma_wait3A_292 = tpu.memref_squeeze %dma_wait3A_291 : memref<1x128x128xf32, #tpu.memory_space<vmem>> -> memref<128x128xf32, #tpu.memory_space<vmem>>
          %dma_wait3A_293 = arith.constant 0 : i32
          %dma_wait3A_294 = arith.constant 0 : i32
          %dma_wait3A_295 = tpu.memref_slice %arg2[%dma_wait3A_293, %dma_wait3A_294] : memref<10000x128xf32, #tpu.memory_space<hbm>> -> memref<128x128xf32, #tpu.memory_space<hbm>>
          %dma_wait3A_296 = arith.constant 0 : i32
          %dma_wait3A_297 = arith.constant 0 : i32
          %dma_wait3A_298 = tpu.memref_slice %arg6[%dma_wait3A_288, %dma_wait3A_296, %dma_wait3A_297] : memref<4x128x128xf32, #tpu.memory_space<vmem>> -> memref<1x128x128xf32, #tpu.memory_space<vmem>>
          %dma_wait3A_299 = tpu.memref_squeeze %dma_wait3A_298 : memref<1x128x128xf32, #tpu.memory_space<vmem>> -> memref<128x128xf32, #tpu.memory_space<vmem>>
          %dma_wait3A_300 = arith.constant 0 : i32
          %dma_wait3A_301 = arith.constant 0 : i32
          %dma_wait3A_302 = tpu.memref_slice %arg2[%dma_wait3A_300, %dma_wait3A_301] : memref<10000x128xf32, #tpu.memory_space<hbm>> -> memref<128x128xf32, #tpu.memory_space<hbm>>
          tpu.wait_dma2 semaphore(%arg11 : memref<!tpu.dma_semaphore, #tpu.memory_space<semaphore_mem>>) src(%dma_wait3A_302 : memref<128x128xf32, #tpu.memory_space<hbm>>) dst(%dma_wait3A_299 : memref<128x128xf32, #tpu.memory_space<vmem>>)
        } else {
        }
        %add3A_273 = arith.constant 4 : i32
        %add3A_274 = arith.addi %add3A_140, %add3A_273 : i32
        %sub3A_275 = arith.constant 1 : i32
        %sub3A_276 = arith.subi %add3A_274, %sub3A_275 : i32
        %mul3A_277 = arith.constant 128 : i32
        %mul3A_278 = arith.muli %sub3A_276, %mul3A_277 : i32
        %dma_start3A_279 = arith.constant 0 : i32
        %dma_start3A_280 = arith.constant 0 : i32
        %dma_start3A_281 = arith.constant 0 : i32
        %dma_start3A_282 = tpu.memref_slice %arg6[%dma_start3A_279, %dma_start3A_280, %dma_start3A_281] : memref<4x128x128xf32, #tpu.memory_space<vmem>> -> memref<1x128x128xf32, #tpu.memory_space<vmem>>
        %dma_start3A_283 = tpu.memref_squeeze %dma_start3A_282 : memref<1x128x128xf32, #tpu.memory_space<vmem>> -> memref<128x128xf32, #tpu.memory_space<vmem>>
        %dma_start3A_284 = tpu.memref_slice %arg5[%mul3A_278] : memref<5120xi32, #tpu.memory_space<vmem>> -> memref<128xi32, #tpu.memory_space<vmem>>
        %dma_start3A_285 = arith.constant 0 : i32
        %dma_start3A_286 = arith.constant 0 : i32
        %dma_start3A_287 = tpu.memref_slice %arg2[%dma_start3A_285, %dma_start3A_286] : memref<10000x128xf32, #tpu.memory_space<hbm>> -> memref<10000x128xf32, #tpu.memory_space<hbm>>
        tpu.enqueue_indirect_dma source(%dma_start3A_287 : memref<10000x128xf32, #tpu.memory_space<hbm>>) target(%dma_start3A_283 : memref<128x128xf32, #tpu.memory_space<vmem>>) offsets(%dma_start3A_284 : memref<128xi32, #tpu.memory_space<vmem>>) semaphore(%arg7 : memref<!tpu.dma_semaphore, #tpu.memory_space<semaphore_mem>>)
      } else {
      }
      %dma_wait3A_150 = arith.constant 1 : i32
      %dma_wait3A_151 = arith.constant 0 : i32
      %dma_wait3A_152 = arith.constant 0 : i32
      %dma_wait3A_153 = tpu.memref_slice %arg6[%dma_wait3A_150, %dma_wait3A_151, %dma_wait3A_152] : memref<4x128x128xf32, #tpu.memory_space<vmem>> -> memref<1x128x128xf32, #tpu.memory_space<vmem>>
      %dma_wait3A_154 = tpu.memref_squeeze %dma_wait3A_153 : memref<1x128x128xf32, #tpu.memory_space<vmem>> -> memref<128x128xf32, #tpu.memory_space<vmem>>
      %dma_wait3A_155 = arith.constant 0 : i32
      %dma_wait3A_156 = arith.constant 0 : i32
      %dma_wait3A_157 = tpu.memref_slice %arg2[%dma_wait3A_155, %dma_wait3A_156] : memref<10000x128xf32, #tpu.memory_space<hbm>> -> memref<128x128xf32, #tpu.memory_space<hbm>>
      %dma_wait3A_158 = arith.constant 0 : i32
      %dma_wait3A_159 = arith.constant 0 : i32
      %dma_wait3A_160 = tpu.memref_slice %arg6[%dma_wait3A_150, %dma_wait3A_158, %dma_wait3A_159] : memref<4x128x128xf32, #tpu.memory_space<vmem>> -> memref<1x128x128xf32, #tpu.memory_space<vmem>>
      %dma_wait3A_161 = tpu.memref_squeeze %dma_wait3A_160 : memref<1x128x128xf32, #tpu.memory_space<vmem>> -> memref<128x128xf32, #tpu.memory_space<vmem>>
      %dma_wait3A_162 = arith.constant 0 : i32
      %dma_wait3A_163 = arith.constant 0 : i32
      %dma_wait3A_164 = tpu.memref_slice %arg2[%dma_wait3A_162, %dma_wait3A_163] : memref<10000x128xf32, #tpu.memory_space<hbm>> -> memref<128x128xf32, #tpu.memory_space<hbm>>
      tpu.wait_dma2 semaphore(%arg8 : memref<!tpu.dma_semaphore, #tpu.memory_space<semaphore_mem>>) src(%dma_wait3A_164 : memref<128x128xf32, #tpu.memory_space<hbm>>) dst(%dma_wait3A_161 : memref<128x128xf32, #tpu.memory_space<vmem>>)
      %mul3A_165 = arith.constant 128 : i32
      %mul3A_166 = arith.muli %add3A_140, %mul3A_165 : i32
      %add3A_167 = arith.addi %mul3A_2, %mul3A_166 : i32
      %dma_start3A_168 = arith.constant 1 : i32
      %dma_start3A_169 = arith.constant 0 : i32
      %dma_start3A_170 = arith.constant 0 : i32
      %dma_start3A_171 = tpu.memref_slice %arg6[%dma_start3A_168, %dma_start3A_169, %dma_start3A_170] : memref<4x128x128xf32, #tpu.memory_space<vmem>> -> memref<1x128x128xf32, #tpu.memory_space<vmem>>
      %dma_start3A_172 = tpu.memref_squeeze %dma_start3A_171 : memref<1x128x128xf32, #tpu.memory_space<vmem>> -> memref<128x128xf32, #tpu.memory_space<vmem>>
      %dma_start3A_173 = arith.constant 0 : i32
      %dma_start3A_174 = tpu.memref_slice %arg4[%add3A_167, %dma_start3A_173] : memref<163840x128xf32, #tpu.memory_space<hbm>> -> memref<128x128xf32, #tpu.memory_space<hbm>>
      %dma_start3A_175 = arith.constant 0 : i32
      %dma_start3A_176 = tpu.memref_slice %arg4[%add3A_167, %dma_start3A_175] : memref<163840x128xf32, #tpu.memory_space<hbm>> -> memref<128x128xf32, #tpu.memory_space<hbm>>
      %dma_start3A_177 = arith.constant 0 : i32
      %dma_start3A_178 = arith.constant 0 : i32
      %dma_start3A_179 = tpu.memref_slice %arg6[%dma_start3A_168, %dma_start3A_177, %dma_start3A_178] : memref<4x128x128xf32, #tpu.memory_space<vmem>> -> memref<1x128x128xf32, #tpu.memory_space<vmem>>
      %dma_start3A_180 = tpu.memref_squeeze %dma_start3A_179 : memref<1x128x128xf32, #tpu.memory_space<vmem>> -> memref<128x128xf32, #tpu.memory_space<vmem>>
      tpu.enqueue_dma source(%dma_start3A_180 : memref<128x128xf32, #tpu.memory_space<vmem>>) target(%dma_start3A_176 : memref<128x128xf32, #tpu.memory_space<hbm>>) target_semaphore(%arg12 : memref<!tpu.dma_semaphore, #tpu.memory_space<semaphore_mem>>)
      %mul3A_181 = arith.constant 4 : i32
      %mul3A_182 = arith.muli %scan3A_96, %mul3A_181 : i32
      %add3A_183 = arith.constant 2 : i32
      %add3A_184 = arith.addi %mul3A_182, %add3A_183 : i32
      %add3A_185 = arith.constant 4 : i32
      %add3A_186 = arith.addi %add3A_184, %add3A_185 : i32
      %sub3A_187 = arith.constant 1 : i32
      %sub3A_188 = arith.subi %add3A_186, %sub3A_187 : i32
      %lt3A_189 = arith.constant 40 : i32
      %lt3A_190 = arith.cmpi slt, %sub3A_188, %lt3A_189 : i32
      %convert_element_type3A_191 = arith.extui %lt3A_190 : i1 to i32
      %cond3A_192 = arith.constant 0 : i32
      %cond3A_193 = arith.cmpi ne, %convert_element_type3A_191, %cond3A_192 : i32
      scf.if %cond3A_193 {
        %ge3A = arith.constant 1 : i32
        %ge3A_269 = arith.cmpi sge, %add3A_184, %ge3A : i32
        %convert_element_type3A_270 = arith.extui %ge3A_269 : i1 to i32
        %cond3A_271 = arith.constant 0 : i32
        %cond3A_272 = arith.cmpi ne, %convert_element_type3A_270, %cond3A_271 : i32
        scf.if %cond3A_272 {
          %dma_wait3A_288 = arith.constant 1 : i32
          %dma_wait3A_289 = arith.constant 0 : i32
          %dma_wait3A_290 = arith.constant 0 : i32
          %dma_wait3A_291 = tpu.memref_slice %arg6[%dma_wait3A_288, %dma_wait3A_289, %dma_wait3A_290] : memref<4x128x128xf32, #tpu.memory_space<vmem>> -> memref<1x128x128xf32, #tpu.memory_space<vmem>>
          %dma_wait3A_292 = tpu.memref_squeeze %dma_wait3A_291 : memref<1x128x128xf32, #tpu.memory_space<vmem>> -> memref<128x128xf32, #tpu.memory_space<vmem>>
          %dma_wait3A_293 = arith.constant 0 : i32
          %dma_wait3A_294 = arith.constant 0 : i32
          %dma_wait3A_295 = tpu.memref_slice %arg2[%dma_wait3A_293, %dma_wait3A_294] : memref<10000x128xf32, #tpu.memory_space<hbm>> -> memref<128x128xf32, #tpu.memory_space<hbm>>
          %dma_wait3A_296 = arith.constant 0 : i32
          %dma_wait3A_297 = arith.constant 0 : i32
          %dma_wait3A_298 = tpu.memref_slice %arg6[%dma_wait3A_288, %dma_wait3A_296, %dma_wait3A_297] : memref<4x128x128xf32, #tpu.memory_space<vmem>> -> memref<1x128x128xf32, #tpu.memory_space<vmem>>
          %dma_wait3A_299 = tpu.memref_squeeze %dma_wait3A_298 : memref<1x128x128xf32, #tpu.memory_space<vmem>> -> memref<128x128xf32, #tpu.memory_space<vmem>>
          %dma_wait3A_300 = arith.constant 0 : i32
          %dma_wait3A_301 = arith.constant 0 : i32
          %dma_wait3A_302 = tpu.memref_slice %arg2[%dma_wait3A_300, %dma_wait3A_301] : memref<10000x128xf32, #tpu.memory_space<hbm>> -> memref<128x128xf32, #tpu.memory_space<hbm>>
          tpu.wait_dma2 semaphore(%arg12 : memref<!tpu.dma_semaphore, #tpu.memory_space<semaphore_mem>>) src(%dma_wait3A_302 : memref<128x128xf32, #tpu.memory_space<hbm>>) dst(%dma_wait3A_299 : memref<128x128xf32, #tpu.memory_space<vmem>>)
        } else {
        }
        %add3A_273 = arith.constant 4 : i32
        %add3A_274 = arith.addi %add3A_184, %add3A_273 : i32
        %sub3A_275 = arith.constant 1 : i32
        %sub3A_276 = arith.subi %add3A_274, %sub3A_275 : i32
        %mul3A_277 = arith.constant 128 : i32
        %mul3A_278 = arith.muli %sub3A_276, %mul3A_277 : i32
        %dma_start3A_279 = arith.constant 1 : i32
        %dma_start3A_280 = arith.constant 0 : i32
        %dma_start3A_281 = arith.constant 0 : i32
        %dma_start3A_282 = tpu.memref_slice %arg6[%dma_start3A_279, %dma_start3A_280, %dma_start3A_281] : memref<4x128x128xf32, #tpu.memory_space<vmem>> -> memref<1x128x128xf32, #tpu.memory_space<vmem>>
        %dma_start3A_283 = tpu.memref_squeeze %dma_start3A_282 : memref<1x128x128xf32, #tpu.memory_space<vmem>> -> memref<128x128xf32, #tpu.memory_space<vmem>>
        %dma_start3A_284 = tpu.memref_slice %arg5[%mul3A_278] : memref<5120xi32, #tpu.memory_space<vmem>> -> memref<128xi32, #tpu.memory_space<vmem>>
        %dma_start3A_285 = arith.constant 0 : i32
        %dma_start3A_286 = arith.constant 0 : i32
        %dma_start3A_287 = tpu.memref_slice %arg2[%dma_start3A_285, %dma_start3A_286] : memref<10000x128xf32, #tpu.memory_space<hbm>> -> memref<10000x128xf32, #tpu.memory_space<hbm>>
        tpu.enqueue_indirect_dma source(%dma_start3A_287 : memref<10000x128xf32, #tpu.memory_space<hbm>>) target(%dma_start3A_283 : memref<128x128xf32, #tpu.memory_space<vmem>>) offsets(%dma_start3A_284 : memref<128xi32, #tpu.memory_space<vmem>>) semaphore(%arg8 : memref<!tpu.dma_semaphore, #tpu.memory_space<semaphore_mem>>)
      } else {
      }
      %dma_wait3A_194 = arith.constant 2 : i32
      %dma_wait3A_195 = arith.constant 0 : i32
      %dma_wait3A_196 = arith.constant 0 : i32
      %dma_wait3A_197 = tpu.memref_slice %arg6[%dma_wait3A_194, %dma_wait3A_195, %dma_wait3A_196] : memref<4x128x128xf32, #tpu.memory_space<vmem>> -> memref<1x128x128xf32, #tpu.memory_space<vmem>>
      %dma_wait3A_198 = tpu.memref_squeeze %dma_wait3A_197 : memref<1x128x128xf32, #tpu.memory_space<vmem>> -> memref<128x128xf32, #tpu.memory_space<vmem>>
      %dma_wait3A_199 = arith.constant 0 : i32
      %dma_wait3A_200 = arith.constant 0 : i32
      %dma_wait3A_201 = tpu.memref_slice %arg2[%dma_wait3A_199, %dma_wait3A_200] : memref<10000x128xf32, #tpu.memory_space<hbm>> -> memref<128x128xf32, #tpu.memory_space<hbm>>
      %dma_wait3A_202 = arith.constant 0 : i32
      %dma_wait3A_203 = arith.constant 0 : i32
      %dma_wait3A_204 = tpu.memref_slice %arg6[%dma_wait3A_194, %dma_wait3A_202, %dma_wait3A_203] : memref<4x128x128xf32, #tpu.memory_space<vmem>> -> memref<1x128x128xf32, #tpu.memory_space<vmem>>
      %dma_wait3A_205 = tpu.memref_squeeze %dma_wait3A_204 : memref<1x128x128xf32, #tpu.memory_space<vmem>> -> memref<128x128xf32, #tpu.memory_space<vmem>>
      %dma_wait3A_206 = arith.constant 0 : i32
      %dma_wait3A_207 = arith.constant 0 : i32
      %dma_wait3A_208 = tpu.memref_slice %arg2[%dma_wait3A_206, %dma_wait3A_207] : memref<10000x128xf32, #tpu.memory_space<hbm>> -> memref<128x128xf32, #tpu.memory_space<hbm>>
      tpu.wait_dma2 semaphore(%arg9 : memref<!tpu.dma_semaphore, #tpu.memory_space<semaphore_mem>>) src(%dma_wait3A_208 : memref<128x128xf32, #tpu.memory_space<hbm>>) dst(%dma_wait3A_205 : memref<128x128xf32, #tpu.memory_space<vmem>>)
      %mul3A_209 = arith.constant 128 : i32
      %mul3A_210 = arith.muli %add3A_184, %mul3A_209 : i32
      %add3A_211 = arith.addi %mul3A_2, %mul3A_210 : i32
      %dma_start3A_212 = arith.constant 2 : i32
      %dma_start3A_213 = arith.constant 0 : i32
      %dma_start3A_214 = arith.constant 0 : i32
      %dma_start3A_215 = tpu.memref_slice %arg6[%dma_start3A_212, %dma_start3A_213, %dma_start3A_214] : memref<4x128x128xf32, #tpu.memory_space<vmem>> -> memref<1x128x128xf32, #tpu.memory_space<vmem>>
      %dma_start3A_216 = tpu.memref_squeeze %dma_start3A_215 : memref<1x128x128xf32, #tpu.memory_space<vmem>> -> memref<128x128xf32, #tpu.memory_space<vmem>>
      %dma_start3A_217 = arith.constant 0 : i32
      %dma_start3A_218 = tpu.memref_slice %arg4[%add3A_211, %dma_start3A_217] : memref<163840x128xf32, #tpu.memory_space<hbm>> -> memref<128x128xf32, #tpu.memory_space<hbm>>
      %dma_start3A_219 = arith.constant 0 : i32
      %dma_start3A_220 = tpu.memref_slice %arg4[%add3A_211, %dma_start3A_219] : memref<163840x128xf32, #tpu.memory_space<hbm>> -> memref<128x128xf32, #tpu.memory_space<hbm>>
      %dma_start3A_221 = arith.constant 0 : i32
      %dma_start3A_222 = arith.constant 0 : i32
      %dma_start3A_223 = tpu.memref_slice %arg6[%dma_start3A_212, %dma_start3A_221, %dma_start3A_222] : memref<4x128x128xf32, #tpu.memory_space<vmem>> -> memref<1x128x128xf32, #tpu.memory_space<vmem>>
      %dma_start3A_224 = tpu.memref_squeeze %dma_start3A_223 : memref<1x128x128xf32, #tpu.memory_space<vmem>> -> memref<128x128xf32, #tpu.memory_space<vmem>>
      tpu.enqueue_dma source(%dma_start3A_224 : memref<128x128xf32, #tpu.memory_space<vmem>>) target(%dma_start3A_220 : memref<128x128xf32, #tpu.memory_space<hbm>>) target_semaphore(%arg13 : memref<!tpu.dma_semaphore, #tpu.memory_space<semaphore_mem>>)
      %mul3A_225 = arith.constant 4 : i32
      %mul3A_226 = arith.muli %scan3A_96, %mul3A_225 : i32
      %add3A_227 = arith.constant 3 : i32
      %add3A_228 = arith.addi %mul3A_226, %add3A_227 : i32
      %add3A_229 = arith.constant 4 : i32
      %add3A_230 = arith.addi %add3A_228, %add3A_229 : i32
      %sub3A_231 = arith.constant 1 : i32
      %sub3A_232 = arith.subi %add3A_230, %sub3A_231 : i32
      %lt3A_233 = arith.constant 40 : i32
      %lt3A_234 = arith.cmpi slt, %sub3A_232, %lt3A_233 : i32
      %convert_element_type3A_235 = arith.extui %lt3A_234 : i1 to i32
      %cond3A_236 = arith.constant 0 : i32
      %cond3A_237 = arith.cmpi ne, %convert_element_type3A_235, %cond3A_236 : i32
      scf.if %cond3A_237 {
        %ge3A = arith.constant 1 : i32
        %ge3A_269 = arith.cmpi sge, %add3A_228, %ge3A : i32
        %convert_element_type3A_270 = arith.extui %ge3A_269 : i1 to i32
        %cond3A_271 = arith.constant 0 : i32
        %cond3A_272 = arith.cmpi ne, %convert_element_type3A_270, %cond3A_271 : i32
        scf.if %cond3A_272 {
          %dma_wait3A_288 = arith.constant 2 : i32
          %dma_wait3A_289 = arith.constant 0 : i32
          %dma_wait3A_290 = arith.constant 0 : i32
          %dma_wait3A_291 = tpu.memref_slice %arg6[%dma_wait3A_288, %dma_wait3A_289, %dma_wait3A_290] : memref<4x128x128xf32, #tpu.memory_space<vmem>> -> memref<1x128x128xf32, #tpu.memory_space<vmem>>
          %dma_wait3A_292 = tpu.memref_squeeze %dma_wait3A_291 : memref<1x128x128xf32, #tpu.memory_space<vmem>> -> memref<128x128xf32, #tpu.memory_space<vmem>>
          %dma_wait3A_293 = arith.constant 0 : i32
          %dma_wait3A_294 = arith.constant 0 : i32
          %dma_wait3A_295 = tpu.memref_slice %arg2[%dma_wait3A_293, %dma_wait3A_294] : memref<10000x128xf32, #tpu.memory_space<hbm>> -> memref<128x128xf32, #tpu.memory_space<hbm>>
          %dma_wait3A_296 = arith.constant 0 : i32
          %dma_wait3A_297 = arith.constant 0 : i32
          %dma_wait3A_298 = tpu.memref_slice %arg6[%dma_wait3A_288, %dma_wait3A_296, %dma_wait3A_297] : memref<4x128x128xf32, #tpu.memory_space<vmem>> -> memref<1x128x128xf32, #tpu.memory_space<vmem>>
          %dma_wait3A_299 = tpu.memref_squeeze %dma_wait3A_298 : memref<1x128x128xf32, #tpu.memory_space<vmem>> -> memref<128x128xf32, #tpu.memory_space<vmem>>
          %dma_wait3A_300 = arith.constant 0 : i32
          %dma_wait3A_301 = arith.constant 0 : i32
          %dma_wait3A_302 = tpu.memref_slice %arg2[%dma_wait3A_300, %dma_wait3A_301] : memref<10000x128xf32, #tpu.memory_space<hbm>> -> memref<128x128xf32, #tpu.memory_space<hbm>>
          tpu.wait_dma2 semaphore(%arg13 : memref<!tpu.dma_semaphore, #tpu.memory_space<semaphore_mem>>) src(%dma_wait3A_302 : memref<128x128xf32, #tpu.memory_space<hbm>>) dst(%dma_wait3A_299 : memref<128x128xf32, #tpu.memory_space<vmem>>)
        } else {
        }
        %add3A_273 = arith.constant 4 : i32
        %add3A_274 = arith.addi %add3A_228, %add3A_273 : i32
        %sub3A_275 = arith.constant 1 : i32
        %sub3A_276 = arith.subi %add3A_274, %sub3A_275 : i32
        %mul3A_277 = arith.constant 128 : i32
        %mul3A_278 = arith.muli %sub3A_276, %mul3A_277 : i32
        %dma_start3A_279 = arith.constant 2 : i32
        %dma_start3A_280 = arith.constant 0 : i32
        %dma_start3A_281 = arith.constant 0 : i32
        %dma_start3A_282 = tpu.memref_slice %arg6[%dma_start3A_279, %dma_start3A_280, %dma_start3A_281] : memref<4x128x128xf32, #tpu.memory_space<vmem>> -> memref<1x128x128xf32, #tpu.memory_space<vmem>>
        %dma_start3A_283 = tpu.memref_squeeze %dma_start3A_282 : memref<1x128x128xf32, #tpu.memory_space<vmem>> -> memref<128x128xf32, #tpu.memory_space<vmem>>
        %dma_start3A_284 = tpu.memref_slice %arg5[%mul3A_278] : memref<5120xi32, #tpu.memory_space<vmem>> -> memref<128xi32, #tpu.memory_space<vmem>>
        %dma_start3A_285 = arith.constant 0 : i32
        %dma_start3A_286 = arith.constant 0 : i32
        %dma_start3A_287 = tpu.memref_slice %arg2[%dma_start3A_285, %dma_start3A_286] : memref<10000x128xf32, #tpu.memory_space<hbm>> -> memref<10000x128xf32, #tpu.memory_space<hbm>>
        tpu.enqueue_indirect_dma source(%dma_start3A_287 : memref<10000x128xf32, #tpu.memory_space<hbm>>) target(%dma_start3A_283 : memref<128x128xf32, #tpu.memory_space<vmem>>) offsets(%dma_start3A_284 : memref<128xi32, #tpu.memory_space<vmem>>) semaphore(%arg9 : memref<!tpu.dma_semaphore, #tpu.memory_space<semaphore_mem>>)
      } else {
      }
      %dma_wait3A_238 = arith.constant 3 : i32
      %dma_wait3A_239 = arith.constant 0 : i32
      %dma_wait3A_240 = arith.constant 0 : i32
      %dma_wait3A_241 = tpu.memref_slice %arg6[%dma_wait3A_238, %dma_wait3A_239, %dma_wait3A_240] : memref<4x128x128xf32, #tpu.memory_space<vmem>> -> memref<1x128x128xf32, #tpu.memory_space<vmem>>
      %dma_wait3A_242 = tpu.memref_squeeze %dma_wait3A_241 : memref<1x128x128xf32, #tpu.memory_space<vmem>> -> memref<128x128xf32, #tpu.memory_space<vmem>>
      %dma_wait3A_243 = arith.constant 0 : i32
      %dma_wait3A_244 = arith.constant 0 : i32
      %dma_wait3A_245 = tpu.memref_slice %arg2[%dma_wait3A_243, %dma_wait3A_244] : memref<10000x128xf32, #tpu.memory_space<hbm>> -> memref<128x128xf32, #tpu.memory_space<hbm>>
      %dma_wait3A_246 = arith.constant 0 : i32
      %dma_wait3A_247 = arith.constant 0 : i32
      %dma_wait3A_248 = tpu.memref_slice %arg6[%dma_wait3A_238, %dma_wait3A_246, %dma_wait3A_247] : memref<4x128x128xf32, #tpu.memory_space<vmem>> -> memref<1x128x128xf32, #tpu.memory_space<vmem>>
      %dma_wait3A_249 = tpu.memref_squeeze %dma_wait3A_248 : memref<1x128x128xf32, #tpu.memory_space<vmem>> -> memref<128x128xf32, #tpu.memory_space<vmem>>
      %dma_wait3A_250 = arith.constant 0 : i32
      %dma_wait3A_251 = arith.constant 0 : i32
      %dma_wait3A_252 = tpu.memref_slice %arg2[%dma_wait3A_250, %dma_wait3A_251] : memref<10000x128xf32, #tpu.memory_space<hbm>> -> memref<128x128xf32, #tpu.memory_space<hbm>>
      tpu.wait_dma2 semaphore(%arg10 : memref<!tpu.dma_semaphore, #tpu.memory_space<semaphore_mem>>) src(%dma_wait3A_252 : memref<128x128xf32, #tpu.memory_space<hbm>>) dst(%dma_wait3A_249 : memref<128x128xf32, #tpu.memory_space<vmem>>)
      %mul3A_253 = arith.constant 128 : i32
      %mul3A_254 = arith.muli %add3A_228, %mul3A_253 : i32
      %add3A_255 = arith.addi %mul3A_2, %mul3A_254 : i32
      %dma_start3A_256 = arith.constant 3 : i32
      %dma_start3A_257 = arith.constant 0 : i32
      %dma_start3A_258 = arith.constant 0 : i32
      %dma_start3A_259 = tpu.memref_slice %arg6[%dma_start3A_256, %dma_start3A_257, %dma_start3A_258] : memref<4x128x128xf32, #tpu.memory_space<vmem>> -> memref<1x128x128xf32, #tpu.memory_space<vmem>>
      %dma_start3A_260 = tpu.memref_squeeze %dma_start3A_259 : memref<1x128x128xf32, #tpu.memory_space<vmem>> -> memref<128x128xf32, #tpu.memory_space<vmem>>
      %dma_start3A_261 = arith.constant 0 : i32
      %dma_start3A_262 = tpu.memref_slice %arg4[%add3A_255, %dma_start3A_261] : memref<163840x128xf32, #tpu.memory_space<hbm>> -> memref<128x128xf32, #tpu.memory_space<hbm>>
      %dma_start3A_263 = arith.constant 0 : i32
      %dma_start3A_264 = tpu.memref_slice %arg4[%add3A_255, %dma_start3A_263] : memref<163840x128xf32, #tpu.memory_space<hbm>> -> memref<128x128xf32, #tpu.memory_space<hbm>>
      %dma_start3A_265 = arith.constant 0 : i32
      %dma_start3A_266 = arith.constant 0 : i32
      %dma_start3A_267 = tpu.memref_slice %arg6[%dma_start3A_256, %dma_start3A_265, %dma_start3A_266] : memref<4x128x128xf32, #tpu.memory_space<vmem>> -> memref<1x128x128xf32, #tpu.memory_space<vmem>>
      %dma_start3A_268 = tpu.memref_squeeze %dma_start3A_267 : memref<1x128x128xf32, #tpu.memory_space<vmem>> -> memref<128x128xf32, #tpu.memory_space<vmem>>
      tpu.enqueue_dma source(%dma_start3A_268 : memref<128x128xf32, #tpu.memory_space<vmem>>) target(%dma_start3A_264 : memref<128x128xf32, #tpu.memory_space<hbm>>) target_semaphore(%arg14 : memref<!tpu.dma_semaphore, #tpu.memory_space<semaphore_mem>>)
    }
    %scan3A_36 = arith.constant 10 : i32
    %dma_wait3A = arith.constant 0 : i32
    %dma_wait3A_37 = arith.constant 0 : i32
    %dma_wait3A_38 = arith.constant 0 : i32
    %dma_wait3A_39 = tpu.memref_slice %arg6[%dma_wait3A, %dma_wait3A_37, %dma_wait3A_38] : memref<4x128x128xf32, #tpu.memory_space<vmem>> -> memref<1x128x128xf32, #tpu.memory_space<vmem>>
    %dma_wait3A_40 = tpu.memref_squeeze %dma_wait3A_39 : memref<1x128x128xf32, #tpu.memory_space<vmem>> -> memref<128x128xf32, #tpu.memory_space<vmem>>
    %dma_wait3A_41 = arith.constant 0 : i32
    %dma_wait3A_42 = arith.constant 0 : i32
    %dma_wait3A_43 = tpu.memref_slice %arg2[%dma_wait3A_41, %dma_wait3A_42] : memref<10000x128xf32, #tpu.memory_space<hbm>> -> memref<128x128xf32, #tpu.memory_space<hbm>>
    %dma_wait3A_44 = arith.constant 0 : i32
    %dma_wait3A_45 = arith.constant 0 : i32
    %dma_wait3A_46 = tpu.memref_slice %arg6[%dma_wait3A, %dma_wait3A_44, %dma_wait3A_45] : memref<4x128x128xf32, #tpu.memory_space<vmem>> -> memref<1x128x128xf32, #tpu.memory_space<vmem>>
    %dma_wait3A_47 = tpu.memref_squeeze %dma_wait3A_46 : memref<1x128x128xf32, #tpu.memory_space<vmem>> -> memref<128x128xf32, #tpu.memory_space<vmem>>
    %dma_wait3A_48 = arith.constant 0 : i32
    %dma_wait3A_49 = arith.constant 0 : i32
    %dma_wait3A_50 = tpu.memref_slice %arg2[%dma_wait3A_48, %dma_wait3A_49] : memref<10000x128xf32, #tpu.memory_space<hbm>> -> memref<128x128xf32, #tpu.memory_space<hbm>>
    tpu.wait_dma2 semaphore(%arg11 : memref<!tpu.dma_semaphore, #tpu.memory_space<semaphore_mem>>) src(%dma_wait3A_50 : memref<128x128xf32, #tpu.memory_space<hbm>>) dst(%dma_wait3A_47 : memref<128x128xf32, #tpu.memory_space<vmem>>)
    %dma_wait3A_51 = arith.constant 1 : i32
    %dma_wait3A_52 = arith.constant 0 : i32
    %dma_wait3A_53 = arith.constant 0 : i32
    %dma_wait3A_54 = tpu.memref_slice %arg6[%dma_wait3A_51, %dma_wait3A_52, %dma_wait3A_53] : memref<4x128x128xf32, #tpu.memory_space<vmem>> -> memref<1x128x128xf32, #tpu.memory_space<vmem>>
    %dma_wait3A_55 = tpu.memref_squeeze %dma_wait3A_54 : memref<1x128x128xf32, #tpu.memory_space<vmem>> -> memref<128x128xf32, #tpu.memory_space<vmem>>
    %dma_wait3A_56 = arith.constant 0 : i32
    %dma_wait3A_57 = arith.constant 0 : i32
    %dma_wait3A_58 = tpu.memref_slice %arg2[%dma_wait3A_56, %dma_wait3A_57] : memref<10000x128xf32, #tpu.memory_space<hbm>> -> memref<128x128xf32, #tpu.memory_space<hbm>>
    %dma_wait3A_59 = arith.constant 0 : i32
    %dma_wait3A_60 = arith.constant 0 : i32
    %dma_wait3A_61 = tpu.memref_slice %arg6[%dma_wait3A_51, %dma_wait3A_59, %dma_wait3A_60] : memref<4x128x128xf32, #tpu.memory_space<vmem>> -> memref<1x128x128xf32, #tpu.memory_space<vmem>>
    %dma_wait3A_62 = tpu.memref_squeeze %dma_wait3A_61 : memref<1x128x128xf32, #tpu.memory_space<vmem>> -> memref<128x128xf32, #tpu.memory_space<vmem>>
    %dma_wait3A_63 = arith.constant 0 : i32
    %dma_wait3A_64 = arith.constant 0 : i32
    %dma_wait3A_65 = tpu.memref_slice %arg2[%dma_wait3A_63, %dma_wait3A_64] : memref<10000x128xf32, #tpu.memory_space<hbm>> -> memref<128x128xf32, #tpu.memory_space<hbm>>
    tpu.wait_dma2 semaphore(%arg12 : memref<!tpu.dma_semaphore, #tpu.memory_space<semaphore_mem>>) src(%dma_wait3A_65 : memref<128x128xf32, #tpu.memory_space<hbm>>) dst(%dma_wait3A_62 : memref<128x128xf32, #tpu.memory_space<vmem>>)
    %dma_wait3A_66 = arith.constant 2 : i32
    %dma_wait3A_67 = arith.constant 0 : i32
    %dma_wait3A_68 = arith.constant 0 : i32
    %dma_wait3A_69 = tpu.memref_slice %arg6[%dma_wait3A_66, %dma_wait3A_67, %dma_wait3A_68] : memref<4x128x128xf32, #tpu.memory_space<vmem>> -> memref<1x128x128xf32, #tpu.memory_space<vmem>>
    %dma_wait3A_70 = tpu.memref_squeeze %dma_wait3A_69 : memref<1x128x128xf32, #tpu.memory_space<vmem>> -> memref<128x128xf32, #tpu.memory_space<vmem>>
    %dma_wait3A_71 = arith.constant 0 : i32
    %dma_wait3A_72 = arith.constant 0 : i32
    %dma_wait3A_73 = tpu.memref_slice %arg2[%dma_wait3A_71, %dma_wait3A_72] : memref<10000x128xf32, #tpu.memory_space<hbm>> -> memref<128x128xf32, #tpu.memory_space<hbm>>
    %dma_wait3A_74 = arith.constant 0 : i32
    %dma_wait3A_75 = arith.constant 0 : i32
    %dma_wait3A_76 = tpu.memref_slice %arg6[%dma_wait3A_66, %dma_wait3A_74, %dma_wait3A_75] : memref<4x128x128xf32, #tpu.memory_space<vmem>> -> memref<1x128x128xf32, #tpu.memory_space<vmem>>
    %dma_wait3A_77 = tpu.memref_squeeze %dma_wait3A_76 : memref<1x128x128xf32, #tpu.memory_space<vmem>> -> memref<128x128xf32, #tpu.memory_space<vmem>>
    %dma_wait3A_78 = arith.constant 0 : i32
    %dma_wait3A_79 = arith.constant 0 : i32
    %dma_wait3A_80 = tpu.memref_slice %arg2[%dma_wait3A_78, %dma_wait3A_79] : memref<10000x128xf32, #tpu.memory_space<hbm>> -> memref<128x128xf32, #tpu.memory_space<hbm>>
    tpu.wait_dma2 semaphore(%arg13 : memref<!tpu.dma_semaphore, #tpu.memory_space<semaphore_mem>>) src(%dma_wait3A_80 : memref<128x128xf32, #tpu.memory_space<hbm>>) dst(%dma_wait3A_77 : memref<128x128xf32, #tpu.memory_space<vmem>>)
    %dma_wait3A_81 = arith.constant 3 : i32
    %dma_wait3A_82 = arith.constant 0 : i32
    %dma_wait3A_83 = arith.constant 0 : i32
    %dma_wait3A_84 = tpu.memref_slice %arg6[%dma_wait3A_81, %dma_wait3A_82, %dma_wait3A_83] : memref<4x128x128xf32, #tpu.memory_space<vmem>> -> memref<1x128x128xf32, #tpu.memory_space<vmem>>
    %dma_wait3A_85 = tpu.memref_squeeze %dma_wait3A_84 : memref<1x128x128xf32, #tpu.memory_space<vmem>> -> memref<128x128xf32, #tpu.memory_space<vmem>>
    %dma_wait3A_86 = arith.constant 0 : i32
    %dma_wait3A_87 = arith.constant 0 : i32
    %dma_wait3A_88 = tpu.memref_slice %arg2[%dma_wait3A_86, %dma_wait3A_87] : memref<10000x128xf32, #tpu.memory_space<hbm>> -> memref<128x128xf32, #tpu.memory_space<hbm>>
    %dma_wait3A_89 = arith.constant 0 : i32
    %dma_wait3A_90 = arith.constant 0 : i32
    %dma_wait3A_91 = tpu.memref_slice %arg6[%dma_wait3A_81, %dma_wait3A_89, %dma_wait3A_90] : memref<4x128x128xf32, #tpu.memory_space<vmem>> -> memref<1x128x128xf32, #tpu.memory_space<vmem>>
    %dma_wait3A_92 = tpu.memref_squeeze %dma_wait3A_91 : memref<1x128x128xf32, #tpu.memory_space<vmem>> -> memref<128x128xf32, #tpu.memory_space<vmem>>
    %dma_wait3A_93 = arith.constant 0 : i32
    %dma_wait3A_94 = arith.constant 0 : i32
    %dma_wait3A_95 = tpu.memref_slice %arg2[%dma_wait3A_93, %dma_wait3A_94] : memref<10000x128xf32, #tpu.memory_space<hbm>> -> memref<128x128xf32, #tpu.memory_space<hbm>>
    tpu.wait_dma2 semaphore(%arg14 : memref<!tpu.dma_semaphore, #tpu.memory_space<semaphore_mem>>) src(%dma_wait3A_95 : memref<128x128xf32, #tpu.memory_space<hbm>>) dst(%dma_wait3A_92 : memref<128x128xf32, #tpu.memory_space<vmem>>)
    return
  }
}

module attributes {stable_mosaic.version = 14 : i64} {
  func.func @_embed_body(%arg0: i32, %arg1: memref<400x128xf32, #tpu.memory_space<vmem>>, %arg2: memref<128x128xf32, #tpu.memory_space<vmem>>, %arg3: memref<1x128xf32, #tpu.memory_space<vmem>>, %arg4: memref<400x128xf32, #tpu.memory_space<vmem>>) attributes {dimension_semantics = [#tpu.dimension_semantics<arbitrary>], iteration_bounds = array<i64: 25>, scalar_prefetch = 0 : i64, scratch_operands = 0 : i64, tpu.core_type = #tpu.core_type<tc>, window_params = [{transform_indices = @transform_0, window_bounds = array<i64: 400, 128>}, {pipeline_mode = #tpu.pipeline_mode<synchronous>, transform_indices = @transform_1, window_bounds = array<i64: 128, 128>}, {pipeline_mode = #tpu.pipeline_mode<synchronous>, transform_indices = @transform_2, window_bounds = array<i64: 1, 128>}, {transform_indices = @transform_3, window_bounds = array<i64: 400, 128>}]} {
    %get3A = arith.constant 0 : index
    %get3A_0 = arith.constant 0 : index
    %get3A_1 = vector.load %arg1[%get3A, %get3A_0] : memref<400x128xf32, #tpu.memory_space<vmem>>, vector<400x128xf32>
    %get3A_2 = arith.constant 0 : index
    %get3A_3 = arith.constant 0 : index
    %get3A_4 = vector.load %arg2[%get3A_2, %get3A_3] : memref<128x128xf32, #tpu.memory_space<vmem>>, vector<128x128xf32>
    %dot_general3A = arith.constant dense<0.000000e+00> : vector<400x128xf32>
    %dot_general3A_5 = tpu.matmul %get3A_1, %get3A_4, %dot_general3A {dimension_numbers = #tpu.dot_dimension_numbers<[1], [0], [0], [1], [0, 0, 1, 1], [], []>, transpose_lhs_hint = false} : vector<400x128xf32>, vector<128x128xf32>, vector<400x128xf32> -> vector<400x128xf32>
    %get3A_6 = arith.constant 0 : index
    %get3A_7 = arith.constant 0 : index
    %get3A_8 = vector.load %arg3[%get3A_6, %get3A_7] : memref<1x128xf32, #tpu.memory_space<vmem>>, vector<1x128xf32>
    %add3A = vector.broadcast %get3A_8 : vector<1x128xf32> to vector<400x128xf32>
    %add3A_9 = arith.addf %dot_general3A_5, %add3A : vector<400x128xf32>
    %swap3A = arith.constant 0 : index
    %swap3A_10 = arith.constant 0 : index
    %swap3A_11 = vector.load %arg4[%swap3A, %swap3A_10] : memref<400x128xf32, #tpu.memory_space<vmem>>, vector<400x128xf32>
    tpu.vector_store %arg4[%swap3A, %swap3A_10], %add3A_9 {strides = array<i32>} : memref<400x128xf32, #tpu.memory_space<vmem>>, vector<400x128xf32>,
    return
  }
  func.func @transform_0(%arg0: i32) -> (i32, i32) {
    %c0_i32 = arith.constant 0 : i32
    %c0_i32_0 = arith.constant 0 : i32
    return %arg0, %c0_i32 : i32, i32
  }
  func.func @transform_1(%arg0: i32) -> (i32, i32) {
    %c0_i32 = arith.constant 0 : i32
    %c0_i32_0 = arith.constant 0 : i32
    %c0_i32_1 = arith.constant 0 : i32
    return %c0_i32, %c0_i32_0 : i32, i32
  }
  func.func @transform_2(%arg0: i32) -> (i32, i32) {
    %c0_i32 = arith.constant 0 : i32
    %c0_i32_0 = arith.constant 0 : i32
    %c0_i32_1 = arith.constant 0 : i32
    return %c0_i32, %c0_i32_0 : i32, i32
  }
  func.func @transform_3(%arg0: i32) -> (i32, i32) {
    %c0_i32 = arith.constant 0 : i32
    %c0_i32_0 = arith.constant 0 : i32
    return %arg0, %c0_i32 : i32, i32
  }
}

module attributes {stable_mosaic.version = 14 : i64} {
  func.func @_conv_body(%arg0: i32, %arg1: memref<200x128xf32, #tpu.memory_space<vmem>>, %arg2: memref<6400x128xf32, #tpu.memory_space<vmem>>, %arg3: memref<6400x16xf32, #tpu.memory_space<vmem>>, %arg4: memref<128x256xf32, #tpu.memory_space<vmem>>, %arg5: memref<128x256xf32, #tpu.memory_space<vmem>>, %arg6: memref<16x256xf32, #tpu.memory_space<vmem>>, %arg7: memref<1x256xf32, #tpu.memory_space<vmem>>, %arg8: memref<1xf32, #tpu.memory_space<smem>>, %arg9: memref<200x128xf32, #tpu.memory_space<vmem>>) attributes {dimension_semantics = [#tpu.dimension_semantics<arbitrary>], iteration_bounds = array<i64: 25>, scalar_prefetch = 0 : i64, scratch_operands = 0 : i64, tpu.core_type = #tpu.core_type<tc>, window_params = [{transform_indices = @transform_0, window_bounds = array<i64: 200, 128>}, {transform_indices = @transform_1, window_bounds = array<i64: 6400, 128>}, {transform_indices = @transform_2, window_bounds = array<i64: 6400, 16>}, {pipeline_mode = #tpu.pipeline_mode<synchronous>, transform_indices = @transform_3, window_bounds = array<i64: 128, 256>}, {pipeline_mode = #tpu.pipeline_mode<synchronous>, transform_indices = @transform_4, window_bounds = array<i64: 128, 256>}, {pipeline_mode = #tpu.pipeline_mode<synchronous>, transform_indices = @transform_5, window_bounds = array<i64: 16, 256>}, {pipeline_mode = #tpu.pipeline_mode<synchronous>, transform_indices = @transform_6, window_bounds = array<i64: 1, 256>}, {transform_indices = @transform_7, window_bounds = array<i64: 1>}, {transform_indices = @transform_8, window_bounds = array<i64: 200, 128>}]} {
    %get3A = arith.constant 0 : index
    %get3A_0 = arith.constant 0 : index
    %get3A_1 = vector.load %arg1[%get3A, %get3A_0] : memref<200x128xf32, #tpu.memory_space<vmem>>, vector<200x128xf32>
    %get3A_2 = arith.constant 0 : index
    %get3A_3 = arith.constant 0 : index
    %get3A_4 = vector.load %arg4[%get3A_2, %get3A_3] : memref<128x256xf32, #tpu.memory_space<vmem>>, vector<128x256xf32>
    %dot_general3A = arith.constant dense<0.000000e+00> : vector<200x256xf32>
    %dot_general3A_5 = tpu.matmul %get3A_1, %get3A_4, %dot_general3A {dimension_numbers = #tpu.dot_dimension_numbers<[1], [0], [0], [1], [0, 0, 1, 1], [], []>, transpose_lhs_hint = false} : vector<200x128xf32>, vector<128x256xf32>, vector<200x256xf32> -> vector<200x256xf32>
    %get3A_6 = arith.constant 0 : index
    %get3A_7 = arith.constant 0 : index
    %get3A_8 = vector.load %arg2[%get3A_6, %get3A_7] : memref<6400x128xf32, #tpu.memory_space<vmem>>, vector<6400x128xf32>
    %get3A_9 = arith.constant 0 : index
    %get3A_10 = arith.constant 0 : index
    %get3A_11 = vector.load %arg5[%get3A_9, %get3A_10] : memref<128x256xf32, #tpu.memory_space<vmem>>, vector<128x256xf32>
    %dot_general3A_12 = arith.constant dense<0.000000e+00> : vector<6400x256xf32>
    %dot_general3A_13 = tpu.matmul %get3A_8, %get3A_11, %dot_general3A_12 {dimension_numbers = #tpu.dot_dimension_numbers<[1], [0], [0], [1], [0, 0, 1, 1], [], []>, transpose_lhs_hint = false} : vector<6400x128xf32>, vector<128x256xf32>, vector<6400x256xf32> -> vector<6400x256xf32>
    %get3A_14 = arith.constant 0 : index
    %get3A_15 = arith.constant 0 : index
    %get3A_16 = vector.load %arg3[%get3A_14, %get3A_15] : memref<6400x16xf32, #tpu.memory_space<vmem>>, vector<6400x16xf32>
    %get3A_17 = arith.constant 0 : index
    %get3A_18 = arith.constant 0 : index
    %get3A_19 = vector.load %arg6[%get3A_17, %get3A_18] : memref<16x256xf32, #tpu.memory_space<vmem>>, vector<16x256xf32>
    %dot_general3A_20 = arith.constant dense<0.000000e+00> : vector<6400x256xf32>
    %dot_general3A_21 = tpu.matmul %get3A_16, %get3A_19, %dot_general3A_20 {dimension_numbers = #tpu.dot_dimension_numbers<[1], [0], [0], [1], [0, 0, 1, 1], [], []>, transpose_lhs_hint = false} : vector<6400x16xf32>, vector<16x256xf32>, vector<6400x256xf32> -> vector<6400x256xf32>
    %add3A = arith.addf %dot_general3A_13, %dot_general3A_21 : vector<6400x256xf32>
    %get3A_22 = arith.constant 0 : index
    %get3A_23 = arith.constant 0 : index
    %get3A_24 = vector.load %arg7[%get3A_22, %get3A_23] : memref<1x256xf32, #tpu.memory_space<vmem>>, vector<1x256xf32>
    %add3A_25 = vector.broadcast %get3A_24 : vector<1x256xf32> to vector<6400x256xf32>
    %add3A_26 = arith.addf %add3A, %add3A_25 : vector<6400x256xf32>
    %reshape3A = vector.shape_cast %add3A_26 : vector<6400x256xf32> to vector<200x32x256xf32>
    %broadcast_in_dim3A = vector.shape_cast %dot_general3A_5 : vector<200x256xf32> to vector<200x1x256xf32>
    %add3A_27 = vector.broadcast %broadcast_in_dim3A : vector<200x1x256xf32> to vector<200x32x256xf32>
    %add3A_28 = arith.addf %reshape3A, %add3A_27 : vector<200x32x256xf32>
    %slice3A = vector.extract_strided_slice %add3A_28 {offsets = [0, 0, 0], sizes = [200, 32, 128], strides = [1, 1, 1]} : vector<200x32x256xf32> to vector<200x32x128xf32>
    %logistic3A = arith.negf %slice3A : vector<200x32x128xf32>
    %logistic3A_29 = math.exp %logistic3A : vector<200x32x128xf32>
    %logistic3A_30 = arith.constant 1.000000e+00 : f32
    %logistic3A_31 = vector.broadcast %logistic3A_30 : f32 to vector<200x32x128xf32>
    %logistic3A_32 = arith.addf %logistic3A_31, %logistic3A_29 : vector<200x32x128xf32>
    %logistic3A_33 = arith.divf %logistic3A_31, %logistic3A_32 : vector<200x32x128xf32>
    %slice3A_34 = vector.extract_strided_slice %add3A_28 {offsets = [0, 0, 128], sizes = [200, 32, 128], strides = [1, 1, 1]} : vector<200x32x256xf32> to vector<200x32x128xf32>
    %custom_jvp_call3A = arith.constant 0.000000e+00 : f32
    %max3A = vector.broadcast %custom_jvp_call3A : f32 to vector<200x32x128xf32>
    %max3A_35 = arith.maximumf %slice3A_34, %max3A : vector<200x32x128xf32>
    %sub3A = vector.broadcast %custom_jvp_call3A : f32 to vector<200x32x128xf32>
    %sub3A_36 = arith.subf %slice3A_34, %sub3A : vector<200x32x128xf32>
    %ne3A = arith.cmpf one, %sub3A_36, %sub3A_36 : vector<200x32x128xf32>
    %add3A_37 = vector.broadcast %custom_jvp_call3A : f32 to vector<200x32x128xf32>
    %add3A_38 = arith.addf %slice3A_34, %add3A_37 : vector<200x32x128xf32>
    %abs3A = math.absf %sub3A_36 : vector<200x32x128xf32>
    %neg3A = arith.constant 0.000000e+00 : f32
    %neg3A_39 = vector.broadcast %neg3A : f32 to vector<200x32x128xf32>
    %neg3A_40 = arith.subf %neg3A_39, %abs3A : vector<200x32x128xf32>
    %exp3A = math.exp %neg3A_40 : vector<200x32x128xf32>
    %log1p3A = math.log1p %exp3A : vector<200x32x128xf32>
    %add3A_41 = arith.addf %max3A_35, %log1p3A : vector<200x32x128xf32>
    %select_n3A = arith.select %ne3A, %add3A_38, %add3A_41 : vector<200x32x128xi1>, vector<200x32x128xf32>
    %mul3A = arith.mulf %logistic3A_33, %select_n3A : vector<200x32x128xf32>
    %reduce_sum3A = arith.constant dense<0.000000e+00> : vector<200x128xf32>
    %reduce_sum3A_42 = vector.multi_reduction <add>, %mul3A, %reduce_sum3A [1] : vector<200x32x128xf32> to vector<200x128xf32>
    %get3A_43 = arith.constant 0 : index
    %get3A_44 = memref.load %arg8[%get3A_43] : memref<1xf32, #tpu.memory_space<smem>>
    %mul3A_45 = vector.broadcast %get3A_44 : f32 to vector<200x128xf32>
    %mul3A_46 = arith.mulf %mul3A_45, %get3A_1 : vector<200x128xf32>
    %add3A_47 = arith.addf %mul3A_46, %reduce_sum3A_42 : vector<200x128xf32>
    %custom_jvp_call3A_48 = arith.constant 0.000000e+00 : f32
    %max3A_49 = vector.broadcast %custom_jvp_call3A_48 : f32 to vector<200x128xf32>
    %max3A_50 = arith.maximumf %add3A_47, %max3A_49 : vector<200x128xf32>
    %sub3A_51 = vector.broadcast %custom_jvp_call3A_48 : f32 to vector<200x128xf32>
    %sub3A_52 = arith.subf %add3A_47, %sub3A_51 : vector<200x128xf32>
    %ne3A_53 = arith.cmpf one, %sub3A_52, %sub3A_52 : vector<200x128xf32>
    %add3A_54 = vector.broadcast %custom_jvp_call3A_48 : f32 to vector<200x128xf32>
    %add3A_55 = arith.addf %add3A_47, %add3A_54 : vector<200x128xf32>
    %abs3A_56 = math.absf %sub3A_52 : vector<200x128xf32>
    %neg3A_57 = arith.constant 0.000000e+00 : f32
    %neg3A_58 = vector.broadcast %neg3A_57 : f32 to vector<200x128xf32>
    %neg3A_59 = arith.subf %neg3A_58, %abs3A_56 : vector<200x128xf32>
    %exp3A_60 = math.exp %neg3A_59 : vector<200x128xf32>
    %log1p3A_61 = math.log1p %exp3A_60 : vector<200x128xf32>
    %add3A_62 = arith.addf %max3A_50, %log1p3A_61 : vector<200x128xf32>
    %select_n3A_63 = arith.select %ne3A_53, %add3A_55, %add3A_62 : vector<200x128xi1>, vector<200x128xf32>
    %swap3A = arith.constant 0 : index
    %swap3A_64 = arith.constant 0 : index
    %swap3A_65 = vector.load %arg9[%swap3A, %swap3A_64] : memref<200x128xf32, #tpu.memory_space<vmem>>, vector<200x128xf32>
    tpu.vector_store %arg9[%swap3A, %swap3A_64], %select_n3A_63 {strides = array<i32>} : memref<200x128xf32, #tpu.memory_space<vmem>>, vector<200x128xf32>,
    return
  }
  func.func @transform_0(%arg0: i32) -> (i32, i32) {
    %add3A = arith.constant 0 : i32
    %add3A_0 = arith.addi %arg0, %add3A : i32
    %c0_i32 = arith.constant 0 : i32
    %c0_i32_1 = arith.constant 0 : i32
    return %add3A_0, %c0_i32 : i32, i32
  }
  func.func @transform_1(%arg0: i32) -> (i32, i32) {
    %c0_i32 = arith.constant 0 : i32
    %c0_i32_0 = arith.constant 0 : i32
    return %arg0, %c0_i32 : i32, i32
  }
  func.func @transform_2(%arg0: i32) -> (i32, i32) {
    %add3A = arith.constant 0 : i32
    %add3A_0 = arith.addi %arg0, %add3A : i32
    %c0_i32 = arith.constant 0 : i32
    %c0_i32_1 = arith.constant 0 : i32
    return %add3A_0, %c0_i32 : i32, i32
  }
  func.func @transform_3(%arg0: i32) -> (i32, i32) {
    %c0_i32 = arith.constant 0 : i32
    %c0_i32_0 = arith.constant 0 : i32
    %c0_i32_1 = arith.constant 0 : i32
    return %c0_i32, %c0_i32_0 : i32, i32
  }
  func.func @transform_4(%arg0: i32) -> (i32, i32) {
    %c0_i32 = arith.constant 0 : i32
    %c0_i32_0 = arith.constant 0 : i32
    %c0_i32_1 = arith.constant 0 : i32
    return %c0_i32, %c0_i32_0 : i32, i32
  }
  func.func @transform_5(%arg0: i32) -> (i32, i32) {
    %c0_i32 = arith.constant 0 : i32
    %c0_i32_0 = arith.constant 0 : i32
    %c0_i32_1 = arith.constant 0 : i32
    return %c0_i32, %c0_i32_0 : i32, i32
  }
  func.func @transform_6(%arg0: i32) -> (i32, i32) {
    %c0_i32 = arith.constant 0 : i32
    %c0_i32_0 = arith.constant 0 : i32
    %c0_i32_1 = arith.constant 0 : i32
    return %c0_i32, %c0_i32_0 : i32, i32
  }
  func.func @transform_7(%arg0: i32) -> i32 {
    %c0_i32 = arith.constant 0 : i32
    %c0_i32_0 = arith.constant 0 : i32
    return %c0_i32 : i32
  }
  func.func @transform_8(%arg0: i32) -> (i32, i32) {
    %c0_i32 = arith.constant 0 : i32
    %c0_i32_0 = arith.constant 0 : i32
    return %arg0, %c0_i32 : i32, i32
  }
}

module attributes {stable_mosaic.version = 14 : i64} {
  func.func @_conv_body(%arg0: i32, %arg1: memref<200x128xf32, #tpu.memory_space<vmem>>, %arg2: memref<6400x128xf32, #tpu.memory_space<vmem>>, %arg3: memref<6400x16xf32, #tpu.memory_space<vmem>>, %arg4: memref<128x256xf32, #tpu.memory_space<vmem>>, %arg5: memref<128x256xf32, #tpu.memory_space<vmem>>, %arg6: memref<16x256xf32, #tpu.memory_space<vmem>>, %arg7: memref<1x256xf32, #tpu.memory_space<vmem>>, %arg8: memref<1xf32, #tpu.memory_space<smem>>, %arg9: memref<200x128xf32, #tpu.memory_space<vmem>>) attributes {dimension_semantics = [#tpu.dimension_semantics<arbitrary>], iteration_bounds = array<i64: 25>, scalar_prefetch = 0 : i64, scratch_operands = 0 : i64, tpu.core_type = #tpu.core_type<tc>, window_params = [{transform_indices = @transform_0, window_bounds = array<i64: 200, 128>}, {transform_indices = @transform_1, window_bounds = array<i64: 6400, 128>}, {transform_indices = @transform_2, window_bounds = array<i64: 6400, 16>}, {pipeline_mode = #tpu.pipeline_mode<synchronous>, transform_indices = @transform_3, window_bounds = array<i64: 128, 256>}, {pipeline_mode = #tpu.pipeline_mode<synchronous>, transform_indices = @transform_4, window_bounds = array<i64: 128, 256>}, {pipeline_mode = #tpu.pipeline_mode<synchronous>, transform_indices = @transform_5, window_bounds = array<i64: 16, 256>}, {pipeline_mode = #tpu.pipeline_mode<synchronous>, transform_indices = @transform_6, window_bounds = array<i64: 1, 256>}, {transform_indices = @transform_7, window_bounds = array<i64: 1>}, {transform_indices = @transform_8, window_bounds = array<i64: 200, 128>}]} {
    %get3A = arith.constant 0 : index
    %get3A_0 = arith.constant 0 : index
    %get3A_1 = vector.load %arg1[%get3A, %get3A_0] : memref<200x128xf32, #tpu.memory_space<vmem>>, vector<200x128xf32>
    %get3A_2 = arith.constant 0 : index
    %get3A_3 = arith.constant 0 : index
    %get3A_4 = vector.load %arg4[%get3A_2, %get3A_3] : memref<128x256xf32, #tpu.memory_space<vmem>>, vector<128x256xf32>
    %dot_general3A = arith.constant dense<0.000000e+00> : vector<200x256xf32>
    %dot_general3A_5 = tpu.matmul %get3A_1, %get3A_4, %dot_general3A {dimension_numbers = #tpu.dot_dimension_numbers<[1], [0], [0], [1], [0, 0, 1, 1], [], []>, transpose_lhs_hint = false} : vector<200x128xf32>, vector<128x256xf32>, vector<200x256xf32> -> vector<200x256xf32>
    %get3A_6 = arith.constant 0 : index
    %get3A_7 = arith.constant 0 : index
    %get3A_8 = vector.load %arg2[%get3A_6, %get3A_7] : memref<6400x128xf32, #tpu.memory_space<vmem>>, vector<6400x128xf32>
    %get3A_9 = arith.constant 0 : index
    %get3A_10 = arith.constant 0 : index
    %get3A_11 = vector.load %arg5[%get3A_9, %get3A_10] : memref<128x256xf32, #tpu.memory_space<vmem>>, vector<128x256xf32>
    %dot_general3A_12 = arith.constant dense<0.000000e+00> : vector<6400x256xf32>
    %dot_general3A_13 = tpu.matmul %get3A_8, %get3A_11, %dot_general3A_12 {dimension_numbers = #tpu.dot_dimension_numbers<[1], [0], [0], [1], [0, 0, 1, 1], [], []>, transpose_lhs_hint = false} : vector<6400x128xf32>, vector<128x256xf32>, vector<6400x256xf32> -> vector<6400x256xf32>
    %get3A_14 = arith.constant 0 : index
    %get3A_15 = arith.constant 0 : index
    %get3A_16 = vector.load %arg3[%get3A_14, %get3A_15] : memref<6400x16xf32, #tpu.memory_space<vmem>>, vector<6400x16xf32>
    %get3A_17 = arith.constant 0 : index
    %get3A_18 = arith.constant 0 : index
    %get3A_19 = vector.load %arg6[%get3A_17, %get3A_18] : memref<16x256xf32, #tpu.memory_space<vmem>>, vector<16x256xf32>
    %dot_general3A_20 = arith.constant dense<0.000000e+00> : vector<6400x256xf32>
    %dot_general3A_21 = tpu.matmul %get3A_16, %get3A_19, %dot_general3A_20 {dimension_numbers = #tpu.dot_dimension_numbers<[1], [0], [0], [1], [0, 0, 1, 1], [], []>, transpose_lhs_hint = false} : vector<6400x16xf32>, vector<16x256xf32>, vector<6400x256xf32> -> vector<6400x256xf32>
    %add3A = arith.addf %dot_general3A_13, %dot_general3A_21 : vector<6400x256xf32>
    %get3A_22 = arith.constant 0 : index
    %get3A_23 = arith.constant 0 : index
    %get3A_24 = vector.load %arg7[%get3A_22, %get3A_23] : memref<1x256xf32, #tpu.memory_space<vmem>>, vector<1x256xf32>
    %add3A_25 = vector.broadcast %get3A_24 : vector<1x256xf32> to vector<6400x256xf32>
    %add3A_26 = arith.addf %add3A, %add3A_25 : vector<6400x256xf32>
    %reshape3A = vector.shape_cast %add3A_26 : vector<6400x256xf32> to vector<200x32x256xf32>
    %broadcast_in_dim3A = vector.shape_cast %dot_general3A_5 : vector<200x256xf32> to vector<200x1x256xf32>
    %add3A_27 = vector.broadcast %broadcast_in_dim3A : vector<200x1x256xf32> to vector<200x32x256xf32>
    %add3A_28 = arith.addf %reshape3A, %add3A_27 : vector<200x32x256xf32>
    %slice3A = vector.extract_strided_slice %add3A_28 {offsets = [0, 0, 0], sizes = [200, 32, 128], strides = [1, 1, 1]} : vector<200x32x256xf32> to vector<200x32x128xf32>
    %logistic3A = arith.negf %slice3A : vector<200x32x128xf32>
    %logistic3A_29 = math.exp %logistic3A : vector<200x32x128xf32>
    %logistic3A_30 = arith.constant 1.000000e+00 : f32
    %logistic3A_31 = vector.broadcast %logistic3A_30 : f32 to vector<200x32x128xf32>
    %logistic3A_32 = arith.addf %logistic3A_31, %logistic3A_29 : vector<200x32x128xf32>
    %logistic3A_33 = arith.divf %logistic3A_31, %logistic3A_32 : vector<200x32x128xf32>
    %slice3A_34 = vector.extract_strided_slice %add3A_28 {offsets = [0, 0, 128], sizes = [200, 32, 128], strides = [1, 1, 1]} : vector<200x32x256xf32> to vector<200x32x128xf32>
    %custom_jvp_call3A = arith.constant 0.000000e+00 : f32
    %max3A = vector.broadcast %custom_jvp_call3A : f32 to vector<200x32x128xf32>
    %max3A_35 = arith.maximumf %slice3A_34, %max3A : vector<200x32x128xf32>
    %sub3A = vector.broadcast %custom_jvp_call3A : f32 to vector<200x32x128xf32>
    %sub3A_36 = arith.subf %slice3A_34, %sub3A : vector<200x32x128xf32>
    %ne3A = arith.cmpf one, %sub3A_36, %sub3A_36 : vector<200x32x128xf32>
    %add3A_37 = vector.broadcast %custom_jvp_call3A : f32 to vector<200x32x128xf32>
    %add3A_38 = arith.addf %slice3A_34, %add3A_37 : vector<200x32x128xf32>
    %abs3A = math.absf %sub3A_36 : vector<200x32x128xf32>
    %neg3A = arith.constant 0.000000e+00 : f32
    %neg3A_39 = vector.broadcast %neg3A : f32 to vector<200x32x128xf32>
    %neg3A_40 = arith.subf %neg3A_39, %abs3A : vector<200x32x128xf32>
    %exp3A = math.exp %neg3A_40 : vector<200x32x128xf32>
    %log1p3A = math.log1p %exp3A : vector<200x32x128xf32>
    %add3A_41 = arith.addf %max3A_35, %log1p3A : vector<200x32x128xf32>
    %select_n3A = arith.select %ne3A, %add3A_38, %add3A_41 : vector<200x32x128xi1>, vector<200x32x128xf32>
    %mul3A = arith.mulf %logistic3A_33, %select_n3A : vector<200x32x128xf32>
    %reduce_sum3A = arith.constant dense<0.000000e+00> : vector<200x128xf32>
    %reduce_sum3A_42 = vector.multi_reduction <add>, %mul3A, %reduce_sum3A [1] : vector<200x32x128xf32> to vector<200x128xf32>
    %get3A_43 = arith.constant 0 : index
    %get3A_44 = memref.load %arg8[%get3A_43] : memref<1xf32, #tpu.memory_space<smem>>
    %mul3A_45 = vector.broadcast %get3A_44 : f32 to vector<200x128xf32>
    %mul3A_46 = arith.mulf %mul3A_45, %get3A_1 : vector<200x128xf32>
    %add3A_47 = arith.addf %mul3A_46, %reduce_sum3A_42 : vector<200x128xf32>
    %custom_jvp_call3A_48 = arith.constant 0.000000e+00 : f32
    %max3A_49 = vector.broadcast %custom_jvp_call3A_48 : f32 to vector<200x128xf32>
    %max3A_50 = arith.maximumf %add3A_47, %max3A_49 : vector<200x128xf32>
    %sub3A_51 = vector.broadcast %custom_jvp_call3A_48 : f32 to vector<200x128xf32>
    %sub3A_52 = arith.subf %add3A_47, %sub3A_51 : vector<200x128xf32>
    %ne3A_53 = arith.cmpf one, %sub3A_52, %sub3A_52 : vector<200x128xf32>
    %add3A_54 = vector.broadcast %custom_jvp_call3A_48 : f32 to vector<200x128xf32>
    %add3A_55 = arith.addf %add3A_47, %add3A_54 : vector<200x128xf32>
    %abs3A_56 = math.absf %sub3A_52 : vector<200x128xf32>
    %neg3A_57 = arith.constant 0.000000e+00 : f32
    %neg3A_58 = vector.broadcast %neg3A_57 : f32 to vector<200x128xf32>
    %neg3A_59 = arith.subf %neg3A_58, %abs3A_56 : vector<200x128xf32>
    %exp3A_60 = math.exp %neg3A_59 : vector<200x128xf32>
    %log1p3A_61 = math.log1p %exp3A_60 : vector<200x128xf32>
    %add3A_62 = arith.addf %max3A_50, %log1p3A_61 : vector<200x128xf32>
    %select_n3A_63 = arith.select %ne3A_53, %add3A_55, %add3A_62 : vector<200x128xi1>, vector<200x128xf32>
    %swap3A = arith.constant 0 : index
    %swap3A_64 = arith.constant 0 : index
    %swap3A_65 = vector.load %arg9[%swap3A, %swap3A_64] : memref<200x128xf32, #tpu.memory_space<vmem>>, vector<200x128xf32>
    tpu.vector_store %arg9[%swap3A, %swap3A_64], %select_n3A_63 {strides = array<i32>} : memref<200x128xf32, #tpu.memory_space<vmem>>, vector<200x128xf32>,
    return
  }
  func.func @transform_0(%arg0: i32) -> (i32, i32) {
    %add3A = arith.constant 25 : i32
    %add3A_0 = arith.addi %arg0, %add3A : i32
    %c0_i32 = arith.constant 0 : i32
    %c0_i32_1 = arith.constant 0 : i32
    return %add3A_0, %c0_i32 : i32, i32
  }
  func.func @transform_1(%arg0: i32) -> (i32, i32) {
    %c0_i32 = arith.constant 0 : i32
    %c0_i32_0 = arith.constant 0 : i32
    return %arg0, %c0_i32 : i32, i32
  }
  func.func @transform_2(%arg0: i32) -> (i32, i32) {
    %add3A = arith.constant 25 : i32
    %add3A_0 = arith.addi %arg0, %add3A : i32
    %c0_i32 = arith.constant 0 : i32
    %c0_i32_1 = arith.constant 0 : i32
    return %add3A_0, %c0_i32 : i32, i32
  }
  func.func @transform_3(%arg0: i32) -> (i32, i32) {
    %c0_i32 = arith.constant 0 : i32
    %c0_i32_0 = arith.constant 0 : i32
    %c0_i32_1 = arith.constant 0 : i32
    return %c0_i32, %c0_i32_0 : i32, i32
  }
  func.func @transform_4(%arg0: i32) -> (i32, i32) {
    %c0_i32 = arith.constant 0 : i32
    %c0_i32_0 = arith.constant 0 : i32
    %c0_i32_1 = arith.constant 0 : i32
    return %c0_i32, %c0_i32_0 : i32, i32
  }
  func.func @transform_5(%arg0: i32) -> (i32, i32) {
    %c0_i32 = arith.constant 0 : i32
    %c0_i32_0 = arith.constant 0 : i32
    %c0_i32_1 = arith.constant 0 : i32
    return %c0_i32, %c0_i32_0 : i32, i32
  }
  func.func @transform_6(%arg0: i32) -> (i32, i32) {
    %c0_i32 = arith.constant 0 : i32
    %c0_i32_0 = arith.constant 0 : i32
    %c0_i32_1 = arith.constant 0 : i32
    return %c0_i32, %c0_i32_0 : i32, i32
  }
  func.func @transform_7(%arg0: i32) -> i32 {
    %c0_i32 = arith.constant 0 : i32
    %c0_i32_0 = arith.constant 0 : i32
    return %c0_i32 : i32
  }
  func.func @transform_8(%arg0: i32) -> (i32, i32) {
    %c0_i32 = arith.constant 0 : i32
    %c0_i32_0 = arith.constant 0 : i32
    return %arg0, %c0_i32 : i32, i32
  }
}

</mosaic_0001>

<sc_bundles>
// kernel: kernel.15.cloned.1.call-start
scs
__scs_entry_jumppad:
0x0: {  	(pc) =	sbr.rel $0x88, $3  }
0x1: {  	(tag) =	ssettag $0x0;
	lr =	simm.s32 $0x1  }
0x2: {  	[smem:$0x3F91] =	sst lr;
	_ =	strace $0xD0000000  }
0x3: {  	_ = 	snop  }
0x4: {  	_ = 	snop  }
0x5: {  	_ = 	snop  }
0x6: {  	_ = 	snop  }
0x7: {  	_ = 	snop  }
__scs_overlays_trampoline_lowered:
0x8: {  	[smem:$0x3FA0] =	sst s0  }
0x9: {  	[smem:$0x3FA1] =	sst s1  }
0xa: {  	[smem:$0x3FA2] =	sst s2  }
0xb: {  	[smem:$0x3FA3] =	sst s3  }
0xc: {  	[smem:$0x3FA4] =	sst s4  }
0xd: {  	[smem:$0x3FA5] =	sst s5  }
0xe: {  	[smem:$0x3FA6] =	sst s6  }
0xf: {  	[smem:$0x3FA7] =	sst s7  }
0x10: {  	[smem:$0x3FA8] =	sst s8  }
0x11: {  	[smem:$0x3FA9] =	sst s9;
	s0 =	simm.s32 @!p0 $0x0  }
0x12: {  	s1 =	sld [smem:$0x3F8F];
	s0 =	simm.s32 @p0 $0x1  }
0x13: {  	[smem:$0x3FAA] =	sst s0;
	s0 =	simm.s32 @!p1 $0x0  }
0x14: {  	s2 =	sld [smem:$0x3F8E];
	s0 =	simm.s32 @p1 $0x1  }
0x15: {  	[smem:$0x3FAB] =	sst s0;
	s0 =	simm.s32 @!p2 $0x0  }
0x16: {  	s3 =	sld [smem:$0x3FDB];
	s0 =	simm.s32 @p2 $0x1  }
0x17: {  	s4 =	simm.s32 $0x1BF5;
	[smem:$0x3FAD] =	sst s0  }
0x18: {  	s0 =	sld [smem:$0x3F90];
	_ =	swait.ge [sflag:s4], $0x0  }
0x19: {  	s7 =	sld [smem:$0x3F91]  }
0x1a: {  	s8 =	sadd.s32 $0xFFFFE003, lr  }
0x1b: {  	s9 =	sadd.s32 $0xFFFFFEF7, lr;
	s5 =	simm.s32 $0xFFFFFFFF;
	p2 =	slt.u32 s8, $0xFFFFF086  }
0x1c: {  	p1 =	slt.u32 s9, $0xF7A;
	s5 =	simm.s32 @!p2 $0x0  }
0x1d: {  	s5 =	simm.s32 @p1 $0x1;
	p0 =	seq.s32 s7, s2  }
0x1e: {  	s7 =	smul.u32 @!p0 $0xF7A, s2;
	p2 =	seq.s32 @!p0 s5, $0x0  }
0x1f: {  	s9 =	smul.u32 $0xF7A, s1;
	s8 =	simm.s32 @!p0 $0x1BF5;
	p2 =	por !p2, p0  }
0x20: {  	[sflag:s8] =	ssyncset.s32 @!p0 $0xFFFFF086;
	s6 =	sadd.s32 @!p0 s3, s7;
	s7 =	simm.s32 @!p0 $0x108  }
0x21: {  	s3 =	sadd.s32 s3, s9;
	s6 =	sadd.s32 @!p0 $0x88, s6;
	s7 =	simm.s32 @p2 $0x1082  }
0x22: {  	[simem:s7], [sflag:s8] =	dma.local @!p0 [hbm:s6], $0xF7A  }
0x23: {  	s9 =	sor.u32 $0xD0000000, s2;
	s6 =	simm.s32 $0x108;
	_ =	swait.ge @!p0 [sflag:s8], $0x0  }
0x24: {  	s3 =	sadd.s32 $0x88, s3;
	s6 =	simm.s32 @!p1 $0x1082;
	[sflag:s4] =	ssyncset.s32 $0xFFFFF086  }
0x25: {  	[simem:s6], [sflag:s4] =	dma.local [hbm:s3], $0xF7A  }
0x26: {  	[smem:$0x3F91] =	sst s1;
	(tag) =	ssettag s2;
	_ =	strace s9  }
0x27: {  	s1 =	sld [smem:$0x3FA1]  }
0x28: {  	s2 =	sld [smem:$0x3FA2]  }
0x29: {  	s4 =	sld [smem:$0x3FA4]  }
0x2a: {  	p0 =	seq.s32 s5, $0x0;
	s5 =	sld [smem:$0x3FA5]  }
0x2b: {  	s6 =	sld [smem:$0x3FA6]  }
0x2c: {  	s7 =	sld [smem:$0x3FA7]  }
0x2d: {  	s3 =	simm.s32 $0x108;
	s8 =	sld [smem:$0x3FA8]  }
0x2e: {  	s3 =	simm.s32 @!p0 $0x1082;
	s9 =	sld [smem:$0x3FA9]  }
0x2f: {  	lr =	sadd.s32 s0, s3;
	s0 =	sld [smem:$0x3FA0]  }
0x30: {  	s3 =	sld [smem:$0x3FA3]  }
0x31: {  	[smem:$0x3FAC] =	sst s10  }
0x32: {  	s10 =	sld [smem:$0x3FAA];
	_ =	sdelay $0x3  }
0x33: {  	p0 =	seq.s32 s10, $0x1;
	s10 =	sld [smem:$0x3FAC];
	_ =	sdelay $0x3  }
0x34: {  	[smem:$0x3FAC] =	sst s10  }
0x35: {  	s10 =	sld [smem:$0x3FAB];
	_ =	sdelay $0x3  }
0x36: {  	p1 =	seq.s32 s10, $0x1;
	s10 =	sld [smem:$0x3FAC];
	_ =	sdelay $0x3  }
0x37: {  	[smem:$0x3FAC] =	sst s10  }
0x38: {  	s10 =	sld [smem:$0x3FAD]  }
0x39: {  	_ = 	snop;
	(pc) =	sbr.ind lr, $3  }
0x3a: {  	_ = 	snop  }
0x3b: {  	_ = 	snop  }
0x3c: {  	p2 =	seq.s32 s10, $0x1;
	s10 =	sld [smem:$0x3FAC]  }
0x3d: {  	_ =	shalt  }
0x3e: {  	_ =	shalt  }
0x3f: {  	_ =	shalt  }
0x40: {  	_ =	shalt  }
0x41: {  	_ =	shalt  }
0x42: {  	_ =	shalt  }
0x43: {  	_ =	shalt  }
0x44: {  	_ =	shalt  }
0x45: {  	_ =	shalt  }
0x46: {  	_ =	shalt  }
0x47: {  	_ =	shalt  }
0x48: {  	_ =	shalt  }
0x49: {  	_ =	shalt  }
0x4a: {  	_ =	shalt  }
0x4b: {  	_ =	shalt  }
0x4c: {  	_ =	shalt  }
0x4d: {  	_ =	shalt  }
0x4e: {  	_ =	shalt  }
0x4f: {  	_ =	shalt  }
0x50: {  	_ =	shalt  }
0x51: {  	_ =	shalt  }
0x52: {  	_ =	shalt  }
0x53: {  	_ =	shalt  }
0x54: {  	_ =	shalt  }
0x55: {  	_ =	shalt  }
0x56: {  	_ =	shalt  }
0x57: {  	_ =	shalt  }
0x58: {  	_ =	shalt  }
0x59: {  	_ =	shalt  }
0x5a: {  	_ =	shalt  }
0x5b: {  	_ =	shalt  }
0x5c: {  	_ =	shalt  }
0x5d: {  	_ =	shalt  }
0x5e: {  	_ =	shalt  }
0x5f: {  	_ =	shalt  }
0x60: {  	_ =	shalt  }
0x61: {  	_ =	shalt  }
0x62: {  	_ =	shalt  }
0x63: {  	_ =	shalt  }
0x64: {  	_ =	shalt  }
0x65: {  	_ =	shalt  }
0x66: {  	_ =	shalt  }
0x67: {  	_ =	shalt  }
0x68: {  	_ =	shalt  }
0x69: {  	_ =	shalt  }
0x6a: {  	_ =	shalt  }
0x6b: {  	_ =	shalt  }
0x6c: {  	_ =	shalt  }
0x6d: {  	_ =	shalt  }
0x6e: {  	_ =	shalt  }
0x6f: {  	_ =	shalt  }
0x70: {  	_ =	shalt  }
0x71: {  	_ =	shalt  }
0x72: {  	_ =	shalt  }
0x73: {  	_ =	shalt  }
0x74: {  	_ =	shalt  }
0x75: {  	_ =	shalt  }
0x76: {  	_ =	shalt  }
0x77: {  	_ =	shalt  }
0x78: {  	_ =	shalt  }
0x79: {  	_ =	shalt  }
0x7a: {  	_ =	shalt  }
0x7b: {  	_ =	shalt  }
0x7c: {  	_ =	shalt  }
0x7d: {  	_ =	shalt  }
0x7e: {  	_ =	shalt  }
0x7f: {  	_ =	shalt  }
0x80: {  	_ =	shalt  }
0x81: {  	_ =	shalt  }
0x82: {  	_ =	shalt  }
0x83: {  	_ =	shalt  }
0x84: {  	_ =	shalt  }
0x85: {  	_ =	shalt  }
0x86: {  	_ =	shalt  }
0x87: {  	_ =	shalt  }
.Lfunc_end0:
.L_simem_size_0:
called_computation_lowered:
.L_overlay_start_0:
0x88: {  	s2 =	sld [smem:$0x3FD9]  }
0x89: {  	s3 =	sld [smem:$0x3FFE];
	_ =	sdelay $0x1  }
0x8a: {  	s1 =	srdreg.scid  }
0x8b: {  	s0 =	sand.u32 $0x1, s1  }
0x8c: {  	s17 =	sshll.u32 s0, $0xA;
	s2 =	sadd.s32 s3, s2  }
0x8d: {  	s2 =	sadd.s32 s2, s17  }
0x8e: {  	[smem:$0x3FB8] =	sst s2  }
0x8f: {  	_ = 	snop  }
0x90: {  	s2 =	sld [smem:$0x3FD0];
	(tm) =	ssettm $0x1  }
0x91: {  	s18 =	sld [smem:$0x3FFB];
	_ =	sdelay $0x3  }
0x92: {  	_ =	strace s18  }
0x93: {  	s3 =	sld [smem:$0x3FFC];
	_ =	sdelay $0x3  }
0x94: {  	_ =	strace s3  }
0x95: {  	s3 =	sld [smem:$0x3FFD];
	_ =	sdelay $0x3  }
0x96: {  	_ =	strace s3  }
0x97: {  	_ =	strace $0x8FFFFFFF  }
0x98: {  	s19 =	sld [smem:$0x3FDB];
	_ =	sdelay $0x1  }
0x99: {  	s4 =	simm.s32 $_scs_section_size  }
0x9a: {  	s5 =	simm.s32 $_size__tile_overlayer_lowered;
	s6 =	simm.s32 $_tile_overlayer_lowered  }
0x9b: {  	s22 =	simm.s32 $0x1BFF;
	s21 =	sshll.u32 s6, $0x1;
	s3 =	sadd.s32 s4, s19  }
0x9c: {  	s7 =	simm.s32 $0x0;
	s20 =	sshll.u32 s5, $0x1;
	s5 =	sadd.s32 s21, s3  }
0x9d: {  	[timem:s7], [sflag:s22] =	dma.local [hbm:s5], s20  }
0x9e: {  	_ =	swait.ge [sflag:s22], s20  }
0x9f: {  	s4 =	ssub.s32 $0x0, s20;
	[sflag:s22] =	ssyncset.done $0x0  }
0xa0: {  	[sflag:s22] =	ssyncadd.s32 s4;
	_ =	sdelay $0x1  }
0xa1: {  	s23 =	simm.s32 $0x1B8B  }
0xa2: {  	_ =	swait.ge [sflag:s23], $0x1  }
0xa3: {  	[sflag:s23] =	ssyncset.done $0x0  }
0xa4: {  	s25 =	simm.s32 $0x1B8E;
	s24 =	sld [smem:$0x3FFE];
	[sflag:s23] =	ssyncadd.s32 $0xFFFFFFFF  }
0xa5: {  	s26 =	simm.s32 $execute0_lowered;
	[smem:$0x3FD2] =	sst s25  }
0xa6: {  	s5 =	sshll.u32 s26, $0x1;
	_ =	strace $0x80000046;
	[dreg:$0x1] =	wrdreg $0xFFFFFFFF  }
0xa7: {  	s28 =	simm.s32 $_size_execute0_lowered;
	s3 =	sadd.s32 s3, s5;
	[dreg:$0x0] =	wrdreg $0x0  }
0xa8: {  	s5 =	sshll.u32 s28, $0x1;
	[dreg:$0x2] =	wrdreg s3  }
0xa9: {  	[dreg:$0x3] =	wrdreg s5  }
0xaa: {  	[dreg:$0x4] =	wrdreg $0xC0  }
0xab: {  	_ =	task [dreg:s7], $0x5FFFF  }
0xac: {  	[dreg:$0x1] =	wrdreg $0xFFFFFFFF  }
0xad: {  	[dreg:$0x0] =	wrdreg $0x60  }
0xae: {  	[dreg:$0x2] =	wrdreg s2  }
0xaf: {  	[dreg:$0x3] =	wrdreg s24  }
0xb0: {  	[dreg:$0x4] =	wrdreg $0x9  }
0xb1: {  	_ =	task.clear_ibuf [dreg:s7], $0x5FFFF;
	_ =	strace $0x90000046  }
0xb2: {  	s29 =	simm.s32 $0x9;
	_ =	strace $0x80000048  }
0xb3: {  	_ =	swait.ge [sflag:s29], $0x1  }
0xb4: {  	[sflag:s29] =	ssyncadd.s32 $0xFFFFFFFF  }
0xb5: {  	_ =	strace $0x90000048  }
0xb6: {  	_ =	sfence  }
0xb7: {  	s30 =	sld [smem:$0x0];
	_ =	sdelay $0x2  }
0xb8: {  	s31 =	sshll.u32 s1, $0xD;
	s1 =	sshrl.u32 s1, $0x2  }
0xb9: {  	s3 =	sand.u32 $0x4000, s31;
	s1 =	sadd.s32 s1, s30  }
0xba: {  	s0 =	sor.u32 s3, s0;
	s1 =	sshll.u32 s1, $0x11  }
0xbb: {  	s0 =	sor.u32 s1, s0  }
0xbc: {  	s0 =	sadd.s32 $0x8F2B, s0  }
0xbd: {  	[sflag:s0] =	ssyncadd.remote.s32 $0x1  }
0xbe: {  	_ =	sfence.sel $0xFFFF  }
0xbf: {  	[dreg:$0x0] =	wrdreg $0xFFFFFFFF;
	(pc) =	sbr.abs _section_cstart, $3  }
0xc0: {  	[dreg:$0x1] =	wrdreg $0xFFFFFFFF  }
0xc1: {  	_ =	task.clear_ibuf [dreg:s7], $0x2FFFF;
	_ =	strace $0x9FFFFFFF  }
0xc2: {  	(tm) =	ssettm $0x7FFFFFFF  }
0xc3: {  	_ =	shalt  }
tec
execute0_lowered:
.L_overlay_start_1:
0x0: {  	(tag) =	ssettag $0x1  }
0x1: {  	s1 =	srdreg.scid  }
0x2: {  	s0 =	stileid.u32;
	s2 =	rddreg [dreg:$0x0]  }
0x3: {  	s4 =	rddreg [dreg:$0x1];
	s3 =	simm.s32 $0x0;
	s12 =	simm.s32 $0x5400  }
0x4: {  	s15 =	simm.s32 $0xD400;
	s16 =	simm.s32 $0x1;
	s17 =	simm.s32 $0x2  }
0x5: {  	s18 =	simm.s32 $0x4;
	s19 =	simm.s32 $0x5;
	s11 =	smul.u32 $0x140000, s0  }
0x6: {  	s20 =	simm.s32 $0x6;
	s6 =	sand.u32 $0x1, s1;
	s29 =	smul.u32 $0x28000, s0  }
0x7: {  	s21 =	sshll.u32 s0, $0x1;
	[smem:$0x7FF] =	sst s3;
	s25 =	smul.u32 $0xA0000, s6  }
0x8: {  	s5 =	sor.u32 s6, s21;
	s8 =	ssub.s32 $0x2, s6;
	s6 =	smul.u32 $0x14000, s6  }
0x9: {  	s10 =	sadd.s32 $0xEE00, s4;
	_ =	strace $0x80000047;
	s7 =	smul.u32 $0x1400, s5  }
0xa: {  	s21 =	simm.s32 $0x7;
	s9 =	smul.u32 $0x14000, s5;
	s22 =	sshrl.u32 s8, $0x1  }
0xb: {  	s30 =	sadd.s32 s29, s10;
	s23 =	ssub.s32 s8, s22;
	s22 =	simm.s32 $0x8  }
0xc: {  	s7 =	sshrl.u32 s7, $0x3;
	s26 =	smax.u32 s23, $0x1;
	s28 =	sadd.s32 s10, s9  }
0xd: {  	s23 =	simm.s32 $0x0;
	s7 =	sadd.s32 s7, s4;
	[dreg:$0x5] =	wrdreg s26  }
0xe: {  	s8 =	sadd.s32 $0x13000, s28;
	s24 =	sadd.s32 $0x4E00, s7;
	s7 =	sadd.s32 s25, s11  }
0xf: {  	[dreg:$0x3] =	wrdreg s8;
	s8 =	sadd.s32 s6, s30;
	s11 =	simm.s32 $0x1400  }
0x10: {  	[dreg:$0x4] =	wrdreg s24;
	s31 =	sor.u32 $0xC000, s7;
	s7 =	sshrl.u32 s7, $0x3  }
0x11: {  	s9 =	sshrl.u32 s31, $0x3;
	s6 =	sadd.s32 s7, s10;
	s7 =	sadd.s32 $0x1000, s8  }
0x12: {  	s8 =	sadd.s32 s9, s10;
	s9 =	simm.s32 $0x9;
	s10 =	simm.s32 $0x80  }
.LBB2_1:
0x13: {  	s0 =	rddreg [dreg:$0x4]  }
0x14: {  	[tilespmem:s3], [sflag:$0x9] =	stream.linear.gather [hbm4b:s0+s3], $0x1400, $0x38;
	[tilespmem:$0x11400] =	vst v63  }
0x15: {  	_ =	swait.ge [sflag:s9], $0x1400  }
0x16: {  	[sflag:s9] =	ssyncset.done $0x0  }
0x17: {  	[sflag:s9] =	ssyncadd.s32 $0xFFFFEC00  }
0x18: {  	[tilespmem:s11], [sflag:$0x1] =	stream.indirect.gather [hbm4b:s2+s10], $0x80, s3, s10, $0xb8;
	[tilespmem:$0x11400] =	vst v63  }
0x19: {  	p0 =	por $0x1, $0x1  }
0x1a: {  	[tilespmem:s12], [sflag:$0x2] =	stream.indirect.gather [hbm4b:s2+s10], $0x80, s10, s10, $0xb8;
	[tilespmem:$0x11400] =	vst v63  }
0x1b: {  	s26 =	simm.s32 $0x100;
	s1 =	simm.s32 $0x9400;
	s24 =	simm.s32 @!p0 $0x8  }
0x1c: {  	[tilespmem:s1], [sflag:$0x3] =	stream.indirect.gather [hbm4b:s2+s10], $0x80, s26, s10, $0xb8;
	[tilespmem:$0x11400] =	vst v63  }
0x1d: {  	_ =	swait.ge @!p0 [sflag:s24], $0x4000  }
0x1e: {  	[sflag:s24] =	ssyncset.done @!p0 $0x0  }
0x1f: {  	s25 =	simm.s32 $0x180;
	[sflag:s24] =	ssyncadd.s32 @!p0 $0xFFFFC000  }
0x20: {  	[tilespmem:s15], [sflag:$0x4] =	stream.indirect.gather [hbm4b:s2+s10], $0x80, s25, s10, $0xb8;
	[tilespmem:$0x11400] =	vst v63  }
0x21: {  	_ =	swait.ge [sflag:s16], $0x4000  }
0x22: {  	p0 =	por $0x0, $0x0;
	[sflag:s16] =	ssyncset.done $0x0  }
0x23: {  	s24 =	simm.s32 @!p0 $0x5;
	[sflag:s16] =	ssyncadd.s32 $0xFFFFC000  }
0x24: {  	[hbm4b:s6+s3] =	stream.linear.scatter [tilespmem:s11], [sflag:$0x5], $0x4000, $0x38;
	[tilespmem:$0x11400] =	vst v63  }
0x25: {  	_ =	swait.ge @!p0 [sflag:s24], $0x4000  }
0x26: {  	s25 =	simm.s32 @!p0 $0x200;
	[sflag:s24] =	ssyncset.done @!p0 $0x0  }
0x27: {  	s26 =	simm.s32 @!p0 $0x80;
	s28 =	simm.s32 @!p0 $0x1400;
	[sflag:s24] =	ssyncadd.s32 @!p0 $0xFFFFC000  }
0x28: {  	[tilespmem:s28], [sflag:$0x1] =	stream.indirect.gather @!p0 [hbm4b:s2+s26], $0x80, s25, s26, $0xb8;
	[tilespmem:$0x11400] =	vst v63  }
0x29: {  	_ =	swait.ge [sflag:s17], $0x4000  }
0x2a: {  	[sflag:s17] =	ssyncset.done $0x0  }
0x2b: {  	s31 =	sadd.s32 $0xFFFFF800, s7;
	s25 =	simm.s32 @p0 $0x3;
	[sflag:s17] =	ssyncadd.s32 $0xFFFFC000  }
0x2c: {  	[hbm4b:s31+s3] =	stream.linear.scatter [tilespmem:s12], [sflag:$0x6], $0x4000, $0x38;
	[tilespmem:$0x11400] =	vst v63  }
0x2d: {  	_ =	swait.ge @p0 [sflag:s25], $0x4000  }
0x2e: {  	s29 =	simm.s32 @!p0 $0x6;
	s28 =	simm.s32 @p0 $0x9400;
	[sflag:s25] =	ssyncset.done @p0 $0x0  }
0x2f: {  	s24 =	rddreg [dreg:$0x3];
	[sflag:s25] =	ssyncadd.s32 @p0 $0xFFFFC000;
	s25 =	simm.s32 @p0 $0x0  }
0x30: {  	[hbm4b:s24+s25] =	stream.linear.scatter @p0 [tilespmem:s28], [sflag:$0x7], $0x4000, $0x38;
	[tilespmem:$0x11400] =	vst v63  }
0x31: {  	_ =	swait.ge @!p0 [sflag:s29], $0x4000  }
0x32: {  	s24 =	simm.s32 @!p0 $0x280;
	[sflag:s29] =	ssyncset.done @!p0 $0x0  }
0x33: {  	s25 =	simm.s32 @!p0 $0x5400;
	s28 =	simm.s32 @!p0 $0x3;
	[sflag:s29] =	ssyncadd.s32 @!p0 $0xFFFFC000  }
0x34: {  	[tilespmem:s25], [sflag:$0x2] =	stream.indirect.gather @!p0 [hbm4b:s2+s26], $0x80, s24, s26, $0xb8;
	[tilespmem:$0x11400] =	vst v63  }
0x35: {  	_ =	swait.ge @!p0 [sflag:s28], $0x4000  }
0x36: {  	s29 =	simm.s32 @!p0 $0x7;
	[sflag:s28] =	ssyncset.done @!p0 $0x0  }
0x37: {  	s24 =	simm.s32 @!p0 $0x0;
	s25 =	simm.s32 @!p0 $0x9400;
	[sflag:s28] =	ssyncadd.s32 @!p0 $0xFFFFC000  }
0x38: {  	[hbm4b:s7+s24] =	stream.linear.scatter @!p0 [tilespmem:s25], [sflag:$0x7], $0x4000, $0x38;
	[tilespmem:$0x11400] =	vst v63  }
0x39: {  	_ =	swait.ge @!p0 [sflag:s29], $0x4000  }
0x3a: {  	p1 =	por $0x0, $0x0;
	[sflag:s29] =	ssyncset.done @!p0 $0x0  }
0x3b: {  	s30 =	smov.u32 s8;
	s24 =	simm.s32 @!p0 $0x300;
	[sflag:s29] =	ssyncadd.s32 @!p0 $0xFFFFC000  }
0x3c: {  	[tilespmem:s25], [sflag:$0x3] =	stream.indirect.gather @!p0 [hbm4b:s2+s26], $0x80, s24, s26, $0xb8;
	[tilespmem:$0x11400] =	vst v63  }
0x3d: {  	s28 =	simm.s32 $0x800;
	s29 =	simm.s32 $0x1000;
	s25 =	sadd.s32 $0x2000, s7  }
0x3e: {  	s24 =	sadd.s32 $0x2000, s8;
	s26 =	sadd.s32 $0x2000, s6;
	_ =	swait.ge [sflag:s18], $0x4000  }
.LBB2_2:
0x3f: {  	[sflag:s18] =	ssyncset.done $0x0  }
0x40: {  	s31 =	simm.s32 @!p1 $0x8;
	[sflag:s18] =	ssyncadd.s32 $0xFFFFC000  }
0x41: {  	[hbm4b:s30+s3] =	stream.linear.scatter [tilespmem:s15], [sflag:$0x8], $0x4000, $0x38;
	[tilespmem:$0x11400] =	vst v63  }
0x42: {  	_ =	swait.ge @!p1 [sflag:s31], $0x4000  }
0x43: {  	s0 =	sshra.s32 s28, $0x2;
	[sflag:s31] =	ssyncset.done @!p1 $0x0  }
0x44: {  	s0 =	sadd.s32 $0x180, s0;
	[sflag:s31] =	ssyncadd.s32 @!p1 $0xFFFFC000  }
0x45: {  	[tilespmem:s15], [sflag:$0x4] =	stream.indirect.gather [hbm4b:s2+s10], $0x80, s0, s10, $0xb8;
	[tilespmem:$0x11400] =	vst v63  }
0x46: {  	_ =	swait.ge [sflag:s16], $0x4000  }
0x47: {  	p1 =	seq.s32 s28, $0x4800;
	[sflag:s16] =	ssyncset.done $0x0  }
0x48: {  	s0 =	simm.s32 @!p1 $0x5;
	[sflag:s16] =	ssyncadd.s32 $0xFFFFC000  }
0x49: {  	[hbm4b:s26+s3] =	stream.linear.scatter [tilespmem:s11], [sflag:$0x5], $0x4000, $0x38;
	[tilespmem:$0x11400] =	vst v63  }
0x4a: {  	_ =	swait.ge @!p1 [sflag:s0], $0x4000  }
0x4b: {  	s28 =	sshra.s32 @!p1 s28, $0x2;
	s14 =	simm.s32 @!p1 $0x80;
	[sflag:s0] =	ssyncset.done @!p1 $0x0  }
0x4c: {  	s4 =	simm.s32 @!p1 $0x1400;
	s31 =	sadd.s32 @!p1 $0x200, s28;
	[sflag:s0] =	ssyncadd.s32 @!p1 $0xFFFFC000  }
0x4d: {  	[tilespmem:s4], [sflag:$0x1] =	stream.indirect.gather @!p1 [hbm4b:s2+s14], $0x80, s31, s14, $0xb8;
	[tilespmem:$0x11400] =	vst v63  }
0x4e: {  	_ =	swait.ge [sflag:s17], $0x4000  }
0x4f: {  	s1 =	smov.u32 s29;
	s5 =	simm.s32 @!p1 $0x6;
	[sflag:s17] =	ssyncset.done $0x0  }
0x50: {  	s31 =	sadd.s32 $0xFFFFF800, s25;
	s4 =	simm.s32 @p1 $0x3;
	[sflag:s17] =	ssyncadd.s32 $0xFFFFC000  }
0x51: {  	[hbm4b:s31+s3] =	stream.linear.scatter [tilespmem:s12], [sflag:$0x6], $0x4000, $0x38;
	[tilespmem:$0x11400] =	vst v63  }
0x52: {  	s13 =	sadd.s32 @!p1 $0x280, s28;
	s0 =	sadd.s32 @!p1 $0x300, s28;
	_ =	swait.ge @p1 [sflag:s4], $0x4000  }
0x53: {  	s28 =	smov.u32 s1;
	s31 =	simm.s32 @p1 $0x9400;
	[sflag:s4] =	ssyncset.done @p1 $0x0  }
0x54: {  	s1 =	rddreg [dreg:$0x3];
	[sflag:s4] =	ssyncadd.s32 @p1 $0xFFFFC000;
	s4 =	simm.s32 @p1 $0x0  }
0x55: {  	[hbm4b:s1+s4] =	stream.linear.scatter @p1 [tilespmem:s31], [sflag:$0x7], $0x4000, $0x38;
	[tilespmem:$0x11400] =	vst v63  }
0x56: {  	_ =	swait.ge @!p1 [sflag:s5], $0x4000  }
0x57: {  	[sflag:s5] =	ssyncset.done @!p1 $0x0  }
0x58: {  	s1 =	simm.s32 @!p1 $0x5400;
	s4 =	simm.s32 @!p1 $0x3;
	[sflag:s5] =	ssyncadd.s32 @!p1 $0xFFFFC000  }
0x59: {  	[tilespmem:s1], [sflag:$0x2] =	stream.indirect.gather @!p1 [hbm4b:s2+s14], $0x80, s13, s14, $0xb8;
	[tilespmem:$0x11400] =	vst v63  }
0x5a: {  	s29 =	sadd.s32 $0x800, s29;
	_ =	swait.ge @!p1 [sflag:s4], $0x4000  }
0x5b: {  	p0 =	sne.s32 s29, $0x5000;
	s5 =	simm.s32 @!p1 $0x9400;
	[sflag:s4] =	ssyncset.done @!p1 $0x0  }
0x5c: {  	s1 =	simm.s32 @!p1 $0x0;
	[sflag:s4] =	ssyncadd.s32 @!p1 $0xFFFFC000;
	s4 =	simm.s32 @!p1 $0x7  }
0x5d: {  	[hbm4b:s25+s1] =	stream.linear.scatter @!p1 [tilespmem:s5], [sflag:$0x7], $0x4000, $0x38;
	[tilespmem:$0x11400] =	vst v63  }
.Ltmp0:
0x5e: {  	_ =	swait.ge @!p1 [sflag:s4], $0x4000;
	(pc) =	sbr.rel @p0 .LBB2_2-.Ltmp0, $4  }
0x5f: {  	s30 =	smov.u32 s24;
	[sflag:s4] =	ssyncset.done @!p1 $0x0  }
0x60: {  	s24 =	sadd.s32 $0x2000, s24;
	s26 =	sadd.s32 $0x2000, s26;
	[sflag:s4] =	ssyncadd.s32 @!p1 $0xFFFFC000  }
0x61: {  	[tilespmem:s5], [sflag:$0x3] =	stream.indirect.gather @!p1 [hbm4b:s2+s14], $0x80, s0, s14, $0xb8;
	[tilespmem:$0x11400] =	vst v63  }
0x62: {  	s25 =	sadd.s32 $0x2000, s25;
	p1 =	seq.s32 s28, $0x0;
	_ =	swait.ge [sflag:s18], $0x4000  }
0x63: {  	[sflag:s18] =	ssyncset.done $0x0  }
0x64: {  	s0 =	simm.s32 @!p1 $0x8;
	[sflag:s18] =	ssyncadd.s32 $0xFFFFC000  }
0x65: {  	[hbm4b:s30+s3] =	stream.linear.scatter [tilespmem:s15], [sflag:$0x8], $0x4000, $0x38;
	[tilespmem:$0x11400] =	vst v63  }
0x66: {  	_ =	swait.ge @!p1 [sflag:s0], $0x4000  }
0x67: {  	s1 =	sshra.s32 s28, $0x2;
	[sflag:s0] =	ssyncset.done @!p1 $0x0  }
0x68: {  	s1 =	sadd.s32 $0x180, s1;
	[sflag:s0] =	ssyncadd.s32 @!p1 $0xFFFFC000  }
0x69: {  	[tilespmem:s15], [sflag:$0x4] =	stream.indirect.gather [hbm4b:s2+s10], $0x80, s1, s10, $0xb8;
	[tilespmem:$0x11400] =	vst v63  }
0x6a: {  	_ =	swait.ge [sflag:s16], $0x4000  }
0x6b: {  	p0 =	seq.s32 s28, $0x4800;
	[sflag:s16] =	ssyncset.done $0x0  }
0x6c: {  	s0 =	simm.s32 @!p0 $0x5;
	[sflag:s16] =	ssyncadd.s32 $0xFFFFC000  }
0x6d: {  	[hbm4b:s26+s3] =	stream.linear.scatter [tilespmem:s11], [sflag:$0x5], $0x4000, $0x38;
	[tilespmem:$0x11400] =	vst v63  }
0x6e: {  	_ =	swait.ge @!p0 [sflag:s0], $0x4000  }
0x6f: {  	s5 =	simm.s32 @!p0 $0x80;
	s1 =	sshra.s32 @!p0 s28, $0x2;
	[sflag:s0] =	ssyncset.done @!p0 $0x0  }
0x70: {  	s13 =	simm.s32 @!p0 $0x1400;
	s4 =	sadd.s32 @!p0 $0x200, s1;
	[sflag:s0] =	ssyncadd.s32 @!p0 $0xFFFFC000  }
0x71: {  	[tilespmem:s13], [sflag:$0x1] =	stream.indirect.gather @!p0 [hbm4b:s2+s5], $0x80, s4, s5, $0xb8;
	[tilespmem:$0x11400] =	vst v63  }
0x72: {  	_ =	swait.ge [sflag:s17], $0x4000  }
0x73: {  	[sflag:s17] =	ssyncset.done $0x0  }
0x74: {  	s30 =	sadd.s32 $0xFFFFF800, s25;
	s4 =	simm.s32 @p0 $0x3;
	[sflag:s17] =	ssyncadd.s32 $0xFFFFC000  }
0x75: {  	[hbm4b:s30+s3] =	stream.linear.scatter [tilespmem:s12], [sflag:$0x6], $0x4000, $0x38;
	[tilespmem:$0x11400] =	vst v63  }
0x76: {  	_ =	swait.ge @p0 [sflag:s4], $0x4000  }
0x77: {  	s14 =	simm.s32 @!p0 $0x6;
	s13 =	simm.s32 @p0 $0x9400;
	[sflag:s4] =	ssyncset.done @p0 $0x0  }
0x78: {  	s0 =	rddreg [dreg:$0x3];
	[sflag:s4] =	ssyncadd.s32 @p0 $0xFFFFC000;
	s4 =	simm.s32 @p0 $0x0  }
0x79: {  	[hbm4b:s0+s4] =	stream.linear.scatter @p0 [tilespmem:s13], [sflag:$0x7], $0x4000, $0x38;
	[tilespmem:$0x11400] =	vst v63  }
0x7a: {  	_ =	swait.ge @!p0 [sflag:s14], $0x4000  }
0x7b: {  	s0 =	sadd.s32 @!p0 $0x280, s1;
	[sflag:s14] =	ssyncset.done @!p0 $0x0  }
0x7c: {  	s4 =	simm.s32 @!p0 $0x5400;
	s13 =	simm.s32 @!p0 $0x3;
	[sflag:s14] =	ssyncadd.s32 @!p0 $0xFFFFC000  }
0x7d: {  	[tilespmem:s4], [sflag:$0x2] =	stream.indirect.gather @!p0 [hbm4b:s2+s5], $0x80, s0, s5, $0xb8;
	[tilespmem:$0x11400] =	vst v63  }
0x7e: {  	_ =	swait.ge @!p0 [sflag:s13], $0x4000  }
0x7f: {  	s0 =	simm.s32 @!p0 $0x0;
	[sflag:s13] =	ssyncset.done @!p0 $0x0  }
0x80: {  	s4 =	simm.s32 @!p0 $0x9400;
	[sflag:s13] =	ssyncadd.s32 @!p0 $0xFFFFC000;
	s13 =	simm.s32 @!p0 $0x7  }
0x81: {  	[hbm4b:s25+s0] =	stream.linear.scatter @!p0 [tilespmem:s4], [sflag:$0x7], $0x4000, $0x38;
	[tilespmem:$0x11400] =	vst v63  }
0x82: {  	_ =	swait.ge @!p0 [sflag:s13], $0x4000  }
0x83: {  	[sflag:s13] =	ssyncset.done @!p0 $0x0  }
0x84: {  	s0 =	sadd.s32 @!p0 $0x300, s1;
	[sflag:s13] =	ssyncadd.s32 @!p0 $0xFFFFC000  }
0x85: {  	[tilespmem:s4], [sflag:$0x3] =	stream.indirect.gather @!p0 [hbm4b:s2+s5], $0x80, s0, s5, $0xb8;
	[tilespmem:$0x11400] =	vst v63  }
0x86: {  	_ =	swait.ge [sflag:s18], $0x4000  }
0x87: {  	[sflag:s18] =	ssyncset.done $0x0  }
0x88: {  	[sflag:s18] =	ssyncadd.s32 $0xFFFFC000  }
0x89: {  	[hbm4b:s24+s3] =	stream.linear.scatter [tilespmem:s15], [sflag:$0x8], $0x4000, $0x38;
	[tilespmem:$0x11400] =	vst v63  }
0x8a: {  	_ =	swait.ge [sflag:s19], $0x4000  }
0x8b: {  	[sflag:s19] =	ssyncset.done $0x0  }
0x8c: {  	[sflag:s19] =	ssyncadd.s32 $0xFFFFC000  }
0x8d: {  	_ =	swait.ge [sflag:s20], $0x4000  }
0x8e: {  	[sflag:s20] =	ssyncset.done $0x0  }
0x8f: {  	[sflag:s20] =	ssyncadd.s32 $0xFFFFC000  }
0x90: {  	_ =	swait.ge [sflag:s21], $0x4000  }
0x91: {  	[sflag:s21] =	ssyncset.done $0x0  }
0x92: {  	[sflag:s21] =	ssyncadd.s32 $0xFFFFC000  }
0x93: {  	_ =	swait.ge [sflag:s22], $0x4000  }
0x94: {  	s23 =	sadd.s32 $0x1, s23;
	s31 =	rddreg [dreg:$0x5]  }
0x95: {  	p0 =	sne.s32 s23, s31  }
.Ltmp1:
0x96: {  	_ = 	snop;
	(pc) =	sbr.rel @p0 .LBB2_1-.Ltmp1, $3  }
0x97: {  	_ =	sdelay $0x1  }
0x98: {  	[sflag:s22] =	ssyncset.done $0x0  }
0x99: {  	[sflag:s22] =	ssyncadd.s32 $0xFFFFC000  }
0x9a: {  	_ =	sfence.sel $0x180000  }
0x9b: {  	[bflag:$0x0] =	sbarrier.arrive $0xFFFF  }
0x9c: {  	_ =	strace $0x90000047  }
0x9d: {  	s0 =	stileid.u32;
	[bflag:$0x2] =	sbarrier.arrive $0xFFFF  }
0x9e: {  	p0 =	sne.s32 s0, $0x0;
	s0 =	rddreg [dreg:$0x2]  }
0x9f: {  	s0 =	sadd.s32 @!p0 $0x100000, s0  }
0xa0: {  	[sflag:s0] =	ssyncadd.tile.s32 @!p0 $0x1;
	_ =	shalt  }
.Lfunc_end2:
_tile_overlayer_lowered:
.L_overlay_start_2:
0xa1: {  	(tag) =	ssettag $0x2  }
0xa2: {  	s0 =	rddreg [dreg:$0x0];
	s2 =	stileid.u32  }
0xa3: {  	s1 =	rddreg [dreg:$0x1];
	p0 =	sne.s32 s2, $0x0  }
0xa4: {  	s3 =	rddreg [dreg:$0x2];
	[bflag:$0x3] =	sbarrier.arrive $0xFFFF;
	s2 =	simm.s32 @!p0 $0x1C09  }
0xa5: {  	[timem:s3], [sflag:s2] =	dma.local @!p0 [hbm:s0], s1  }
0xa6: {  	s0 =	simm.s32 @!p0 $0x9  }
0xa7: {  	_ =	swait.ge @!p0 [sflag:s0], s1  }
0xa8: {  	s1 =	ssub.s32 @!p0 $0x0, s1;
	[sflag:s0] =	ssyncset.done @!p0 $0x0  }
0xa9: {  	[sflag:s0] =	ssyncadd.s32 @!p0 s1  }
0xaa: {  	[bflag:$0x3] =	sbarrier.arrive $0xFFFF  }
0xab: {  	_ =	shalt  }

// kernel: kernel.18.cloned.1.call-start
scs
__scs_entry_jumppad:
0x0: {  	(pc) =	sbr.rel $0x88, $3  }
0x1: {  	(tag) =	ssettag $0x0;
	lr =	simm.s32 $0x1  }
0x2: {  	[smem:$0x3F91] =	sst lr;
	_ =	strace $0xD0000000  }
0x3: {  	_ = 	snop  }
0x4: {  	_ = 	snop  }
0x5: {  	_ = 	snop  }
0x6: {  	_ = 	snop  }
0x7: {  	_ = 	snop  }
__scs_overlays_trampoline_lowered:
0x8: {  	[smem:$0x3FA0] =	sst s0  }
0x9: {  	[smem:$0x3FA1] =	sst s1  }
0xa: {  	[smem:$0x3FA2] =	sst s2  }
0xb: {  	[smem:$0x3FA3] =	sst s3  }
0xc: {  	[smem:$0x3FA4] =	sst s4  }
0xd: {  	[smem:$0x3FA5] =	sst s5  }
0xe: {  	[smem:$0x3FA6] =	sst s6  }
0xf: {  	[smem:$0x3FA7] =	sst s7  }
0x10: {  	[smem:$0x3FA8] =	sst s8  }
0x11: {  	[smem:$0x3FA9] =	sst s9;
	s0 =	simm.s32 @!p0 $0x0  }
0x12: {  	s1 =	sld [smem:$0x3F8F];
	s0 =	simm.s32 @p0 $0x1  }
0x13: {  	[smem:$0x3FAA] =	sst s0;
	s0 =	simm.s32 @!p1 $0x0  }
0x14: {  	s2 =	sld [smem:$0x3F8E];
	s0 =	simm.s32 @p1 $0x1  }
0x15: {  	[smem:$0x3FAB] =	sst s0;
	s0 =	simm.s32 @!p2 $0x0  }
0x16: {  	s3 =	sld [smem:$0x3FDB];
	s0 =	simm.s32 @p2 $0x1  }
0x17: {  	s4 =	simm.s32 $0x1BF5;
	[smem:$0x3FAD] =	sst s0  }
0x18: {  	s0 =	sld [smem:$0x3F90];
	_ =	swait.ge [sflag:s4], $0x0  }
0x19: {  	s7 =	sld [smem:$0x3F91]  }
0x1a: {  	s8 =	sadd.s32 $0xFFFFE003, lr  }
0x1b: {  	s9 =	sadd.s32 $0xFFFFFEF7, lr;
	s5 =	simm.s32 $0xFFFFFFFF;
	p2 =	slt.u32 s8, $0xFFFFF086  }
0x1c: {  	p1 =	slt.u32 s9, $0xF7A;
	s5 =	simm.s32 @!p2 $0x0  }
0x1d: {  	s5 =	simm.s32 @p1 $0x1;
	p0 =	seq.s32 s7, s2  }
0x1e: {  	s7 =	smul.u32 @!p0 $0xF7A, s2;
	p2 =	seq.s32 @!p0 s5, $0x0  }
0x1f: {  	s9 =	smul.u32 $0xF7A, s1;
	s8 =	simm.s32 @!p0 $0x1BF5;
	p2 =	por !p2, p0  }
0x20: {  	[sflag:s8] =	ssyncset.s32 @!p0 $0xFFFFF086;
	s6 =	sadd.s32 @!p0 s3, s7;
	s7 =	simm.s32 @!p0 $0x108  }
0x21: {  	s3 =	sadd.s32 s3, s9;
	s6 =	sadd.s32 @!p0 $0x88, s6;
	s7 =	simm.s32 @p2 $0x1082  }
0x22: {  	[simem:s7], [sflag:s8] =	dma.local @!p0 [hbm:s6], $0xF7A  }
0x23: {  	s9 =	sor.u32 $0xD0000000, s2;
	s6 =	simm.s32 $0x108;
	_ =	swait.ge @!p0 [sflag:s8], $0x0  }
0x24: {  	s3 =	sadd.s32 $0x88, s3;
	s6 =	simm.s32 @!p1 $0x1082;
	[sflag:s4] =	ssyncset.s32 $0xFFFFF086  }
0x25: {  	[simem:s6], [sflag:s4] =	dma.local [hbm:s3], $0xF7A  }
0x26: {  	[smem:$0x3F91] =	sst s1;
	(tag) =	ssettag s2;
	_ =	strace s9  }
0x27: {  	s1 =	sld [smem:$0x3FA1]  }
0x28: {  	s2 =	sld [smem:$0x3FA2]  }
0x29: {  	s4 =	sld [smem:$0x3FA4]  }
0x2a: {  	p0 =	seq.s32 s5, $0x0;
	s5 =	sld [smem:$0x3FA5]  }
0x2b: {  	s6 =	sld [smem:$0x3FA6]  }
0x2c: {  	s7 =	sld [smem:$0x3FA7]  }
0x2d: {  	s3 =	simm.s32 $0x108;
	s8 =	sld [smem:$0x3FA8]  }
0x2e: {  	s3 =	simm.s32 @!p0 $0x1082;
	s9 =	sld [smem:$0x3FA9]  }
0x2f: {  	lr =	sadd.s32 s0, s3;
	s0 =	sld [smem:$0x3FA0]  }
0x30: {  	s3 =	sld [smem:$0x3FA3]  }
0x31: {  	[smem:$0x3FAC] =	sst s10  }
0x32: {  	s10 =	sld [smem:$0x3FAA];
	_ =	sdelay $0x3  }
0x33: {  	p0 =	seq.s32 s10, $0x1;
	s10 =	sld [smem:$0x3FAC];
	_ =	sdelay $0x3  }
0x34: {  	[smem:$0x3FAC] =	sst s10  }
0x35: {  	s10 =	sld [smem:$0x3FAB];
	_ =	sdelay $0x3  }
0x36: {  	p1 =	seq.s32 s10, $0x1;
	s10 =	sld [smem:$0x3FAC];
	_ =	sdelay $0x3  }
0x37: {  	[smem:$0x3FAC] =	sst s10  }
0x38: {  	s10 =	sld [smem:$0x3FAD]  }
0x39: {  	_ = 	snop;
	(pc) =	sbr.ind lr, $3  }
0x3a: {  	_ = 	snop  }
0x3b: {  	_ = 	snop  }
0x3c: {  	p2 =	seq.s32 s10, $0x1;
	s10 =	sld [smem:$0x3FAC]  }
0x3d: {  	_ =	shalt  }
0x3e: {  	_ =	shalt  }
0x3f: {  	_ =	shalt  }
0x40: {  	_ =	shalt  }
0x41: {  	_ =	shalt  }
0x42: {  	_ =	shalt  }
0x43: {  	_ =	shalt  }
0x44: {  	_ =	shalt  }
0x45: {  	_ =	shalt  }
0x46: {  	_ =	shalt  }
0x47: {  	_ =	shalt  }
0x48: {  	_ =	shalt  }
0x49: {  	_ =	shalt  }
0x4a: {  	_ =	shalt  }
0x4b: {  	_ =	shalt  }
0x4c: {  	_ =	shalt  }
0x4d: {  	_ =	shalt  }
0x4e: {  	_ =	shalt  }
0x4f: {  	_ =	shalt  }
0x50: {  	_ =	shalt  }
0x51: {  	_ =	shalt  }
0x52: {  	_ =	shalt  }
0x53: {  	_ =	shalt  }
0x54: {  	_ =	shalt  }
0x55: {  	_ =	shalt  }
0x56: {  	_ =	shalt  }
0x57: {  	_ =	shalt  }
0x58: {  	_ =	shalt  }
0x59: {  	_ =	shalt  }
0x5a: {  	_ =	shalt  }
0x5b: {  	_ =	shalt  }
0x5c: {  	_ =	shalt  }
0x5d: {  	_ =	shalt  }
0x5e: {  	_ =	shalt  }
0x5f: {  	_ =	shalt  }
0x60: {  	_ =	shalt  }
0x61: {  	_ =	shalt  }
0x62: {  	_ =	shalt  }
0x63: {  	_ =	shalt  }
0x64: {  	_ =	shalt  }
0x65: {  	_ =	shalt  }
0x66: {  	_ =	shalt  }
0x67: {  	_ =	shalt  }
0x68: {  	_ =	shalt  }
0x69: {  	_ =	shalt  }
0x6a: {  	_ =	shalt  }
0x6b: {  	_ =	shalt  }
0x6c: {  	_ =	shalt  }
0x6d: {  	_ =	shalt  }
0x6e: {  	_ =	shalt  }
0x6f: {  	_ =	shalt  }
0x70: {  	_ =	shalt  }
0x71: {  	_ =	shalt  }
0x72: {  	_ =	shalt  }
0x73: {  	_ =	shalt  }
0x74: {  	_ =	shalt  }
0x75: {  	_ =	shalt  }
0x76: {  	_ =	shalt  }
0x77: {  	_ =	shalt  }
0x78: {  	_ =	shalt  }
0x79: {  	_ =	shalt  }
0x7a: {  	_ =	shalt  }
0x7b: {  	_ =	shalt  }
0x7c: {  	_ =	shalt  }
0x7d: {  	_ =	shalt  }
0x7e: {  	_ =	shalt  }
0x7f: {  	_ =	shalt  }
0x80: {  	_ =	shalt  }
0x81: {  	_ =	shalt  }
0x82: {  	_ =	shalt  }
0x83: {  	_ =	shalt  }
0x84: {  	_ =	shalt  }
0x85: {  	_ =	shalt  }
0x86: {  	_ =	shalt  }
0x87: {  	_ =	shalt  }
.Lfunc_end0:
.L_simem_size_0:
called_computation.1_lowered:
.L_overlay_start_0:
0x88: {  	s2 =	sld [smem:$0x3FD9]  }
0x89: {  	s3 =	sld [smem:$0x3FFE];
	_ =	sdelay $0x1  }
0x8a: {  	s1 =	srdreg.scid  }
0x8b: {  	s0 =	sand.u32 $0x1, s1  }
0x8c: {  	s17 =	sshll.u32 s0, $0xA;
	s2 =	sadd.s32 s3, s2  }
0x8d: {  	s2 =	sadd.s32 s2, s17  }
0x8e: {  	[smem:$0x3FB8] =	sst s2  }
0x8f: {  	_ = 	snop  }
0x90: {  	s18 =	sld [smem:$0x3FD0];
	(tm) =	ssettm $0x1  }
0x91: {  	s19 =	sld [smem:$0x3FFB];
	_ =	sdelay $0x3  }
0x92: {  	_ =	strace s19  }
0x93: {  	s2 =	sld [smem:$0x3FFC];
	_ =	sdelay $0x3  }
0x94: {  	_ =	strace s2  }
0x95: {  	s2 =	sld [smem:$0x3FFD];
	_ =	sdelay $0x3  }
0x96: {  	_ =	strace s2  }
0x97: {  	_ =	strace $0x8FFFFFFF  }
0x98: {  	s20 =	sld [smem:$0x3FDB];
	_ =	sdelay $0x1  }
0x99: {  	s4 =	simm.s32 $_scs_section_size  }
0x9a: {  	s5 =	simm.s32 $_size__tile_overlayer_lowered;
	s6 =	simm.s32 $_tile_overlayer_lowered  }
0x9b: {  	s7 =	simm.s32 $0x1BFF;
	s21 =	sshll.u32 s6, $0x1;
	s4 =	sadd.s32 s4, s20  }
0x9c: {  	s22 =	simm.s32 $0x0;
	s5 =	sshll.u32 s5, $0x1;
	s6 =	sadd.s32 s21, s4  }
0x9d: {  	[timem:s22], [sflag:s7] =	dma.local [hbm:s6], s5  }
0x9e: {  	_ =	swait.ge [sflag:s7], s5  }
0x9f: {  	s5 =	ssub.s32 $0x0, s5;
	[sflag:s7] =	ssyncset.done $0x0  }
0xa0: {  	[sflag:s7] =	ssyncadd.s32 s5;
	_ =	sdelay $0x1  }
0xa1: {  	s23 =	simm.s32 $0x1B8B  }
0xa2: {  	_ =	swait.ge [sflag:s23], $0x1  }
0xa3: {  	[sflag:s23] =	ssyncset.done $0x0  }
0xa4: {  	[sflag:s23] =	ssyncadd.s32 $0xFFFFFFFF  }
0xa5: {  	s5 =	sld [smem:$0x0]  }
0xa6: {  	s6 =	sand.u32 $0xFFFFFFFE, s1  }
0xa7: {  	p0 =	sne.s32 s1, s6  }
0xa8: {  	s6 =	sshll.u32 @p0 s6, $0xE  }
0xa9: {  	s6 =	sadd.s32 @p0 $0x11B8D, s6;
	s7 =	sshll.u32 @p0 s5, $0x11  }
0xaa: {  	s6 =	sor.u32 @p0 s7, s6  }
0xab: {  	[sflag:s6] =	ssyncadd.remote.s32 @p0 $0x1;
	_ =	sdelay $0x1  }
0xac: {  	s6 =	simm.s32 @p0 $0x1B8D  }
0xad: {  	_ =	swait.eq @p0 [sflag:s6], $0x1  }
0xae: {  	[sflag:s6] =	ssyncadd.s32 @p0 $0xFFFFFFFF  }
0xaf: {  	s7 =	sshll.u32 @!p0 s1, $0xE  }
0xb0: {  	s7 =	sor.u32 @!p0 $0x4000, s7;
	s6 =	simm.s32 @!p0 $0x1B8D  }
0xb1: {  	s5 =	sshll.u32 @!p0 s5, $0x11;
	s7 =	sadd.s32 @!p0 $0x11B8D, s7;
	_ =	swait.eq @!p0 [sflag:s6], $0x1  }
0xb2: {  	s5 =	sor.u32 @!p0 s5, s7;
	[sflag:s6] =	ssyncadd.s32 @!p0 $0xFFFFFFFF  }
0xb3: {  	s25 =	simm.s32 $0x1B8E;
	s24 =	sld [smem:$0x3FFE];
	[sflag:s5] =	ssyncadd.remote.s32 @!p0 $0x1  }
0xb4: {  	s26 =	simm.s32 $execute0_lowered;
	[smem:$0x3FD2] =	sst s25  }
0xb5: {  	s6 =	sshll.u32 s26, $0x1;
	_ =	strace $0x80000049;
	[dreg:$0x1] =	wrdreg $0xFFFFFFFF  }
0xb6: {  	s28 =	simm.s32 $_size_execute0_lowered;
	s4 =	sadd.s32 s4, s6;
	[dreg:$0x0] =	wrdreg $0x0  }
0xb7: {  	s6 =	sshll.u32 s28, $0x1;
	[dreg:$0x2] =	wrdreg s4  }
0xb8: {  	[dreg:$0x3] =	wrdreg s6  }
0xb9: {  	[dreg:$0x4] =	wrdreg $0xC0  }
0xba: {  	_ =	task [dreg:s22], $0x5FFFF  }
0xbb: {  	[dreg:$0x1] =	wrdreg $0xFFFFFFFF  }
0xbc: {  	[dreg:$0x0] =	wrdreg $0x60  }
0xbd: {  	[dreg:$0x2] =	wrdreg s18  }
0xbe: {  	[dreg:$0x3] =	wrdreg s24  }
0xbf: {  	[dreg:$0x4] =	wrdreg $0xA  }
0xc0: {  	_ =	task.clear_ibuf [dreg:s22], $0x5FFFF;
	_ =	strace $0x90000049  }
0xc1: {  	s29 =	simm.s32 $0xA;
	_ =	strace $0x8000004B  }
0xc2: {  	_ =	swait.ge [sflag:s29], $0x1  }
0xc3: {  	[sflag:s29] =	ssyncadd.s32 $0xFFFFFFFF  }
0xc4: {  	_ =	strace $0x9000004B  }
0xc5: {  	_ =	sfence  }
0xc6: {  	s30 =	sld [smem:$0x0];
	_ =	sdelay $0x2  }
0xc7: {  	s31 =	sshll.u32 s1, $0xD;
	s1 =	sshrl.u32 s1, $0x2  }
0xc8: {  	s4 =	sand.u32 $0x4000, s31;
	s1 =	sadd.s32 s1, s30  }
0xc9: {  	s0 =	sor.u32 s4, s0;
	s1 =	sshll.u32 s1, $0x11  }
0xca: {  	s0 =	sor.u32 s1, s0  }
0xcb: {  	s0 =	sadd.s32 $0x8F2B, s0  }
0xcc: {  	[sflag:s0] =	ssyncadd.remote.s32 $0x1  }
0xcd: {  	_ =	sfence.sel $0xFFFF  }
0xce: {  	[dreg:$0x0] =	wrdreg $0xFFFFFFFF;
	(pc) =	sbr.abs _section_cstart, $3  }
0xcf: {  	[dreg:$0x1] =	wrdreg $0xFFFFFFFF  }
0xd0: {  	_ =	task.clear_ibuf [dreg:s22], $0x2FFFF;
	_ =	strace $0x9FFFFFFF  }
0xd1: {  	(tm) =	ssettm $0x7FFFFFFF  }
tec
execute0_lowered:
.L_overlay_start_1:
0x0: {  	(tag) =	ssettag $0x1  }
0x1: {  	s1 =	srdreg.scid  }
0x2: {  	s0 =	stileid.u32;
	s2 =	rddreg [dreg:$0x0]  }
0x3: {  	s4 =	rddreg [dreg:$0x1];
	s3 =	simm.s32 $0x0;
	s12 =	simm.s32 $0x5400  }
0x4: {  	s15 =	simm.s32 $0xD400;
	s16 =	simm.s32 $0x1;
	s17 =	simm.s32 $0x2  }
0x5: {  	s18 =	simm.s32 $0x4;
	s19 =	simm.s32 $0x5;
	s11 =	smul.u32 $0x140000, s0  }
0x6: {  	s6 =	sand.u32 $0x1, s1;
	s21 =	sshll.u32 s0, $0x1;
	s29 =	smul.u32 $0x28000, s0  }
0x7: {  	[smem:$0x7FF] =	sst s3;
	s10 =	sadd.s32 $0x28EE00, s4;
	s25 =	smul.u32 $0xA0000, s6  }
0x8: {  	s5 =	sor.u32 s6, s21;
	s8 =	ssub.s32 $0x2, s6;
	s6 =	smul.u32 $0x14000, s6  }
0x9: {  	s20 =	simm.s32 $0x6;
	_ =	strace $0x8000004A;
	s7 =	smul.u32 $0x1400, s5  }
0xa: {  	s21 =	simm.s32 $0x7;
	s9 =	smul.u32 $0x14000, s5;
	s22 =	sshrl.u32 s8, $0x1  }
0xb: {  	s30 =	sadd.s32 s29, s10;
	s23 =	ssub.s32 s8, s22;
	s22 =	simm.s32 $0x8  }
0xc: {  	s7 =	sshrl.u32 s7, $0x3;
	s26 =	smax.u32 s23, $0x1;
	s28 =	sadd.s32 s10, s9  }
0xd: {  	s23 =	simm.s32 $0x0;
	s7 =	sadd.s32 s7, s4;
	[dreg:$0x5] =	wrdreg s26  }
0xe: {  	s8 =	sadd.s32 $0x13000, s28;
	s24 =	sadd.s32 $0x9E00, s7;
	s7 =	sadd.s32 s25, s11  }
0xf: {  	[dreg:$0x3] =	wrdreg s8;
	s8 =	sadd.s32 s6, s30;
	s11 =	simm.s32 $0x1400  }
0x10: {  	[dreg:$0x4] =	wrdreg s24;
	s31 =	sor.u32 $0xC000, s7;
	s7 =	sshrl.u32 s7, $0x3  }
0x11: {  	s9 =	sshrl.u32 s31, $0x3;
	s6 =	sadd.s32 s7, s10;
	s7 =	sadd.s32 $0x1000, s8  }
0x12: {  	s8 =	sadd.s32 s9, s10;
	s9 =	simm.s32 $0x9;
	s10 =	simm.s32 $0x80  }
.LBB2_1:
0x13: {  	s0 =	rddreg [dreg:$0x4]  }
0x14: {  	[tilespmem:s3], [sflag:$0x9] =	stream.linear.gather [hbm4b:s0+s3], $0x1400, $0x38;
	[tilespmem:$0x11400] =	vst v63  }
0x15: {  	_ =	swait.ge [sflag:s9], $0x1400  }
0x16: {  	[sflag:s9] =	ssyncset.done $0x0  }
0x17: {  	[sflag:s9] =	ssyncadd.s32 $0xFFFFEC00  }
0x18: {  	[tilespmem:s11], [sflag:$0x1] =	stream.indirect.gather [hbm4b:s2+s10], $0x80, s3, s10, $0xb8;
	[tilespmem:$0x11400] =	vst v63  }
0x19: {  	p0 =	por $0x1, $0x1  }
0x1a: {  	[tilespmem:s12], [sflag:$0x2] =	stream.indirect.gather [hbm4b:s2+s10], $0x80, s10, s10, $0xb8;
	[tilespmem:$0x11400] =	vst v63  }
0x1b: {  	s26 =	simm.s32 $0x100;
	s1 =	simm.s32 $0x9400;
	s24 =	simm.s32 @!p0 $0x8  }
0x1c: {  	[tilespmem:s1], [sflag:$0x3] =	stream.indirect.gather [hbm4b:s2+s10], $0x80, s26, s10, $0xb8;
	[tilespmem:$0x11400] =	vst v63  }
0x1d: {  	_ =	swait.ge @!p0 [sflag:s24], $0x4000  }
0x1e: {  	[sflag:s24] =	ssyncset.done @!p0 $0x0  }
0x1f: {  	s25 =	simm.s32 $0x180;
	[sflag:s24] =	ssyncadd.s32 @!p0 $0xFFFFC000  }
0x20: {  	[tilespmem:s15], [sflag:$0x4] =	stream.indirect.gather [hbm4b:s2+s10], $0x80, s25, s10, $0xb8;
	[tilespmem:$0x11400] =	vst v63  }
0x21: {  	_ =	swait.ge [sflag:s16], $0x4000  }
0x22: {  	p0 =	por $0x0, $0x0;
	[sflag:s16] =	ssyncset.done $0x0  }
0x23: {  	s24 =	simm.s32 @!p0 $0x5;
	[sflag:s16] =	ssyncadd.s32 $0xFFFFC000  }
0x24: {  	[hbm4b:s6+s3] =	stream.linear.scatter [tilespmem:s11], [sflag:$0x5], $0x4000, $0x38;
	[tilespmem:$0x11400] =	vst v63  }
0x25: {  	_ =	swait.ge @!p0 [sflag:s24], $0x4000  }
0x26: {  	s25 =	simm.s32 @!p0 $0x200;
	[sflag:s24] =	ssyncset.done @!p0 $0x0  }
0x27: {  	s26 =	simm.s32 @!p0 $0x80;
	s28 =	simm.s32 @!p0 $0x1400;
	[sflag:s24] =	ssyncadd.s32 @!p0 $0xFFFFC000  }
0x28: {  	[tilespmem:s28], [sflag:$0x1] =	stream.indirect.gather @!p0 [hbm4b:s2+s26], $0x80, s25, s26, $0xb8;
	[tilespmem:$0x11400] =	vst v63  }
0x29: {  	_ =	swait.ge [sflag:s17], $0x4000  }
0x2a: {  	[sflag:s17] =	ssyncset.done $0x0  }
0x2b: {  	s31 =	sadd.s32 $0xFFFFF800, s7;
	s25 =	simm.s32 @p0 $0x3;
	[sflag:s17] =	ssyncadd.s32 $0xFFFFC000  }
0x2c: {  	[hbm4b:s31+s3] =	stream.linear.scatter [tilespmem:s12], [sflag:$0x6], $0x4000, $0x38;
	[tilespmem:$0x11400] =	vst v63  }
0x2d: {  	_ =	swait.ge @p0 [sflag:s25], $0x4000  }
0x2e: {  	s29 =	simm.s32 @!p0 $0x6;
	s28 =	simm.s32 @p0 $0x9400;
	[sflag:s25] =	ssyncset.done @p0 $0x0  }
0x2f: {  	s24 =	rddreg [dreg:$0x3];
	[sflag:s25] =	ssyncadd.s32 @p0 $0xFFFFC000;
	s25 =	simm.s32 @p0 $0x0  }
0x30: {  	[hbm4b:s24+s25] =	stream.linear.scatter @p0 [tilespmem:s28], [sflag:$0x7], $0x4000, $0x38;
	[tilespmem:$0x11400] =	vst v63  }
0x31: {  	_ =	swait.ge @!p0 [sflag:s29], $0x4000  }
0x32: {  	s24 =	simm.s32 @!p0 $0x280;
	[sflag:s29] =	ssyncset.done @!p0 $0x0  }
0x33: {  	s25 =	simm.s32 @!p0 $0x5400;
	s28 =	simm.s32 @!p0 $0x3;
	[sflag:s29] =	ssyncadd.s32 @!p0 $0xFFFFC000  }
0x34: {  	[tilespmem:s25], [sflag:$0x2] =	stream.indirect.gather @!p0 [hbm4b:s2+s26], $0x80, s24, s26, $0xb8;
	[tilespmem:$0x11400] =	vst v63  }
0x35: {  	_ =	swait.ge @!p0 [sflag:s28], $0x4000  }
0x36: {  	s29 =	simm.s32 @!p0 $0x7;
	[sflag:s28] =	ssyncset.done @!p0 $0x0  }
0x37: {  	s24 =	simm.s32 @!p0 $0x0;
	s25 =	simm.s32 @!p0 $0x9400;
	[sflag:s28] =	ssyncadd.s32 @!p0 $0xFFFFC000  }
0x38: {  	[hbm4b:s7+s24] =	stream.linear.scatter @!p0 [tilespmem:s25], [sflag:$0x7], $0x4000, $0x38;
	[tilespmem:$0x11400] =	vst v63  }
0x39: {  	_ =	swait.ge @!p0 [sflag:s29], $0x4000  }
0x3a: {  	p1 =	por $0x0, $0x0;
	[sflag:s29] =	ssyncset.done @!p0 $0x0  }
0x3b: {  	s30 =	smov.u32 s8;
	s24 =	simm.s32 @!p0 $0x300;
	[sflag:s29] =	ssyncadd.s32 @!p0 $0xFFFFC000  }
0x3c: {  	[tilespmem:s25], [sflag:$0x3] =	stream.indirect.gather @!p0 [hbm4b:s2+s26], $0x80, s24, s26, $0xb8;
	[tilespmem:$0x11400] =	vst v63  }
0x3d: {  	s28 =	simm.s32 $0x800;
	s29 =	simm.s32 $0x1000;
	s25 =	sadd.s32 $0x2000, s7  }
0x3e: {  	s24 =	sadd.s32 $0x2000, s8;
	s26 =	sadd.s32 $0x2000, s6;
	_ =	swait.ge [sflag:s18], $0x4000  }
.LBB2_2:
0x3f: {  	[sflag:s18] =	ssyncset.done $0x0  }
0x40: {  	s31 =	simm.s32 @!p1 $0x8;
	[sflag:s18] =	ssyncadd.s32 $0xFFFFC000  }
0x41: {  	[hbm4b:s30+s3] =	stream.linear.scatter [tilespmem:s15], [sflag:$0x8], $0x4000, $0x38;
	[tilespmem:$0x11400] =	vst v63  }
0x42: {  	_ =	swait.ge @!p1 [sflag:s31], $0x4000  }
0x43: {  	s0 =	sshra.s32 s28, $0x2;
	[sflag:s31] =	ssyncset.done @!p1 $0x0  }
0x44: {  	s0 =	sadd.s32 $0x180, s0;
	[sflag:s31] =	ssyncadd.s32 @!p1 $0xFFFFC000  }
0x45: {  	[tilespmem:s15], [sflag:$0x4] =	stream.indirect.gather [hbm4b:s2+s10], $0x80, s0, s10, $0xb8;
	[tilespmem:$0x11400] =	vst v63  }
0x46: {  	_ =	swait.ge [sflag:s16], $0x4000  }
0x47: {  	p1 =	seq.s32 s28, $0x4800;
	[sflag:s16] =	ssyncset.done $0x0  }
0x48: {  	s0 =	simm.s32 @!p1 $0x5;
	[sflag:s16] =	ssyncadd.s32 $0xFFFFC000  }
0x49: {  	[hbm4b:s26+s3] =	stream.linear.scatter [tilespmem:s11], [sflag:$0x5], $0x4000, $0x38;
	[tilespmem:$0x11400] =	vst v63  }
0x4a: {  	_ =	swait.ge @!p1 [sflag:s0], $0x4000  }
0x4b: {  	s28 =	sshra.s32 @!p1 s28, $0x2;
	s14 =	simm.s32 @!p1 $0x80;
	[sflag:s0] =	ssyncset.done @!p1 $0x0  }
0x4c: {  	s4 =	simm.s32 @!p1 $0x1400;
	s31 =	sadd.s32 @!p1 $0x200, s28;
	[sflag:s0] =	ssyncadd.s32 @!p1 $0xFFFFC000  }
0x4d: {  	[tilespmem:s4], [sflag:$0x1] =	stream.indirect.gather @!p1 [hbm4b:s2+s14], $0x80, s31, s14, $0xb8;
	[tilespmem:$0x11400] =	vst v63  }
0x4e: {  	_ =	swait.ge [sflag:s17], $0x4000  }
0x4f: {  	s1 =	smov.u32 s29;
	s5 =	simm.s32 @!p1 $0x6;
	[sflag:s17] =	ssyncset.done $0x0  }
0x50: {  	s31 =	sadd.s32 $0xFFFFF800, s25;
	s4 =	simm.s32 @p1 $0x3;
	[sflag:s17] =	ssyncadd.s32 $0xFFFFC000  }
0x51: {  	[hbm4b:s31+s3] =	stream.linear.scatter [tilespmem:s12], [sflag:$0x6], $0x4000, $0x38;
	[tilespmem:$0x11400] =	vst v63  }
0x52: {  	s13 =	sadd.s32 @!p1 $0x280, s28;
	s0 =	sadd.s32 @!p1 $0x300, s28;
	_ =	swait.ge @p1 [sflag:s4], $0x4000  }
0x53: {  	s28 =	smov.u32 s1;
	s31 =	simm.s32 @p1 $0x9400;
	[sflag:s4] =	ssyncset.done @p1 $0x0  }
0x54: {  	s1 =	rddreg [dreg:$0x3];
	[sflag:s4] =	ssyncadd.s32 @p1 $0xFFFFC000;
	s4 =	simm.s32 @p1 $0x0  }
0x55: {  	[hbm4b:s1+s4] =	stream.linear.scatter @p1 [tilespmem:s31], [sflag:$0x7], $0x4000, $0x38;
	[tilespmem:$0x11400] =	vst v63  }
0x56: {  	_ =	swait.ge @!p1 [sflag:s5], $0x4000  }
0x57: {  	[sflag:s5] =	ssyncset.done @!p1 $0x0  }
0x58: {  	s1 =	simm.s32 @!p1 $0x5400;
	s4 =	simm.s32 @!p1 $0x3;
	[sflag:s5] =	ssyncadd.s32 @!p1 $0xFFFFC000  }
0x59: {  	[tilespmem:s1], [sflag:$0x2] =	stream.indirect.gather @!p1 [hbm4b:s2+s14], $0x80, s13, s14, $0xb8;
	[tilespmem:$0x11400] =	vst v63  }
0x5a: {  	s29 =	sadd.s32 $0x800, s29;
	_ =	swait.ge @!p1 [sflag:s4], $0x4000  }
0x5b: {  	p0 =	sne.s32 s29, $0x5000;
	s5 =	simm.s32 @!p1 $0x9400;
	[sflag:s4] =	ssyncset.done @!p1 $0x0  }
0x5c: {  	s1 =	simm.s32 @!p1 $0x0;
	[sflag:s4] =	ssyncadd.s32 @!p1 $0xFFFFC000;
	s4 =	simm.s32 @!p1 $0x7  }
0x5d: {  	[hbm4b:s25+s1] =	stream.linear.scatter @!p1 [tilespmem:s5], [sflag:$0x7], $0x4000, $0x38;
	[tilespmem:$0x11400] =	vst v63  }
.Ltmp0:
0x5e: {  	_ =	swait.ge @!p1 [sflag:s4], $0x4000;
	(pc) =	sbr.rel @p0 .LBB2_2-.Ltmp0, $4  }
0x5f: {  	s30 =	smov.u32 s24;
	[sflag:s4] =	ssyncset.done @!p1 $0x0  }
0x60: {  	s24 =	sadd.s32 $0x2000, s24;
	s26 =	sadd.s32 $0x2000, s26;
	[sflag:s4] =	ssyncadd.s32 @!p1 $0xFFFFC000  }
0x61: {  	[tilespmem:s5], [sflag:$0x3] =	stream.indirect.gather @!p1 [hbm4b:s2+s14], $0x80, s0, s14, $0xb8;
	[tilespmem:$0x11400] =	vst v63  }
0x62: {  	s25 =	sadd.s32 $0x2000, s25;
	p1 =	seq.s32 s28, $0x0;
	_ =	swait.ge [sflag:s18], $0x4000  }
0x63: {  	[sflag:s18] =	ssyncset.done $0x0  }
0x64: {  	s0 =	simm.s32 @!p1 $0x8;
	[sflag:s18] =	ssyncadd.s32 $0xFFFFC000  }
0x65: {  	[hbm4b:s30+s3] =	stream.linear.scatter [tilespmem:s15], [sflag:$0x8], $0x4000, $0x38;
	[tilespmem:$0x11400] =	vst v63  }
0x66: {  	_ =	swait.ge @!p1 [sflag:s0], $0x4000  }
0x67: {  	s1 =	sshra.s32 s28, $0x2;
	[sflag:s0] =	ssyncset.done @!p1 $0x0  }
0x68: {  	s1 =	sadd.s32 $0x180, s1;
	[sflag:s0] =	ssyncadd.s32 @!p1 $0xFFFFC000  }
0x69: {  	[tilespmem:s15], [sflag:$0x4] =	stream.indirect.gather [hbm4b:s2+s10], $0x80, s1, s10, $0xb8;
	[tilespmem:$0x11400] =	vst v63  }
0x6a: {  	_ =	swait.ge [sflag:s16], $0x4000  }
0x6b: {  	p0 =	seq.s32 s28, $0x4800;
	[sflag:s16] =	ssyncset.done $0x0  }
0x6c: {  	s0 =	simm.s32 @!p0 $0x5;
	[sflag:s16] =	ssyncadd.s32 $0xFFFFC000  }
0x6d: {  	[hbm4b:s26+s3] =	stream.linear.scatter [tilespmem:s11], [sflag:$0x5], $0x4000, $0x38;
	[tilespmem:$0x11400] =	vst v63  }
0x6e: {  	_ =	swait.ge @!p0 [sflag:s0], $0x4000  }
0x6f: {  	s5 =	simm.s32 @!p0 $0x80;
	s1 =	sshra.s32 @!p0 s28, $0x2;
	[sflag:s0] =	ssyncset.done @!p0 $0x0  }
0x70: {  	s13 =	simm.s32 @!p0 $0x1400;
	s4 =	sadd.s32 @!p0 $0x200, s1;
	[sflag:s0] =	ssyncadd.s32 @!p0 $0xFFFFC000  }
0x71: {  	[tilespmem:s13], [sflag:$0x1] =	stream.indirect.gather @!p0 [hbm4b:s2+s5], $0x80, s4, s5, $0xb8;
	[tilespmem:$0x11400] =	vst v63  }
0x72: {  	_ =	swait.ge [sflag:s17], $0x4000  }
0x73: {  	[sflag:s17] =	ssyncset.done $0x0  }
0x74: {  	s30 =	sadd.s32 $0xFFFFF800, s25;
	s4 =	simm.s32 @p0 $0x3;
	[sflag:s17] =	ssyncadd.s32 $0xFFFFC000  }
0x75: {  	[hbm4b:s30+s3] =	stream.linear.scatter [tilespmem:s12], [sflag:$0x6], $0x4000, $0x38;
	[tilespmem:$0x11400] =	vst v63  }
0x76: {  	_ =	swait.ge @p0 [sflag:s4], $0x4000  }
0x77: {  	s14 =	simm.s32 @!p0 $0x6;
	s13 =	simm.s32 @p0 $0x9400;
	[sflag:s4] =	ssyncset.done @p0 $0x0  }
0x78: {  	s0 =	rddreg [dreg:$0x3];
	[sflag:s4] =	ssyncadd.s32 @p0 $0xFFFFC000;
	s4 =	simm.s32 @p0 $0x0  }
0x79: {  	[hbm4b:s0+s4] =	stream.linear.scatter @p0 [tilespmem:s13], [sflag:$0x7], $0x4000, $0x38;
	[tilespmem:$0x11400] =	vst v63  }
0x7a: {  	_ =	swait.ge @!p0 [sflag:s14], $0x4000  }
0x7b: {  	s0 =	sadd.s32 @!p0 $0x280, s1;
	[sflag:s14] =	ssyncset.done @!p0 $0x0  }
0x7c: {  	s4 =	simm.s32 @!p0 $0x5400;
	s13 =	simm.s32 @!p0 $0x3;
	[sflag:s14] =	ssyncadd.s32 @!p0 $0xFFFFC000  }
0x7d: {  	[tilespmem:s4], [sflag:$0x2] =	stream.indirect.gather @!p0 [hbm4b:s2+s5], $0x80, s0, s5, $0xb8;
	[tilespmem:$0x11400] =	vst v63  }
0x7e: {  	_ =	swait.ge @!p0 [sflag:s13], $0x4000  }
0x7f: {  	s0 =	simm.s32 @!p0 $0x0;
	[sflag:s13] =	ssyncset.done @!p0 $0x0  }
0x80: {  	s4 =	simm.s32 @!p0 $0x9400;
	[sflag:s13] =	ssyncadd.s32 @!p0 $0xFFFFC000;
	s13 =	simm.s32 @!p0 $0x7  }
0x81: {  	[hbm4b:s25+s0] =	stream.linear.scatter @!p0 [tilespmem:s4], [sflag:$0x7], $0x4000, $0x38;
	[tilespmem:$0x11400] =	vst v63  }
0x82: {  	_ =	swait.ge @!p0 [sflag:s13], $0x4000  }
0x83: {  	[sflag:s13] =	ssyncset.done @!p0 $0x0  }
0x84: {  	s0 =	sadd.s32 @!p0 $0x300, s1;
	[sflag:s13] =	ssyncadd.s32 @!p0 $0xFFFFC000  }
0x85: {  	[tilespmem:s4], [sflag:$0x3] =	stream.indirect.gather @!p0 [hbm4b:s2+s5], $0x80, s0, s5, $0xb8;
	[tilespmem:$0x11400] =	vst v63  }
0x86: {  	_ =	swait.ge [sflag:s18], $0x4000  }
0x87: {  	[sflag:s18] =	ssyncset.done $0x0  }
0x88: {  	[sflag:s18] =	ssyncadd.s32 $0xFFFFC000  }
0x89: {  	[hbm4b:s24+s3] =	stream.linear.scatter [tilespmem:s15], [sflag:$0x8], $0x4000, $0x38;
	[tilespmem:$0x11400] =	vst v63  }
0x8a: {  	_ =	swait.ge [sflag:s19], $0x4000  }
0x8b: {  	[sflag:s19] =	ssyncset.done $0x0  }
0x8c: {  	[sflag:s19] =	ssyncadd.s32 $0xFFFFC000  }
0x8d: {  	_ =	swait.ge [sflag:s20], $0x4000  }
0x8e: {  	[sflag:s20] =	ssyncset.done $0x0  }
0x8f: {  	[sflag:s20] =	ssyncadd.s32 $0xFFFFC000  }
0x90: {  	_ =	swait.ge [sflag:s21], $0x4000  }
0x91: {  	[sflag:s21] =	ssyncset.done $0x0  }
0x92: {  	[sflag:s21] =	ssyncadd.s32 $0xFFFFC000  }
0x93: {  	_ =	swait.ge [sflag:s22], $0x4000  }
0x94: {  	s23 =	sadd.s32 $0x1, s23;
	s31 =	rddreg [dreg:$0x5]  }
0x95: {  	p0 =	sne.s32 s23, s31  }
.Ltmp1:
0x96: {  	_ = 	snop;
	(pc) =	sbr.rel @p0 .LBB2_1-.Ltmp1, $3  }
0x97: {  	_ =	sdelay $0x1  }
0x98: {  	[sflag:s22] =	ssyncset.done $0x0  }
0x99: {  	[sflag:s22] =	ssyncadd.s32 $0xFFFFC000  }
0x9a: {  	_ =	sfence.sel $0x180000  }
0x9b: {  	[bflag:$0x0] =	sbarrier.arrive $0xFFFF  }
0x9c: {  	_ =	strace $0x9000004A  }
0x9d: {  	s0 =	stileid.u32;
	[bflag:$0x2] =	sbarrier.arrive $0xFFFF  }
0x9e: {  	p0 =	sne.s32 s0, $0x0;
	s0 =	rddreg [dreg:$0x2]  }
0x9f: {  	s0 =	sadd.s32 @!p0 $0x100000, s0  }
0xa0: {  	[sflag:s0] =	ssyncadd.tile.s32 @!p0 $0x1;
	_ =	shalt  }
.Lfunc_end2:
_tile_overlayer_lowered:
.L_overlay_start_2:
0xa1: {  	(tag) =	ssettag $0x2  }
0xa2: {  	s0 =	rddreg [dreg:$0x0];
	s2 =	stileid.u32  }
0xa3: {  	s1 =	rddreg [dreg:$0x1];
	p0 =	sne.s32 s2, $0x0  }
0xa4: {  	s3 =	rddreg [dreg:$0x2];
	[bflag:$0x3] =	sbarrier.arrive $0xFFFF;
	s2 =	simm.s32 @!p0 $0x1C09  }
0xa5: {  	[timem:s3], [sflag:s2] =	dma.local @!p0 [hbm:s0], s1  }
0xa6: {  	s0 =	simm.s32 @!p0 $0x9  }
0xa7: {  	_ =	swait.ge @!p0 [sflag:s0], s1  }
0xa8: {  	s1 =	ssub.s32 @!p0 $0x0, s1;
	[sflag:s0] =	ssyncset.done @!p0 $0x0  }
0xa9: {  	[sflag:s0] =	ssyncadd.s32 @!p0 s1  }
0xaa: {  	[bflag:$0x3] =	sbarrier.arrive $0xFFFF  }
0xab: {  	_ =	shalt  }

// kernel: kernel.21.cloned.1.call-start
scs
__scs_entry_jumppad:
0x0: {  	(pc) =	sbr.rel $0x88, $3  }
0x1: {  	(tag) =	ssettag $0x0;
	lr =	simm.s32 $0x1  }
0x2: {  	[smem:$0x3F91] =	sst lr;
	_ =	strace $0xD0000000  }
0x3: {  	_ = 	snop  }
0x4: {  	_ = 	snop  }
0x5: {  	_ = 	snop  }
0x6: {  	_ = 	snop  }
0x7: {  	_ = 	snop  }
__scs_overlays_trampoline_lowered:
0x8: {  	[smem:$0x3FA0] =	sst s0  }
0x9: {  	[smem:$0x3FA1] =	sst s1  }
0xa: {  	[smem:$0x3FA2] =	sst s2  }
0xb: {  	[smem:$0x3FA3] =	sst s3  }
0xc: {  	[smem:$0x3FA4] =	sst s4  }
0xd: {  	[smem:$0x3FA5] =	sst s5  }
0xe: {  	[smem:$0x3FA6] =	sst s6  }
0xf: {  	[smem:$0x3FA7] =	sst s7  }
0x10: {  	[smem:$0x3FA8] =	sst s8  }
0x11: {  	[smem:$0x3FA9] =	sst s9;
	s0 =	simm.s32 @!p0 $0x0  }
0x12: {  	s1 =	sld [smem:$0x3F8F];
	s0 =	simm.s32 @p0 $0x1  }
0x13: {  	[smem:$0x3FAA] =	sst s0;
	s0 =	simm.s32 @!p1 $0x0  }
0x14: {  	s2 =	sld [smem:$0x3F8E];
	s0 =	simm.s32 @p1 $0x1  }
0x15: {  	[smem:$0x3FAB] =	sst s0;
	s0 =	simm.s32 @!p2 $0x0  }
0x16: {  	s3 =	sld [smem:$0x3FDB];
	s0 =	simm.s32 @p2 $0x1  }
0x17: {  	s4 =	simm.s32 $0x1BF5;
	[smem:$0x3FAD] =	sst s0  }
0x18: {  	s0 =	sld [smem:$0x3F90];
	_ =	swait.ge [sflag:s4], $0x0  }
0x19: {  	s7 =	sld [smem:$0x3F91]  }
0x1a: {  	s8 =	sadd.s32 $0xFFFFE003, lr  }
0x1b: {  	s9 =	sadd.s32 $0xFFFFFEF7, lr;
	s5 =	simm.s32 $0xFFFFFFFF;
	p2 =	slt.u32 s8, $0xFFFFF086  }
0x1c: {  	p1 =	slt.u32 s9, $0xF7A;
	s5 =	simm.s32 @!p2 $0x0  }
0x1d: {  	s5 =	simm.s32 @p1 $0x1;
	p0 =	seq.s32 s7, s2  }
0x1e: {  	s7 =	smul.u32 @!p0 $0xF7A, s2;
	p2 =	seq.s32 @!p0 s5, $0x0  }
0x1f: {  	s9 =	smul.u32 $0xF7A, s1;
	s8 =	simm.s32 @!p0 $0x1BF5;
	p2 =	por !p2, p0  }
0x20: {  	[sflag:s8] =	ssyncset.s32 @!p0 $0xFFFFF086;
	s6 =	sadd.s32 @!p0 s3, s7;
	s7 =	simm.s32 @!p0 $0x108  }
0x21: {  	s3 =	sadd.s32 s3, s9;
	s6 =	sadd.s32 @!p0 $0x88, s6;
	s7 =	simm.s32 @p2 $0x1082  }
0x22: {  	[simem:s7], [sflag:s8] =	dma.local @!p0 [hbm:s6], $0xF7A  }
0x23: {  	s9 =	sor.u32 $0xD0000000, s2;
	s6 =	simm.s32 $0x108;
	_ =	swait.ge @!p0 [sflag:s8], $0x0  }
0x24: {  	s3 =	sadd.s32 $0x88, s3;
	s6 =	simm.s32 @!p1 $0x1082;
	[sflag:s4] =	ssyncset.s32 $0xFFFFF086  }
0x25: {  	[simem:s6], [sflag:s4] =	dma.local [hbm:s3], $0xF7A  }
0x26: {  	[smem:$0x3F91] =	sst s1;
	(tag) =	ssettag s2;
	_ =	strace s9  }
0x27: {  	s1 =	sld [smem:$0x3FA1]  }
0x28: {  	s2 =	sld [smem:$0x3FA2]  }
0x29: {  	s4 =	sld [smem:$0x3FA4]  }
0x2a: {  	p0 =	seq.s32 s5, $0x0;
	s5 =	sld [smem:$0x3FA5]  }
0x2b: {  	s6 =	sld [smem:$0x3FA6]  }
0x2c: {  	s7 =	sld [smem:$0x3FA7]  }
0x2d: {  	s3 =	simm.s32 $0x108;
	s8 =	sld [smem:$0x3FA8]  }
0x2e: {  	s3 =	simm.s32 @!p0 $0x1082;
	s9 =	sld [smem:$0x3FA9]  }
0x2f: {  	lr =	sadd.s32 s0, s3;
	s0 =	sld [smem:$0x3FA0]  }
0x30: {  	s3 =	sld [smem:$0x3FA3]  }
0x31: {  	[smem:$0x3FAC] =	sst s10  }
0x32: {  	s10 =	sld [smem:$0x3FAA];
	_ =	sdelay $0x3  }
0x33: {  	p0 =	seq.s32 s10, $0x1;
	s10 =	sld [smem:$0x3FAC];
	_ =	sdelay $0x3  }
0x34: {  	[smem:$0x3FAC] =	sst s10  }
0x35: {  	s10 =	sld [smem:$0x3FAB];
	_ =	sdelay $0x3  }
0x36: {  	p1 =	seq.s32 s10, $0x1;
	s10 =	sld [smem:$0x3FAC];
	_ =	sdelay $0x3  }
0x37: {  	[smem:$0x3FAC] =	sst s10  }
0x38: {  	s10 =	sld [smem:$0x3FAD]  }
0x39: {  	_ = 	snop;
	(pc) =	sbr.ind lr, $3  }
0x3a: {  	_ = 	snop  }
0x3b: {  	_ = 	snop  }
0x3c: {  	p2 =	seq.s32 s10, $0x1;
	s10 =	sld [smem:$0x3FAC]  }
0x3d: {  	_ =	shalt  }
0x3e: {  	_ =	shalt  }
0x3f: {  	_ =	shalt  }
0x40: {  	_ =	shalt  }
0x41: {  	_ =	shalt  }
0x42: {  	_ =	shalt  }
0x43: {  	_ =	shalt  }
0x44: {  	_ =	shalt  }
0x45: {  	_ =	shalt  }
0x46: {  	_ =	shalt  }
0x47: {  	_ =	shalt  }
0x48: {  	_ =	shalt  }
0x49: {  	_ =	shalt  }
0x4a: {  	_ =	shalt  }
0x4b: {  	_ =	shalt  }
0x4c: {  	_ =	shalt  }
0x4d: {  	_ =	shalt  }
0x4e: {  	_ =	shalt  }
0x4f: {  	_ =	shalt  }
0x50: {  	_ =	shalt  }
0x51: {  	_ =	shalt  }
0x52: {  	_ =	shalt  }
0x53: {  	_ =	shalt  }
0x54: {  	_ =	shalt  }
0x55: {  	_ =	shalt  }
0x56: {  	_ =	shalt  }
0x57: {  	_ =	shalt  }
0x58: {  	_ =	shalt  }
0x59: {  	_ =	shalt  }
0x5a: {  	_ =	shalt  }
0x5b: {  	_ =	shalt  }
0x5c: {  	_ =	shalt  }
0x5d: {  	_ =	shalt  }
0x5e: {  	_ =	shalt  }
0x5f: {  	_ =	shalt  }
0x60: {  	_ =	shalt  }
0x61: {  	_ =	shalt  }
0x62: {  	_ =	shalt  }
0x63: {  	_ =	shalt  }
0x64: {  	_ =	shalt  }
0x65: {  	_ =	shalt  }
0x66: {  	_ =	shalt  }
0x67: {  	_ =	shalt  }
0x68: {  	_ =	shalt  }
0x69: {  	_ =	shalt  }
0x6a: {  	_ =	shalt  }
0x6b: {  	_ =	shalt  }
0x6c: {  	_ =	shalt  }
0x6d: {  	_ =	shalt  }
0x6e: {  	_ =	shalt  }
0x6f: {  	_ =	shalt  }
0x70: {  	_ =	shalt  }
0x71: {  	_ =	shalt  }
0x72: {  	_ =	shalt  }
0x73: {  	_ =	shalt  }
0x74: {  	_ =	shalt  }
0x75: {  	_ =	shalt  }
0x76: {  	_ =	shalt  }
0x77: {  	_ =	shalt  }
0x78: {  	_ =	shalt  }
0x79: {  	_ =	shalt  }
0x7a: {  	_ =	shalt  }
0x7b: {  	_ =	shalt  }
0x7c: {  	_ =	shalt  }
0x7d: {  	_ =	shalt  }
0x7e: {  	_ =	shalt  }
0x7f: {  	_ =	shalt  }
0x80: {  	_ =	shalt  }
0x81: {  	_ =	shalt  }
0x82: {  	_ =	shalt  }
0x83: {  	_ =	shalt  }
0x84: {  	_ =	shalt  }
0x85: {  	_ =	shalt  }
0x86: {  	_ =	shalt  }
0x87: {  	_ =	shalt  }
.Lfunc_end0:
.L_simem_size_0:
called_computation.2_lowered:
.L_overlay_start_0:
0x88: {  	s2 =	sld [smem:$0x3FD9]  }
0x89: {  	s3 =	sld [smem:$0x3FFE];
	_ =	sdelay $0x1  }
0x8a: {  	s1 =	srdreg.scid  }
0x8b: {  	s0 =	sand.u32 $0x1, s1  }
0x8c: {  	s17 =	sshll.u32 s0, $0xA;
	s2 =	sadd.s32 s3, s2  }
0x8d: {  	s2 =	sadd.s32 s2, s17  }
0x8e: {  	[smem:$0x3FB8] =	sst s2  }
0x8f: {  	_ = 	snop  }
0x90: {  	s2 =	sld [smem:$0x3FD0];
	(tm) =	ssettm $0x1  }
0x91: {  	s18 =	sld [smem:$0x3FFB];
	_ =	sdelay $0x3  }
0x92: {  	_ =	strace s18  }
0x93: {  	s3 =	sld [smem:$0x3FFC];
	_ =	sdelay $0x3  }
0x94: {  	_ =	strace s3  }
0x95: {  	s3 =	sld [smem:$0x3FFD];
	_ =	sdelay $0x3  }
0x96: {  	_ =	strace s3  }
0x97: {  	_ =	strace $0x8FFFFFFF  }
0x98: {  	s19 =	sld [smem:$0x3FDB];
	_ =	sdelay $0x1  }
0x99: {  	s4 =	simm.s32 $_scs_section_size  }
0x9a: {  	s5 =	simm.s32 $_size__tile_overlayer_lowered;
	s6 =	simm.s32 $_tile_overlayer_lowered  }
0x9b: {  	s22 =	simm.s32 $0x1BFF;
	s21 =	sshll.u32 s6, $0x1;
	s3 =	sadd.s32 s4, s19  }
0x9c: {  	s7 =	simm.s32 $0x0;
	s20 =	sshll.u32 s5, $0x1;
	s5 =	sadd.s32 s21, s3  }
0x9d: {  	[timem:s7], [sflag:s22] =	dma.local [hbm:s5], s20  }
0x9e: {  	_ =	swait.ge [sflag:s22], s20  }
0x9f: {  	s4 =	ssub.s32 $0x0, s20;
	[sflag:s22] =	ssyncset.done $0x0  }
0xa0: {  	[sflag:s22] =	ssyncadd.s32 s4;
	_ =	sdelay $0x1  }
0xa1: {  	s23 =	simm.s32 $0x1B8B  }
0xa2: {  	_ =	swait.ge [sflag:s23], $0x1  }
0xa3: {  	[sflag:s23] =	ssyncset.done $0x0  }
0xa4: {  	s25 =	simm.s32 $0x1B8E;
	s24 =	sld [smem:$0x3FFE];
	[sflag:s23] =	ssyncadd.s32 $0xFFFFFFFF  }
0xa5: {  	s26 =	simm.s32 $execute0_lowered;
	[smem:$0x3FD2] =	sst s25  }
0xa6: {  	s5 =	sshll.u32 s26, $0x1;
	_ =	strace $0x8000004C;
	[dreg:$0x1] =	wrdreg $0xFFFFFFFF  }
0xa7: {  	s28 =	simm.s32 $_size_execute0_lowered;
	s3 =	sadd.s32 s3, s5;
	[dreg:$0x0] =	wrdreg $0x0  }
0xa8: {  	s5 =	sshll.u32 s28, $0x1;
	[dreg:$0x2] =	wrdreg s3  }
0xa9: {  	[dreg:$0x3] =	wrdreg s5  }
0xaa: {  	[dreg:$0x4] =	wrdreg $0xC0  }
0xab: {  	_ =	task [dreg:s7], $0x5FFFF  }
0xac: {  	[dreg:$0x1] =	wrdreg $0xFFFFFFFF  }
0xad: {  	[dreg:$0x0] =	wrdreg $0x60  }
0xae: {  	[dreg:$0x2] =	wrdreg s2  }
0xaf: {  	[dreg:$0x3] =	wrdreg s24  }
0xb0: {  	[dreg:$0x4] =	wrdreg $0x9  }
0xb1: {  	_ =	task.clear_ibuf [dreg:s7], $0x5FFFF;
	_ =	strace $0x9000004C  }
0xb2: {  	s29 =	simm.s32 $0x9;
	_ =	strace $0x8000004E  }
0xb3: {  	_ =	swait.ge [sflag:s29], $0x1  }
0xb4: {  	[sflag:s29] =	ssyncadd.s32 $0xFFFFFFFF  }
0xb5: {  	_ =	strace $0x9000004E  }
0xb6: {  	_ =	sfence  }
0xb7: {  	s30 =	sld [smem:$0x0];
	_ =	sdelay $0x2  }
0xb8: {  	s31 =	sshll.u32 s1, $0xD;
	s1 =	sshrl.u32 s1, $0x2  }
0xb9: {  	s3 =	sand.u32 $0x4000, s31;
	s1 =	sadd.s32 s1, s30  }
0xba: {  	s0 =	sor.u32 s3, s0;
	s1 =	sshll.u32 s1, $0x11  }
0xbb: {  	s0 =	sor.u32 s1, s0  }
0xbc: {  	s0 =	sadd.s32 $0x8F2B, s0  }
0xbd: {  	[sflag:s0] =	ssyncadd.remote.s32 $0x1  }
0xbe: {  	_ =	sfence.sel $0xFFFF  }
0xbf: {  	[dreg:$0x0] =	wrdreg $0xFFFFFFFF;
	(pc) =	sbr.abs _section_cstart, $3  }
0xc0: {  	[dreg:$0x1] =	wrdreg $0xFFFFFFFF  }
0xc1: {  	_ =	task.clear_ibuf [dreg:s7], $0x2FFFF;
	_ =	strace $0x9FFFFFFF  }
0xc2: {  	(tm) =	ssettm $0x7FFFFFFF  }
0xc3: {  	_ =	shalt  }
tec
execute0_lowered:
.L_overlay_start_1:
0x0: {  	(tag) =	ssettag $0x1  }
0x1: {  	s1 =	srdreg.scid  }
0x2: {  	s0 =	stileid.u32;
	s2 =	rddreg [dreg:$0x0]  }
0x3: {  	s4 =	rddreg [dreg:$0x1];
	s3 =	simm.s32 $0x0;
	s12 =	simm.s32 $0x5400  }
0x4: {  	s15 =	simm.s32 $0xD400;
	s16 =	simm.s32 $0x1;
	s17 =	simm.s32 $0x2  }
0x5: {  	s18 =	simm.s32 $0x4;
	s19 =	simm.s32 $0x5;
	s11 =	smul.u32 $0x140000, s0  }
0x6: {  	s20 =	simm.s32 $0x6;
	s6 =	sand.u32 $0x1, s1;
	s29 =	smul.u32 $0x28000, s0  }
0x7: {  	s21 =	sshll.u32 s0, $0x1;
	[smem:$0x7FF] =	sst s3;
	s25 =	smul.u32 $0xA0000, s6  }
0x8: {  	s5 =	sor.u32 s6, s21;
	s8 =	ssub.s32 $0x2, s6;
	s6 =	smul.u32 $0x14000, s6  }
0x9: {  	s10 =	sadd.s32 $0xEE00, s4;
	_ =	strace $0x8000004D;
	s7 =	smul.u32 $0x1400, s5  }
0xa: {  	s21 =	simm.s32 $0x7;
	s9 =	smul.u32 $0x14000, s5;
	s22 =	sshrl.u32 s8, $0x1  }
0xb: {  	s30 =	sadd.s32 s29, s10;
	s23 =	ssub.s32 s8, s22;
	s22 =	simm.s32 $0x8  }
0xc: {  	s7 =	sshrl.u32 s7, $0x3;
	s26 =	smax.u32 s23, $0x1;
	s28 =	sadd.s32 s10, s9  }
0xd: {  	s23 =	simm.s32 $0x0;
	s7 =	sadd.s32 s7, s4;
	[dreg:$0x5] =	wrdreg s26  }
0xe: {  	s8 =	sadd.s32 $0x13000, s28;
	s24 =	sadd.s32 $0x4E00, s7;
	s7 =	sadd.s32 s25, s11  }
0xf: {  	[dreg:$0x3] =	wrdreg s8;
	s8 =	sadd.s32 s6, s30;
	s11 =	simm.s32 $0x1400  }
0x10: {  	[dreg:$0x4] =	wrdreg s24;
	s31 =	sor.u32 $0xC000, s7;
	s7 =	sshrl.u32 s7, $0x3  }
0x11: {  	s9 =	sshrl.u32 s31, $0x3;
	s6 =	sadd.s32 s7, s10;
	s7 =	sadd.s32 $0x1000, s8  }
0x12: {  	s8 =	sadd.s32 s9, s10;
	s9 =	simm.s32 $0x9;
	s10 =	simm.s32 $0x80  }
.LBB2_1:
0x13: {  	s0 =	rddreg [dreg:$0x4]  }
0x14: {  	[tilespmem:s3], [sflag:$0x9] =	stream.linear.gather [hbm4b:s0+s3], $0x1400, $0x38;
	[tilespmem:$0x11400] =	vst v63  }
0x15: {  	_ =	swait.ge [sflag:s9], $0x1400  }
0x16: {  	[sflag:s9] =	ssyncset.done $0x0  }
0x17: {  	[sflag:s9] =	ssyncadd.s32 $0xFFFFEC00  }
0x18: {  	[tilespmem:s11], [sflag:$0x1] =	stream.indirect.gather [hbm4b:s2+s10], $0x80, s3, s10, $0xb8;
	[tilespmem:$0x11400] =	vst v63  }
0x19: {  	p0 =	por $0x1, $0x1  }
0x1a: {  	[tilespmem:s12], [sflag:$0x2] =	stream.indirect.gather [hbm4b:s2+s10], $0x80, s10, s10, $0xb8;
	[tilespmem:$0x11400] =	vst v63  }
0x1b: {  	s26 =	simm.s32 $0x100;
	s1 =	simm.s32 $0x9400;
	s24 =	simm.s32 @!p0 $0x8  }
0x1c: {  	[tilespmem:s1], [sflag:$0x3] =	stream.indirect.gather [hbm4b:s2+s10], $0x80, s26, s10, $0xb8;
	[tilespmem:$0x11400] =	vst v63  }
0x1d: {  	_ =	swait.ge @!p0 [sflag:s24], $0x4000  }
0x1e: {  	[sflag:s24] =	ssyncset.done @!p0 $0x0  }
0x1f: {  	s25 =	simm.s32 $0x180;
	[sflag:s24] =	ssyncadd.s32 @!p0 $0xFFFFC000  }
0x20: {  	[tilespmem:s15], [sflag:$0x4] =	stream.indirect.gather [hbm4b:s2+s10], $0x80, s25, s10, $0xb8;
	[tilespmem:$0x11400] =	vst v63  }
0x21: {  	_ =	swait.ge [sflag:s16], $0x4000  }
0x22: {  	p0 =	por $0x0, $0x0;
	[sflag:s16] =	ssyncset.done $0x0  }
0x23: {  	s24 =	simm.s32 @!p0 $0x5;
	[sflag:s16] =	ssyncadd.s32 $0xFFFFC000  }
0x24: {  	[hbm4b:s6+s3] =	stream.linear.scatter [tilespmem:s11], [sflag:$0x5], $0x4000, $0x38;
	[tilespmem:$0x11400] =	vst v63  }
0x25: {  	_ =	swait.ge @!p0 [sflag:s24], $0x4000  }
0x26: {  	s25 =	simm.s32 @!p0 $0x200;
	[sflag:s24] =	ssyncset.done @!p0 $0x0  }
0x27: {  	s26 =	simm.s32 @!p0 $0x80;
	s28 =	simm.s32 @!p0 $0x1400;
	[sflag:s24] =	ssyncadd.s32 @!p0 $0xFFFFC000  }
0x28: {  	[tilespmem:s28], [sflag:$0x1] =	stream.indirect.gather @!p0 [hbm4b:s2+s26], $0x80, s25, s26, $0xb8;
	[tilespmem:$0x11400] =	vst v63  }
0x29: {  	_ =	swait.ge [sflag:s17], $0x4000  }
0x2a: {  	[sflag:s17] =	ssyncset.done $0x0  }
0x2b: {  	s31 =	sadd.s32 $0xFFFFF800, s7;
	s25 =	simm.s32 @p0 $0x3;
	[sflag:s17] =	ssyncadd.s32 $0xFFFFC000  }
0x2c: {  	[hbm4b:s31+s3] =	stream.linear.scatter [tilespmem:s12], [sflag:$0x6], $0x4000, $0x38;
	[tilespmem:$0x11400] =	vst v63  }
0x2d: {  	_ =	swait.ge @p0 [sflag:s25], $0x4000  }
0x2e: {  	s29 =	simm.s32 @!p0 $0x6;
	s28 =	simm.s32 @p0 $0x9400;
	[sflag:s25] =	ssyncset.done @p0 $0x0  }
0x2f: {  	s24 =	rddreg [dreg:$0x3];
	[sflag:s25] =	ssyncadd.s32 @p0 $0xFFFFC000;
	s25 =	simm.s32 @p0 $0x0  }
0x30: {  	[hbm4b:s24+s25] =	stream.linear.scatter @p0 [tilespmem:s28], [sflag:$0x7], $0x4000, $0x38;
	[tilespmem:$0x11400] =	vst v63  }
0x31: {  	_ =	swait.ge @!p0 [sflag:s29], $0x4000  }
0x32: {  	s24 =	simm.s32 @!p0 $0x280;
	[sflag:s29] =	ssyncset.done @!p0 $0x0  }
0x33: {  	s25 =	simm.s32 @!p0 $0x5400;
	s28 =	simm.s32 @!p0 $0x3;
	[sflag:s29] =	ssyncadd.s32 @!p0 $0xFFFFC000  }
0x34: {  	[tilespmem:s25], [sflag:$0x2] =	stream.indirect.gather @!p0 [hbm4b:s2+s26], $0x80, s24, s26, $0xb8;
	[tilespmem:$0x11400] =	vst v63  }
0x35: {  	_ =	swait.ge @!p0 [sflag:s28], $0x4000  }
0x36: {  	s29 =	simm.s32 @!p0 $0x7;
	[sflag:s28] =	ssyncset.done @!p0 $0x0  }
0x37: {  	s24 =	simm.s32 @!p0 $0x0;
	s25 =	simm.s32 @!p0 $0x9400;
	[sflag:s28] =	ssyncadd.s32 @!p0 $0xFFFFC000  }
0x38: {  	[hbm4b:s7+s24] =	stream.linear.scatter @!p0 [tilespmem:s25], [sflag:$0x7], $0x4000, $0x38;
	[tilespmem:$0x11400] =	vst v63  }
0x39: {  	_ =	swait.ge @!p0 [sflag:s29], $0x4000  }
0x3a: {  	p1 =	por $0x0, $0x0;
	[sflag:s29] =	ssyncset.done @!p0 $0x0  }
0x3b: {  	s30 =	smov.u32 s8;
	s24 =	simm.s32 @!p0 $0x300;
	[sflag:s29] =	ssyncadd.s32 @!p0 $0xFFFFC000  }
0x3c: {  	[tilespmem:s25], [sflag:$0x3] =	stream.indirect.gather @!p0 [hbm4b:s2+s26], $0x80, s24, s26, $0xb8;
	[tilespmem:$0x11400] =	vst v63  }
0x3d: {  	s28 =	simm.s32 $0x800;
	s29 =	simm.s32 $0x1000;
	s25 =	sadd.s32 $0x2000, s7  }
0x3e: {  	s24 =	sadd.s32 $0x2000, s8;
	s26 =	sadd.s32 $0x2000, s6;
	_ =	swait.ge [sflag:s18], $0x4000  }
.LBB2_2:
0x3f: {  	[sflag:s18] =	ssyncset.done $0x0  }
0x40: {  	s31 =	simm.s32 @!p1 $0x8;
	[sflag:s18] =	ssyncadd.s32 $0xFFFFC000  }
0x41: {  	[hbm4b:s30+s3] =	stream.linear.scatter [tilespmem:s15], [sflag:$0x8], $0x4000, $0x38;
	[tilespmem:$0x11400] =	vst v63  }
0x42: {  	_ =	swait.ge @!p1 [sflag:s31], $0x4000  }
0x43: {  	s0 =	sshra.s32 s28, $0x2;
	[sflag:s31] =	ssyncset.done @!p1 $0x0  }
0x44: {  	s0 =	sadd.s32 $0x180, s0;
	[sflag:s31] =	ssyncadd.s32 @!p1 $0xFFFFC000  }
0x45: {  	[tilespmem:s15], [sflag:$0x4] =	stream.indirect.gather [hbm4b:s2+s10], $0x80, s0, s10, $0xb8;
	[tilespmem:$0x11400] =	vst v63  }
0x46: {  	_ =	swait.ge [sflag:s16], $0x4000  }
0x47: {  	p1 =	seq.s32 s28, $0x4800;
	[sflag:s16] =	ssyncset.done $0x0  }
0x48: {  	s0 =	simm.s32 @!p1 $0x5;
	[sflag:s16] =	ssyncadd.s32 $0xFFFFC000  }
0x49: {  	[hbm4b:s26+s3] =	stream.linear.scatter [tilespmem:s11], [sflag:$0x5], $0x4000, $0x38;
	[tilespmem:$0x11400] =	vst v63  }
0x4a: {  	_ =	swait.ge @!p1 [sflag:s0], $0x4000  }
0x4b: {  	s28 =	sshra.s32 @!p1 s28, $0x2;
	s14 =	simm.s32 @!p1 $0x80;
	[sflag:s0] =	ssyncset.done @!p1 $0x0  }
0x4c: {  	s4 =	simm.s32 @!p1 $0x1400;
	s31 =	sadd.s32 @!p1 $0x200, s28;
	[sflag:s0] =	ssyncadd.s32 @!p1 $0xFFFFC000  }
0x4d: {  	[tilespmem:s4], [sflag:$0x1] =	stream.indirect.gather @!p1 [hbm4b:s2+s14], $0x80, s31, s14, $0xb8;
	[tilespmem:$0x11400] =	vst v63  }
0x4e: {  	_ =	swait.ge [sflag:s17], $0x4000  }
0x4f: {  	s1 =	smov.u32 s29;
	s5 =	simm.s32 @!p1 $0x6;
	[sflag:s17] =	ssyncset.done $0x0  }
0x50: {  	s31 =	sadd.s32 $0xFFFFF800, s25;
	s4 =	simm.s32 @p1 $0x3;
	[sflag:s17] =	ssyncadd.s32 $0xFFFFC000  }
0x51: {  	[hbm4b:s31+s3] =	stream.linear.scatter [tilespmem:s12], [sflag:$0x6], $0x4000, $0x38;
	[tilespmem:$0x11400] =	vst v63  }
0x52: {  	s13 =	sadd.s32 @!p1 $0x280, s28;
	s0 =	sadd.s32 @!p1 $0x300, s28;
	_ =	swait.ge @p1 [sflag:s4], $0x4000  }
0x53: {  	s28 =	smov.u32 s1;
	s31 =	simm.s32 @p1 $0x9400;
	[sflag:s4] =	ssyncset.done @p1 $0x0  }
0x54: {  	s1 =	rddreg [dreg:$0x3];
	[sflag:s4] =	ssyncadd.s32 @p1 $0xFFFFC000;
	s4 =	simm.s32 @p1 $0x0  }
0x55: {  	[hbm4b:s1+s4] =	stream.linear.scatter @p1 [tilespmem:s31], [sflag:$0x7], $0x4000, $0x38;
	[tilespmem:$0x11400] =	vst v63  }
0x56: {  	_ =	swait.ge @!p1 [sflag:s5], $0x4000  }
0x57: {  	[sflag:s5] =	ssyncset.done @!p1 $0x0  }
0x58: {  	s1 =	simm.s32 @!p1 $0x5400;
	s4 =	simm.s32 @!p1 $0x3;
	[sflag:s5] =	ssyncadd.s32 @!p1 $0xFFFFC000  }
0x59: {  	[tilespmem:s1], [sflag:$0x2] =	stream.indirect.gather @!p1 [hbm4b:s2+s14], $0x80, s13, s14, $0xb8;
	[tilespmem:$0x11400] =	vst v63  }
0x5a: {  	s29 =	sadd.s32 $0x800, s29;
	_ =	swait.ge @!p1 [sflag:s4], $0x4000  }
0x5b: {  	p0 =	sne.s32 s29, $0x5000;
	s5 =	simm.s32 @!p1 $0x9400;
	[sflag:s4] =	ssyncset.done @!p1 $0x0  }
0x5c: {  	s1 =	simm.s32 @!p1 $0x0;
	[sflag:s4] =	ssyncadd.s32 @!p1 $0xFFFFC000;
	s4 =	simm.s32 @!p1 $0x7  }
0x5d: {  	[hbm4b:s25+s1] =	stream.linear.scatter @!p1 [tilespmem:s5], [sflag:$0x7], $0x4000, $0x38;
	[tilespmem:$0x11400] =	vst v63  }
.Ltmp0:
0x5e: {  	_ =	swait.ge @!p1 [sflag:s4], $0x4000;
	(pc) =	sbr.rel @p0 .LBB2_2-.Ltmp0, $4  }
0x5f: {  	s30 =	smov.u32 s24;
	[sflag:s4] =	ssyncset.done @!p1 $0x0  }
0x60: {  	s24 =	sadd.s32 $0x2000, s24;
	s26 =	sadd.s32 $0x2000, s26;
	[sflag:s4] =	ssyncadd.s32 @!p1 $0xFFFFC000  }
0x61: {  	[tilespmem:s5], [sflag:$0x3] =	stream.indirect.gather @!p1 [hbm4b:s2+s14], $0x80, s0, s14, $0xb8;
	[tilespmem:$0x11400] =	vst v63  }
0x62: {  	s25 =	sadd.s32 $0x2000, s25;
	p1 =	seq.s32 s28, $0x0;
	_ =	swait.ge [sflag:s18], $0x4000  }
0x63: {  	[sflag:s18] =	ssyncset.done $0x0  }
0x64: {  	s0 =	simm.s32 @!p1 $0x8;
	[sflag:s18] =	ssyncadd.s32 $0xFFFFC000  }
0x65: {  	[hbm4b:s30+s3] =	stream.linear.scatter [tilespmem:s15], [sflag:$0x8], $0x4000, $0x38;
	[tilespmem:$0x11400] =	vst v63  }
0x66: {  	_ =	swait.ge @!p1 [sflag:s0], $0x4000  }
0x67: {  	s1 =	sshra.s32 s28, $0x2;
	[sflag:s0] =	ssyncset.done @!p1 $0x0  }
0x68: {  	s1 =	sadd.s32 $0x180, s1;
	[sflag:s0] =	ssyncadd.s32 @!p1 $0xFFFFC000  }
0x69: {  	[tilespmem:s15], [sflag:$0x4] =	stream.indirect.gather [hbm4b:s2+s10], $0x80, s1, s10, $0xb8;
	[tilespmem:$0x11400] =	vst v63  }
0x6a: {  	_ =	swait.ge [sflag:s16], $0x4000  }
0x6b: {  	p0 =	seq.s32 s28, $0x4800;
	[sflag:s16] =	ssyncset.done $0x0  }
0x6c: {  	s0 =	simm.s32 @!p0 $0x5;
	[sflag:s16] =	ssyncadd.s32 $0xFFFFC000  }
0x6d: {  	[hbm4b:s26+s3] =	stream.linear.scatter [tilespmem:s11], [sflag:$0x5], $0x4000, $0x38;
	[tilespmem:$0x11400] =	vst v63  }
0x6e: {  	_ =	swait.ge @!p0 [sflag:s0], $0x4000  }
0x6f: {  	s5 =	simm.s32 @!p0 $0x80;
	s1 =	sshra.s32 @!p0 s28, $0x2;
	[sflag:s0] =	ssyncset.done @!p0 $0x0  }
0x70: {  	s13 =	simm.s32 @!p0 $0x1400;
	s4 =	sadd.s32 @!p0 $0x200, s1;
	[sflag:s0] =	ssyncadd.s32 @!p0 $0xFFFFC000  }
0x71: {  	[tilespmem:s13], [sflag:$0x1] =	stream.indirect.gather @!p0 [hbm4b:s2+s5], $0x80, s4, s5, $0xb8;
	[tilespmem:$0x11400] =	vst v63  }
0x72: {  	_ =	swait.ge [sflag:s17], $0x4000  }
0x73: {  	[sflag:s17] =	ssyncset.done $0x0  }
0x74: {  	s30 =	sadd.s32 $0xFFFFF800, s25;
	s4 =	simm.s32 @p0 $0x3;
	[sflag:s17] =	ssyncadd.s32 $0xFFFFC000  }
0x75: {  	[hbm4b:s30+s3] =	stream.linear.scatter [tilespmem:s12], [sflag:$0x6], $0x4000, $0x38;
	[tilespmem:$0x11400] =	vst v63  }
0x76: {  	_ =	swait.ge @p0 [sflag:s4], $0x4000  }
0x77: {  	s14 =	simm.s32 @!p0 $0x6;
	s13 =	simm.s32 @p0 $0x9400;
	[sflag:s4] =	ssyncset.done @p0 $0x0  }
0x78: {  	s0 =	rddreg [dreg:$0x3];
	[sflag:s4] =	ssyncadd.s32 @p0 $0xFFFFC000;
	s4 =	simm.s32 @p0 $0x0  }
0x79: {  	[hbm4b:s0+s4] =	stream.linear.scatter @p0 [tilespmem:s13], [sflag:$0x7], $0x4000, $0x38;
	[tilespmem:$0x11400] =	vst v63  }
0x7a: {  	_ =	swait.ge @!p0 [sflag:s14], $0x4000  }
0x7b: {  	s0 =	sadd.s32 @!p0 $0x280, s1;
	[sflag:s14] =	ssyncset.done @!p0 $0x0  }
0x7c: {  	s4 =	simm.s32 @!p0 $0x5400;
	s13 =	simm.s32 @!p0 $0x3;
	[sflag:s14] =	ssyncadd.s32 @!p0 $0xFFFFC000  }
0x7d: {  	[tilespmem:s4], [sflag:$0x2] =	stream.indirect.gather @!p0 [hbm4b:s2+s5], $0x80, s0, s5, $0xb8;
	[tilespmem:$0x11400] =	vst v63  }
0x7e: {  	_ =	swait.ge @!p0 [sflag:s13], $0x4000  }
0x7f: {  	s0 =	simm.s32 @!p0 $0x0;
	[sflag:s13] =	ssyncset.done @!p0 $0x0  }
0x80: {  	s4 =	simm.s32 @!p0 $0x9400;
	[sflag:s13] =	ssyncadd.s32 @!p0 $0xFFFFC000;
	s13 =	simm.s32 @!p0 $0x7  }
0x81: {  	[hbm4b:s25+s0] =	stream.linear.scatter @!p0 [tilespmem:s4], [sflag:$0x7], $0x4000, $0x38;
	[tilespmem:$0x11400] =	vst v63  }
0x82: {  	_ =	swait.ge @!p0 [sflag:s13], $0x4000  }
0x83: {  	[sflag:s13] =	ssyncset.done @!p0 $0x0  }
0x84: {  	s0 =	sadd.s32 @!p0 $0x300, s1;
	[sflag:s13] =	ssyncadd.s32 @!p0 $0xFFFFC000  }
0x85: {  	[tilespmem:s4], [sflag:$0x3] =	stream.indirect.gather @!p0 [hbm4b:s2+s5], $0x80, s0, s5, $0xb8;
	[tilespmem:$0x11400] =	vst v63  }
0x86: {  	_ =	swait.ge [sflag:s18], $0x4000  }
0x87: {  	[sflag:s18] =	ssyncset.done $0x0  }
0x88: {  	[sflag:s18] =	ssyncadd.s32 $0xFFFFC000  }
0x89: {  	[hbm4b:s24+s3] =	stream.linear.scatter [tilespmem:s15], [sflag:$0x8], $0x4000, $0x38;
	[tilespmem:$0x11400] =	vst v63  }
0x8a: {  	_ =	swait.ge [sflag:s19], $0x4000  }
0x8b: {  	[sflag:s19] =	ssyncset.done $0x0  }
0x8c: {  	[sflag:s19] =	ssyncadd.s32 $0xFFFFC000  }
0x8d: {  	_ =	swait.ge [sflag:s20], $0x4000  }
0x8e: {  	[sflag:s20] =	ssyncset.done $0x0  }
0x8f: {  	[sflag:s20] =	ssyncadd.s32 $0xFFFFC000  }
0x90: {  	_ =	swait.ge [sflag:s21], $0x4000  }
0x91: {  	[sflag:s21] =	ssyncset.done $0x0  }
0x92: {  	[sflag:s21] =	ssyncadd.s32 $0xFFFFC000  }
0x93: {  	_ =	swait.ge [sflag:s22], $0x4000  }
0x94: {  	s23 =	sadd.s32 $0x1, s23;
	s31 =	rddreg [dreg:$0x5]  }
0x95: {  	p0 =	sne.s32 s23, s31  }
.Ltmp1:
0x96: {  	_ = 	snop;
	(pc) =	sbr.rel @p0 .LBB2_1-.Ltmp1, $3  }
0x97: {  	_ =	sdelay $0x1  }
0x98: {  	[sflag:s22] =	ssyncset.done $0x0  }
0x99: {  	[sflag:s22] =	ssyncadd.s32 $0xFFFFC000  }
0x9a: {  	_ =	sfence.sel $0x180000  }
0x9b: {  	[bflag:$0x0] =	sbarrier.arrive $0xFFFF  }
0x9c: {  	_ =	strace $0x9000004D  }
0x9d: {  	s0 =	stileid.u32;
	[bflag:$0x2] =	sbarrier.arrive $0xFFFF  }
0x9e: {  	p0 =	sne.s32 s0, $0x0;
	s0 =	rddreg [dreg:$0x2]  }
0x9f: {  	s0 =	sadd.s32 @!p0 $0x100000, s0  }
0xa0: {  	[sflag:s0] =	ssyncadd.tile.s32 @!p0 $0x1;
	_ =	shalt  }
.Lfunc_end2:
_tile_overlayer_lowered:
.L_overlay_start_2:
0xa1: {  	(tag) =	ssettag $0x2  }
0xa2: {  	s0 =	rddreg [dreg:$0x0];
	s2 =	stileid.u32  }
0xa3: {  	s1 =	rddreg [dreg:$0x1];
	p0 =	sne.s32 s2, $0x0  }
0xa4: {  	s3 =	rddreg [dreg:$0x2];
	[bflag:$0x3] =	sbarrier.arrive $0xFFFF;
	s2 =	simm.s32 @!p0 $0x1C09  }
0xa5: {  	[timem:s3], [sflag:s2] =	dma.local @!p0 [hbm:s0], s1  }
0xa6: {  	s0 =	simm.s32 @!p0 $0x9  }
0xa7: {  	_ =	swait.ge @!p0 [sflag:s0], s1  }
0xa8: {  	s1 =	ssub.s32 @!p0 $0x0, s1;
	[sflag:s0] =	ssyncset.done @!p0 $0x0  }
0xa9: {  	[sflag:s0] =	ssyncadd.s32 @!p0 s1  }
0xaa: {  	[bflag:$0x3] =	sbarrier.arrive $0xFFFF  }
0xab: {  	_ =	shalt  }

// kernel: kernel.24.cloned.1.call-start
scs
__scs_entry_jumppad:
0x0: {  	(pc) =	sbr.rel $0x88, $3  }
0x1: {  	(tag) =	ssettag $0x0;
	lr =	simm.s32 $0x1  }
0x2: {  	[smem:$0x3F91] =	sst lr;
	_ =	strace $0xD0000000  }
0x3: {  	_ = 	snop  }
0x4: {  	_ = 	snop  }
0x5: {  	_ = 	snop  }
0x6: {  	_ = 	snop  }
0x7: {  	_ = 	snop  }
__scs_overlays_trampoline_lowered:
0x8: {  	[smem:$0x3FA0] =	sst s0  }
0x9: {  	[smem:$0x3FA1] =	sst s1  }
0xa: {  	[smem:$0x3FA2] =	sst s2  }
0xb: {  	[smem:$0x3FA3] =	sst s3  }
0xc: {  	[smem:$0x3FA4] =	sst s4  }
0xd: {  	[smem:$0x3FA5] =	sst s5  }
0xe: {  	[smem:$0x3FA6] =	sst s6  }
0xf: {  	[smem:$0x3FA7] =	sst s7  }
0x10: {  	[smem:$0x3FA8] =	sst s8  }
0x11: {  	[smem:$0x3FA9] =	sst s9;
	s0 =	simm.s32 @!p0 $0x0  }
0x12: {  	s1 =	sld [smem:$0x3F8F];
	s0 =	simm.s32 @p0 $0x1  }
0x13: {  	[smem:$0x3FAA] =	sst s0;
	s0 =	simm.s32 @!p1 $0x0  }
0x14: {  	s2 =	sld [smem:$0x3F8E];
	s0 =	simm.s32 @p1 $0x1  }
0x15: {  	[smem:$0x3FAB] =	sst s0;
	s0 =	simm.s32 @!p2 $0x0  }
0x16: {  	s3 =	sld [smem:$0x3FDB];
	s0 =	simm.s32 @p2 $0x1  }
0x17: {  	s4 =	simm.s32 $0x1BF5;
	[smem:$0x3FAD] =	sst s0  }
0x18: {  	s0 =	sld [smem:$0x3F90];
	_ =	swait.ge [sflag:s4], $0x0  }
0x19: {  	s7 =	sld [smem:$0x3F91]  }
0x1a: {  	s8 =	sadd.s32 $0xFFFFE003, lr  }
0x1b: {  	s9 =	sadd.s32 $0xFFFFFEF7, lr;
	s5 =	simm.s32 $0xFFFFFFFF;
	p2 =	slt.u32 s8, $0xFFFFF086  }
0x1c: {  	p1 =	slt.u32 s9, $0xF7A;
	s5 =	simm.s32 @!p2 $0x0  }
0x1d: {  	s5 =	simm.s32 @p1 $0x1;
	p0 =	seq.s32 s7, s2  }
0x1e: {  	s7 =	smul.u32 @!p0 $0xF7A, s2;
	p2 =	seq.s32 @!p0 s5, $0x0  }
0x1f: {  	s9 =	smul.u32 $0xF7A, s1;
	s8 =	simm.s32 @!p0 $0x1BF5;
	p2 =	por !p2, p0  }
0x20: {  	[sflag:s8] =	ssyncset.s32 @!p0 $0xFFFFF086;
	s6 =	sadd.s32 @!p0 s3, s7;
	s7 =	simm.s32 @!p0 $0x108  }
0x21: {  	s3 =	sadd.s32 s3, s9;
	s6 =	sadd.s32 @!p0 $0x88, s6;
	s7 =	simm.s32 @p2 $0x1082  }
0x22: {  	[simem:s7], [sflag:s8] =	dma.local @!p0 [hbm:s6], $0xF7A  }
0x23: {  	s9 =	sor.u32 $0xD0000000, s2;
	s6 =	simm.s32 $0x108;
	_ =	swait.ge @!p0 [sflag:s8], $0x0  }
0x24: {  	s3 =	sadd.s32 $0x88, s3;
	s6 =	simm.s32 @!p1 $0x1082;
	[sflag:s4] =	ssyncset.s32 $0xFFFFF086  }
0x25: {  	[simem:s6], [sflag:s4] =	dma.local [hbm:s3], $0xF7A  }
0x26: {  	[smem:$0x3F91] =	sst s1;
	(tag) =	ssettag s2;
	_ =	strace s9  }
0x27: {  	s1 =	sld [smem:$0x3FA1]  }
0x28: {  	s2 =	sld [smem:$0x3FA2]  }
0x29: {  	s4 =	sld [smem:$0x3FA4]  }
0x2a: {  	p0 =	seq.s32 s5, $0x0;
	s5 =	sld [smem:$0x3FA5]  }
0x2b: {  	s6 =	sld [smem:$0x3FA6]  }
0x2c: {  	s7 =	sld [smem:$0x3FA7]  }
0x2d: {  	s3 =	simm.s32 $0x108;
	s8 =	sld [smem:$0x3FA8]  }
0x2e: {  	s3 =	simm.s32 @!p0 $0x1082;
	s9 =	sld [smem:$0x3FA9]  }
0x2f: {  	lr =	sadd.s32 s0, s3;
	s0 =	sld [smem:$0x3FA0]  }
0x30: {  	s3 =	sld [smem:$0x3FA3]  }
0x31: {  	[smem:$0x3FAC] =	sst s10  }
0x32: {  	s10 =	sld [smem:$0x3FAA];
	_ =	sdelay $0x3  }
0x33: {  	p0 =	seq.s32 s10, $0x1;
	s10 =	sld [smem:$0x3FAC];
	_ =	sdelay $0x3  }
0x34: {  	[smem:$0x3FAC] =	sst s10  }
0x35: {  	s10 =	sld [smem:$0x3FAB];
	_ =	sdelay $0x3  }
0x36: {  	p1 =	seq.s32 s10, $0x1;
	s10 =	sld [smem:$0x3FAC];
	_ =	sdelay $0x3  }
0x37: {  	[smem:$0x3FAC] =	sst s10  }
0x38: {  	s10 =	sld [smem:$0x3FAD]  }
0x39: {  	_ = 	snop;
	(pc) =	sbr.ind lr, $3  }
0x3a: {  	_ = 	snop  }
0x3b: {  	_ = 	snop  }
0x3c: {  	p2 =	seq.s32 s10, $0x1;
	s10 =	sld [smem:$0x3FAC]  }
0x3d: {  	_ =	shalt  }
0x3e: {  	_ =	shalt  }
0x3f: {  	_ =	shalt  }
0x40: {  	_ =	shalt  }
0x41: {  	_ =	shalt  }
0x42: {  	_ =	shalt  }
0x43: {  	_ =	shalt  }
0x44: {  	_ =	shalt  }
0x45: {  	_ =	shalt  }
0x46: {  	_ =	shalt  }
0x47: {  	_ =	shalt  }
0x48: {  	_ =	shalt  }
0x49: {  	_ =	shalt  }
0x4a: {  	_ =	shalt  }
0x4b: {  	_ =	shalt  }
0x4c: {  	_ =	shalt  }
0x4d: {  	_ =	shalt  }
0x4e: {  	_ =	shalt  }
0x4f: {  	_ =	shalt  }
0x50: {  	_ =	shalt  }
0x51: {  	_ =	shalt  }
0x52: {  	_ =	shalt  }
0x53: {  	_ =	shalt  }
0x54: {  	_ =	shalt  }
0x55: {  	_ =	shalt  }
0x56: {  	_ =	shalt  }
0x57: {  	_ =	shalt  }
0x58: {  	_ =	shalt  }
0x59: {  	_ =	shalt  }
0x5a: {  	_ =	shalt  }
0x5b: {  	_ =	shalt  }
0x5c: {  	_ =	shalt  }
0x5d: {  	_ =	shalt  }
0x5e: {  	_ =	shalt  }
0x5f: {  	_ =	shalt  }
0x60: {  	_ =	shalt  }
0x61: {  	_ =	shalt  }
0x62: {  	_ =	shalt  }
0x63: {  	_ =	shalt  }
0x64: {  	_ =	shalt  }
0x65: {  	_ =	shalt  }
0x66: {  	_ =	shalt  }
0x67: {  	_ =	shalt  }
0x68: {  	_ =	shalt  }
0x69: {  	_ =	shalt  }
0x6a: {  	_ =	shalt  }
0x6b: {  	_ =	shalt  }
0x6c: {  	_ =	shalt  }
0x6d: {  	_ =	shalt  }
0x6e: {  	_ =	shalt  }
0x6f: {  	_ =	shalt  }
0x70: {  	_ =	shalt  }
0x71: {  	_ =	shalt  }
0x72: {  	_ =	shalt  }
0x73: {  	_ =	shalt  }
0x74: {  	_ =	shalt  }
0x75: {  	_ =	shalt  }
0x76: {  	_ =	shalt  }
0x77: {  	_ =	shalt  }
0x78: {  	_ =	shalt  }
0x79: {  	_ =	shalt  }
0x7a: {  	_ =	shalt  }
0x7b: {  	_ =	shalt  }
0x7c: {  	_ =	shalt  }
0x7d: {  	_ =	shalt  }
0x7e: {  	_ =	shalt  }
0x7f: {  	_ =	shalt  }
0x80: {  	_ =	shalt  }
0x81: {  	_ =	shalt  }
0x82: {  	_ =	shalt  }
0x83: {  	_ =	shalt  }
0x84: {  	_ =	shalt  }
0x85: {  	_ =	shalt  }
0x86: {  	_ =	shalt  }
0x87: {  	_ =	shalt  }
.Lfunc_end0:
.L_simem_size_0:
called_computation.3_lowered:
.L_overlay_start_0:
0x88: {  	s2 =	sld [smem:$0x3FD9]  }
0x89: {  	s3 =	sld [smem:$0x3FFE];
	_ =	sdelay $0x1  }
0x8a: {  	s1 =	srdreg.scid  }
0x8b: {  	s0 =	sand.u32 $0x1, s1  }
0x8c: {  	s17 =	sshll.u32 s0, $0xA;
	s2 =	sadd.s32 s3, s2  }
0x8d: {  	s2 =	sadd.s32 s2, s17  }
0x8e: {  	[smem:$0x3FB8] =	sst s2  }
0x8f: {  	_ = 	snop  }
0x90: {  	s18 =	sld [smem:$0x3FD0];
	(tm) =	ssettm $0x1  }
0x91: {  	s19 =	sld [smem:$0x3FFB];
	_ =	sdelay $0x3  }
0x92: {  	_ =	strace s19  }
0x93: {  	s2 =	sld [smem:$0x3FFC];
	_ =	sdelay $0x3  }
0x94: {  	_ =	strace s2  }
0x95: {  	s2 =	sld [smem:$0x3FFD];
	_ =	sdelay $0x3  }
0x96: {  	_ =	strace s2  }
0x97: {  	_ =	strace $0x8FFFFFFF  }
0x98: {  	s20 =	sld [smem:$0x3FDB];
	_ =	sdelay $0x1  }
0x99: {  	s4 =	simm.s32 $_scs_section_size  }
0x9a: {  	s5 =	simm.s32 $_size__tile_overlayer_lowered;
	s6 =	simm.s32 $_tile_overlayer_lowered  }
0x9b: {  	s7 =	simm.s32 $0x1BFF;
	s21 =	sshll.u32 s6, $0x1;
	s4 =	sadd.s32 s4, s20  }
0x9c: {  	s22 =	simm.s32 $0x0;
	s5 =	sshll.u32 s5, $0x1;
	s6 =	sadd.s32 s21, s4  }
0x9d: {  	[timem:s22], [sflag:s7] =	dma.local [hbm:s6], s5  }
0x9e: {  	_ =	swait.ge [sflag:s7], s5  }
0x9f: {  	s5 =	ssub.s32 $0x0, s5;
	[sflag:s7] =	ssyncset.done $0x0  }
0xa0: {  	[sflag:s7] =	ssyncadd.s32 s5;
	_ =	sdelay $0x1  }
0xa1: {  	s23 =	simm.s32 $0x1B8B  }
0xa2: {  	_ =	swait.ge [sflag:s23], $0x1  }
0xa3: {  	[sflag:s23] =	ssyncset.done $0x0  }
0xa4: {  	[sflag:s23] =	ssyncadd.s32 $0xFFFFFFFF  }
0xa5: {  	s5 =	sld [smem:$0x0]  }
0xa6: {  	s6 =	sand.u32 $0xFFFFFFFE, s1  }
0xa7: {  	p0 =	sne.s32 s1, s6  }
0xa8: {  	s6 =	sshll.u32 @p0 s6, $0xE  }
0xa9: {  	s6 =	sadd.s32 @p0 $0x11B8D, s6;
	s7 =	sshll.u32 @p0 s5, $0x11  }
0xaa: {  	s6 =	sor.u32 @p0 s7, s6  }
0xab: {  	[sflag:s6] =	ssyncadd.remote.s32 @p0 $0x1;
	_ =	sdelay $0x1  }
0xac: {  	s6 =	simm.s32 @p0 $0x1B8D  }
0xad: {  	_ =	swait.eq @p0 [sflag:s6], $0x1  }
0xae: {  	[sflag:s6] =	ssyncadd.s32 @p0 $0xFFFFFFFF  }
0xaf: {  	s7 =	sshll.u32 @!p0 s1, $0xE  }
0xb0: {  	s7 =	sor.u32 @!p0 $0x4000, s7;
	s6 =	simm.s32 @!p0 $0x1B8D  }
0xb1: {  	s5 =	sshll.u32 @!p0 s5, $0x11;
	s7 =	sadd.s32 @!p0 $0x11B8D, s7;
	_ =	swait.eq @!p0 [sflag:s6], $0x1  }
0xb2: {  	s5 =	sor.u32 @!p0 s5, s7;
	[sflag:s6] =	ssyncadd.s32 @!p0 $0xFFFFFFFF  }
0xb3: {  	s25 =	simm.s32 $0x1B8E;
	s24 =	sld [smem:$0x3FFE];
	[sflag:s5] =	ssyncadd.remote.s32 @!p0 $0x1  }
0xb4: {  	s26 =	simm.s32 $execute0_lowered;
	[smem:$0x3FD2] =	sst s25  }
0xb5: {  	s6 =	sshll.u32 s26, $0x1;
	_ =	strace $0x8000004F;
	[dreg:$0x1] =	wrdreg $0xFFFFFFFF  }
0xb6: {  	s28 =	simm.s32 $_size_execute0_lowered;
	s4 =	sadd.s32 s4, s6;
	[dreg:$0x0] =	wrdreg $0x0  }
0xb7: {  	s6 =	sshll.u32 s28, $0x1;
	[dreg:$0x2] =	wrdreg s4  }
0xb8: {  	[dreg:$0x3] =	wrdreg s6  }
0xb9: {  	[dreg:$0x4] =	wrdreg $0xC0  }
0xba: {  	_ =	task [dreg:s22], $0x5FFFF  }
0xbb: {  	[dreg:$0x1] =	wrdreg $0xFFFFFFFF  }
0xbc: {  	[dreg:$0x0] =	wrdreg $0x60  }
0xbd: {  	[dreg:$0x2] =	wrdreg s18  }
0xbe: {  	[dreg:$0x3] =	wrdreg s24  }
0xbf: {  	[dreg:$0x4] =	wrdreg $0xA  }
0xc0: {  	_ =	task.clear_ibuf [dreg:s22], $0x5FFFF;
	_ =	strace $0x9000004F  }
0xc1: {  	s29 =	simm.s32 $0xA;
	_ =	strace $0x80000051  }
0xc2: {  	_ =	swait.ge [sflag:s29], $0x1  }
0xc3: {  	[sflag:s29] =	ssyncadd.s32 $0xFFFFFFFF  }
0xc4: {  	_ =	strace $0x90000051  }
0xc5: {  	_ =	sfence  }
0xc6: {  	s30 =	sld [smem:$0x0];
	_ =	sdelay $0x2  }
0xc7: {  	s31 =	sshll.u32 s1, $0xD;
	s1 =	sshrl.u32 s1, $0x2  }
0xc8: {  	s4 =	sand.u32 $0x4000, s31;
	s1 =	sadd.s32 s1, s30  }
0xc9: {  	s0 =	sor.u32 s4, s0;
	s1 =	sshll.u32 s1, $0x11  }
0xca: {  	s0 =	sor.u32 s1, s0  }
0xcb: {  	s0 =	sadd.s32 $0x8F2B, s0  }
0xcc: {  	[sflag:s0] =	ssyncadd.remote.s32 $0x1  }
0xcd: {  	_ =	sfence.sel $0xFFFF  }
0xce: {  	[dreg:$0x0] =	wrdreg $0xFFFFFFFF;
	(pc) =	sbr.abs _section_cstart, $3  }
0xcf: {  	[dreg:$0x1] =	wrdreg $0xFFFFFFFF  }
0xd0: {  	_ =	task.clear_ibuf [dreg:s22], $0x2FFFF;
	_ =	strace $0x9FFFFFFF  }
0xd1: {  	(tm) =	ssettm $0x7FFFFFFF  }
tec
execute0_lowered:
.L_overlay_start_1:
0x0: {  	(tag) =	ssettag $0x1  }
0x1: {  	s1 =	srdreg.scid  }
0x2: {  	s0 =	stileid.u32;
	s2 =	rddreg [dreg:$0x0]  }
0x3: {  	s4 =	rddreg [dreg:$0x1];
	s3 =	simm.s32 $0x0;
	s12 =	simm.s32 $0x5400  }
0x4: {  	s15 =	simm.s32 $0xD400;
	s16 =	simm.s32 $0x1;
	s17 =	simm.s32 $0x2  }
0x5: {  	s18 =	simm.s32 $0x4;
	s19 =	simm.s32 $0x5;
	s11 =	smul.u32 $0x140000, s0  }
0x6: {  	s6 =	sand.u32 $0x1, s1;
	s21 =	sshll.u32 s0, $0x1;
	s29 =	smul.u32 $0x28000, s0  }
0x7: {  	[smem:$0x7FF] =	sst s3;
	s10 =	sadd.s32 $0x28EE00, s4;
	s25 =	smul.u32 $0xA0000, s6  }
0x8: {  	s5 =	sor.u32 s6, s21;
	s8 =	ssub.s32 $0x2, s6;
	s6 =	smul.u32 $0x14000, s6  }
0x9: {  	s20 =	simm.s32 $0x6;
	_ =	strace $0x80000050;
	s7 =	smul.u32 $0x1400, s5  }
0xa: {  	s21 =	simm.s32 $0x7;
	s9 =	smul.u32 $0x14000, s5;
	s22 =	sshrl.u32 s8, $0x1  }
0xb: {  	s30 =	sadd.s32 s29, s10;
	s23 =	ssub.s32 s8, s22;
	s22 =	simm.s32 $0x8  }
0xc: {  	s7 =	sshrl.u32 s7, $0x3;
	s26 =	smax.u32 s23, $0x1;
	s28 =	sadd.s32 s10, s9  }
0xd: {  	s23 =	simm.s32 $0x0;
	s7 =	sadd.s32 s7, s4;
	[dreg:$0x5] =	wrdreg s26  }
0xe: {  	s8 =	sadd.s32 $0x13000, s28;
	s24 =	sadd.s32 $0x9E00, s7;
	s7 =	sadd.s32 s25, s11  }
0xf: {  	[dreg:$0x3] =	wrdreg s8;
	s8 =	sadd.s32 s6, s30;
	s11 =	simm.s32 $0x1400  }
0x10: {  	[dreg:$0x4] =	wrdreg s24;
	s31 =	sor.u32 $0xC000, s7;
	s7 =	sshrl.u32 s7, $0x3  }
0x11: {  	s9 =	sshrl.u32 s31, $0x3;
	s6 =	sadd.s32 s7, s10;
	s7 =	sadd.s32 $0x1000, s8  }
0x12: {  	s8 =	sadd.s32 s9, s10;
	s9 =	simm.s32 $0x9;
	s10 =	simm.s32 $0x80  }
.LBB2_1:
0x13: {  	s0 =	rddreg [dreg:$0x4]  }
0x14: {  	[tilespmem:s3], [sflag:$0x9] =	stream.linear.gather [hbm4b:s0+s3], $0x1400, $0x38;
	[tilespmem:$0x11400] =	vst v63  }
0x15: {  	_ =	swait.ge [sflag:s9], $0x1400  }
0x16: {  	[sflag:s9] =	ssyncset.done $0x0  }
0x17: {  	[sflag:s9] =	ssyncadd.s32 $0xFFFFEC00  }
0x18: {  	[tilespmem:s11], [sflag:$0x1] =	stream.indirect.gather [hbm4b:s2+s10], $0x80, s3, s10, $0xb8;
	[tilespmem:$0x11400] =	vst v63  }
0x19: {  	p0 =	por $0x1, $0x1  }
0x1a: {  	[tilespmem:s12], [sflag:$0x2] =	stream.indirect.gather [hbm4b:s2+s10], $0x80, s10, s10, $0xb8;
	[tilespmem:$0x11400] =	vst v63  }
0x1b: {  	s26 =	simm.s32 $0x100;
	s1 =	simm.s32 $0x9400;
	s24 =	simm.s32 @!p0 $0x8  }
0x1c: {  	[tilespmem:s1], [sflag:$0x3] =	stream.indirect.gather [hbm4b:s2+s10], $0x80, s26, s10, $0xb8;
	[tilespmem:$0x11400] =	vst v63  }
0x1d: {  	_ =	swait.ge @!p0 [sflag:s24], $0x4000  }
0x1e: {  	[sflag:s24] =	ssyncset.done @!p0 $0x0  }
0x1f: {  	s25 =	simm.s32 $0x180;
	[sflag:s24] =	ssyncadd.s32 @!p0 $0xFFFFC000  }
0x20: {  	[tilespmem:s15], [sflag:$0x4] =	stream.indirect.gather [hbm4b:s2+s10], $0x80, s25, s10, $0xb8;
	[tilespmem:$0x11400] =	vst v63  }
0x21: {  	_ =	swait.ge [sflag:s16], $0x4000  }
0x22: {  	p0 =	por $0x0, $0x0;
	[sflag:s16] =	ssyncset.done $0x0  }
0x23: {  	s24 =	simm.s32 @!p0 $0x5;
	[sflag:s16] =	ssyncadd.s32 $0xFFFFC000  }
0x24: {  	[hbm4b:s6+s3] =	stream.linear.scatter [tilespmem:s11], [sflag:$0x5], $0x4000, $0x38;
	[tilespmem:$0x11400] =	vst v63  }
0x25: {  	_ =	swait.ge @!p0 [sflag:s24], $0x4000  }
0x26: {  	s25 =	simm.s32 @!p0 $0x200;
	[sflag:s24] =	ssyncset.done @!p0 $0x0  }
0x27: {  	s26 =	simm.s32 @!p0 $0x80;
	s28 =	simm.s32 @!p0 $0x1400;
	[sflag:s24] =	ssyncadd.s32 @!p0 $0xFFFFC000  }
0x28: {  	[tilespmem:s28], [sflag:$0x1] =	stream.indirect.gather @!p0 [hbm4b:s2+s26], $0x80, s25, s26, $0xb8;
	[tilespmem:$0x11400] =	vst v63  }
0x29: {  	_ =	swait.ge [sflag:s17], $0x4000  }
0x2a: {  	[sflag:s17] =	ssyncset.done $0x0  }
0x2b: {  	s31 =	sadd.s32 $0xFFFFF800, s7;
	s25 =	simm.s32 @p0 $0x3;
	[sflag:s17] =	ssyncadd.s32 $0xFFFFC000  }
0x2c: {  	[hbm4b:s31+s3] =	stream.linear.scatter [tilespmem:s12], [sflag:$0x6], $0x4000, $0x38;
	[tilespmem:$0x11400] =	vst v63  }
0x2d: {  	_ =	swait.ge @p0 [sflag:s25], $0x4000  }
0x2e: {  	s29 =	simm.s32 @!p0 $0x6;
	s28 =	simm.s32 @p0 $0x9400;
	[sflag:s25] =	ssyncset.done @p0 $0x0  }
0x2f: {  	s24 =	rddreg [dreg:$0x3];
	[sflag:s25] =	ssyncadd.s32 @p0 $0xFFFFC000;
	s25 =	simm.s32 @p0 $0x0  }
0x30: {  	[hbm4b:s24+s25] =	stream.linear.scatter @p0 [tilespmem:s28], [sflag:$0x7], $0x4000, $0x38;
	[tilespmem:$0x11400] =	vst v63  }
0x31: {  	_ =	swait.ge @!p0 [sflag:s29], $0x4000  }
0x32: {  	s24 =	simm.s32 @!p0 $0x280;
	[sflag:s29] =	ssyncset.done @!p0 $0x0  }
0x33: {  	s25 =	simm.s32 @!p0 $0x5400;
	s28 =	simm.s32 @!p0 $0x3;
	[sflag:s29] =	ssyncadd.s32 @!p0 $0xFFFFC000  }
0x34: {  	[tilespmem:s25], [sflag:$0x2] =	stream.indirect.gather @!p0 [hbm4b:s2+s26], $0x80, s24, s26, $0xb8;
	[tilespmem:$0x11400] =	vst v63  }
0x35: {  	_ =	swait.ge @!p0 [sflag:s28], $0x4000  }
0x36: {  	s29 =	simm.s32 @!p0 $0x7;
	[sflag:s28] =	ssyncset.done @!p0 $0x0  }
0x37: {  	s24 =	simm.s32 @!p0 $0x0;
	s25 =	simm.s32 @!p0 $0x9400;
	[sflag:s28] =	ssyncadd.s32 @!p0 $0xFFFFC000  }
0x38: {  	[hbm4b:s7+s24] =	stream.linear.scatter @!p0 [tilespmem:s25], [sflag:$0x7], $0x4000, $0x38;
	[tilespmem:$0x11400] =	vst v63  }
0x39: {  	_ =	swait.ge @!p0 [sflag:s29], $0x4000  }
0x3a: {  	p1 =	por $0x0, $0x0;
	[sflag:s29] =	ssyncset.done @!p0 $0x0  }
0x3b: {  	s30 =	smov.u32 s8;
	s24 =	simm.s32 @!p0 $0x300;
	[sflag:s29] =	ssyncadd.s32 @!p0 $0xFFFFC000  }
0x3c: {  	[tilespmem:s25], [sflag:$0x3] =	stream.indirect.gather @!p0 [hbm4b:s2+s26], $0x80, s24, s26, $0xb8;
	[tilespmem:$0x11400] =	vst v63  }
0x3d: {  	s28 =	simm.s32 $0x800;
	s29 =	simm.s32 $0x1000;
	s25 =	sadd.s32 $0x2000, s7  }
0x3e: {  	s24 =	sadd.s32 $0x2000, s8;
	s26 =	sadd.s32 $0x2000, s6;
	_ =	swait.ge [sflag:s18], $0x4000  }
.LBB2_2:
0x3f: {  	[sflag:s18] =	ssyncset.done $0x0  }
0x40: {  	s31 =	simm.s32 @!p1 $0x8;
	[sflag:s18] =	ssyncadd.s32 $0xFFFFC000  }
0x41: {  	[hbm4b:s30+s3] =	stream.linear.scatter [tilespmem:s15], [sflag:$0x8], $0x4000, $0x38;
	[tilespmem:$0x11400] =	vst v63  }
0x42: {  	_ =	swait.ge @!p1 [sflag:s31], $0x4000  }
0x43: {  	s0 =	sshra.s32 s28, $0x2;
	[sflag:s31] =	ssyncset.done @!p1 $0x0  }
0x44: {  	s0 =	sadd.s32 $0x180, s0;
	[sflag:s31] =	ssyncadd.s32 @!p1 $0xFFFFC000  }
0x45: {  	[tilespmem:s15], [sflag:$0x4] =	stream.indirect.gather [hbm4b:s2+s10], $0x80, s0, s10, $0xb8;
	[tilespmem:$0x11400] =	vst v63  }
0x46: {  	_ =	swait.ge [sflag:s16], $0x4000  }
0x47: {  	p1 =	seq.s32 s28, $0x4800;
	[sflag:s16] =	ssyncset.done $0x0  }
0x48: {  	s0 =	simm.s32 @!p1 $0x5;
	[sflag:s16] =	ssyncadd.s32 $0xFFFFC000  }
0x49: {  	[hbm4b:s26+s3] =	stream.linear.scatter [tilespmem:s11], [sflag:$0x5], $0x4000, $0x38;
	[tilespmem:$0x11400] =	vst v63  }
0x4a: {  	_ =	swait.ge @!p1 [sflag:s0], $0x4000  }
0x4b: {  	s28 =	sshra.s32 @!p1 s28, $0x2;
	s14 =	simm.s32 @!p1 $0x80;
	[sflag:s0] =	ssyncset.done @!p1 $0x0  }
0x4c: {  	s4 =	simm.s32 @!p1 $0x1400;
	s31 =	sadd.s32 @!p1 $0x200, s28;
	[sflag:s0] =	ssyncadd.s32 @!p1 $0xFFFFC000  }
0x4d: {  	[tilespmem:s4], [sflag:$0x1] =	stream.indirect.gather @!p1 [hbm4b:s2+s14], $0x80, s31, s14, $0xb8;
	[tilespmem:$0x11400] =	vst v63  }
0x4e: {  	_ =	swait.ge [sflag:s17], $0x4000  }
0x4f: {  	s1 =	smov.u32 s29;
	s5 =	simm.s32 @!p1 $0x6;
	[sflag:s17] =	ssyncset.done $0x0  }
0x50: {  	s31 =	sadd.s32 $0xFFFFF800, s25;
	s4 =	simm.s32 @p1 $0x3;
	[sflag:s17] =	ssyncadd.s32 $0xFFFFC000  }
0x51: {  	[hbm4b:s31+s3] =	stream.linear.scatter [tilespmem:s12], [sflag:$0x6], $0x4000, $0x38;
	[tilespmem:$0x11400] =	vst v63  }
0x52: {  	s13 =	sadd.s32 @!p1 $0x280, s28;
	s0 =	sadd.s32 @!p1 $0x300, s28;
	_ =	swait.ge @p1 [sflag:s4], $0x4000  }
0x53: {  	s28 =	smov.u32 s1;
	s31 =	simm.s32 @p1 $0x9400;
	[sflag:s4] =	ssyncset.done @p1 $0x0  }
0x54: {  	s1 =	rddreg [dreg:$0x3];
	[sflag:s4] =	ssyncadd.s32 @p1 $0xFFFFC000;
	s4 =	simm.s32 @p1 $0x0  }
0x55: {  	[hbm4b:s1+s4] =	stream.linear.scatter @p1 [tilespmem:s31], [sflag:$0x7], $0x4000, $0x38;
	[tilespmem:$0x11400] =	vst v63  }
0x56: {  	_ =	swait.ge @!p1 [sflag:s5], $0x4000  }
0x57: {  	[sflag:s5] =	ssyncset.done @!p1 $0x0  }
0x58: {  	s1 =	simm.s32 @!p1 $0x5400;
	s4 =	simm.s32 @!p1 $0x3;
	[sflag:s5] =	ssyncadd.s32 @!p1 $0xFFFFC000  }
0x59: {  	[tilespmem:s1], [sflag:$0x2] =	stream.indirect.gather @!p1 [hbm4b:s2+s14], $0x80, s13, s14, $0xb8;
	[tilespmem:$0x11400] =	vst v63  }
0x5a: {  	s29 =	sadd.s32 $0x800, s29;
	_ =	swait.ge @!p1 [sflag:s4], $0x4000  }
0x5b: {  	p0 =	sne.s32 s29, $0x5000;
	s5 =	simm.s32 @!p1 $0x9400;
	[sflag:s4] =	ssyncset.done @!p1 $0x0  }
0x5c: {  	s1 =	simm.s32 @!p1 $0x0;
	[sflag:s4] =	ssyncadd.s32 @!p1 $0xFFFFC000;
	s4 =	simm.s32 @!p1 $0x7  }
0x5d: {  	[hbm4b:s25+s1] =	stream.linear.scatter @!p1 [tilespmem:s5], [sflag:$0x7], $0x4000, $0x38;
	[tilespmem:$0x11400] =	vst v63  }
.Ltmp0:
0x5e: {  	_ =	swait.ge @!p1 [sflag:s4], $0x4000;
	(pc) =	sbr.rel @p0 .LBB2_2-.Ltmp0, $4  }
0x5f: {  	s30 =	smov.u32 s24;
	[sflag:s4] =	ssyncset.done @!p1 $0x0  }
0x60: {  	s24 =	sadd.s32 $0x2000, s24;
	s26 =	sadd.s32 $0x2000, s26;
	[sflag:s4] =	ssyncadd.s32 @!p1 $0xFFFFC000  }
0x61: {  	[tilespmem:s5], [sflag:$0x3] =	stream.indirect.gather @!p1 [hbm4b:s2+s14], $0x80, s0, s14, $0xb8;
	[tilespmem:$0x11400] =	vst v63  }
0x62: {  	s25 =	sadd.s32 $0x2000, s25;
	p1 =	seq.s32 s28, $0x0;
	_ =	swait.ge [sflag:s18], $0x4000  }
0x63: {  	[sflag:s18] =	ssyncset.done $0x0  }
0x64: {  	s0 =	simm.s32 @!p1 $0x8;
	[sflag:s18] =	ssyncadd.s32 $0xFFFFC000  }
0x65: {  	[hbm4b:s30+s3] =	stream.linear.scatter [tilespmem:s15], [sflag:$0x8], $0x4000, $0x38;
	[tilespmem:$0x11400] =	vst v63  }
0x66: {  	_ =	swait.ge @!p1 [sflag:s0], $0x4000  }
0x67: {  	s1 =	sshra.s32 s28, $0x2;
	[sflag:s0] =	ssyncset.done @!p1 $0x0  }
0x68: {  	s1 =	sadd.s32 $0x180, s1;
	[sflag:s0] =	ssyncadd.s32 @!p1 $0xFFFFC000  }
0x69: {  	[tilespmem:s15], [sflag:$0x4] =	stream.indirect.gather [hbm4b:s2+s10], $0x80, s1, s10, $0xb8;
	[tilespmem:$0x11400] =	vst v63  }
0x6a: {  	_ =	swait.ge [sflag:s16], $0x4000  }
0x6b: {  	p0 =	seq.s32 s28, $0x4800;
	[sflag:s16] =	ssyncset.done $0x0  }
0x6c: {  	s0 =	simm.s32 @!p0 $0x5;
	[sflag:s16] =	ssyncadd.s32 $0xFFFFC000  }
0x6d: {  	[hbm4b:s26+s3] =	stream.linear.scatter [tilespmem:s11], [sflag:$0x5], $0x4000, $0x38;
	[tilespmem:$0x11400] =	vst v63  }
0x6e: {  	_ =	swait.ge @!p0 [sflag:s0], $0x4000  }
0x6f: {  	s5 =	simm.s32 @!p0 $0x80;
	s1 =	sshra.s32 @!p0 s28, $0x2;
	[sflag:s0] =	ssyncset.done @!p0 $0x0  }
0x70: {  	s13 =	simm.s32 @!p0 $0x1400;
	s4 =	sadd.s32 @!p0 $0x200, s1;
	[sflag:s0] =	ssyncadd.s32 @!p0 $0xFFFFC000  }
0x71: {  	[tilespmem:s13], [sflag:$0x1] =	stream.indirect.gather @!p0 [hbm4b:s2+s5], $0x80, s4, s5, $0xb8;
	[tilespmem:$0x11400] =	vst v63  }
0x72: {  	_ =	swait.ge [sflag:s17], $0x4000  }
0x73: {  	[sflag:s17] =	ssyncset.done $0x0  }
0x74: {  	s30 =	sadd.s32 $0xFFFFF800, s25;
	s4 =	simm.s32 @p0 $0x3;
	[sflag:s17] =	ssyncadd.s32 $0xFFFFC000  }
0x75: {  	[hbm4b:s30+s3] =	stream.linear.scatter [tilespmem:s12], [sflag:$0x6], $0x4000, $0x38;
	[tilespmem:$0x11400] =	vst v63  }
0x76: {  	_ =	swait.ge @p0 [sflag:s4], $0x4000  }
0x77: {  	s14 =	simm.s32 @!p0 $0x6;
	s13 =	simm.s32 @p0 $0x9400;
	[sflag:s4] =	ssyncset.done @p0 $0x0  }
0x78: {  	s0 =	rddreg [dreg:$0x3];
	[sflag:s4] =	ssyncadd.s32 @p0 $0xFFFFC000;
	s4 =	simm.s32 @p0 $0x0  }
0x79: {  	[hbm4b:s0+s4] =	stream.linear.scatter @p0 [tilespmem:s13], [sflag:$0x7], $0x4000, $0x38;
	[tilespmem:$0x11400] =	vst v63  }
0x7a: {  	_ =	swait.ge @!p0 [sflag:s14], $0x4000  }
0x7b: {  	s0 =	sadd.s32 @!p0 $0x280, s1;
	[sflag:s14] =	ssyncset.done @!p0 $0x0  }
0x7c: {  	s4 =	simm.s32 @!p0 $0x5400;
	s13 =	simm.s32 @!p0 $0x3;
	[sflag:s14] =	ssyncadd.s32 @!p0 $0xFFFFC000  }
0x7d: {  	[tilespmem:s4], [sflag:$0x2] =	stream.indirect.gather @!p0 [hbm4b:s2+s5], $0x80, s0, s5, $0xb8;
	[tilespmem:$0x11400] =	vst v63  }
0x7e: {  	_ =	swait.ge @!p0 [sflag:s13], $0x4000  }
0x7f: {  	s0 =	simm.s32 @!p0 $0x0;
	[sflag:s13] =	ssyncset.done @!p0 $0x0  }
0x80: {  	s4 =	simm.s32 @!p0 $0x9400;
	[sflag:s13] =	ssyncadd.s32 @!p0 $0xFFFFC000;
	s13 =	simm.s32 @!p0 $0x7  }
0x81: {  	[hbm4b:s25+s0] =	stream.linear.scatter @!p0 [tilespmem:s4], [sflag:$0x7], $0x4000, $0x38;
	[tilespmem:$0x11400] =	vst v63  }
0x82: {  	_ =	swait.ge @!p0 [sflag:s13], $0x4000  }
0x83: {  	[sflag:s13] =	ssyncset.done @!p0 $0x0  }
0x84: {  	s0 =	sadd.s32 @!p0 $0x300, s1;
	[sflag:s13] =	ssyncadd.s32 @!p0 $0xFFFFC000  }
0x85: {  	[tilespmem:s4], [sflag:$0x3] =	stream.indirect.gather @!p0 [hbm4b:s2+s5], $0x80, s0, s5, $0xb8;
	[tilespmem:$0x11400] =	vst v63  }
0x86: {  	_ =	swait.ge [sflag:s18], $0x4000  }
0x87: {  	[sflag:s18] =	ssyncset.done $0x0  }
0x88: {  	[sflag:s18] =	ssyncadd.s32 $0xFFFFC000  }
0x89: {  	[hbm4b:s24+s3] =	stream.linear.scatter [tilespmem:s15], [sflag:$0x8], $0x4000, $0x38;
	[tilespmem:$0x11400] =	vst v63  }
0x8a: {  	_ =	swait.ge [sflag:s19], $0x4000  }
0x8b: {  	[sflag:s19] =	ssyncset.done $0x0  }
0x8c: {  	[sflag:s19] =	ssyncadd.s32 $0xFFFFC000  }
0x8d: {  	_ =	swait.ge [sflag:s20], $0x4000  }
0x8e: {  	[sflag:s20] =	ssyncset.done $0x0  }
0x8f: {  	[sflag:s20] =	ssyncadd.s32 $0xFFFFC000  }
0x90: {  	_ =	swait.ge [sflag:s21], $0x4000  }
0x91: {  	[sflag:s21] =	ssyncset.done $0x0  }
0x92: {  	[sflag:s21] =	ssyncadd.s32 $0xFFFFC000  }
0x93: {  	_ =	swait.ge [sflag:s22], $0x4000  }
0x94: {  	s23 =	sadd.s32 $0x1, s23;
	s31 =	rddreg [dreg:$0x5]  }
0x95: {  	p0 =	sne.s32 s23, s31  }
.Ltmp1:
0x96: {  	_ = 	snop;
	(pc) =	sbr.rel @p0 .LBB2_1-.Ltmp1, $3  }
0x97: {  	_ =	sdelay $0x1  }
0x98: {  	[sflag:s22] =	ssyncset.done $0x0  }
0x99: {  	[sflag:s22] =	ssyncadd.s32 $0xFFFFC000  }
0x9a: {  	_ =	sfence.sel $0x180000  }
0x9b: {  	[bflag:$0x0] =	sbarrier.arrive $0xFFFF  }
0x9c: {  	_ =	strace $0x90000050  }
0x9d: {  	s0 =	stileid.u32;
	[bflag:$0x2] =	sbarrier.arrive $0xFFFF  }
0x9e: {  	p0 =	sne.s32 s0, $0x0;
	s0 =	rddreg [dreg:$0x2]  }
0x9f: {  	s0 =	sadd.s32 @!p0 $0x100000, s0  }
0xa0: {  	[sflag:s0] =	ssyncadd.tile.s32 @!p0 $0x1;
	_ =	shalt  }
.Lfunc_end2:
_tile_overlayer_lowered:
.L_overlay_start_2:
0xa1: {  	(tag) =	ssettag $0x2  }
0xa2: {  	s0 =	rddreg [dreg:$0x0];
	s2 =	stileid.u32  }
0xa3: {  	s1 =	rddreg [dreg:$0x1];
	p0 =	sne.s32 s2, $0x0  }
0xa4: {  	s3 =	rddreg [dreg:$0x2];
	[bflag:$0x3] =	sbarrier.arrive $0xFFFF;
	s2 =	simm.s32 @!p0 $0x1C09  }
0xa5: {  	[timem:s3], [sflag:s2] =	dma.local @!p0 [hbm:s0], s1  }
0xa6: {  	s0 =	simm.s32 @!p0 $0x9  }
0xa7: {  	_ =	swait.ge @!p0 [sflag:s0], s1  }
0xa8: {  	s1 =	ssub.s32 @!p0 $0x0, s1;
	[sflag:s0] =	ssyncset.done @!p0 $0x0  }
0xa9: {  	[sflag:s0] =	ssyncadd.s32 @!p0 s1  }
0xaa: {  	[bflag:$0x3] =	sbarrier.arrive $0xFFFF  }
0xab: {  	_ =	shalt  }

// kernel: kernel.27.cloned.1.call-start
scs
__scs_entry_jumppad:
0x0: {  	(pc) =	sbr.rel $0x88, $3  }
0x1: {  	(tag) =	ssettag $0x0;
	lr =	simm.s32 $0x1  }
0x2: {  	[smem:$0x3F91] =	sst lr;
	_ =	strace $0xD0000000  }
0x3: {  	_ = 	snop  }
0x4: {  	_ = 	snop  }
0x5: {  	_ = 	snop  }
0x6: {  	_ = 	snop  }
0x7: {  	_ = 	snop  }
__scs_overlays_trampoline_lowered:
0x8: {  	[smem:$0x3FA0] =	sst s0  }
0x9: {  	[smem:$0x3FA1] =	sst s1  }
0xa: {  	[smem:$0x3FA2] =	sst s2  }
0xb: {  	[smem:$0x3FA3] =	sst s3  }
0xc: {  	[smem:$0x3FA4] =	sst s4  }
0xd: {  	[smem:$0x3FA5] =	sst s5  }
0xe: {  	[smem:$0x3FA6] =	sst s6  }
0xf: {  	[smem:$0x3FA7] =	sst s7  }
0x10: {  	[smem:$0x3FA8] =	sst s8  }
0x11: {  	[smem:$0x3FA9] =	sst s9;
	s0 =	simm.s32 @!p0 $0x0  }
0x12: {  	s1 =	sld [smem:$0x3F8F];
	s0 =	simm.s32 @p0 $0x1  }
0x13: {  	[smem:$0x3FAA] =	sst s0;
	s0 =	simm.s32 @!p1 $0x0  }
0x14: {  	s2 =	sld [smem:$0x3F8E];
	s0 =	simm.s32 @p1 $0x1  }
0x15: {  	[smem:$0x3FAB] =	sst s0;
	s0 =	simm.s32 @!p2 $0x0  }
0x16: {  	s3 =	sld [smem:$0x3FDB];
	s0 =	simm.s32 @p2 $0x1  }
0x17: {  	s4 =	simm.s32 $0x1BF5;
	[smem:$0x3FAD] =	sst s0  }
0x18: {  	s0 =	sld [smem:$0x3F90];
	_ =	swait.ge [sflag:s4], $0x0  }
0x19: {  	s7 =	sld [smem:$0x3F91]  }
0x1a: {  	s8 =	sadd.s32 $0xFFFFE003, lr  }
0x1b: {  	s9 =	sadd.s32 $0xFFFFFEF7, lr;
	s5 =	simm.s32 $0xFFFFFFFF;
	p2 =	slt.u32 s8, $0xFFFFF086  }
0x1c: {  	p1 =	slt.u32 s9, $0xF7A;
	s5 =	simm.s32 @!p2 $0x0  }
0x1d: {  	s5 =	simm.s32 @p1 $0x1;
	p0 =	seq.s32 s7, s2  }
0x1e: {  	s7 =	smul.u32 @!p0 $0xF7A, s2;
	p2 =	seq.s32 @!p0 s5, $0x0  }
0x1f: {  	s9 =	smul.u32 $0xF7A, s1;
	s8 =	simm.s32 @!p0 $0x1BF5;
	p2 =	por !p2, p0  }
0x20: {  	[sflag:s8] =	ssyncset.s32 @!p0 $0xFFFFF086;
	s6 =	sadd.s32 @!p0 s3, s7;
	s7 =	simm.s32 @!p0 $0x108  }
0x21: {  	s3 =	sadd.s32 s3, s9;
	s6 =	sadd.s32 @!p0 $0x88, s6;
	s7 =	simm.s32 @p2 $0x1082  }
0x22: {  	[simem:s7], [sflag:s8] =	dma.local @!p0 [hbm:s6], $0xF7A  }
0x23: {  	s9 =	sor.u32 $0xD0000000, s2;
	s6 =	simm.s32 $0x108;
	_ =	swait.ge @!p0 [sflag:s8], $0x0  }
0x24: {  	s3 =	sadd.s32 $0x88, s3;
	s6 =	simm.s32 @!p1 $0x1082;
	[sflag:s4] =	ssyncset.s32 $0xFFFFF086  }
0x25: {  	[simem:s6], [sflag:s4] =	dma.local [hbm:s3], $0xF7A  }
0x26: {  	[smem:$0x3F91] =	sst s1;
	(tag) =	ssettag s2;
	_ =	strace s9  }
0x27: {  	s1 =	sld [smem:$0x3FA1]  }
0x28: {  	s2 =	sld [smem:$0x3FA2]  }
0x29: {  	s4 =	sld [smem:$0x3FA4]  }
0x2a: {  	p0 =	seq.s32 s5, $0x0;
	s5 =	sld [smem:$0x3FA5]  }
0x2b: {  	s6 =	sld [smem:$0x3FA6]  }
0x2c: {  	s7 =	sld [smem:$0x3FA7]  }
0x2d: {  	s3 =	simm.s32 $0x108;
	s8 =	sld [smem:$0x3FA8]  }
0x2e: {  	s3 =	simm.s32 @!p0 $0x1082;
	s9 =	sld [smem:$0x3FA9]  }
0x2f: {  	lr =	sadd.s32 s0, s3;
	s0 =	sld [smem:$0x3FA0]  }
0x30: {  	s3 =	sld [smem:$0x3FA3]  }
0x31: {  	[smem:$0x3FAC] =	sst s10  }
0x32: {  	s10 =	sld [smem:$0x3FAA];
	_ =	sdelay $0x3  }
0x33: {  	p0 =	seq.s32 s10, $0x1;
	s10 =	sld [smem:$0x3FAC];
	_ =	sdelay $0x3  }
0x34: {  	[smem:$0x3FAC] =	sst s10  }
0x35: {  	s10 =	sld [smem:$0x3FAB];
	_ =	sdelay $0x3  }
0x36: {  	p1 =	seq.s32 s10, $0x1;
	s10 =	sld [smem:$0x3FAC];
	_ =	sdelay $0x3  }
0x37: {  	[smem:$0x3FAC] =	sst s10  }
0x38: {  	s10 =	sld [smem:$0x3FAD]  }
0x39: {  	_ = 	snop;
	(pc) =	sbr.ind lr, $3  }
0x3a: {  	_ = 	snop  }
0x3b: {  	_ = 	snop  }
0x3c: {  	p2 =	seq.s32 s10, $0x1;
	s10 =	sld [smem:$0x3FAC]  }
0x3d: {  	_ =	shalt  }
0x3e: {  	_ =	shalt  }
0x3f: {  	_ =	shalt  }
0x40: {  	_ =	shalt  }
0x41: {  	_ =	shalt  }
0x42: {  	_ =	shalt  }
0x43: {  	_ =	shalt  }
0x44: {  	_ =	shalt  }
0x45: {  	_ =	shalt  }
0x46: {  	_ =	shalt  }
0x47: {  	_ =	shalt  }
0x48: {  	_ =	shalt  }
0x49: {  	_ =	shalt  }
0x4a: {  	_ =	shalt  }
0x4b: {  	_ =	shalt  }
0x4c: {  	_ =	shalt  }
0x4d: {  	_ =	shalt  }
0x4e: {  	_ =	shalt  }
0x4f: {  	_ =	shalt  }
0x50: {  	_ =	shalt  }
0x51: {  	_ =	shalt  }
0x52: {  	_ =	shalt  }
0x53: {  	_ =	shalt  }
0x54: {  	_ =	shalt  }
0x55: {  	_ =	shalt  }
0x56: {  	_ =	shalt  }
0x57: {  	_ =	shalt  }
0x58: {  	_ =	shalt  }
0x59: {  	_ =	shalt  }
0x5a: {  	_ =	shalt  }
0x5b: {  	_ =	shalt  }
0x5c: {  	_ =	shalt  }
0x5d: {  	_ =	shalt  }
0x5e: {  	_ =	shalt  }
0x5f: {  	_ =	shalt  }
0x60: {  	_ =	shalt  }
0x61: {  	_ =	shalt  }
0x62: {  	_ =	shalt  }
0x63: {  	_ =	shalt  }
0x64: {  	_ =	shalt  }
0x65: {  	_ =	shalt  }
0x66: {  	_ =	shalt  }
0x67: {  	_ =	shalt  }
0x68: {  	_ =	shalt  }
0x69: {  	_ =	shalt  }
0x6a: {  	_ =	shalt  }
0x6b: {  	_ =	shalt  }
0x6c: {  	_ =	shalt  }
0x6d: {  	_ =	shalt  }
0x6e: {  	_ =	shalt  }
0x6f: {  	_ =	shalt  }
0x70: {  	_ =	shalt  }
0x71: {  	_ =	shalt  }
0x72: {  	_ =	shalt  }
0x73: {  	_ =	shalt  }
0x74: {  	_ =	shalt  }
0x75: {  	_ =	shalt  }
0x76: {  	_ =	shalt  }
0x77: {  	_ =	shalt  }
0x78: {  	_ =	shalt  }
0x79: {  	_ =	shalt  }
0x7a: {  	_ =	shalt  }
0x7b: {  	_ =	shalt  }
0x7c: {  	_ =	shalt  }
0x7d: {  	_ =	shalt  }
0x7e: {  	_ =	shalt  }
0x7f: {  	_ =	shalt  }
0x80: {  	_ =	shalt  }
0x81: {  	_ =	shalt  }
0x82: {  	_ =	shalt  }
0x83: {  	_ =	shalt  }
0x84: {  	_ =	shalt  }
0x85: {  	_ =	shalt  }
0x86: {  	_ =	shalt  }
0x87: {  	_ =	shalt  }
.Lfunc_end0:
.L_simem_size_0:
called_computation.4_lowered:
.L_overlay_start_0:
0x88: {  	s2 =	sld [smem:$0x3FD9]  }
0x89: {  	s3 =	sld [smem:$0x3FFE];
	_ =	sdelay $0x1  }
0x8a: {  	s1 =	srdreg.scid  }
0x8b: {  	s0 =	sand.u32 $0x1, s1  }
0x8c: {  	s17 =	sshll.u32 s0, $0xA;
	s2 =	sadd.s32 s3, s2  }
0x8d: {  	s2 =	sadd.s32 s2, s17  }
0x8e: {  	[smem:$0x3FB8] =	sst s2  }
0x8f: {  	_ = 	snop  }
0x90: {  	s2 =	sld [smem:$0x3FD0];
	(tm) =	ssettm $0x1  }
0x91: {  	s18 =	sld [smem:$0x3FFB];
	_ =	sdelay $0x3  }
0x92: {  	_ =	strace s18  }
0x93: {  	s3 =	sld [smem:$0x3FFC];
	_ =	sdelay $0x3  }
0x94: {  	_ =	strace s3  }
0x95: {  	s3 =	sld [smem:$0x3FFD];
	_ =	sdelay $0x3  }
0x96: {  	_ =	strace s3  }
0x97: {  	_ =	strace $0x8FFFFFFF  }
0x98: {  	s19 =	sld [smem:$0x3FDB];
	_ =	sdelay $0x1  }
0x99: {  	s4 =	simm.s32 $_scs_section_size  }
0x9a: {  	s5 =	simm.s32 $_size__tile_overlayer_lowered;
	s6 =	simm.s32 $_tile_overlayer_lowered  }
0x9b: {  	s22 =	simm.s32 $0x1BFF;
	s21 =	sshll.u32 s6, $0x1;
	s3 =	sadd.s32 s4, s19  }
0x9c: {  	s7 =	simm.s32 $0x0;
	s20 =	sshll.u32 s5, $0x1;
	s5 =	sadd.s32 s21, s3  }
0x9d: {  	[timem:s7], [sflag:s22] =	dma.local [hbm:s5], s20  }
0x9e: {  	_ =	swait.ge [sflag:s22], s20  }
0x9f: {  	s4 =	ssub.s32 $0x0, s20;
	[sflag:s22] =	ssyncset.done $0x0  }
0xa0: {  	[sflag:s22] =	ssyncadd.s32 s4;
	_ =	sdelay $0x1  }
0xa1: {  	s23 =	simm.s32 $0x1B8B  }
0xa2: {  	_ =	swait.ge [sflag:s23], $0x1  }
0xa3: {  	[sflag:s23] =	ssyncset.done $0x0  }
0xa4: {  	s25 =	simm.s32 $0x1B8E;
	s24 =	sld [smem:$0x3FFE];
	[sflag:s23] =	ssyncadd.s32 $0xFFFFFFFF  }
0xa5: {  	s26 =	simm.s32 $execute0_lowered;
	[smem:$0x3FD2] =	sst s25  }
0xa6: {  	s5 =	sshll.u32 s26, $0x1;
	_ =	strace $0x80000052;
	[dreg:$0x1] =	wrdreg $0xFFFFFFFF  }
0xa7: {  	s28 =	simm.s32 $_size_execute0_lowered;
	s3 =	sadd.s32 s3, s5;
	[dreg:$0x0] =	wrdreg $0x0  }
0xa8: {  	s5 =	sshll.u32 s28, $0x1;
	[dreg:$0x2] =	wrdreg s3  }
0xa9: {  	[dreg:$0x3] =	wrdreg s5  }
0xaa: {  	[dreg:$0x4] =	wrdreg $0xC0  }
0xab: {  	_ =	task [dreg:s7], $0x5FFFF  }
0xac: {  	[dreg:$0x1] =	wrdreg $0xFFFFFFFF  }
0xad: {  	[dreg:$0x0] =	wrdreg $0x60  }
0xae: {  	[dreg:$0x2] =	wrdreg s2  }
0xaf: {  	[dreg:$0x3] =	wrdreg s24  }
0xb0: {  	[dreg:$0x4] =	wrdreg $0x9  }
0xb1: {  	_ =	task.clear_ibuf [dreg:s7], $0x5FFFF;
	_ =	strace $0x90000052  }
0xb2: {  	s29 =	simm.s32 $0x9;
	_ =	strace $0x80000054  }
0xb3: {  	_ =	swait.ge [sflag:s29], $0x1  }
0xb4: {  	[sflag:s29] =	ssyncadd.s32 $0xFFFFFFFF  }
0xb5: {  	_ =	strace $0x90000054  }
0xb6: {  	_ =	sfence  }
0xb7: {  	s30 =	sld [smem:$0x0];
	_ =	sdelay $0x2  }
0xb8: {  	s31 =	sshll.u32 s1, $0xD;
	s1 =	sshrl.u32 s1, $0x2  }
0xb9: {  	s3 =	sand.u32 $0x4000, s31;
	s1 =	sadd.s32 s1, s30  }
0xba: {  	s0 =	sor.u32 s3, s0;
	s1 =	sshll.u32 s1, $0x11  }
0xbb: {  	s0 =	sor.u32 s1, s0  }
0xbc: {  	s0 =	sadd.s32 $0x8F2B, s0  }
0xbd: {  	[sflag:s0] =	ssyncadd.remote.s32 $0x1  }
0xbe: {  	_ =	sfence.sel $0xFFFF  }
0xbf: {  	[dreg:$0x0] =	wrdreg $0xFFFFFFFF;
	(pc) =	sbr.abs _section_cstart, $3  }
0xc0: {  	[dreg:$0x1] =	wrdreg $0xFFFFFFFF  }
0xc1: {  	_ =	task.clear_ibuf [dreg:s7], $0x2FFFF;
	_ =	strace $0x9FFFFFFF  }
0xc2: {  	(tm) =	ssettm $0x7FFFFFFF  }
0xc3: {  	_ =	shalt  }
tec
execute0_lowered:
.L_overlay_start_1:
0x0: {  	(tag) =	ssettag $0x1  }
0x1: {  	s1 =	srdreg.scid  }
0x2: {  	s0 =	stileid.u32;
	s2 =	rddreg [dreg:$0x0]  }
0x3: {  	s4 =	rddreg [dreg:$0x1];
	s3 =	simm.s32 $0x0;
	s12 =	simm.s32 $0x5400  }
0x4: {  	s15 =	simm.s32 $0xD400;
	s16 =	simm.s32 $0x1;
	s17 =	simm.s32 $0x2  }
0x5: {  	s18 =	simm.s32 $0x4;
	s19 =	simm.s32 $0x5;
	s11 =	smul.u32 $0x140000, s0  }
0x6: {  	s20 =	simm.s32 $0x6;
	s6 =	sand.u32 $0x1, s1;
	s29 =	smul.u32 $0x28000, s0  }
0x7: {  	s21 =	sshll.u32 s0, $0x1;
	[smem:$0x7FF] =	sst s3;
	s25 =	smul.u32 $0xA0000, s6  }
0x8: {  	s5 =	sor.u32 s6, s21;
	s8 =	ssub.s32 $0x2, s6;
	s6 =	smul.u32 $0x14000, s6  }
0x9: {  	s10 =	sadd.s32 $0xEE00, s4;
	_ =	strace $0x80000053;
	s7 =	smul.u32 $0x1400, s5  }
0xa: {  	s21 =	simm.s32 $0x7;
	s9 =	smul.u32 $0x14000, s5;
	s22 =	sshrl.u32 s8, $0x1  }
0xb: {  	s30 =	sadd.s32 s29, s10;
	s23 =	ssub.s32 s8, s22;
	s22 =	simm.s32 $0x8  }
0xc: {  	s7 =	sshrl.u32 s7, $0x3;
	s26 =	smax.u32 s23, $0x1;
	s28 =	sadd.s32 s10, s9  }
0xd: {  	s23 =	simm.s32 $0x0;
	s7 =	sadd.s32 s7, s4;
	[dreg:$0x5] =	wrdreg s26  }
0xe: {  	s8 =	sadd.s32 $0x13000, s28;
	s24 =	sadd.s32 $0x4E00, s7;
	s7 =	sadd.s32 s25, s11  }
0xf: {  	[dreg:$0x3] =	wrdreg s8;
	s8 =	sadd.s32 s6, s30;
	s11 =	simm.s32 $0x1400  }
0x10: {  	[dreg:$0x4] =	wrdreg s24;
	s31 =	sor.u32 $0xC000, s7;
	s7 =	sshrl.u32 s7, $0x3  }
0x11: {  	s9 =	sshrl.u32 s31, $0x3;
	s6 =	sadd.s32 s7, s10;
	s7 =	sadd.s32 $0x1000, s8  }
0x12: {  	s8 =	sadd.s32 s9, s10;
	s9 =	simm.s32 $0x9;
	s10 =	simm.s32 $0x80  }
.LBB2_1:
0x13: {  	s0 =	rddreg [dreg:$0x4]  }
0x14: {  	[tilespmem:s3], [sflag:$0x9] =	stream.linear.gather [hbm4b:s0+s3], $0x1400, $0x38;
	[tilespmem:$0x11400] =	vst v63  }
0x15: {  	_ =	swait.ge [sflag:s9], $0x1400  }
0x16: {  	[sflag:s9] =	ssyncset.done $0x0  }
0x17: {  	[sflag:s9] =	ssyncadd.s32 $0xFFFFEC00  }
0x18: {  	[tilespmem:s11], [sflag:$0x1] =	stream.indirect.gather [hbm4b:s2+s10], $0x80, s3, s10, $0xb8;
	[tilespmem:$0x11400] =	vst v63  }
0x19: {  	p0 =	por $0x1, $0x1  }
0x1a: {  	[tilespmem:s12], [sflag:$0x2] =	stream.indirect.gather [hbm4b:s2+s10], $0x80, s10, s10, $0xb8;
	[tilespmem:$0x11400] =	vst v63  }
0x1b: {  	s26 =	simm.s32 $0x100;
	s1 =	simm.s32 $0x9400;
	s24 =	simm.s32 @!p0 $0x8  }
0x1c: {  	[tilespmem:s1], [sflag:$0x3] =	stream.indirect.gather [hbm4b:s2+s10], $0x80, s26, s10, $0xb8;
	[tilespmem:$0x11400] =	vst v63  }
0x1d: {  	_ =	swait.ge @!p0 [sflag:s24], $0x4000  }
0x1e: {  	[sflag:s24] =	ssyncset.done @!p0 $0x0  }
0x1f: {  	s25 =	simm.s32 $0x180;
	[sflag:s24] =	ssyncadd.s32 @!p0 $0xFFFFC000  }
0x20: {  	[tilespmem:s15], [sflag:$0x4] =	stream.indirect.gather [hbm4b:s2+s10], $0x80, s25, s10, $0xb8;
	[tilespmem:$0x11400] =	vst v63  }
0x21: {  	_ =	swait.ge [sflag:s16], $0x4000  }
0x22: {  	p0 =	por $0x0, $0x0;
	[sflag:s16] =	ssyncset.done $0x0  }
0x23: {  	s24 =	simm.s32 @!p0 $0x5;
	[sflag:s16] =	ssyncadd.s32 $0xFFFFC000  }
0x24: {  	[hbm4b:s6+s3] =	stream.linear.scatter [tilespmem:s11], [sflag:$0x5], $0x4000, $0x38;
	[tilespmem:$0x11400] =	vst v63  }
0x25: {  	_ =	swait.ge @!p0 [sflag:s24], $0x4000  }
0x26: {  	s25 =	simm.s32 @!p0 $0x200;
	[sflag:s24] =	ssyncset.done @!p0 $0x0  }
0x27: {  	s26 =	simm.s32 @!p0 $0x80;
	s28 =	simm.s32 @!p0 $0x1400;
	[sflag:s24] =	ssyncadd.s32 @!p0 $0xFFFFC000  }
0x28: {  	[tilespmem:s28], [sflag:$0x1] =	stream.indirect.gather @!p0 [hbm4b:s2+s26], $0x80, s25, s26, $0xb8;
	[tilespmem:$0x11400] =	vst v63  }
0x29: {  	_ =	swait.ge [sflag:s17], $0x4000  }
0x2a: {  	[sflag:s17] =	ssyncset.done $0x0  }
0x2b: {  	s31 =	sadd.s32 $0xFFFFF800, s7;
	s25 =	simm.s32 @p0 $0x3;
	[sflag:s17] =	ssyncadd.s32 $0xFFFFC000  }
0x2c: {  	[hbm4b:s31+s3] =	stream.linear.scatter [tilespmem:s12], [sflag:$0x6], $0x4000, $0x38;
	[tilespmem:$0x11400] =	vst v63  }
0x2d: {  	_ =	swait.ge @p0 [sflag:s25], $0x4000  }
0x2e: {  	s29 =	simm.s32 @!p0 $0x6;
	s28 =	simm.s32 @p0 $0x9400;
	[sflag:s25] =	ssyncset.done @p0 $0x0  }
0x2f: {  	s24 =	rddreg [dreg:$0x3];
	[sflag:s25] =	ssyncadd.s32 @p0 $0xFFFFC000;
	s25 =	simm.s32 @p0 $0x0  }
0x30: {  	[hbm4b:s24+s25] =	stream.linear.scatter @p0 [tilespmem:s28], [sflag:$0x7], $0x4000, $0x38;
	[tilespmem:$0x11400] =	vst v63  }
0x31: {  	_ =	swait.ge @!p0 [sflag:s29], $0x4000  }
0x32: {  	s24 =	simm.s32 @!p0 $0x280;
	[sflag:s29] =	ssyncset.done @!p0 $0x0  }
0x33: {  	s25 =	simm.s32 @!p0 $0x5400;
	s28 =	simm.s32 @!p0 $0x3;
	[sflag:s29] =	ssyncadd.s32 @!p0 $0xFFFFC000  }
0x34: {  	[tilespmem:s25], [sflag:$0x2] =	stream.indirect.gather @!p0 [hbm4b:s2+s26], $0x80, s24, s26, $0xb8;
	[tilespmem:$0x11400] =	vst v63  }
0x35: {  	_ =	swait.ge @!p0 [sflag:s28], $0x4000  }
0x36: {  	s29 =	simm.s32 @!p0 $0x7;
	[sflag:s28] =	ssyncset.done @!p0 $0x0  }
0x37: {  	s24 =	simm.s32 @!p0 $0x0;
	s25 =	simm.s32 @!p0 $0x9400;
	[sflag:s28] =	ssyncadd.s32 @!p0 $0xFFFFC000  }
0x38: {  	[hbm4b:s7+s24] =	stream.linear.scatter @!p0 [tilespmem:s25], [sflag:$0x7], $0x4000, $0x38;
	[tilespmem:$0x11400] =	vst v63  }
0x39: {  	_ =	swait.ge @!p0 [sflag:s29], $0x4000  }
0x3a: {  	p1 =	por $0x0, $0x0;
	[sflag:s29] =	ssyncset.done @!p0 $0x0  }
0x3b: {  	s30 =	smov.u32 s8;
	s24 =	simm.s32 @!p0 $0x300;
	[sflag:s29] =	ssyncadd.s32 @!p0 $0xFFFFC000  }
0x3c: {  	[tilespmem:s25], [sflag:$0x3] =	stream.indirect.gather @!p0 [hbm4b:s2+s26], $0x80, s24, s26, $0xb8;
	[tilespmem:$0x11400] =	vst v63  }
0x3d: {  	s28 =	simm.s32 $0x800;
	s29 =	simm.s32 $0x1000;
	s25 =	sadd.s32 $0x2000, s7  }
0x3e: {  	s24 =	sadd.s32 $0x2000, s8;
	s26 =	sadd.s32 $0x2000, s6;
	_ =	swait.ge [sflag:s18], $0x4000  }
.LBB2_2:
0x3f: {  	[sflag:s18] =	ssyncset.done $0x0  }
0x40: {  	s31 =	simm.s32 @!p1 $0x8;
	[sflag:s18] =	ssyncadd.s32 $0xFFFFC000  }
0x41: {  	[hbm4b:s30+s3] =	stream.linear.scatter [tilespmem:s15], [sflag:$0x8], $0x4000, $0x38;
	[tilespmem:$0x11400] =	vst v63  }
0x42: {  	_ =	swait.ge @!p1 [sflag:s31], $0x4000  }
0x43: {  	s0 =	sshra.s32 s28, $0x2;
	[sflag:s31] =	ssyncset.done @!p1 $0x0  }
0x44: {  	s0 =	sadd.s32 $0x180, s0;
	[sflag:s31] =	ssyncadd.s32 @!p1 $0xFFFFC000  }
0x45: {  	[tilespmem:s15], [sflag:$0x4] =	stream.indirect.gather [hbm4b:s2+s10], $0x80, s0, s10, $0xb8;
	[tilespmem:$0x11400] =	vst v63  }
0x46: {  	_ =	swait.ge [sflag:s16], $0x4000  }
0x47: {  	p1 =	seq.s32 s28, $0x4800;
	[sflag:s16] =	ssyncset.done $0x0  }
0x48: {  	s0 =	simm.s32 @!p1 $0x5;
	[sflag:s16] =	ssyncadd.s32 $0xFFFFC000  }
0x49: {  	[hbm4b:s26+s3] =	stream.linear.scatter [tilespmem:s11], [sflag:$0x5], $0x4000, $0x38;
	[tilespmem:$0x11400] =	vst v63  }
0x4a: {  	_ =	swait.ge @!p1 [sflag:s0], $0x4000  }
0x4b: {  	s28 =	sshra.s32 @!p1 s28, $0x2;
	s14 =	simm.s32 @!p1 $0x80;
	[sflag:s0] =	ssyncset.done @!p1 $0x0  }
0x4c: {  	s4 =	simm.s32 @!p1 $0x1400;
	s31 =	sadd.s32 @!p1 $0x200, s28;
	[sflag:s0] =	ssyncadd.s32 @!p1 $0xFFFFC000  }
0x4d: {  	[tilespmem:s4], [sflag:$0x1] =	stream.indirect.gather @!p1 [hbm4b:s2+s14], $0x80, s31, s14, $0xb8;
	[tilespmem:$0x11400] =	vst v63  }
0x4e: {  	_ =	swait.ge [sflag:s17], $0x4000  }
0x4f: {  	s1 =	smov.u32 s29;
	s5 =	simm.s32 @!p1 $0x6;
	[sflag:s17] =	ssyncset.done $0x0  }
0x50: {  	s31 =	sadd.s32 $0xFFFFF800, s25;
	s4 =	simm.s32 @p1 $0x3;
	[sflag:s17] =	ssyncadd.s32 $0xFFFFC000  }
0x51: {  	[hbm4b:s31+s3] =	stream.linear.scatter [tilespmem:s12], [sflag:$0x6], $0x4000, $0x38;
	[tilespmem:$0x11400] =	vst v63  }
0x52: {  	s13 =	sadd.s32 @!p1 $0x280, s28;
	s0 =	sadd.s32 @!p1 $0x300, s28;
	_ =	swait.ge @p1 [sflag:s4], $0x4000  }
0x53: {  	s28 =	smov.u32 s1;
	s31 =	simm.s32 @p1 $0x9400;
	[sflag:s4] =	ssyncset.done @p1 $0x0  }
0x54: {  	s1 =	rddreg [dreg:$0x3];
	[sflag:s4] =	ssyncadd.s32 @p1 $0xFFFFC000;
	s4 =	simm.s32 @p1 $0x0  }
0x55: {  	[hbm4b:s1+s4] =	stream.linear.scatter @p1 [tilespmem:s31], [sflag:$0x7], $0x4000, $0x38;
	[tilespmem:$0x11400] =	vst v63  }
0x56: {  	_ =	swait.ge @!p1 [sflag:s5], $0x4000  }
0x57: {  	[sflag:s5] =	ssyncset.done @!p1 $0x0  }
0x58: {  	s1 =	simm.s32 @!p1 $0x5400;
	s4 =	simm.s32 @!p1 $0x3;
	[sflag:s5] =	ssyncadd.s32 @!p1 $0xFFFFC000  }
0x59: {  	[tilespmem:s1], [sflag:$0x2] =	stream.indirect.gather @!p1 [hbm4b:s2+s14], $0x80, s13, s14, $0xb8;
	[tilespmem:$0x11400] =	vst v63  }
0x5a: {  	s29 =	sadd.s32 $0x800, s29;
	_ =	swait.ge @!p1 [sflag:s4], $0x4000  }
0x5b: {  	p0 =	sne.s32 s29, $0x5000;
	s5 =	simm.s32 @!p1 $0x9400;
	[sflag:s4] =	ssyncset.done @!p1 $0x0  }
0x5c: {  	s1 =	simm.s32 @!p1 $0x0;
	[sflag:s4] =	ssyncadd.s32 @!p1 $0xFFFFC000;
	s4 =	simm.s32 @!p1 $0x7  }
0x5d: {  	[hbm4b:s25+s1] =	stream.linear.scatter @!p1 [tilespmem:s5], [sflag:$0x7], $0x4000, $0x38;
	[tilespmem:$0x11400] =	vst v63  }
.Ltmp0:
0x5e: {  	_ =	swait.ge @!p1 [sflag:s4], $0x4000;
	(pc) =	sbr.rel @p0 .LBB2_2-.Ltmp0, $4  }
0x5f: {  	s30 =	smov.u32 s24;
	[sflag:s4] =	ssyncset.done @!p1 $0x0  }
0x60: {  	s24 =	sadd.s32 $0x2000, s24;
	s26 =	sadd.s32 $0x2000, s26;
	[sflag:s4] =	ssyncadd.s32 @!p1 $0xFFFFC000  }
0x61: {  	[tilespmem:s5], [sflag:$0x3] =	stream.indirect.gather @!p1 [hbm4b:s2+s14], $0x80, s0, s14, $0xb8;
	[tilespmem:$0x11400] =	vst v63  }
0x62: {  	s25 =	sadd.s32 $0x2000, s25;
	p1 =	seq.s32 s28, $0x0;
	_ =	swait.ge [sflag:s18], $0x4000  }
0x63: {  	[sflag:s18] =	ssyncset.done $0x0  }
0x64: {  	s0 =	simm.s32 @!p1 $0x8;
	[sflag:s18] =	ssyncadd.s32 $0xFFFFC000  }
0x65: {  	[hbm4b:s30+s3] =	stream.linear.scatter [tilespmem:s15], [sflag:$0x8], $0x4000, $0x38;
	[tilespmem:$0x11400] =	vst v63  }
0x66: {  	_ =	swait.ge @!p1 [sflag:s0], $0x4000  }
0x67: {  	s1 =	sshra.s32 s28, $0x2;
	[sflag:s0] =	ssyncset.done @!p1 $0x0  }
0x68: {  	s1 =	sadd.s32 $0x180, s1;
	[sflag:s0] =	ssyncadd.s32 @!p1 $0xFFFFC000  }
0x69: {  	[tilespmem:s15], [sflag:$0x4] =	stream.indirect.gather [hbm4b:s2+s10], $0x80, s1, s10, $0xb8;
	[tilespmem:$0x11400] =	vst v63  }
0x6a: {  	_ =	swait.ge [sflag:s16], $0x4000  }
0x6b: {  	p0 =	seq.s32 s28, $0x4800;
	[sflag:s16] =	ssyncset.done $0x0  }
0x6c: {  	s0 =	simm.s32 @!p0 $0x5;
	[sflag:s16] =	ssyncadd.s32 $0xFFFFC000  }
0x6d: {  	[hbm4b:s26+s3] =	stream.linear.scatter [tilespmem:s11], [sflag:$0x5], $0x4000, $0x38;
	[tilespmem:$0x11400] =	vst v63  }
0x6e: {  	_ =	swait.ge @!p0 [sflag:s0], $0x4000  }
0x6f: {  	s5 =	simm.s32 @!p0 $0x80;
	s1 =	sshra.s32 @!p0 s28, $0x2;
	[sflag:s0] =	ssyncset.done @!p0 $0x0  }
0x70: {  	s13 =	simm.s32 @!p0 $0x1400;
	s4 =	sadd.s32 @!p0 $0x200, s1;
	[sflag:s0] =	ssyncadd.s32 @!p0 $0xFFFFC000  }
0x71: {  	[tilespmem:s13], [sflag:$0x1] =	stream.indirect.gather @!p0 [hbm4b:s2+s5], $0x80, s4, s5, $0xb8;
	[tilespmem:$0x11400] =	vst v63  }
0x72: {  	_ =	swait.ge [sflag:s17], $0x4000  }
0x73: {  	[sflag:s17] =	ssyncset.done $0x0  }
0x74: {  	s30 =	sadd.s32 $0xFFFFF800, s25;
	s4 =	simm.s32 @p0 $0x3;
	[sflag:s17] =	ssyncadd.s32 $0xFFFFC000  }
0x75: {  	[hbm4b:s30+s3] =	stream.linear.scatter [tilespmem:s12], [sflag:$0x6], $0x4000, $0x38;
	[tilespmem:$0x11400] =	vst v63  }
0x76: {  	_ =	swait.ge @p0 [sflag:s4], $0x4000  }
0x77: {  	s14 =	simm.s32 @!p0 $0x6;
	s13 =	simm.s32 @p0 $0x9400;
	[sflag:s4] =	ssyncset.done @p0 $0x0  }
0x78: {  	s0 =	rddreg [dreg:$0x3];
	[sflag:s4] =	ssyncadd.s32 @p0 $0xFFFFC000;
	s4 =	simm.s32 @p0 $0x0  }
0x79: {  	[hbm4b:s0+s4] =	stream.linear.scatter @p0 [tilespmem:s13], [sflag:$0x7], $0x4000, $0x38;
	[tilespmem:$0x11400] =	vst v63  }
0x7a: {  	_ =	swait.ge @!p0 [sflag:s14], $0x4000  }
0x7b: {  	s0 =	sadd.s32 @!p0 $0x280, s1;
	[sflag:s14] =	ssyncset.done @!p0 $0x0  }
0x7c: {  	s4 =	simm.s32 @!p0 $0x5400;
	s13 =	simm.s32 @!p0 $0x3;
	[sflag:s14] =	ssyncadd.s32 @!p0 $0xFFFFC000  }
0x7d: {  	[tilespmem:s4], [sflag:$0x2] =	stream.indirect.gather @!p0 [hbm4b:s2+s5], $0x80, s0, s5, $0xb8;
	[tilespmem:$0x11400] =	vst v63  }
0x7e: {  	_ =	swait.ge @!p0 [sflag:s13], $0x4000  }
0x7f: {  	s0 =	simm.s32 @!p0 $0x0;
	[sflag:s13] =	ssyncset.done @!p0 $0x0  }
0x80: {  	s4 =	simm.s32 @!p0 $0x9400;
	[sflag:s13] =	ssyncadd.s32 @!p0 $0xFFFFC000;
	s13 =	simm.s32 @!p0 $0x7  }
0x81: {  	[hbm4b:s25+s0] =	stream.linear.scatter @!p0 [tilespmem:s4], [sflag:$0x7], $0x4000, $0x38;
	[tilespmem:$0x11400] =	vst v63  }
0x82: {  	_ =	swait.ge @!p0 [sflag:s13], $0x4000  }
0x83: {  	[sflag:s13] =	ssyncset.done @!p0 $0x0  }
0x84: {  	s0 =	sadd.s32 @!p0 $0x300, s1;
	[sflag:s13] =	ssyncadd.s32 @!p0 $0xFFFFC000  }
0x85: {  	[tilespmem:s4], [sflag:$0x3] =	stream.indirect.gather @!p0 [hbm4b:s2+s5], $0x80, s0, s5, $0xb8;
	[tilespmem:$0x11400] =	vst v63  }
0x86: {  	_ =	swait.ge [sflag:s18], $0x4000  }
0x87: {  	[sflag:s18] =	ssyncset.done $0x0  }
0x88: {  	[sflag:s18] =	ssyncadd.s32 $0xFFFFC000  }
0x89: {  	[hbm4b:s24+s3] =	stream.linear.scatter [tilespmem:s15], [sflag:$0x8], $0x4000, $0x38;
	[tilespmem:$0x11400] =	vst v63  }
0x8a: {  	_ =	swait.ge [sflag:s19], $0x4000  }
0x8b: {  	[sflag:s19] =	ssyncset.done $0x0  }
0x8c: {  	[sflag:s19] =	ssyncadd.s32 $0xFFFFC000  }
0x8d: {  	_ =	swait.ge [sflag:s20], $0x4000  }
0x8e: {  	[sflag:s20] =	ssyncset.done $0x0  }
0x8f: {  	[sflag:s20] =	ssyncadd.s32 $0xFFFFC000  }
0x90: {  	_ =	swait.ge [sflag:s21], $0x4000  }
0x91: {  	[sflag:s21] =	ssyncset.done $0x0  }
0x92: {  	[sflag:s21] =	ssyncadd.s32 $0xFFFFC000  }
0x93: {  	_ =	swait.ge [sflag:s22], $0x4000  }
0x94: {  	s23 =	sadd.s32 $0x1, s23;
	s31 =	rddreg [dreg:$0x5]  }
0x95: {  	p0 =	sne.s32 s23, s31  }
.Ltmp1:
0x96: {  	_ = 	snop;
	(pc) =	sbr.rel @p0 .LBB2_1-.Ltmp1, $3  }
0x97: {  	_ =	sdelay $0x1  }
0x98: {  	[sflag:s22] =	ssyncset.done $0x0  }
0x99: {  	[sflag:s22] =	ssyncadd.s32 $0xFFFFC000  }
0x9a: {  	_ =	sfence.sel $0x180000  }
0x9b: {  	[bflag:$0x0] =	sbarrier.arrive $0xFFFF  }
0x9c: {  	_ =	strace $0x90000053  }
0x9d: {  	s0 =	stileid.u32;
	[bflag:$0x2] =	sbarrier.arrive $0xFFFF  }
0x9e: {  	p0 =	sne.s32 s0, $0x0;
	s0 =	rddreg [dreg:$0x2]  }
0x9f: {  	s0 =	sadd.s32 @!p0 $0x100000, s0  }
0xa0: {  	[sflag:s0] =	ssyncadd.tile.s32 @!p0 $0x1;
	_ =	shalt  }
.Lfunc_end2:
_tile_overlayer_lowered:
.L_overlay_start_2:
0xa1: {  	(tag) =	ssettag $0x2  }
0xa2: {  	s0 =	rddreg [dreg:$0x0];
	s2 =	stileid.u32  }
0xa3: {  	s1 =	rddreg [dreg:$0x1];
	p0 =	sne.s32 s2, $0x0  }
0xa4: {  	s3 =	rddreg [dreg:$0x2];
	[bflag:$0x3] =	sbarrier.arrive $0xFFFF;
	s2 =	simm.s32 @!p0 $0x1C09  }
0xa5: {  	[timem:s3], [sflag:s2] =	dma.local @!p0 [hbm:s0], s1  }
0xa6: {  	s0 =	simm.s32 @!p0 $0x9  }
0xa7: {  	_ =	swait.ge @!p0 [sflag:s0], s1  }
0xa8: {  	s1 =	ssub.s32 @!p0 $0x0, s1;
	[sflag:s0] =	ssyncset.done @!p0 $0x0  }
0xa9: {  	[sflag:s0] =	ssyncadd.s32 @!p0 s1  }
0xaa: {  	[bflag:$0x3] =	sbarrier.arrive $0xFFFF  }
0xab: {  	_ =	shalt  }

// kernel: kernel.30.cloned.1.call-start
scs
__scs_entry_jumppad:
0x0: {  	(pc) =	sbr.rel $0x88, $3  }
0x1: {  	(tag) =	ssettag $0x0;
	lr =	simm.s32 $0x1  }
0x2: {  	[smem:$0x3F91] =	sst lr;
	_ =	strace $0xD0000000  }
0x3: {  	_ = 	snop  }
0x4: {  	_ = 	snop  }
0x5: {  	_ = 	snop  }
0x6: {  	_ = 	snop  }
0x7: {  	_ = 	snop  }
__scs_overlays_trampoline_lowered:
0x8: {  	[smem:$0x3FA0] =	sst s0  }
0x9: {  	[smem:$0x3FA1] =	sst s1  }
0xa: {  	[smem:$0x3FA2] =	sst s2  }
0xb: {  	[smem:$0x3FA3] =	sst s3  }
0xc: {  	[smem:$0x3FA4] =	sst s4  }
0xd: {  	[smem:$0x3FA5] =	sst s5  }
0xe: {  	[smem:$0x3FA6] =	sst s6  }
0xf: {  	[smem:$0x3FA7] =	sst s7  }
0x10: {  	[smem:$0x3FA8] =	sst s8  }
0x11: {  	[smem:$0x3FA9] =	sst s9;
	s0 =	simm.s32 @!p0 $0x0  }
0x12: {  	s1 =	sld [smem:$0x3F8F];
	s0 =	simm.s32 @p0 $0x1  }
0x13: {  	[smem:$0x3FAA] =	sst s0;
	s0 =	simm.s32 @!p1 $0x0  }
0x14: {  	s2 =	sld [smem:$0x3F8E];
	s0 =	simm.s32 @p1 $0x1  }
0x15: {  	[smem:$0x3FAB] =	sst s0;
	s0 =	simm.s32 @!p2 $0x0  }
0x16: {  	s3 =	sld [smem:$0x3FDB];
	s0 =	simm.s32 @p2 $0x1  }
0x17: {  	s4 =	simm.s32 $0x1BF5;
	[smem:$0x3FAD] =	sst s0  }
0x18: {  	s0 =	sld [smem:$0x3F90];
	_ =	swait.ge [sflag:s4], $0x0  }
0x19: {  	s7 =	sld [smem:$0x3F91]  }
0x1a: {  	s8 =	sadd.s32 $0xFFFFE003, lr  }
0x1b: {  	s9 =	sadd.s32 $0xFFFFFEF7, lr;
	s5 =	simm.s32 $0xFFFFFFFF;
	p2 =	slt.u32 s8, $0xFFFFF086  }
0x1c: {  	p1 =	slt.u32 s9, $0xF7A;
	s5 =	simm.s32 @!p2 $0x0  }
0x1d: {  	s5 =	simm.s32 @p1 $0x1;
	p0 =	seq.s32 s7, s2  }
0x1e: {  	s7 =	smul.u32 @!p0 $0xF7A, s2;
	p2 =	seq.s32 @!p0 s5, $0x0  }
0x1f: {  	s9 =	smul.u32 $0xF7A, s1;
	s8 =	simm.s32 @!p0 $0x1BF5;
	p2 =	por !p2, p0  }
0x20: {  	[sflag:s8] =	ssyncset.s32 @!p0 $0xFFFFF086;
	s6 =	sadd.s32 @!p0 s3, s7;
	s7 =	simm.s32 @!p0 $0x108  }
0x21: {  	s3 =	sadd.s32 s3, s9;
	s6 =	sadd.s32 @!p0 $0x88, s6;
	s7 =	simm.s32 @p2 $0x1082  }
0x22: {  	[simem:s7], [sflag:s8] =	dma.local @!p0 [hbm:s6], $0xF7A  }
0x23: {  	s9 =	sor.u32 $0xD0000000, s2;
	s6 =	simm.s32 $0x108;
	_ =	swait.ge @!p0 [sflag:s8], $0x0  }
0x24: {  	s3 =	sadd.s32 $0x88, s3;
	s6 =	simm.s32 @!p1 $0x1082;
	[sflag:s4] =	ssyncset.s32 $0xFFFFF086  }
0x25: {  	[simem:s6], [sflag:s4] =	dma.local [hbm:s3], $0xF7A  }
0x26: {  	[smem:$0x3F91] =	sst s1;
	(tag) =	ssettag s2;
	_ =	strace s9  }
0x27: {  	s1 =	sld [smem:$0x3FA1]  }
0x28: {  	s2 =	sld [smem:$0x3FA2]  }
0x29: {  	s4 =	sld [smem:$0x3FA4]  }
0x2a: {  	p0 =	seq.s32 s5, $0x0;
	s5 =	sld [smem:$0x3FA5]  }
0x2b: {  	s6 =	sld [smem:$0x3FA6]  }
0x2c: {  	s7 =	sld [smem:$0x3FA7]  }
0x2d: {  	s3 =	simm.s32 $0x108;
	s8 =	sld [smem:$0x3FA8]  }
0x2e: {  	s3 =	simm.s32 @!p0 $0x1082;
	s9 =	sld [smem:$0x3FA9]  }
0x2f: {  	lr =	sadd.s32 s0, s3;
	s0 =	sld [smem:$0x3FA0]  }
0x30: {  	s3 =	sld [smem:$0x3FA3]  }
0x31: {  	[smem:$0x3FAC] =	sst s10  }
0x32: {  	s10 =	sld [smem:$0x3FAA];
	_ =	sdelay $0x3  }
0x33: {  	p0 =	seq.s32 s10, $0x1;
	s10 =	sld [smem:$0x3FAC];
	_ =	sdelay $0x3  }
0x34: {  	[smem:$0x3FAC] =	sst s10  }
0x35: {  	s10 =	sld [smem:$0x3FAB];
	_ =	sdelay $0x3  }
0x36: {  	p1 =	seq.s32 s10, $0x1;
	s10 =	sld [smem:$0x3FAC];
	_ =	sdelay $0x3  }
0x37: {  	[smem:$0x3FAC] =	sst s10  }
0x38: {  	s10 =	sld [smem:$0x3FAD]  }
0x39: {  	_ = 	snop;
	(pc) =	sbr.ind lr, $3  }
0x3a: {  	_ = 	snop  }
0x3b: {  	_ = 	snop  }
0x3c: {  	p2 =	seq.s32 s10, $0x1;
	s10 =	sld [smem:$0x3FAC]  }
0x3d: {  	_ =	shalt  }
0x3e: {  	_ =	shalt  }
0x3f: {  	_ =	shalt  }
0x40: {  	_ =	shalt  }
0x41: {  	_ =	shalt  }
0x42: {  	_ =	shalt  }
0x43: {  	_ =	shalt  }
0x44: {  	_ =	shalt  }
0x45: {  	_ =	shalt  }
0x46: {  	_ =	shalt  }
0x47: {  	_ =	shalt  }
0x48: {  	_ =	shalt  }
0x49: {  	_ =	shalt  }
0x4a: {  	_ =	shalt  }
0x4b: {  	_ =	shalt  }
0x4c: {  	_ =	shalt  }
0x4d: {  	_ =	shalt  }
0x4e: {  	_ =	shalt  }
0x4f: {  	_ =	shalt  }
0x50: {  	_ =	shalt  }
0x51: {  	_ =	shalt  }
0x52: {  	_ =	shalt  }
0x53: {  	_ =	shalt  }
0x54: {  	_ =	shalt  }
0x55: {  	_ =	shalt  }
0x56: {  	_ =	shalt  }
0x57: {  	_ =	shalt  }
0x58: {  	_ =	shalt  }
0x59: {  	_ =	shalt  }
0x5a: {  	_ =	shalt  }
0x5b: {  	_ =	shalt  }
0x5c: {  	_ =	shalt  }
0x5d: {  	_ =	shalt  }
0x5e: {  	_ =	shalt  }
0x5f: {  	_ =	shalt  }
0x60: {  	_ =	shalt  }
0x61: {  	_ =	shalt  }
0x62: {  	_ =	shalt  }
0x63: {  	_ =	shalt  }
0x64: {  	_ =	shalt  }
0x65: {  	_ =	shalt  }
0x66: {  	_ =	shalt  }
0x67: {  	_ =	shalt  }
0x68: {  	_ =	shalt  }
0x69: {  	_ =	shalt  }
0x6a: {  	_ =	shalt  }
0x6b: {  	_ =	shalt  }
0x6c: {  	_ =	shalt  }
0x6d: {  	_ =	shalt  }
0x6e: {  	_ =	shalt  }
0x6f: {  	_ =	shalt  }
0x70: {  	_ =	shalt  }
0x71: {  	_ =	shalt  }
0x72: {  	_ =	shalt  }
0x73: {  	_ =	shalt  }
0x74: {  	_ =	shalt  }
0x75: {  	_ =	shalt  }
0x76: {  	_ =	shalt  }
0x77: {  	_ =	shalt  }
0x78: {  	_ =	shalt  }
0x79: {  	_ =	shalt  }
0x7a: {  	_ =	shalt  }
0x7b: {  	_ =	shalt  }
0x7c: {  	_ =	shalt  }
0x7d: {  	_ =	shalt  }
0x7e: {  	_ =	shalt  }
0x7f: {  	_ =	shalt  }
0x80: {  	_ =	shalt  }
0x81: {  	_ =	shalt  }
0x82: {  	_ =	shalt  }
0x83: {  	_ =	shalt  }
0x84: {  	_ =	shalt  }
0x85: {  	_ =	shalt  }
0x86: {  	_ =	shalt  }
0x87: {  	_ =	shalt  }
.Lfunc_end0:
.L_simem_size_0:
called_computation.5_lowered:
.L_overlay_start_0:
0x88: {  	s2 =	sld [smem:$0x3FD9]  }
0x89: {  	s3 =	sld [smem:$0x3FFE];
	_ =	sdelay $0x1  }
0x8a: {  	s1 =	srdreg.scid  }
0x8b: {  	s0 =	sand.u32 $0x1, s1  }
0x8c: {  	s17 =	sshll.u32 s0, $0xA;
	s2 =	sadd.s32 s3, s2  }
0x8d: {  	s2 =	sadd.s32 s2, s17  }
0x8e: {  	[smem:$0x3FB8] =	sst s2  }
0x8f: {  	_ = 	snop  }
0x90: {  	s18 =	sld [smem:$0x3FD0];
	(tm) =	ssettm $0x1  }
0x91: {  	s19 =	sld [smem:$0x3FFB];
	_ =	sdelay $0x3  }
0x92: {  	_ =	strace s19  }
0x93: {  	s2 =	sld [smem:$0x3FFC];
	_ =	sdelay $0x3  }
0x94: {  	_ =	strace s2  }
0x95: {  	s2 =	sld [smem:$0x3FFD];
	_ =	sdelay $0x3  }
0x96: {  	_ =	strace s2  }
0x97: {  	_ =	strace $0x8FFFFFFF  }
0x98: {  	s20 =	sld [smem:$0x3FDB];
	_ =	sdelay $0x1  }
0x99: {  	s4 =	simm.s32 $_scs_section_size  }
0x9a: {  	s5 =	simm.s32 $_size__tile_overlayer_lowered;
	s6 =	simm.s32 $_tile_overlayer_lowered  }
0x9b: {  	s7 =	simm.s32 $0x1BFF;
	s21 =	sshll.u32 s6, $0x1;
	s4 =	sadd.s32 s4, s20  }
0x9c: {  	s22 =	simm.s32 $0x0;
	s5 =	sshll.u32 s5, $0x1;
	s6 =	sadd.s32 s21, s4  }
0x9d: {  	[timem:s22], [sflag:s7] =	dma.local [hbm:s6], s5  }
0x9e: {  	_ =	swait.ge [sflag:s7], s5  }
0x9f: {  	s5 =	ssub.s32 $0x0, s5;
	[sflag:s7] =	ssyncset.done $0x0  }
0xa0: {  	[sflag:s7] =	ssyncadd.s32 s5;
	_ =	sdelay $0x1  }
0xa1: {  	s23 =	simm.s32 $0x1B8B  }
0xa2: {  	_ =	swait.ge [sflag:s23], $0x1  }
0xa3: {  	[sflag:s23] =	ssyncset.done $0x0  }
0xa4: {  	[sflag:s23] =	ssyncadd.s32 $0xFFFFFFFF  }
0xa5: {  	s5 =	sld [smem:$0x0]  }
0xa6: {  	s6 =	sand.u32 $0xFFFFFFFE, s1  }
0xa7: {  	p0 =	sne.s32 s1, s6  }
0xa8: {  	s6 =	sshll.u32 @p0 s6, $0xE  }
0xa9: {  	s6 =	sadd.s32 @p0 $0x11B8D, s6;
	s7 =	sshll.u32 @p0 s5, $0x11  }
0xaa: {  	s6 =	sor.u32 @p0 s7, s6  }
0xab: {  	[sflag:s6] =	ssyncadd.remote.s32 @p0 $0x1;
	_ =	sdelay $0x1  }
0xac: {  	s6 =	simm.s32 @p0 $0x1B8D  }
0xad: {  	_ =	swait.eq @p0 [sflag:s6], $0x1  }
0xae: {  	[sflag:s6] =	ssyncadd.s32 @p0 $0xFFFFFFFF  }
0xaf: {  	s7 =	sshll.u32 @!p0 s1, $0xE  }
0xb0: {  	s7 =	sor.u32 @!p0 $0x4000, s7;
	s6 =	simm.s32 @!p0 $0x1B8D  }
0xb1: {  	s5 =	sshll.u32 @!p0 s5, $0x11;
	s7 =	sadd.s32 @!p0 $0x11B8D, s7;
	_ =	swait.eq @!p0 [sflag:s6], $0x1  }
0xb2: {  	s5 =	sor.u32 @!p0 s5, s7;
	[sflag:s6] =	ssyncadd.s32 @!p0 $0xFFFFFFFF  }
0xb3: {  	s25 =	simm.s32 $0x1B8E;
	s24 =	sld [smem:$0x3FFE];
	[sflag:s5] =	ssyncadd.remote.s32 @!p0 $0x1  }
0xb4: {  	s26 =	simm.s32 $execute0_lowered;
	[smem:$0x3FD2] =	sst s25  }
0xb5: {  	s6 =	sshll.u32 s26, $0x1;
	_ =	strace $0x80000055;
	[dreg:$0x1] =	wrdreg $0xFFFFFFFF  }
0xb6: {  	s28 =	simm.s32 $_size_execute0_lowered;
	s4 =	sadd.s32 s4, s6;
	[dreg:$0x0] =	wrdreg $0x0  }
0xb7: {  	s6 =	sshll.u32 s28, $0x1;
	[dreg:$0x2] =	wrdreg s4  }
0xb8: {  	[dreg:$0x3] =	wrdreg s6  }
0xb9: {  	[dreg:$0x4] =	wrdreg $0xC0  }
0xba: {  	_ =	task [dreg:s22], $0x5FFFF  }
0xbb: {  	[dreg:$0x1] =	wrdreg $0xFFFFFFFF  }
0xbc: {  	[dreg:$0x0] =	wrdreg $0x60  }
0xbd: {  	[dreg:$0x2] =	wrdreg s18  }
0xbe: {  	[dreg:$0x3] =	wrdreg s24  }
0xbf: {  	[dreg:$0x4] =	wrdreg $0xA  }
0xc0: {  	_ =	task.clear_ibuf [dreg:s22], $0x5FFFF;
	_ =	strace $0x90000055  }
0xc1: {  	s29 =	simm.s32 $0xA;
	_ =	strace $0x80000057  }
0xc2: {  	_ =	swait.ge [sflag:s29], $0x1  }
0xc3: {  	[sflag:s29] =	ssyncadd.s32 $0xFFFFFFFF  }
0xc4: {  	_ =	strace $0x90000057  }
0xc5: {  	_ =	sfence  }
0xc6: {  	s30 =	sld [smem:$0x0];
	_ =	sdelay $0x2  }
0xc7: {  	s31 =	sshll.u32 s1, $0xD;
	s1 =	sshrl.u32 s1, $0x2  }
0xc8: {  	s4 =	sand.u32 $0x4000, s31;
	s1 =	sadd.s32 s1, s30  }
0xc9: {  	s0 =	sor.u32 s4, s0;
	s1 =	sshll.u32 s1, $0x11  }
0xca: {  	s0 =	sor.u32 s1, s0  }
0xcb: {  	s0 =	sadd.s32 $0x8F2B, s0  }
0xcc: {  	[sflag:s0] =	ssyncadd.remote.s32 $0x1  }
0xcd: {  	_ =	sfence.sel $0xFFFF  }
0xce: {  	[dreg:$0x0] =	wrdreg $0xFFFFFFFF;
	(pc) =	sbr.abs _section_cstart, $3  }
0xcf: {  	[dreg:$0x1] =	wrdreg $0xFFFFFFFF  }
0xd0: {  	_ =	task.clear_ibuf [dreg:s22], $0x2FFFF;
	_ =	strace $0x9FFFFFFF  }
0xd1: {  	(tm) =	ssettm $0x7FFFFFFF  }
tec
execute0_lowered:
.L_overlay_start_1:
0x0: {  	(tag) =	ssettag $0x1  }
0x1: {  	s1 =	srdreg.scid  }
0x2: {  	s0 =	stileid.u32;
	s2 =	rddreg [dreg:$0x0]  }
0x3: {  	s4 =	rddreg [dreg:$0x1];
	s3 =	simm.s32 $0x0;
	s12 =	simm.s32 $0x5400  }
0x4: {  	s15 =	simm.s32 $0xD400;
	s16 =	simm.s32 $0x1;
	s17 =	simm.s32 $0x2  }
0x5: {  	s18 =	simm.s32 $0x4;
	s19 =	simm.s32 $0x5;
	s11 =	smul.u32 $0x140000, s0  }
0x6: {  	s6 =	sand.u32 $0x1, s1;
	s21 =	sshll.u32 s0, $0x1;
	s29 =	smul.u32 $0x28000, s0  }
0x7: {  	[smem:$0x7FF] =	sst s3;
	s10 =	sadd.s32 $0x28EE00, s4;
	s25 =	smul.u32 $0xA0000, s6  }
0x8: {  	s5 =	sor.u32 s6, s21;
	s8 =	ssub.s32 $0x2, s6;
	s6 =	smul.u32 $0x14000, s6  }
0x9: {  	s20 =	simm.s32 $0x6;
	_ =	strace $0x80000056;
	s7 =	smul.u32 $0x1400, s5  }
0xa: {  	s21 =	simm.s32 $0x7;
	s9 =	smul.u32 $0x14000, s5;
	s22 =	sshrl.u32 s8, $0x1  }
0xb: {  	s30 =	sadd.s32 s29, s10;
	s23 =	ssub.s32 s8, s22;
	s22 =	simm.s32 $0x8  }
0xc: {  	s7 =	sshrl.u32 s7, $0x3;
	s26 =	smax.u32 s23, $0x1;
	s28 =	sadd.s32 s10, s9  }
0xd: {  	s23 =	simm.s32 $0x0;
	s7 =	sadd.s32 s7, s4;
	[dreg:$0x5] =	wrdreg s26  }
0xe: {  	s8 =	sadd.s32 $0x13000, s28;
	s24 =	sadd.s32 $0x9E00, s7;
	s7 =	sadd.s32 s25, s11  }
0xf: {  	[dreg:$0x3] =	wrdreg s8;
	s8 =	sadd.s32 s6, s30;
	s11 =	simm.s32 $0x1400  }
0x10: {  	[dreg:$0x4] =	wrdreg s24;
	s31 =	sor.u32 $0xC000, s7;
	s7 =	sshrl.u32 s7, $0x3  }
0x11: {  	s9 =	sshrl.u32 s31, $0x3;
	s6 =	sadd.s32 s7, s10;
	s7 =	sadd.s32 $0x1000, s8  }
0x12: {  	s8 =	sadd.s32 s9, s10;
	s9 =	simm.s32 $0x9;
	s10 =	simm.s32 $0x80  }
.LBB2_1:
0x13: {  	s0 =	rddreg [dreg:$0x4]  }
0x14: {  	[tilespmem:s3], [sflag:$0x9] =	stream.linear.gather [hbm4b:s0+s3], $0x1400, $0x38;
	[tilespmem:$0x11400] =	vst v63  }
0x15: {  	_ =	swait.ge [sflag:s9], $0x1400  }
0x16: {  	[sflag:s9] =	ssyncset.done $0x0  }
0x17: {  	[sflag:s9] =	ssyncadd.s32 $0xFFFFEC00  }
0x18: {  	[tilespmem:s11], [sflag:$0x1] =	stream.indirect.gather [hbm4b:s2+s10], $0x80, s3, s10, $0xb8;
	[tilespmem:$0x11400] =	vst v63  }
0x19: {  	p0 =	por $0x1, $0x1  }
0x1a: {  	[tilespmem:s12], [sflag:$0x2] =	stream.indirect.gather [hbm4b:s2+s10], $0x80, s10, s10, $0xb8;
	[tilespmem:$0x11400] =	vst v63  }
0x1b: {  	s26 =	simm.s32 $0x100;
	s1 =	simm.s32 $0x9400;
	s24 =	simm.s32 @!p0 $0x8  }
0x1c: {  	[tilespmem:s1], [sflag:$0x3] =	stream.indirect.gather [hbm4b:s2+s10], $0x80, s26, s10, $0xb8;
	[tilespmem:$0x11400] =	vst v63  }
0x1d: {  	_ =	swait.ge @!p0 [sflag:s24], $0x4000  }
0x1e: {  	[sflag:s24] =	ssyncset.done @!p0 $0x0  }
0x1f: {  	s25 =	simm.s32 $0x180;
	[sflag:s24] =	ssyncadd.s32 @!p0 $0xFFFFC000  }
0x20: {  	[tilespmem:s15], [sflag:$0x4] =	stream.indirect.gather [hbm4b:s2+s10], $0x80, s25, s10, $0xb8;
	[tilespmem:$0x11400] =	vst v63  }
0x21: {  	_ =	swait.ge [sflag:s16], $0x4000  }
0x22: {  	p0 =	por $0x0, $0x0;
	[sflag:s16] =	ssyncset.done $0x0  }
0x23: {  	s24 =	simm.s32 @!p0 $0x5;
	[sflag:s16] =	ssyncadd.s32 $0xFFFFC000  }
0x24: {  	[hbm4b:s6+s3] =	stream.linear.scatter [tilespmem:s11], [sflag:$0x5], $0x4000, $0x38;
	[tilespmem:$0x11400] =	vst v63  }
0x25: {  	_ =	swait.ge @!p0 [sflag:s24], $0x4000  }
0x26: {  	s25 =	simm.s32 @!p0 $0x200;
	[sflag:s24] =	ssyncset.done @!p0 $0x0  }
0x27: {  	s26 =	simm.s32 @!p0 $0x80;
	s28 =	simm.s32 @!p0 $0x1400;
	[sflag:s24] =	ssyncadd.s32 @!p0 $0xFFFFC000  }
0x28: {  	[tilespmem:s28], [sflag:$0x1] =	stream.indirect.gather @!p0 [hbm4b:s2+s26], $0x80, s25, s26, $0xb8;
	[tilespmem:$0x11400] =	vst v63  }
0x29: {  	_ =	swait.ge [sflag:s17], $0x4000  }
0x2a: {  	[sflag:s17] =	ssyncset.done $0x0  }
0x2b: {  	s31 =	sadd.s32 $0xFFFFF800, s7;
	s25 =	simm.s32 @p0 $0x3;
	[sflag:s17] =	ssyncadd.s32 $0xFFFFC000  }
0x2c: {  	[hbm4b:s31+s3] =	stream.linear.scatter [tilespmem:s12], [sflag:$0x6], $0x4000, $0x38;
	[tilespmem:$0x11400] =	vst v63  }
0x2d: {  	_ =	swait.ge @p0 [sflag:s25], $0x4000  }
0x2e: {  	s29 =	simm.s32 @!p0 $0x6;
	s28 =	simm.s32 @p0 $0x9400;
	[sflag:s25] =	ssyncset.done @p0 $0x0  }
0x2f: {  	s24 =	rddreg [dreg:$0x3];
	[sflag:s25] =	ssyncadd.s32 @p0 $0xFFFFC000;
	s25 =	simm.s32 @p0 $0x0  }
0x30: {  	[hbm4b:s24+s25] =	stream.linear.scatter @p0 [tilespmem:s28], [sflag:$0x7], $0x4000, $0x38;
	[tilespmem:$0x11400] =	vst v63  }
0x31: {  	_ =	swait.ge @!p0 [sflag:s29], $0x4000  }
0x32: {  	s24 =	simm.s32 @!p0 $0x280;
	[sflag:s29] =	ssyncset.done @!p0 $0x0  }
0x33: {  	s25 =	simm.s32 @!p0 $0x5400;
	s28 =	simm.s32 @!p0 $0x3;
	[sflag:s29] =	ssyncadd.s32 @!p0 $0xFFFFC000  }
0x34: {  	[tilespmem:s25], [sflag:$0x2] =	stream.indirect.gather @!p0 [hbm4b:s2+s26], $0x80, s24, s26, $0xb8;
	[tilespmem:$0x11400] =	vst v63  }
0x35: {  	_ =	swait.ge @!p0 [sflag:s28], $0x4000  }
0x36: {  	s29 =	simm.s32 @!p0 $0x7;
	[sflag:s28] =	ssyncset.done @!p0 $0x0  }
0x37: {  	s24 =	simm.s32 @!p0 $0x0;
	s25 =	simm.s32 @!p0 $0x9400;
	[sflag:s28] =	ssyncadd.s32 @!p0 $0xFFFFC000  }
0x38: {  	[hbm4b:s7+s24] =	stream.linear.scatter @!p0 [tilespmem:s25], [sflag:$0x7], $0x4000, $0x38;
	[tilespmem:$0x11400] =	vst v63  }
0x39: {  	_ =	swait.ge @!p0 [sflag:s29], $0x4000  }
0x3a: {  	p1 =	por $0x0, $0x0;
	[sflag:s29] =	ssyncset.done @!p0 $0x0  }
0x3b: {  	s30 =	smov.u32 s8;
	s24 =	simm.s32 @!p0 $0x300;
	[sflag:s29] =	ssyncadd.s32 @!p0 $0xFFFFC000  }
0x3c: {  	[tilespmem:s25], [sflag:$0x3] =	stream.indirect.gather @!p0 [hbm4b:s2+s26], $0x80, s24, s26, $0xb8;
	[tilespmem:$0x11400] =	vst v63  }
0x3d: {  	s28 =	simm.s32 $0x800;
	s29 =	simm.s32 $0x1000;
	s25 =	sadd.s32 $0x2000, s7  }
0x3e: {  	s24 =	sadd.s32 $0x2000, s8;
	s26 =	sadd.s32 $0x2000, s6;
	_ =	swait.ge [sflag:s18], $0x4000  }
.LBB2_2:
0x3f: {  	[sflag:s18] =	ssyncset.done $0x0  }
0x40: {  	s31 =	simm.s32 @!p1 $0x8;
	[sflag:s18] =	ssyncadd.s32 $0xFFFFC000  }
0x41: {  	[hbm4b:s30+s3] =	stream.linear.scatter [tilespmem:s15], [sflag:$0x8], $0x4000, $0x38;
	[tilespmem:$0x11400] =	vst v63  }
0x42: {  	_ =	swait.ge @!p1 [sflag:s31], $0x4000  }
0x43: {  	s0 =	sshra.s32 s28, $0x2;
	[sflag:s31] =	ssyncset.done @!p1 $0x0  }
0x44: {  	s0 =	sadd.s32 $0x180, s0;
	[sflag:s31] =	ssyncadd.s32 @!p1 $0xFFFFC000  }
0x45: {  	[tilespmem:s15], [sflag:$0x4] =	stream.indirect.gather [hbm4b:s2+s10], $0x80, s0, s10, $0xb8;
	[tilespmem:$0x11400] =	vst v63  }
0x46: {  	_ =	swait.ge [sflag:s16], $0x4000  }
0x47: {  	p1 =	seq.s32 s28, $0x4800;
	[sflag:s16] =	ssyncset.done $0x0  }
0x48: {  	s0 =	simm.s32 @!p1 $0x5;
	[sflag:s16] =	ssyncadd.s32 $0xFFFFC000  }
0x49: {  	[hbm4b:s26+s3] =	stream.linear.scatter [tilespmem:s11], [sflag:$0x5], $0x4000, $0x38;
	[tilespmem:$0x11400] =	vst v63  }
0x4a: {  	_ =	swait.ge @!p1 [sflag:s0], $0x4000  }
0x4b: {  	s28 =	sshra.s32 @!p1 s28, $0x2;
	s14 =	simm.s32 @!p1 $0x80;
	[sflag:s0] =	ssyncset.done @!p1 $0x0  }
0x4c: {  	s4 =	simm.s32 @!p1 $0x1400;
	s31 =	sadd.s32 @!p1 $0x200, s28;
	[sflag:s0] =	ssyncadd.s32 @!p1 $0xFFFFC000  }
0x4d: {  	[tilespmem:s4], [sflag:$0x1] =	stream.indirect.gather @!p1 [hbm4b:s2+s14], $0x80, s31, s14, $0xb8;
	[tilespmem:$0x11400] =	vst v63  }
0x4e: {  	_ =	swait.ge [sflag:s17], $0x4000  }
0x4f: {  	s1 =	smov.u32 s29;
	s5 =	simm.s32 @!p1 $0x6;
	[sflag:s17] =	ssyncset.done $0x0  }
0x50: {  	s31 =	sadd.s32 $0xFFFFF800, s25;
	s4 =	simm.s32 @p1 $0x3;
	[sflag:s17] =	ssyncadd.s32 $0xFFFFC000  }
0x51: {  	[hbm4b:s31+s3] =	stream.linear.scatter [tilespmem:s12], [sflag:$0x6], $0x4000, $0x38;
	[tilespmem:$0x11400] =	vst v63  }
0x52: {  	s13 =	sadd.s32 @!p1 $0x280, s28;
	s0 =	sadd.s32 @!p1 $0x300, s28;
	_ =	swait.ge @p1 [sflag:s4], $0x4000  }
0x53: {  	s28 =	smov.u32 s1;
	s31 =	simm.s32 @p1 $0x9400;
	[sflag:s4] =	ssyncset.done @p1 $0x0  }
0x54: {  	s1 =	rddreg [dreg:$0x3];
	[sflag:s4] =	ssyncadd.s32 @p1 $0xFFFFC000;
	s4 =	simm.s32 @p1 $0x0  }
0x55: {  	[hbm4b:s1+s4] =	stream.linear.scatter @p1 [tilespmem:s31], [sflag:$0x7], $0x4000, $0x38;
	[tilespmem:$0x11400] =	vst v63  }
0x56: {  	_ =	swait.ge @!p1 [sflag:s5], $0x4000  }
0x57: {  	[sflag:s5] =	ssyncset.done @!p1 $0x0  }
0x58: {  	s1 =	simm.s32 @!p1 $0x5400;
	s4 =	simm.s32 @!p1 $0x3;
	[sflag:s5] =	ssyncadd.s32 @!p1 $0xFFFFC000  }
0x59: {  	[tilespmem:s1], [sflag:$0x2] =	stream.indirect.gather @!p1 [hbm4b:s2+s14], $0x80, s13, s14, $0xb8;
	[tilespmem:$0x11400] =	vst v63  }
0x5a: {  	s29 =	sadd.s32 $0x800, s29;
	_ =	swait.ge @!p1 [sflag:s4], $0x4000  }
0x5b: {  	p0 =	sne.s32 s29, $0x5000;
	s5 =	simm.s32 @!p1 $0x9400;
	[sflag:s4] =	ssyncset.done @!p1 $0x0  }
0x5c: {  	s1 =	simm.s32 @!p1 $0x0;
	[sflag:s4] =	ssyncadd.s32 @!p1 $0xFFFFC000;
	s4 =	simm.s32 @!p1 $0x7  }
0x5d: {  	[hbm4b:s25+s1] =	stream.linear.scatter @!p1 [tilespmem:s5], [sflag:$0x7], $0x4000, $0x38;
	[tilespmem:$0x11400] =	vst v63  }
.Ltmp0:
0x5e: {  	_ =	swait.ge @!p1 [sflag:s4], $0x4000;
	(pc) =	sbr.rel @p0 .LBB2_2-.Ltmp0, $4  }
0x5f: {  	s30 =	smov.u32 s24;
	[sflag:s4] =	ssyncset.done @!p1 $0x0  }
0x60: {  	s24 =	sadd.s32 $0x2000, s24;
	s26 =	sadd.s32 $0x2000, s26;
	[sflag:s4] =	ssyncadd.s32 @!p1 $0xFFFFC000  }
0x61: {  	[tilespmem:s5], [sflag:$0x3] =	stream.indirect.gather @!p1 [hbm4b:s2+s14], $0x80, s0, s14, $0xb8;
	[tilespmem:$0x11400] =	vst v63  }
0x62: {  	s25 =	sadd.s32 $0x2000, s25;
	p1 =	seq.s32 s28, $0x0;
	_ =	swait.ge [sflag:s18], $0x4000  }
0x63: {  	[sflag:s18] =	ssyncset.done $0x0  }
0x64: {  	s0 =	simm.s32 @!p1 $0x8;
	[sflag:s18] =	ssyncadd.s32 $0xFFFFC000  }
0x65: {  	[hbm4b:s30+s3] =	stream.linear.scatter [tilespmem:s15], [sflag:$0x8], $0x4000, $0x38;
	[tilespmem:$0x11400] =	vst v63  }
0x66: {  	_ =	swait.ge @!p1 [sflag:s0], $0x4000  }
0x67: {  	s1 =	sshra.s32 s28, $0x2;
	[sflag:s0] =	ssyncset.done @!p1 $0x0  }
0x68: {  	s1 =	sadd.s32 $0x180, s1;
	[sflag:s0] =	ssyncadd.s32 @!p1 $0xFFFFC000  }
0x69: {  	[tilespmem:s15], [sflag:$0x4] =	stream.indirect.gather [hbm4b:s2+s10], $0x80, s1, s10, $0xb8;
	[tilespmem:$0x11400] =	vst v63  }
0x6a: {  	_ =	swait.ge [sflag:s16], $0x4000  }
0x6b: {  	p0 =	seq.s32 s28, $0x4800;
	[sflag:s16] =	ssyncset.done $0x0  }
0x6c: {  	s0 =	simm.s32 @!p0 $0x5;
	[sflag:s16] =	ssyncadd.s32 $0xFFFFC000  }
0x6d: {  	[hbm4b:s26+s3] =	stream.linear.scatter [tilespmem:s11], [sflag:$0x5], $0x4000, $0x38;
	[tilespmem:$0x11400] =	vst v63  }
0x6e: {  	_ =	swait.ge @!p0 [sflag:s0], $0x4000  }
0x6f: {  	s5 =	simm.s32 @!p0 $0x80;
	s1 =	sshra.s32 @!p0 s28, $0x2;
	[sflag:s0] =	ssyncset.done @!p0 $0x0  }
0x70: {  	s13 =	simm.s32 @!p0 $0x1400;
	s4 =	sadd.s32 @!p0 $0x200, s1;
	[sflag:s0] =	ssyncadd.s32 @!p0 $0xFFFFC000  }
0x71: {  	[tilespmem:s13], [sflag:$0x1] =	stream.indirect.gather @!p0 [hbm4b:s2+s5], $0x80, s4, s5, $0xb8;
	[tilespmem:$0x11400] =	vst v63  }
0x72: {  	_ =	swait.ge [sflag:s17], $0x4000  }
0x73: {  	[sflag:s17] =	ssyncset.done $0x0  }
0x74: {  	s30 =	sadd.s32 $0xFFFFF800, s25;
	s4 =	simm.s32 @p0 $0x3;
	[sflag:s17] =	ssyncadd.s32 $0xFFFFC000  }
0x75: {  	[hbm4b:s30+s3] =	stream.linear.scatter [tilespmem:s12], [sflag:$0x6], $0x4000, $0x38;
	[tilespmem:$0x11400] =	vst v63  }
0x76: {  	_ =	swait.ge @p0 [sflag:s4], $0x4000  }
0x77: {  	s14 =	simm.s32 @!p0 $0x6;
	s13 =	simm.s32 @p0 $0x9400;
	[sflag:s4] =	ssyncset.done @p0 $0x0  }
0x78: {  	s0 =	rddreg [dreg:$0x3];
	[sflag:s4] =	ssyncadd.s32 @p0 $0xFFFFC000;
	s4 =	simm.s32 @p0 $0x0  }
0x79: {  	[hbm4b:s0+s4] =	stream.linear.scatter @p0 [tilespmem:s13], [sflag:$0x7], $0x4000, $0x38;
	[tilespmem:$0x11400] =	vst v63  }
0x7a: {  	_ =	swait.ge @!p0 [sflag:s14], $0x4000  }
0x7b: {  	s0 =	sadd.s32 @!p0 $0x280, s1;
	[sflag:s14] =	ssyncset.done @!p0 $0x0  }
0x7c: {  	s4 =	simm.s32 @!p0 $0x5400;
	s13 =	simm.s32 @!p0 $0x3;
	[sflag:s14] =	ssyncadd.s32 @!p0 $0xFFFFC000  }
0x7d: {  	[tilespmem:s4], [sflag:$0x2] =	stream.indirect.gather @!p0 [hbm4b:s2+s5], $0x80, s0, s5, $0xb8;
	[tilespmem:$0x11400] =	vst v63  }
0x7e: {  	_ =	swait.ge @!p0 [sflag:s13], $0x4000  }
0x7f: {  	s0 =	simm.s32 @!p0 $0x0;
	[sflag:s13] =	ssyncset.done @!p0 $0x0  }
0x80: {  	s4 =	simm.s32 @!p0 $0x9400;
	[sflag:s13] =	ssyncadd.s32 @!p0 $0xFFFFC000;
	s13 =	simm.s32 @!p0 $0x7  }
0x81: {  	[hbm4b:s25+s0] =	stream.linear.scatter @!p0 [tilespmem:s4], [sflag:$0x7], $0x4000, $0x38;
	[tilespmem:$0x11400] =	vst v63  }
0x82: {  	_ =	swait.ge @!p0 [sflag:s13], $0x4000  }
0x83: {  	[sflag:s13] =	ssyncset.done @!p0 $0x0  }
0x84: {  	s0 =	sadd.s32 @!p0 $0x300, s1;
	[sflag:s13] =	ssyncadd.s32 @!p0 $0xFFFFC000  }
0x85: {  	[tilespmem:s4], [sflag:$0x3] =	stream.indirect.gather @!p0 [hbm4b:s2+s5], $0x80, s0, s5, $0xb8;
	[tilespmem:$0x11400] =	vst v63  }
0x86: {  	_ =	swait.ge [sflag:s18], $0x4000  }
0x87: {  	[sflag:s18] =	ssyncset.done $0x0  }
0x88: {  	[sflag:s18] =	ssyncadd.s32 $0xFFFFC000  }
0x89: {  	[hbm4b:s24+s3] =	stream.linear.scatter [tilespmem:s15], [sflag:$0x8], $0x4000, $0x38;
	[tilespmem:$0x11400] =	vst v63  }
0x8a: {  	_ =	swait.ge [sflag:s19], $0x4000  }
0x8b: {  	[sflag:s19] =	ssyncset.done $0x0  }
0x8c: {  	[sflag:s19] =	ssyncadd.s32 $0xFFFFC000  }
0x8d: {  	_ =	swait.ge [sflag:s20], $0x4000  }
0x8e: {  	[sflag:s20] =	ssyncset.done $0x0  }
0x8f: {  	[sflag:s20] =	ssyncadd.s32 $0xFFFFC000  }
0x90: {  	_ =	swait.ge [sflag:s21], $0x4000  }
0x91: {  	[sflag:s21] =	ssyncset.done $0x0  }
0x92: {  	[sflag:s21] =	ssyncadd.s32 $0xFFFFC000  }
0x93: {  	_ =	swait.ge [sflag:s22], $0x4000  }
0x94: {  	s23 =	sadd.s32 $0x1, s23;
	s31 =	rddreg [dreg:$0x5]  }
0x95: {  	p0 =	sne.s32 s23, s31  }
.Ltmp1:
0x96: {  	_ = 	snop;
	(pc) =	sbr.rel @p0 .LBB2_1-.Ltmp1, $3  }
0x97: {  	_ =	sdelay $0x1  }
0x98: {  	[sflag:s22] =	ssyncset.done $0x0  }
0x99: {  	[sflag:s22] =	ssyncadd.s32 $0xFFFFC000  }
0x9a: {  	_ =	sfence.sel $0x180000  }
0x9b: {  	[bflag:$0x0] =	sbarrier.arrive $0xFFFF  }
0x9c: {  	_ =	strace $0x90000056  }
0x9d: {  	s0 =	stileid.u32;
	[bflag:$0x2] =	sbarrier.arrive $0xFFFF  }
0x9e: {  	p0 =	sne.s32 s0, $0x0;
	s0 =	rddreg [dreg:$0x2]  }
0x9f: {  	s0 =	sadd.s32 @!p0 $0x100000, s0  }
0xa0: {  	[sflag:s0] =	ssyncadd.tile.s32 @!p0 $0x1;
	_ =	shalt  }
.Lfunc_end2:
_tile_overlayer_lowered:
.L_overlay_start_2:
0xa1: {  	(tag) =	ssettag $0x2  }
0xa2: {  	s0 =	rddreg [dreg:$0x0];
	s2 =	stileid.u32  }
0xa3: {  	s1 =	rddreg [dreg:$0x1];
	p0 =	sne.s32 s2, $0x0  }
0xa4: {  	s3 =	rddreg [dreg:$0x2];
	[bflag:$0x3] =	sbarrier.arrive $0xFFFF;
	s2 =	simm.s32 @!p0 $0x1C09  }
0xa5: {  	[timem:s3], [sflag:s2] =	dma.local @!p0 [hbm:s0], s1  }
0xa6: {  	s0 =	simm.s32 @!p0 $0x9  }
0xa7: {  	_ =	swait.ge @!p0 [sflag:s0], s1  }
0xa8: {  	s1 =	ssub.s32 @!p0 $0x0, s1;
	[sflag:s0] =	ssyncset.done @!p0 $0x0  }
0xa9: {  	[sflag:s0] =	ssyncadd.s32 @!p0 s1  }
0xaa: {  	[bflag:$0x3] =	sbarrier.arrive $0xFFFF  }
0xab: {  	_ =	shalt  }

</sc_bundles>
